<compile_context>
chip_gen: v7x
topology: tpu7x:2x2x1
jax: 0.10.2.dev20260603
libtpu: 0.0.44.dev20260713+nightly
codegen_flags: <defaults>
</compile_context>

<pallas_src>
import functools

import jax
import jax.numpy as jnp
from jax import lax
from jax.experimental import pallas as pl
from jax.experimental.pallas import tpu as pltpu
from jax.experimental.pallas import tpu_sc as plsc

_VOCAB = 100000
_DIM = 128
_MDIM = 2048
_B, _S = 4, 4096
_N = _B * _S
_NW = 32
_PER_W = _N // _NW
_CHUNK = 32
_NCH = _PER_W // _CHUNK
_MOD = _VOCAB - 1


def _sc_hash_gather(tokens_flat, embed_w):
    mesh = plsc.VectorSubcoreMesh(core_axis_name="c", subcore_axis_name="s")

    @functools.partial(
        pl.kernel,
        out_type=jax.ShapeDtypeStruct((_N, _DIM), jnp.float32),
        mesh=mesh,
        scratch_types=[
            pltpu.VMEM((_PER_W + 16,), jnp.int32),
            pltpu.VMEM((_NCH, _CHUNK), jnp.int32),
            pltpu.VMEM((_PER_W, _DIM), jnp.float32),
            pltpu.SemaphoreType.DMA,
            pltpu.SemaphoreType.DMA,
        ],
    )
    def k(tok_hbm, table_hbm, h_hbm, tok_v, idx_v, rows_v, gsem, wsem):
        wid = lax.axis_index("s") * 2 + lax.axis_index("c")
        base = wid * _PER_W
        pltpu.sync_copy(tok_hbm.at[pl.ds(base, _PER_W)],
                        tok_v.at[pl.ds(16, _PER_W)])

        @pl.when(wid != 0)
        def _():
            pltpu.sync_copy(tok_hbm.at[pl.ds(base - 8, 8)],
                            tok_v.at[pl.ds(8, 8)])

        not_start = jnp.minimum((wid * _PER_W) % _S, 1)
        lane = lax.iota(jnp.int32, 16)
        gathers = []
        for j in range(_NCH):
            for v in range(_CHUNK // 16):
                k16 = j * (_CHUNK // 16) + v
                curr = tok_v[pl.ds(16 + k16 * 16, 16)]
                prev = tok_v[pl.ds(15 + k16 * 16, 16)]
                h = (36313 * curr) ^ (27191 * prev)
                if k16 == 0:
                    first_mask = (lane + not_start) == 0
                    h = jnp.where(first_mask, 36313 * curr, h)
                idx_v[j, pl.ds(v * 16, 16)] = h % _MOD
            gathers.append(
                pltpu.async_copy(table_hbm.at[idx_v.at[j]],
                                 rows_v.at[pl.ds(j * _CHUNK, _CHUNK)], gsem))
        writes = []
        for j in range(_NCH):
            gathers[j].wait()
            writes.append(
                pltpu.async_copy(rows_v.at[pl.ds(j * _CHUNK, _CHUNK)],
                                 h_hbm.at[pl.ds(base + j * _CHUNK, _CHUNK)],
                                 wsem))
        for w in writes:
            w.wait()

    return k(tokens_flat, embed_w)


def _tc_project(h, proj_w, scale):
    bm = 1024

    def mm(scale_ref, x_ref, w_ref, o_ref):
        x = x_ref[...].astype(jnp.bfloat16)
        w = w_ref[...].astype(jnp.bfloat16)
        acc = lax.dot_general(x, w, (((1,), (1,)), ((), ())),
                              preferred_element_type=jnp.float32)
        o_ref[...] = acc * scale_ref[0]

    return pl.pallas_call(
        mm,
        grid=(_N // bm,),
        in_specs=[
            pl.BlockSpec(memory_space=pltpu.SMEM),
            pl.BlockSpec((bm, _DIM), lambda i: (i, 0)),
            pl.BlockSpec((_MDIM, _DIM), lambda i: (0, 0)),
        ],
        out_specs=pl.BlockSpec((bm, _MDIM), lambda i: (i, 0)),
        out_shape=jax.ShapeDtypeStruct((_N, _MDIM), jnp.float32),
    )(scale.reshape(1), h, proj_w)


def kernel(token_ids, embed_w, proj_w, scale):
    tokens_flat = token_ids.reshape(_N)
    h = _sc_hash_gather(tokens_flat, embed_w)
    out = _tc_project(h, proj_w, scale)
    return out.reshape(_B, _S, _MDIM)

# --- scband reference (transcript-rebuilt; emitter-appended) ---
"""Pipeline reference for scband-bigram-hash-embedding-74766790688914 (READ-ONLY COPY).

The authoritative reference and input builder live on the scoring server;
editing this copy changes nothing except your own understanding.
"""

import jax, jax.numpy as jnp
import numpy as np

BIGRAM_VOCAB = 100000
BIGRAM_DIM = 128
MODEL_DIM = 2048
B, S = 4, 4096


def bigram_hash(tokens, vocab_size):
    t = tokens.astype(jnp.int32)
    mod = max(1, vocab_size - 1)
    first = (jnp.int32(36313) * t[..., :1]) % jnp.int32(mod)
    curr_term = jnp.int32(36313) * t[..., 1:]
    prev_term = jnp.int32(27191) * t[..., :-1]
    rest = jnp.bitwise_xor(curr_term, prev_term) % jnp.int32(mod)
    return jnp.concatenate([first, rest], axis=-1)


def setup_inputs(seed: int = 0) -> dict:
    key = jax.random.key(seed)
    k1, k2, k3 = jax.random.split(key, 3)
    token_ids = jax.random.randint(k1, (B, S), 0, 50257, dtype=jnp.int32)
    embed_w = jax.random.normal(k2, (BIGRAM_VOCAB, BIGRAM_DIM), dtype=jnp.float32) * 0.02
    proj_w = jax.random.normal(k3, (MODEL_DIM, BIGRAM_DIM), dtype=jnp.float32) * 0.02
    scale = jnp.asarray(0.05, dtype=jnp.float32)
    return {"token_ids": token_ids, "embed_w": embed_w, "proj_w": proj_w, "scale": scale}


def reference(token_ids, embed_w, proj_w, scale):
    idx = bigram_hash(token_ids, BIGRAM_VOCAB)
    h = jnp.take(embed_w, idx, axis=0)  # [B, S, bigram_dim]
    h = h @ proj_w.T                     # [B, S, model_dim]
    return h * scale.astype(h.dtype)

if __name__ == "__main__":
    import jax
    _d = setup_inputs()
    print(jax.jit(kernel)(*tuple(_d.values())))

</pallas_src>

<mosaic_0001>
#map = affine_map<(d0, d1) -> (0)>
#map1 = affine_map<(d0, d1) -> (0, 0)>
module attributes {stable_mosaic.version = 14 : i64} {
  func.func @k(%arg0: i32, %arg1: i32, %arg2: memref<16384xi32, #tpu.memory_space<hbm>>, %arg3: memref<100000x128xf32, #tpu.memory_space<hbm>>, %arg4: memref<16384x128xf32, #tpu.memory_space<hbm>>, %arg5: memref<528xi32, #tpu.memory_space<vmem>>, %arg6: memref<16x32xi32, #tpu.memory_space<vmem>>, %arg7: memref<512x128xf32, #tpu.memory_space<vmem>>, %arg8: memref<!tpu.dma_semaphore, #tpu.memory_space<semaphore_mem>>, %arg9: memref<!tpu.dma_semaphore, #tpu.memory_space<semaphore_mem>>) attributes {dimension_semantics = [#tpu.dimension_semantics<core_parallel>, #tpu.dimension_semantics<subcore_parallel>], iteration_bounds = array<i64: 2, 16>, scalar_prefetch = 0 : i64, scratch_operands = 5 : i64, tpu.core_type = #tpu.core_type<sc_vector_subcore>, window_params = [{transform_indices = #map}, {transform_indices = #map1}, {transform_indices = #map1}]} {
    %mul3A = arith.constant 2 : i32
    %mul3A_0 = arith.muli %arg1, %mul3A : i32
    %add3A = arith.addi %mul3A_0, %arg0 : i32
    %mul3A_1 = arith.constant 512 : i32
    %mul3A_2 = arith.muli %add3A, %mul3A_1 : i32
    "tpu.region"() ({
      %run_scoped3A = tpu.sem_alloc : memref<!tpu.dma_semaphore, #tpu.memory_space<semaphore_mem>>
      %dma_start3A_2006 = arith.constant 16 : i32
      %dma_start3A_2007 = tpu.memref_slice %arg5[%dma_start3A_2006] : memref<528xi32, #tpu.memory_space<vmem>> -> memref<512xi32, #tpu.memory_space<vmem>>
      %dma_start3A_2008 = tpu.memref_slice %arg2[%mul3A_2] : memref<16384xi32, #tpu.memory_space<hbm>> -> memref<512xi32, #tpu.memory_space<hbm>>
      %dma_start3A_2009 = arith.constant 16 : i32
      %dma_start3A_2010 = tpu.memref_slice %arg5[%dma_start3A_2009] : memref<528xi32, #tpu.memory_space<vmem>> -> memref<512xi32, #tpu.memory_space<vmem>>
      %dma_start3A_2011 = tpu.memref_slice %arg2[%mul3A_2] : memref<16384xi32, #tpu.memory_space<hbm>> -> memref<512xi32, #tpu.memory_space<hbm>>
      tpu.enqueue_dma source(%dma_start3A_2011 : memref<512xi32, #tpu.memory_space<hbm>>) target(%dma_start3A_2010 : memref<512xi32, #tpu.memory_space<vmem>>) target_semaphore(%run_scoped3A : memref<!tpu.dma_semaphore, #tpu.memory_space<semaphore_mem>>)
      %dma_wait3A_2012 = arith.constant 16 : i32
      %dma_wait3A_2013 = tpu.memref_slice %arg5[%dma_wait3A_2012] : memref<528xi32, #tpu.memory_space<vmem>> -> memref<512xi32, #tpu.memory_space<vmem>>
      %dma_wait3A_2014 = tpu.memref_slice %arg2[%mul3A_2] : memref<16384xi32, #tpu.memory_space<hbm>> -> memref<512xi32, #tpu.memory_space<hbm>>
      %dma_wait3A_2015 = arith.constant 16 : i32
      %dma_wait3A_2016 = tpu.memref_slice %arg5[%dma_wait3A_2015] : memref<528xi32, #tpu.memory_space<vmem>> -> memref<512xi32, #tpu.memory_space<vmem>>
      %dma_wait3A_2017 = tpu.memref_slice %arg2[%mul3A_2] : memref<16384xi32, #tpu.memory_space<hbm>> -> memref<512xi32, #tpu.memory_space<hbm>>
      tpu.wait_dma2 semaphore(%run_scoped3A : memref<!tpu.dma_semaphore, #tpu.memory_space<semaphore_mem>>) src(%dma_wait3A_2017 : memref<512xi32, #tpu.memory_space<hbm>>) dst(%dma_wait3A_2016 : memref<512xi32, #tpu.memory_space<vmem>>)
      tpu.yield
    }) : () -> ()
    %ne3A = arith.constant 0 : i32
    %ne3A_3 = arith.cmpi ne, %add3A, %ne3A : i32
    %convert_element_type3A = arith.extui %ne3A_3 : i1 to i32
    %cond3A = arith.constant 0 : i32
    %cond3A_4 = arith.cmpi ne, %convert_element_type3A, %cond3A : i32
    scf.if %cond3A_4 {
      %sub3A = arith.constant 8 : i32
      %sub3A_2006 = arith.subi %mul3A_2, %sub3A : i32
      "tpu.region"() ({
        %run_scoped3A = tpu.sem_alloc : memref<!tpu.dma_semaphore, #tpu.memory_space<semaphore_mem>>
        %dma_start3A_2007 = arith.constant 8 : i32
        %dma_start3A_2008 = tpu.memref_slice %arg5[%dma_start3A_2007] : memref<528xi32, #tpu.memory_space<vmem>> -> memref<8xi32, #tpu.memory_space<vmem>>
        %dma_start3A_2009 = tpu.memref_slice %arg2[%sub3A_2006] : memref<16384xi32, #tpu.memory_space<hbm>> -> memref<8xi32, #tpu.memory_space<hbm>>
        %dma_start3A_2010 = arith.constant 8 : i32
        %dma_start3A_2011 = tpu.memref_slice %arg5[%dma_start3A_2010] : memref<528xi32, #tpu.memory_space<vmem>> -> memref<8xi32, #tpu.memory_space<vmem>>
        %dma_start3A_2012 = tpu.memref_slice %arg2[%sub3A_2006] : memref<16384xi32, #tpu.memory_space<hbm>> -> memref<8xi32, #tpu.memory_space<hbm>>
        tpu.enqueue_dma source(%dma_start3A_2012 : memref<8xi32, #tpu.memory_space<hbm>>) target(%dma_start3A_2011 : memref<8xi32, #tpu.memory_space<vmem>>) target_semaphore(%run_scoped3A : memref<!tpu.dma_semaphore, #tpu.memory_space<semaphore_mem>>)
        %dma_wait3A_2013 = arith.constant 8 : i32
        %dma_wait3A_2014 = tpu.memref_slice %arg5[%dma_wait3A_2013] : memref<528xi32, #tpu.memory_space<vmem>> -> memref<8xi32, #tpu.memory_space<vmem>>
        %dma_wait3A_2015 = tpu.memref_slice %arg2[%sub3A_2006] : memref<16384xi32, #tpu.memory_space<hbm>> -> memref<8xi32, #tpu.memory_space<hbm>>
        %dma_wait3A_2016 = arith.constant 8 : i32
        %dma_wait3A_2017 = tpu.memref_slice %arg5[%dma_wait3A_2016] : memref<528xi32, #tpu.memory_space<vmem>> -> memref<8xi32, #tpu.memory_space<vmem>>
        %dma_wait3A_2018 = tpu.memref_slice %arg2[%sub3A_2006] : memref<16384xi32, #tpu.memory_space<hbm>> -> memref<8xi32, #tpu.memory_space<hbm>>
        tpu.wait_dma2 semaphore(%run_scoped3A : memref<!tpu.dma_semaphore, #tpu.memory_space<semaphore_mem>>) src(%dma_wait3A_2018 : memref<8xi32, #tpu.memory_space<hbm>>) dst(%dma_wait3A_2017 : memref<8xi32, #tpu.memory_space<vmem>>)
        tpu.yield
      }) : () -> ()
    } else {
    }
    %mul3A_5 = arith.constant 512 : i32
    %mul3A_6 = arith.muli %add3A, %mul3A_5 : i32
    %jit3A = arith.constant 4096 : i32
    %eq3A = arith.constant 0 : i32
    %eq3A_7 = arith.cmpi eq, %jit3A, %eq3A : i32
    %jit3A_8 = arith.constant 1 : i32
    %select_n3A = arith.select %eq3A_7, %jit3A_8, %jit3A : i32
    %rem3A = arith.remsi %mul3A_6, %select_n3A : i32
    %ne3A_9 = arith.constant 0 : i32
    %ne3A_10 = arith.cmpi ne, %rem3A, %ne3A_9 : i32
    %lt3A = arith.constant 0 : i32
    %lt3A_11 = arith.cmpi slt, %rem3A, %lt3A : i32
    %lt3A_12 = arith.constant 0 : i32
    %lt3A_13 = arith.cmpi slt, %select_n3A, %lt3A_12 : i32
    %ne3A_14 = arith.xori %lt3A_11, %lt3A_13 : i1
    %and3A = arith.andi %ne3A_14, %ne3A_10 : i1
    %add3A_15 = arith.addi %rem3A, %select_n3A : i32
    %select_n3A_16 = arith.select %and3A, %add3A_15, %rem3A : i32
    %min3A = arith.constant 1 : i32
    %min3A_17 = arith.minsi %select_n3A_16, %min3A : i32
    %iota3A = tpu.iota {dimensions = array<i32: 0>} : vector<16xi32>
    %get3A = arith.constant 16 : index
    %get3A_18 = tpu.vector_load %arg5[%get3A] {strides = array<i32>} : memref<528xi32, #tpu.memory_space<vmem>>, vector<16xi32>,
    %get3A_19 = vector.shape_cast %get3A_18 : vector<16xi32> to vector<16xi32>
    %get3A_20 = arith.constant 15 : index
    %get3A_21 = tpu.vector_load %arg5[%get3A_20] {strides = array<i32>} : memref<528xi32, #tpu.memory_space<vmem>>, vector<16xi32>,
    %get3A_22 = vector.shape_cast %get3A_21 : vector<16xi32> to vector<16xi32>
    %mul3A_23 = arith.constant 36313 : i32
    %mul3A_24 = vector.broadcast %mul3A_23 : i32 to vector<16xi32>
    %mul3A_25 = arith.muli %mul3A_24, %get3A_19 : vector<16xi32>
    %mul3A_26 = arith.constant 27191 : i32
    %mul3A_27 = vector.broadcast %mul3A_26 : i32 to vector<16xi32>
    %mul3A_28 = arith.muli %mul3A_27, %get3A_22 : vector<16xi32>
    %xor3A = arith.xori %mul3A_25, %mul3A_28 : vector<16xi32>
    %add3A_29 = vector.broadcast %min3A_17 : i32 to vector<16xi32>
    %add3A_30 = arith.addi %iota3A, %add3A_29 : vector<16xi32>
    %eq3A_31 = arith.constant 0 : i32
    %eq3A_32 = vector.broadcast %eq3A_31 : i32 to vector<16xi32>
    %eq3A_33 = arith.cmpi eq, %add3A_30, %eq3A_32 : vector<16xi32>
    %mul3A_34 = arith.constant 36313 : i32
    %mul3A_35 = vector.broadcast %mul3A_34 : i32 to vector<16xi32>
    %mul3A_36 = arith.muli %mul3A_35, %get3A_19 : vector<16xi32>
    %select_n3A_37 = arith.select %eq3A_33, %mul3A_36, %xor3A : vector<16xi1>, vector<16xi32>
    %jit3A_38 = arith.constant 99999 : i32
    %eq3A_39 = arith.constant 0 : i32
    %eq3A_40 = arith.cmpi eq, %jit3A_38, %eq3A_39 : i32
    %jit3A_41 = arith.constant 1 : i32
    %select_n3A_42 = arith.select %eq3A_40, %jit3A_41, %jit3A_38 : i32
    %rem3A_43 = vector.broadcast %select_n3A_42 : i32 to vector<16xi32>
    %rem3A_44 = arith.remsi %select_n3A_37, %rem3A_43 : vector<16xi32>
    %ne3A_45 = arith.constant 0 : i32
    %ne3A_46 = vector.broadcast %ne3A_45 : i32 to vector<16xi32>
    %ne3A_47 = arith.cmpi ne, %rem3A_44, %ne3A_46 : vector<16xi32>
    %lt3A_48 = arith.constant 0 : i32
    %lt3A_49 = vector.broadcast %lt3A_48 : i32 to vector<16xi32>
    %lt3A_50 = arith.cmpi slt, %rem3A_44, %lt3A_49 : vector<16xi32>
    %lt3A_51 = arith.constant 0 : i32
    %lt3A_52 = arith.cmpi slt, %select_n3A_42, %lt3A_51 : i32
    %ne3A_53 = vector.broadcast %lt3A_52 : i1 to vector<16xi1>
    %ne3A_54 = vector.broadcast %ne3A_53 : vector<16xi1> to vector<16xi1>
    %ne3A_55 = arith.xori %lt3A_50, %ne3A_54 : vector<16xi1>
    %and3A_56 = arith.andi %ne3A_55, %ne3A_47 : vector<16xi1>
    %add3A_57 = vector.broadcast %select_n3A_42 : i32 to vector<16xi32>
    %add3A_58 = arith.addi %rem3A_44, %add3A_57 : vector<16xi32>
    %select_n3A_59 = arith.select %and3A_56, %add3A_58, %rem3A_44 : vector<16xi1>, vector<16xi32>
    %swap3A = arith.constant 0 : i32
    %swap3A_60 = arith.index_cast %swap3A : i32 to index
    %swap3A_61 = arith.constant 0 : index
    %swap3A_62 = tpu.vector_load %arg6[%swap3A_60, %swap3A_61] {strides = array<i32>} : memref<16x32xi32, #tpu.memory_space<vmem>>, vector<1x16xi32>,
    %swap3A_63 = vector.shape_cast %swap3A_62 : vector<1x16xi32> to vector<16xi32>
    %swap3A_64 = vector.shape_cast %select_n3A_59 : vector<16xi32> to vector<1x16xi32>
    tpu.vector_store %arg6[%swap3A_60, %swap3A_61], %swap3A_64 {strides = array<i32>} : memref<16x32xi32, #tpu.memory_space<vmem>>, vector<1x16xi32>,
    %get3A_65 = arith.constant 32 : index
    %get3A_66 = tpu.vector_load %arg5[%get3A_65] {strides = array<i32>} : memref<528xi32, #tpu.memory_space<vmem>>, vector<16xi32>,
    %get3A_67 = vector.shape_cast %get3A_66 : vector<16xi32> to vector<16xi32>
    %get3A_68 = arith.constant 31 : index
    %get3A_69 = tpu.vector_load %arg5[%get3A_68] {strides = array<i32>} : memref<528xi32, #tpu.memory_space<vmem>>, vector<16xi32>,
    %get3A_70 = vector.shape_cast %get3A_69 : vector<16xi32> to vector<16xi32>
    %mul3A_71 = arith.constant 36313 : i32
    %mul3A_72 = vector.broadcast %mul3A_71 : i32 to vector<16xi32>
    %mul3A_73 = arith.muli %mul3A_72, %get3A_67 : vector<16xi32>
    %mul3A_74 = arith.constant 27191 : i32
    %mul3A_75 = vector.broadcast %mul3A_74 : i32 to vector<16xi32>
    %mul3A_76 = arith.muli %mul3A_75, %get3A_70 : vector<16xi32>
    %xor3A_77 = arith.xori %mul3A_73, %mul3A_76 : vector<16xi32>
    %jit3A_78 = arith.constant 99999 : i32
    %eq3A_79 = arith.constant 0 : i32
    %eq3A_80 = arith.cmpi eq, %jit3A_78, %eq3A_79 : i32
    %jit3A_81 = arith.constant 1 : i32
    %select_n3A_82 = arith.select %eq3A_80, %jit3A_81, %jit3A_78 : i32
    %rem3A_83 = vector.broadcast %select_n3A_82 : i32 to vector<16xi32>
    %rem3A_84 = arith.remsi %xor3A_77, %rem3A_83 : vector<16xi32>
    %ne3A_85 = arith.constant 0 : i32
    %ne3A_86 = vector.broadcast %ne3A_85 : i32 to vector<16xi32>
    %ne3A_87 = arith.cmpi ne, %rem3A_84, %ne3A_86 : vector<16xi32>
    %lt3A_88 = arith.constant 0 : i32
    %lt3A_89 = vector.broadcast %lt3A_88 : i32 to vector<16xi32>
    %lt3A_90 = arith.cmpi slt, %rem3A_84, %lt3A_89 : vector<16xi32>
    %lt3A_91 = arith.constant 0 : i32
    %lt3A_92 = arith.cmpi slt, %select_n3A_82, %lt3A_91 : i32
    %ne3A_93 = vector.broadcast %lt3A_92 : i1 to vector<16xi1>
    %ne3A_94 = vector.broadcast %ne3A_93 : vector<16xi1> to vector<16xi1>
    %ne3A_95 = arith.xori %lt3A_90, %ne3A_94 : vector<16xi1>
    %and3A_96 = arith.andi %ne3A_95, %ne3A_87 : vector<16xi1>
    %add3A_97 = vector.broadcast %select_n3A_82 : i32 to vector<16xi32>
    %add3A_98 = arith.addi %rem3A_84, %add3A_97 : vector<16xi32>
    %select_n3A_99 = arith.select %and3A_96, %add3A_98, %rem3A_84 : vector<16xi1>, vector<16xi32>
    %swap3A_100 = arith.constant 0 : i32
    %swap3A_101 = arith.index_cast %swap3A_100 : i32 to index
    %swap3A_102 = arith.constant 16 : index
    %swap3A_103 = tpu.vector_load %arg6[%swap3A_101, %swap3A_102] {strides = array<i32>} : memref<16x32xi32, #tpu.memory_space<vmem>>, vector<1x16xi32>,
    %swap3A_104 = vector.shape_cast %swap3A_103 : vector<1x16xi32> to vector<16xi32>
    %swap3A_105 = vector.shape_cast %select_n3A_99 : vector<16xi32> to vector<1x16xi32>
    tpu.vector_store %arg6[%swap3A_101, %swap3A_102], %swap3A_105 {strides = array<i32>} : memref<16x32xi32, #tpu.memory_space<vmem>>, vector<1x16xi32>,
    %dma_start3A = arith.constant 0 : i32
    %dma_start3A_106 = arith.constant 0 : i32
    %dma_start3A_107 = arith.constant 0 : i32
    %dma_start3A_108 = tpu.memref_slice %arg7[%dma_start3A_106, %dma_start3A_107] : memref<512x128xf32, #tpu.memory_space<vmem>> -> memref<32x128xf32, #tpu.memory_space<vmem>>
    %dma_start3A_109 = arith.constant 0 : i32
    %dma_start3A_110 = tpu.memref_slice %arg6[%dma_start3A, %dma_start3A_109] : memref<16x32xi32, #tpu.memory_space<vmem>> -> memref<1x32xi32, #tpu.memory_space<vmem>>
    %dma_start3A_111 = tpu.memref_squeeze %dma_start3A_110 : memref<1x32xi32, #tpu.memory_space<vmem>> -> memref<32xi32, #tpu.memory_space<vmem>>
    %dma_start3A_112 = arith.constant 0 : i32
    %dma_start3A_113 = arith.constant 0 : i32
    %dma_start3A_114 = tpu.memref_slice %arg3[%dma_start3A_112, %dma_start3A_113] : memref<100000x128xf32, #tpu.memory_space<hbm>> -> memref<100000x128xf32, #tpu.memory_space<hbm>>
    tpu.enqueue_indirect_dma source(%dma_start3A_114 : memref<100000x128xf32, #tpu.memory_space<hbm>>) target(%dma_start3A_108 : memref<32x128xf32, #tpu.memory_space<vmem>>) offsets(%dma_start3A_111 : memref<32xi32, #tpu.memory_space<vmem>>) semaphore(%arg8 : memref<!tpu.dma_semaphore, #tpu.memory_space<semaphore_mem>>)
    %get3A_115 = arith.constant 48 : index
    %get3A_116 = tpu.vector_load %arg5[%get3A_115] {strides = array<i32>} : memref<528xi32, #tpu.memory_space<vmem>>, vector<16xi32>,
    %get3A_117 = vector.shape_cast %get3A_116 : vector<16xi32> to vector<16xi32>
    %get3A_118 = arith.constant 47 : index
    %get3A_119 = tpu.vector_load %arg5[%get3A_118] {strides = array<i32>} : memref<528xi32, #tpu.memory_space<vmem>>, vector<16xi32>,
    %get3A_120 = vector.shape_cast %get3A_119 : vector<16xi32> to vector<16xi32>
    %mul3A_121 = arith.constant 36313 : i32
    %mul3A_122 = vector.broadcast %mul3A_121 : i32 to vector<16xi32>
    %mul3A_123 = arith.muli %mul3A_122, %get3A_117 : vector<16xi32>
    %mul3A_124 = arith.constant 27191 : i32
    %mul3A_125 = vector.broadcast %mul3A_124 : i32 to vector<16xi32>
    %mul3A_126 = arith.muli %mul3A_125, %get3A_120 : vector<16xi32>
    %xor3A_127 = arith.xori %mul3A_123, %mul3A_126 : vector<16xi32>
    %jit3A_128 = arith.constant 99999 : i32
    %eq3A_129 = arith.constant 0 : i32
    %eq3A_130 = arith.cmpi eq, %jit3A_128, %eq3A_129 : i32
    %jit3A_131 = arith.constant 1 : i32
    %select_n3A_132 = arith.select %eq3A_130, %jit3A_131, %jit3A_128 : i32
    %rem3A_133 = vector.broadcast %select_n3A_132 : i32 to vector<16xi32>
    %rem3A_134 = arith.remsi %xor3A_127, %rem3A_133 : vector<16xi32>
    %ne3A_135 = arith.constant 0 : i32
    %ne3A_136 = vector.broadcast %ne3A_135 : i32 to vector<16xi32>
    %ne3A_137 = arith.cmpi ne, %rem3A_134, %ne3A_136 : vector<16xi32>
    %lt3A_138 = arith.constant 0 : i32
    %lt3A_139 = vector.broadcast %lt3A_138 : i32 to vector<16xi32>
    %lt3A_140 = arith.cmpi slt, %rem3A_134, %lt3A_139 : vector<16xi32>
    %lt3A_141 = arith.constant 0 : i32
    %lt3A_142 = arith.cmpi slt, %select_n3A_132, %lt3A_141 : i32
    %ne3A_143 = vector.broadcast %lt3A_142 : i1 to vector<16xi1>
    %ne3A_144 = vector.broadcast %ne3A_143 : vector<16xi1> to vector<16xi1>
    %ne3A_145 = arith.xori %lt3A_140, %ne3A_144 : vector<16xi1>
    %and3A_146 = arith.andi %ne3A_145, %ne3A_137 : vector<16xi1>
    %add3A_147 = vector.broadcast %select_n3A_132 : i32 to vector<16xi32>
    %add3A_148 = arith.addi %rem3A_134, %add3A_147 : vector<16xi32>
    %select_n3A_149 = arith.select %and3A_146, %add3A_148, %rem3A_134 : vector<16xi1>, vector<16xi32>
    %swap3A_150 = arith.constant 1 : i32
    %swap3A_151 = arith.index_cast %swap3A_150 : i32 to index
    %swap3A_152 = arith.constant 0 : index
    %swap3A_153 = tpu.vector_load %arg6[%swap3A_151, %swap3A_152] {strides = array<i32>} : memref<16x32xi32, #tpu.memory_space<vmem>>, vector<1x16xi32>,
    %swap3A_154 = vector.shape_cast %swap3A_153 : vector<1x16xi32> to vector<16xi32>
    %swap3A_155 = vector.shape_cast %select_n3A_149 : vector<16xi32> to vector<1x16xi32>
    tpu.vector_store %arg6[%swap3A_151, %swap3A_152], %swap3A_155 {strides = array<i32>} : memref<16x32xi32, #tpu.memory_space<vmem>>, vector<1x16xi32>,
    %get3A_156 = arith.constant 64 : index
    %get3A_157 = tpu.vector_load %arg5[%get3A_156] {strides = array<i32>} : memref<528xi32, #tpu.memory_space<vmem>>, vector<16xi32>,
    %get3A_158 = vector.shape_cast %get3A_157 : vector<16xi32> to vector<16xi32>
    %get3A_159 = arith.constant 63 : index
    %get3A_160 = tpu.vector_load %arg5[%get3A_159] {strides = array<i32>} : memref<528xi32, #tpu.memory_space<vmem>>, vector<16xi32>,
    %get3A_161 = vector.shape_cast %get3A_160 : vector<16xi32> to vector<16xi32>
    %mul3A_162 = arith.constant 36313 : i32
    %mul3A_163 = vector.broadcast %mul3A_162 : i32 to vector<16xi32>
    %mul3A_164 = arith.muli %mul3A_163, %get3A_158 : vector<16xi32>
    %mul3A_165 = arith.constant 27191 : i32
    %mul3A_166 = vector.broadcast %mul3A_165 : i32 to vector<16xi32>
    %mul3A_167 = arith.muli %mul3A_166, %get3A_161 : vector<16xi32>
    %xor3A_168 = arith.xori %mul3A_164, %mul3A_167 : vector<16xi32>
    %jit3A_169 = arith.constant 99999 : i32
    %eq3A_170 = arith.constant 0 : i32
    %eq3A_171 = arith.cmpi eq, %jit3A_169, %eq3A_170 : i32
    %jit3A_172 = arith.constant 1 : i32
    %select_n3A_173 = arith.select %eq3A_171, %jit3A_172, %jit3A_169 : i32
    %rem3A_174 = vector.broadcast %select_n3A_173 : i32 to vector<16xi32>
    %rem3A_175 = arith.remsi %xor3A_168, %rem3A_174 : vector<16xi32>
    %ne3A_176 = arith.constant 0 : i32
    %ne3A_177 = vector.broadcast %ne3A_176 : i32 to vector<16xi32>
    %ne3A_178 = arith.cmpi ne, %rem3A_175, %ne3A_177 : vector<16xi32>
    %lt3A_179 = arith.constant 0 : i32
    %lt3A_180 = vector.broadcast %lt3A_179 : i32 to vector<16xi32>
    %lt3A_181 = arith.cmpi slt, %rem3A_175, %lt3A_180 : vector<16xi32>
    %lt3A_182 = arith.constant 0 : i32
    %lt3A_183 = arith.cmpi slt, %select_n3A_173, %lt3A_182 : i32
    %ne3A_184 = vector.broadcast %lt3A_183 : i1 to vector<16xi1>
    %ne3A_185 = vector.broadcast %ne3A_184 : vector<16xi1> to vector<16xi1>
    %ne3A_186 = arith.xori %lt3A_181, %ne3A_185 : vector<16xi1>
    %and3A_187 = arith.andi %ne3A_186, %ne3A_178 : vector<16xi1>
    %add3A_188 = vector.broadcast %select_n3A_173 : i32 to vector<16xi32>
    %add3A_189 = arith.addi %rem3A_175, %add3A_188 : vector<16xi32>
    %select_n3A_190 = arith.select %and3A_187, %add3A_189, %rem3A_175 : vector<16xi1>, vector<16xi32>
    %swap3A_191 = arith.constant 1 : i32
    %swap3A_192 = arith.index_cast %swap3A_191 : i32 to index
    %swap3A_193 = arith.constant 16 : index
    %swap3A_194 = tpu.vector_load %arg6[%swap3A_192, %swap3A_193] {strides = array<i32>} : memref<16x32xi32, #tpu.memory_space<vmem>>, vector<1x16xi32>,
    %swap3A_195 = vector.shape_cast %swap3A_194 : vector<1x16xi32> to vector<16xi32>
    %swap3A_196 = vector.shape_cast %select_n3A_190 : vector<16xi32> to vector<1x16xi32>
    tpu.vector_store %arg6[%swap3A_192, %swap3A_193], %swap3A_196 {strides = array<i32>} : memref<16x32xi32, #tpu.memory_space<vmem>>, vector<1x16xi32>,
    %dma_start3A_197 = arith.constant 1 : i32
    %dma_start3A_198 = arith.constant 32 : i32
    %dma_start3A_199 = arith.constant 0 : i32
    %dma_start3A_200 = tpu.memref_slice %arg7[%dma_start3A_198, %dma_start3A_199] : memref<512x128xf32, #tpu.memory_space<vmem>> -> memref<32x128xf32, #tpu.memory_space<vmem>>
    %dma_start3A_201 = arith.constant 0 : i32
    %dma_start3A_202 = tpu.memref_slice %arg6[%dma_start3A_197, %dma_start3A_201] : memref<16x32xi32, #tpu.memory_space<vmem>> -> memref<1x32xi32, #tpu.memory_space<vmem>>
    %dma_start3A_203 = tpu.memref_squeeze %dma_start3A_202 : memref<1x32xi32, #tpu.memory_space<vmem>> -> memref<32xi32, #tpu.memory_space<vmem>>
    %dma_start3A_204 = arith.constant 0 : i32
    %dma_start3A_205 = arith.constant 0 : i32
    %dma_start3A_206 = tpu.memref_slice %arg3[%dma_start3A_204, %dma_start3A_205] : memref<100000x128xf32, #tpu.memory_space<hbm>> -> memref<100000x128xf32, #tpu.memory_space<hbm>>
    tpu.enqueue_indirect_dma source(%dma_start3A_206 : memref<100000x128xf32, #tpu.memory_space<hbm>>) target(%dma_start3A_200 : memref<32x128xf32, #tpu.memory_space<vmem>>) offsets(%dma_start3A_203 : memref<32xi32, #tpu.memory_space<vmem>>) semaphore(%arg8 : memref<!tpu.dma_semaphore, #tpu.memory_space<semaphore_mem>>)
    %get3A_207 = arith.constant 80 : index
    %get3A_208 = tpu.vector_load %arg5[%get3A_207] {strides = array<i32>} : memref<528xi32, #tpu.memory_space<vmem>>, vector<16xi32>,
    %get3A_209 = vector.shape_cast %get3A_208 : vector<16xi32> to vector<16xi32>
    %get3A_210 = arith.constant 79 : index
    %get3A_211 = tpu.vector_load %arg5[%get3A_210] {strides = array<i32>} : memref<528xi32, #tpu.memory_space<vmem>>, vector<16xi32>,
    %get3A_212 = vector.shape_cast %get3A_211 : vector<16xi32> to vector<16xi32>
    %mul3A_213 = arith.constant 36313 : i32
    %mul3A_214 = vector.broadcast %mul3A_213 : i32 to vector<16xi32>
    %mul3A_215 = arith.muli %mul3A_214, %get3A_209 : vector<16xi32>
    %mul3A_216 = arith.constant 27191 : i32
    %mul3A_217 = vector.broadcast %mul3A_216 : i32 to vector<16xi32>
    %mul3A_218 = arith.muli %mul3A_217, %get3A_212 : vector<16xi32>
    %xor3A_219 = arith.xori %mul3A_215, %mul3A_218 : vector<16xi32>
    %jit3A_220 = arith.constant 99999 : i32
    %eq3A_221 = arith.constant 0 : i32
    %eq3A_222 = arith.cmpi eq, %jit3A_220, %eq3A_221 : i32
    %jit3A_223 = arith.constant 1 : i32
    %select_n3A_224 = arith.select %eq3A_222, %jit3A_223, %jit3A_220 : i32
    %rem3A_225 = vector.broadcast %select_n3A_224 : i32 to vector<16xi32>
    %rem3A_226 = arith.remsi %xor3A_219, %rem3A_225 : vector<16xi32>
    %ne3A_227 = arith.constant 0 : i32
    %ne3A_228 = vector.broadcast %ne3A_227 : i32 to vector<16xi32>
    %ne3A_229 = arith.cmpi ne, %rem3A_226, %ne3A_228 : vector<16xi32>
    %lt3A_230 = arith.constant 0 : i32
    %lt3A_231 = vector.broadcast %lt3A_230 : i32 to vector<16xi32>
    %lt3A_232 = arith.cmpi slt, %rem3A_226, %lt3A_231 : vector<16xi32>
    %lt3A_233 = arith.constant 0 : i32
    %lt3A_234 = arith.cmpi slt, %select_n3A_224, %lt3A_233 : i32
    %ne3A_235 = vector.broadcast %lt3A_234 : i1 to vector<16xi1>
    %ne3A_236 = vector.broadcast %ne3A_235 : vector<16xi1> to vector<16xi1>
    %ne3A_237 = arith.xori %lt3A_232, %ne3A_236 : vector<16xi1>
    %and3A_238 = arith.andi %ne3A_237, %ne3A_229 : vector<16xi1>
    %add3A_239 = vector.broadcast %select_n3A_224 : i32 to vector<16xi32>
    %add3A_240 = arith.addi %rem3A_226, %add3A_239 : vector<16xi32>
    %select_n3A_241 = arith.select %and3A_238, %add3A_240, %rem3A_226 : vector<16xi1>, vector<16xi32>
    %swap3A_242 = arith.constant 2 : i32
    %swap3A_243 = arith.index_cast %swap3A_242 : i32 to index
    %swap3A_244 = arith.constant 0 : index
    %swap3A_245 = tpu.vector_load %arg6[%swap3A_243, %swap3A_244] {strides = array<i32>} : memref<16x32xi32, #tpu.memory_space<vmem>>, vector<1x16xi32>,
    %swap3A_246 = vector.shape_cast %swap3A_245 : vector<1x16xi32> to vector<16xi32>
    %swap3A_247 = vector.shape_cast %select_n3A_241 : vector<16xi32> to vector<1x16xi32>
    tpu.vector_store %arg6[%swap3A_243, %swap3A_244], %swap3A_247 {strides = array<i32>} : memref<16x32xi32, #tpu.memory_space<vmem>>, vector<1x16xi32>,
    %get3A_248 = arith.constant 96 : index
    %get3A_249 = tpu.vector_load %arg5[%get3A_248] {strides = array<i32>} : memref<528xi32, #tpu.memory_space<vmem>>, vector<16xi32>,
    %get3A_250 = vector.shape_cast %get3A_249 : vector<16xi32> to vector<16xi32>
    %get3A_251 = arith.constant 95 : index
    %get3A_252 = tpu.vector_load %arg5[%get3A_251] {strides = array<i32>} : memref<528xi32, #tpu.memory_space<vmem>>, vector<16xi32>,
    %get3A_253 = vector.shape_cast %get3A_252 : vector<16xi32> to vector<16xi32>
    %mul3A_254 = arith.constant 36313 : i32
    %mul3A_255 = vector.broadcast %mul3A_254 : i32 to vector<16xi32>
    %mul3A_256 = arith.muli %mul3A_255, %get3A_250 : vector<16xi32>
    %mul3A_257 = arith.constant 27191 : i32
    %mul3A_258 = vector.broadcast %mul3A_257 : i32 to vector<16xi32>
    %mul3A_259 = arith.muli %mul3A_258, %get3A_253 : vector<16xi32>
    %xor3A_260 = arith.xori %mul3A_256, %mul3A_259 : vector<16xi32>
    %jit3A_261 = arith.constant 99999 : i32
    %eq3A_262 = arith.constant 0 : i32
    %eq3A_263 = arith.cmpi eq, %jit3A_261, %eq3A_262 : i32
    %jit3A_264 = arith.constant 1 : i32
    %select_n3A_265 = arith.select %eq3A_263, %jit3A_264, %jit3A_261 : i32
    %rem3A_266 = vector.broadcast %select_n3A_265 : i32 to vector<16xi32>
    %rem3A_267 = arith.remsi %xor3A_260, %rem3A_266 : vector<16xi32>
    %ne3A_268 = arith.constant 0 : i32
    %ne3A_269 = vector.broadcast %ne3A_268 : i32 to vector<16xi32>
    %ne3A_270 = arith.cmpi ne, %rem3A_267, %ne3A_269 : vector<16xi32>
    %lt3A_271 = arith.constant 0 : i32
    %lt3A_272 = vector.broadcast %lt3A_271 : i32 to vector<16xi32>
    %lt3A_273 = arith.cmpi slt, %rem3A_267, %lt3A_272 : vector<16xi32>
    %lt3A_274 = arith.constant 0 : i32
    %lt3A_275 = arith.cmpi slt, %select_n3A_265, %lt3A_274 : i32
    %ne3A_276 = vector.broadcast %lt3A_275 : i1 to vector<16xi1>
    %ne3A_277 = vector.broadcast %ne3A_276 : vector<16xi1> to vector<16xi1>
    %ne3A_278 = arith.xori %lt3A_273, %ne3A_277 : vector<16xi1>
    %and3A_279 = arith.andi %ne3A_278, %ne3A_270 : vector<16xi1>
    %add3A_280 = vector.broadcast %select_n3A_265 : i32 to vector<16xi32>
    %add3A_281 = arith.addi %rem3A_267, %add3A_280 : vector<16xi32>
    %select_n3A_282 = arith.select %and3A_279, %add3A_281, %rem3A_267 : vector<16xi1>, vector<16xi32>
    %swap3A_283 = arith.constant 2 : i32
    %swap3A_284 = arith.index_cast %swap3A_283 : i32 to index
    %swap3A_285 = arith.constant 16 : index
    %swap3A_286 = tpu.vector_load %arg6[%swap3A_284, %swap3A_285] {strides = array<i32>} : memref<16x32xi32, #tpu.memory_space<vmem>>, vector<1x16xi32>,
    %swap3A_287 = vector.shape_cast %swap3A_286 : vector<1x16xi32> to vector<16xi32>
    %swap3A_288 = vector.shape_cast %select_n3A_282 : vector<16xi32> to vector<1x16xi32>
    tpu.vector_store %arg6[%swap3A_284, %swap3A_285], %swap3A_288 {strides = array<i32>} : memref<16x32xi32, #tpu.memory_space<vmem>>, vector<1x16xi32>,
    %dma_start3A_289 = arith.constant 2 : i32
    %dma_start3A_290 = arith.constant 64 : i32
    %dma_start3A_291 = arith.constant 0 : i32
    %dma_start3A_292 = tpu.memref_slice %arg7[%dma_start3A_290, %dma_start3A_291] : memref<512x128xf32, #tpu.memory_space<vmem>> -> memref<32x128xf32, #tpu.memory_space<vmem>>
    %dma_start3A_293 = arith.constant 0 : i32
    %dma_start3A_294 = tpu.memref_slice %arg6[%dma_start3A_289, %dma_start3A_293] : memref<16x32xi32, #tpu.memory_space<vmem>> -> memref<1x32xi32, #tpu.memory_space<vmem>>
    %dma_start3A_295 = tpu.memref_squeeze %dma_start3A_294 : memref<1x32xi32, #tpu.memory_space<vmem>> -> memref<32xi32, #tpu.memory_space<vmem>>
    %dma_start3A_296 = arith.constant 0 : i32
    %dma_start3A_297 = arith.constant 0 : i32
    %dma_start3A_298 = tpu.memref_slice %arg3[%dma_start3A_296, %dma_start3A_297] : memref<100000x128xf32, #tpu.memory_space<hbm>> -> memref<100000x128xf32, #tpu.memory_space<hbm>>
    tpu.enqueue_indirect_dma source(%dma_start3A_298 : memref<100000x128xf32, #tpu.memory_space<hbm>>) target(%dma_start3A_292 : memref<32x128xf32, #tpu.memory_space<vmem>>) offsets(%dma_start3A_295 : memref<32xi32, #tpu.memory_space<vmem>>) semaphore(%arg8 : memref<!tpu.dma_semaphore, #tpu.memory_space<semaphore_mem>>)
    %get3A_299 = arith.constant 112 : index
    %get3A_300 = tpu.vector_load %arg5[%get3A_299] {strides = array<i32>} : memref<528xi32, #tpu.memory_space<vmem>>, vector<16xi32>,
    %get3A_301 = vector.shape_cast %get3A_300 : vector<16xi32> to vector<16xi32>
    %get3A_302 = arith.constant 111 : index
    %get3A_303 = tpu.vector_load %arg5[%get3A_302] {strides = array<i32>} : memref<528xi32, #tpu.memory_space<vmem>>, vector<16xi32>,
    %get3A_304 = vector.shape_cast %get3A_303 : vector<16xi32> to vector<16xi32>
    %mul3A_305 = arith.constant 36313 : i32
    %mul3A_306 = vector.broadcast %mul3A_305 : i32 to vector<16xi32>
    %mul3A_307 = arith.muli %mul3A_306, %get3A_301 : vector<16xi32>
    %mul3A_308 = arith.constant 27191 : i32
    %mul3A_309 = vector.broadcast %mul3A_308 : i32 to vector<16xi32>
    %mul3A_310 = arith.muli %mul3A_309, %get3A_304 : vector<16xi32>
    %xor3A_311 = arith.xori %mul3A_307, %mul3A_310 : vector<16xi32>
    %jit3A_312 = arith.constant 99999 : i32
    %eq3A_313 = arith.constant 0 : i32
    %eq3A_314 = arith.cmpi eq, %jit3A_312, %eq3A_313 : i32
    %jit3A_315 = arith.constant 1 : i32
    %select_n3A_316 = arith.select %eq3A_314, %jit3A_315, %jit3A_312 : i32
    %rem3A_317 = vector.broadcast %select_n3A_316 : i32 to vector<16xi32>
    %rem3A_318 = arith.remsi %xor3A_311, %rem3A_317 : vector<16xi32>
    %ne3A_319 = arith.constant 0 : i32
    %ne3A_320 = vector.broadcast %ne3A_319 : i32 to vector<16xi32>
    %ne3A_321 = arith.cmpi ne, %rem3A_318, %ne3A_320 : vector<16xi32>
    %lt3A_322 = arith.constant 0 : i32
    %lt3A_323 = vector.broadcast %lt3A_322 : i32 to vector<16xi32>
    %lt3A_324 = arith.cmpi slt, %rem3A_318, %lt3A_323 : vector<16xi32>
    %lt3A_325 = arith.constant 0 : i32
    %lt3A_326 = arith.cmpi slt, %select_n3A_316, %lt3A_325 : i32
    %ne3A_327 = vector.broadcast %lt3A_326 : i1 to vector<16xi1>
    %ne3A_328 = vector.broadcast %ne3A_327 : vector<16xi1> to vector<16xi1>
    %ne3A_329 = arith.xori %lt3A_324, %ne3A_328 : vector<16xi1>
    %and3A_330 = arith.andi %ne3A_329, %ne3A_321 : vector<16xi1>
    %add3A_331 = vector.broadcast %select_n3A_316 : i32 to vector<16xi32>
    %add3A_332 = arith.addi %rem3A_318, %add3A_331 : vector<16xi32>
    %select_n3A_333 = arith.select %and3A_330, %add3A_332, %rem3A_318 : vector<16xi1>, vector<16xi32>
    %swap3A_334 = arith.constant 3 : i32
    %swap3A_335 = arith.index_cast %swap3A_334 : i32 to index
    %swap3A_336 = arith.constant 0 : index
    %swap3A_337 = tpu.vector_load %arg6[%swap3A_335, %swap3A_336] {strides = array<i32>} : memref<16x32xi32, #tpu.memory_space<vmem>>, vector<1x16xi32>,
    %swap3A_338 = vector.shape_cast %swap3A_337 : vector<1x16xi32> to vector<16xi32>
    %swap3A_339 = vector.shape_cast %select_n3A_333 : vector<16xi32> to vector<1x16xi32>
    tpu.vector_store %arg6[%swap3A_335, %swap3A_336], %swap3A_339 {strides = array<i32>} : memref<16x32xi32, #tpu.memory_space<vmem>>, vector<1x16xi32>,
    %get3A_340 = arith.constant 128 : index
    %get3A_341 = tpu.vector_load %arg5[%get3A_340] {strides = array<i32>} : memref<528xi32, #tpu.memory_space<vmem>>, vector<16xi32>,
    %get3A_342 = vector.shape_cast %get3A_341 : vector<16xi32> to vector<16xi32>
    %get3A_343 = arith.constant 127 : index
    %get3A_344 = tpu.vector_load %arg5[%get3A_343] {strides = array<i32>} : memref<528xi32, #tpu.memory_space<vmem>>, vector<16xi32>,
    %get3A_345 = vector.shape_cast %get3A_344 : vector<16xi32> to vector<16xi32>
    %mul3A_346 = arith.constant 36313 : i32
    %mul3A_347 = vector.broadcast %mul3A_346 : i32 to vector<16xi32>
    %mul3A_348 = arith.muli %mul3A_347, %get3A_342 : vector<16xi32>
    %mul3A_349 = arith.constant 27191 : i32
    %mul3A_350 = vector.broadcast %mul3A_349 : i32 to vector<16xi32>
    %mul3A_351 = arith.muli %mul3A_350, %get3A_345 : vector<16xi32>
    %xor3A_352 = arith.xori %mul3A_348, %mul3A_351 : vector<16xi32>
    %jit3A_353 = arith.constant 99999 : i32
    %eq3A_354 = arith.constant 0 : i32
    %eq3A_355 = arith.cmpi eq, %jit3A_353, %eq3A_354 : i32
    %jit3A_356 = arith.constant 1 : i32
    %select_n3A_357 = arith.select %eq3A_355, %jit3A_356, %jit3A_353 : i32
    %rem3A_358 = vector.broadcast %select_n3A_357 : i32 to vector<16xi32>
    %rem3A_359 = arith.remsi %xor3A_352, %rem3A_358 : vector<16xi32>
    %ne3A_360 = arith.constant 0 : i32
    %ne3A_361 = vector.broadcast %ne3A_360 : i32 to vector<16xi32>
    %ne3A_362 = arith.cmpi ne, %rem3A_359, %ne3A_361 : vector<16xi32>
    %lt3A_363 = arith.constant 0 : i32
    %lt3A_364 = vector.broadcast %lt3A_363 : i32 to vector<16xi32>
    %lt3A_365 = arith.cmpi slt, %rem3A_359, %lt3A_364 : vector<16xi32>
    %lt3A_366 = arith.constant 0 : i32
    %lt3A_367 = arith.cmpi slt, %select_n3A_357, %lt3A_366 : i32
    %ne3A_368 = vector.broadcast %lt3A_367 : i1 to vector<16xi1>
    %ne3A_369 = vector.broadcast %ne3A_368 : vector<16xi1> to vector<16xi1>
    %ne3A_370 = arith.xori %lt3A_365, %ne3A_369 : vector<16xi1>
    %and3A_371 = arith.andi %ne3A_370, %ne3A_362 : vector<16xi1>
    %add3A_372 = vector.broadcast %select_n3A_357 : i32 to vector<16xi32>
    %add3A_373 = arith.addi %rem3A_359, %add3A_372 : vector<16xi32>
    %select_n3A_374 = arith.select %and3A_371, %add3A_373, %rem3A_359 : vector<16xi1>, vector<16xi32>
    %swap3A_375 = arith.constant 3 : i32
    %swap3A_376 = arith.index_cast %swap3A_375 : i32 to index
    %swap3A_377 = arith.constant 16 : index
    %swap3A_378 = tpu.vector_load %arg6[%swap3A_376, %swap3A_377] {strides = array<i32>} : memref<16x32xi32, #tpu.memory_space<vmem>>, vector<1x16xi32>,
    %swap3A_379 = vector.shape_cast %swap3A_378 : vector<1x16xi32> to vector<16xi32>
    %swap3A_380 = vector.shape_cast %select_n3A_374 : vector<16xi32> to vector<1x16xi32>
    tpu.vector_store %arg6[%swap3A_376, %swap3A_377], %swap3A_380 {strides = array<i32>} : memref<16x32xi32, #tpu.memory_space<vmem>>, vector<1x16xi32>,
    %dma_start3A_381 = arith.constant 3 : i32
    %dma_start3A_382 = arith.constant 96 : i32
    %dma_start3A_383 = arith.constant 0 : i32
    %dma_start3A_384 = tpu.memref_slice %arg7[%dma_start3A_382, %dma_start3A_383] : memref<512x128xf32, #tpu.memory_space<vmem>> -> memref<32x128xf32, #tpu.memory_space<vmem>>
    %dma_start3A_385 = arith.constant 0 : i32
    %dma_start3A_386 = tpu.memref_slice %arg6[%dma_start3A_381, %dma_start3A_385] : memref<16x32xi32, #tpu.memory_space<vmem>> -> memref<1x32xi32, #tpu.memory_space<vmem>>
    %dma_start3A_387 = tpu.memref_squeeze %dma_start3A_386 : memref<1x32xi32, #tpu.memory_space<vmem>> -> memref<32xi32, #tpu.memory_space<vmem>>
    %dma_start3A_388 = arith.constant 0 : i32
    %dma_start3A_389 = arith.constant 0 : i32
    %dma_start3A_390 = tpu.memref_slice %arg3[%dma_start3A_388, %dma_start3A_389] : memref<100000x128xf32, #tpu.memory_space<hbm>> -> memref<100000x128xf32, #tpu.memory_space<hbm>>
    tpu.enqueue_indirect_dma source(%dma_start3A_390 : memref<100000x128xf32, #tpu.memory_space<hbm>>) target(%dma_start3A_384 : memref<32x128xf32, #tpu.memory_space<vmem>>) offsets(%dma_start3A_387 : memref<32xi32, #tpu.memory_space<vmem>>) semaphore(%arg8 : memref<!tpu.dma_semaphore, #tpu.memory_space<semaphore_mem>>)
    %get3A_391 = arith.constant 144 : index
    %get3A_392 = tpu.vector_load %arg5[%get3A_391] {strides = array<i32>} : memref<528xi32, #tpu.memory_space<vmem>>, vector<16xi32>,
    %get3A_393 = vector.shape_cast %get3A_392 : vector<16xi32> to vector<16xi32>
    %get3A_394 = arith.constant 143 : index
    %get3A_395 = tpu.vector_load %arg5[%get3A_394] {strides = array<i32>} : memref<528xi32, #tpu.memory_space<vmem>>, vector<16xi32>,
    %get3A_396 = vector.shape_cast %get3A_395 : vector<16xi32> to vector<16xi32>
    %mul3A_397 = arith.constant 36313 : i32
    %mul3A_398 = vector.broadcast %mul3A_397 : i32 to vector<16xi32>
    %mul3A_399 = arith.muli %mul3A_398, %get3A_393 : vector<16xi32>
    %mul3A_400 = arith.constant 27191 : i32
    %mul3A_401 = vector.broadcast %mul3A_400 : i32 to vector<16xi32>
    %mul3A_402 = arith.muli %mul3A_401, %get3A_396 : vector<16xi32>
    %xor3A_403 = arith.xori %mul3A_399, %mul3A_402 : vector<16xi32>
    %jit3A_404 = arith.constant 99999 : i32
    %eq3A_405 = arith.constant 0 : i32
    %eq3A_406 = arith.cmpi eq, %jit3A_404, %eq3A_405 : i32
    %jit3A_407 = arith.constant 1 : i32
    %select_n3A_408 = arith.select %eq3A_406, %jit3A_407, %jit3A_404 : i32
    %rem3A_409 = vector.broadcast %select_n3A_408 : i32 to vector<16xi32>
    %rem3A_410 = arith.remsi %xor3A_403, %rem3A_409 : vector<16xi32>
    %ne3A_411 = arith.constant 0 : i32
    %ne3A_412 = vector.broadcast %ne3A_411 : i32 to vector<16xi32>
    %ne3A_413 = arith.cmpi ne, %rem3A_410, %ne3A_412 : vector<16xi32>
    %lt3A_414 = arith.constant 0 : i32
    %lt3A_415 = vector.broadcast %lt3A_414 : i32 to vector<16xi32>
    %lt3A_416 = arith.cmpi slt, %rem3A_410, %lt3A_415 : vector<16xi32>
    %lt3A_417 = arith.constant 0 : i32
    %lt3A_418 = arith.cmpi slt, %select_n3A_408, %lt3A_417 : i32
    %ne3A_419 = vector.broadcast %lt3A_418 : i1 to vector<16xi1>
    %ne3A_420 = vector.broadcast %ne3A_419 : vector<16xi1> to vector<16xi1>
    %ne3A_421 = arith.xori %lt3A_416, %ne3A_420 : vector<16xi1>
    %and3A_422 = arith.andi %ne3A_421, %ne3A_413 : vector<16xi1>
    %add3A_423 = vector.broadcast %select_n3A_408 : i32 to vector<16xi32>
    %add3A_424 = arith.addi %rem3A_410, %add3A_423 : vector<16xi32>
    %select_n3A_425 = arith.select %and3A_422, %add3A_424, %rem3A_410 : vector<16xi1>, vector<16xi32>
    %swap3A_426 = arith.constant 4 : i32
    %swap3A_427 = arith.index_cast %swap3A_426 : i32 to index
    %swap3A_428 = arith.constant 0 : index
    %swap3A_429 = tpu.vector_load %arg6[%swap3A_427, %swap3A_428] {strides = array<i32>} : memref<16x32xi32, #tpu.memory_space<vmem>>, vector<1x16xi32>,
    %swap3A_430 = vector.shape_cast %swap3A_429 : vector<1x16xi32> to vector<16xi32>
    %swap3A_431 = vector.shape_cast %select_n3A_425 : vector<16xi32> to vector<1x16xi32>
    tpu.vector_store %arg6[%swap3A_427, %swap3A_428], %swap3A_431 {strides = array<i32>} : memref<16x32xi32, #tpu.memory_space<vmem>>, vector<1x16xi32>,
    %get3A_432 = arith.constant 160 : index
    %get3A_433 = tpu.vector_load %arg5[%get3A_432] {strides = array<i32>} : memref<528xi32, #tpu.memory_space<vmem>>, vector<16xi32>,
    %get3A_434 = vector.shape_cast %get3A_433 : vector<16xi32> to vector<16xi32>
    %get3A_435 = arith.constant 159 : index
    %get3A_436 = tpu.vector_load %arg5[%get3A_435] {strides = array<i32>} : memref<528xi32, #tpu.memory_space<vmem>>, vector<16xi32>,
    %get3A_437 = vector.shape_cast %get3A_436 : vector<16xi32> to vector<16xi32>
    %mul3A_438 = arith.constant 36313 : i32
    %mul3A_439 = vector.broadcast %mul3A_438 : i32 to vector<16xi32>
    %mul3A_440 = arith.muli %mul3A_439, %get3A_434 : vector<16xi32>
    %mul3A_441 = arith.constant 27191 : i32
    %mul3A_442 = vector.broadcast %mul3A_441 : i32 to vector<16xi32>
    %mul3A_443 = arith.muli %mul3A_442, %get3A_437 : vector<16xi32>
    %xor3A_444 = arith.xori %mul3A_440, %mul3A_443 : vector<16xi32>
    %jit3A_445 = arith.constant 99999 : i32
    %eq3A_446 = arith.constant 0 : i32
    %eq3A_447 = arith.cmpi eq, %jit3A_445, %eq3A_446 : i32
    %jit3A_448 = arith.constant 1 : i32
    %select_n3A_449 = arith.select %eq3A_447, %jit3A_448, %jit3A_445 : i32
    %rem3A_450 = vector.broadcast %select_n3A_449 : i32 to vector<16xi32>
    %rem3A_451 = arith.remsi %xor3A_444, %rem3A_450 : vector<16xi32>
    %ne3A_452 = arith.constant 0 : i32
    %ne3A_453 = vector.broadcast %ne3A_452 : i32 to vector<16xi32>
    %ne3A_454 = arith.cmpi ne, %rem3A_451, %ne3A_453 : vector<16xi32>
    %lt3A_455 = arith.constant 0 : i32
    %lt3A_456 = vector.broadcast %lt3A_455 : i32 to vector<16xi32>
    %lt3A_457 = arith.cmpi slt, %rem3A_451, %lt3A_456 : vector<16xi32>
    %lt3A_458 = arith.constant 0 : i32
    %lt3A_459 = arith.cmpi slt, %select_n3A_449, %lt3A_458 : i32
    %ne3A_460 = vector.broadcast %lt3A_459 : i1 to vector<16xi1>
    %ne3A_461 = vector.broadcast %ne3A_460 : vector<16xi1> to vector<16xi1>
    %ne3A_462 = arith.xori %lt3A_457, %ne3A_461 : vector<16xi1>
    %and3A_463 = arith.andi %ne3A_462, %ne3A_454 : vector<16xi1>
    %add3A_464 = vector.broadcast %select_n3A_449 : i32 to vector<16xi32>
    %add3A_465 = arith.addi %rem3A_451, %add3A_464 : vector<16xi32>
    %select_n3A_466 = arith.select %and3A_463, %add3A_465, %rem3A_451 : vector<16xi1>, vector<16xi32>
    %swap3A_467 = arith.constant 4 : i32
    %swap3A_468 = arith.index_cast %swap3A_467 : i32 to index
    %swap3A_469 = arith.constant 16 : index
    %swap3A_470 = tpu.vector_load %arg6[%swap3A_468, %swap3A_469] {strides = array<i32>} : memref<16x32xi32, #tpu.memory_space<vmem>>, vector<1x16xi32>,
    %swap3A_471 = vector.shape_cast %swap3A_470 : vector<1x16xi32> to vector<16xi32>
    %swap3A_472 = vector.shape_cast %select_n3A_466 : vector<16xi32> to vector<1x16xi32>
    tpu.vector_store %arg6[%swap3A_468, %swap3A_469], %swap3A_472 {strides = array<i32>} : memref<16x32xi32, #tpu.memory_space<vmem>>, vector<1x16xi32>,
    %dma_start3A_473 = arith.constant 4 : i32
    %dma_start3A_474 = arith.constant 128 : i32
    %dma_start3A_475 = arith.constant 0 : i32
    %dma_start3A_476 = tpu.memref_slice %arg7[%dma_start3A_474, %dma_start3A_475] : memref<512x128xf32, #tpu.memory_space<vmem>> -> memref<32x128xf32, #tpu.memory_space<vmem>>
    %dma_start3A_477 = arith.constant 0 : i32
    %dma_start3A_478 = tpu.memref_slice %arg6[%dma_start3A_473, %dma_start3A_477] : memref<16x32xi32, #tpu.memory_space<vmem>> -> memref<1x32xi32, #tpu.memory_space<vmem>>
    %dma_start3A_479 = tpu.memref_squeeze %dma_start3A_478 : memref<1x32xi32, #tpu.memory_space<vmem>> -> memref<32xi32, #tpu.memory_space<vmem>>
    %dma_start3A_480 = arith.constant 0 : i32
    %dma_start3A_481 = arith.constant 0 : i32
    %dma_start3A_482 = tpu.memref_slice %arg3[%dma_start3A_480, %dma_start3A_481] : memref<100000x128xf32, #tpu.memory_space<hbm>> -> memref<100000x128xf32, #tpu.memory_space<hbm>>
    tpu.enqueue_indirect_dma source(%dma_start3A_482 : memref<100000x128xf32, #tpu.memory_space<hbm>>) target(%dma_start3A_476 : memref<32x128xf32, #tpu.memory_space<vmem>>) offsets(%dma_start3A_479 : memref<32xi32, #tpu.memory_space<vmem>>) semaphore(%arg8 : memref<!tpu.dma_semaphore, #tpu.memory_space<semaphore_mem>>)
    %get3A_483 = arith.constant 176 : index
    %get3A_484 = tpu.vector_load %arg5[%get3A_483] {strides = array<i32>} : memref<528xi32, #tpu.memory_space<vmem>>, vector<16xi32>,
    %get3A_485 = vector.shape_cast %get3A_484 : vector<16xi32> to vector<16xi32>
    %get3A_486 = arith.constant 175 : index
    %get3A_487 = tpu.vector_load %arg5[%get3A_486] {strides = array<i32>} : memref<528xi32, #tpu.memory_space<vmem>>, vector<16xi32>,
    %get3A_488 = vector.shape_cast %get3A_487 : vector<16xi32> to vector<16xi32>
    %mul3A_489 = arith.constant 36313 : i32
    %mul3A_490 = vector.broadcast %mul3A_489 : i32 to vector<16xi32>
    %mul3A_491 = arith.muli %mul3A_490, %get3A_485 : vector<16xi32>
    %mul3A_492 = arith.constant 27191 : i32
    %mul3A_493 = vector.broadcast %mul3A_492 : i32 to vector<16xi32>
    %mul3A_494 = arith.muli %mul3A_493, %get3A_488 : vector<16xi32>
    %xor3A_495 = arith.xori %mul3A_491, %mul3A_494 : vector<16xi32>
    %jit3A_496 = arith.constant 99999 : i32
    %eq3A_497 = arith.constant 0 : i32
    %eq3A_498 = arith.cmpi eq, %jit3A_496, %eq3A_497 : i32
    %jit3A_499 = arith.constant 1 : i32
    %select_n3A_500 = arith.select %eq3A_498, %jit3A_499, %jit3A_496 : i32
    %rem3A_501 = vector.broadcast %select_n3A_500 : i32 to vector<16xi32>
    %rem3A_502 = arith.remsi %xor3A_495, %rem3A_501 : vector<16xi32>
    %ne3A_503 = arith.constant 0 : i32
    %ne3A_504 = vector.broadcast %ne3A_503 : i32 to vector<16xi32>
    %ne3A_505 = arith.cmpi ne, %rem3A_502, %ne3A_504 : vector<16xi32>
    %lt3A_506 = arith.constant 0 : i32
    %lt3A_507 = vector.broadcast %lt3A_506 : i32 to vector<16xi32>
    %lt3A_508 = arith.cmpi slt, %rem3A_502, %lt3A_507 : vector<16xi32>
    %lt3A_509 = arith.constant 0 : i32
    %lt3A_510 = arith.cmpi slt, %select_n3A_500, %lt3A_509 : i32
    %ne3A_511 = vector.broadcast %lt3A_510 : i1 to vector<16xi1>
    %ne3A_512 = vector.broadcast %ne3A_511 : vector<16xi1> to vector<16xi1>
    %ne3A_513 = arith.xori %lt3A_508, %ne3A_512 : vector<16xi1>
    %and3A_514 = arith.andi %ne3A_513, %ne3A_505 : vector<16xi1>
    %add3A_515 = vector.broadcast %select_n3A_500 : i32 to vector<16xi32>
    %add3A_516 = arith.addi %rem3A_502, %add3A_515 : vector<16xi32>
    %select_n3A_517 = arith.select %and3A_514, %add3A_516, %rem3A_502 : vector<16xi1>, vector<16xi32>
    %swap3A_518 = arith.constant 5 : i32
    %swap3A_519 = arith.index_cast %swap3A_518 : i32 to index
    %swap3A_520 = arith.constant 0 : index
    %swap3A_521 = tpu.vector_load %arg6[%swap3A_519, %swap3A_520] {strides = array<i32>} : memref<16x32xi32, #tpu.memory_space<vmem>>, vector<1x16xi32>,
    %swap3A_522 = vector.shape_cast %swap3A_521 : vector<1x16xi32> to vector<16xi32>
    %swap3A_523 = vector.shape_cast %select_n3A_517 : vector<16xi32> to vector<1x16xi32>
    tpu.vector_store %arg6[%swap3A_519, %swap3A_520], %swap3A_523 {strides = array<i32>} : memref<16x32xi32, #tpu.memory_space<vmem>>, vector<1x16xi32>,
    %get3A_524 = arith.constant 192 : index
    %get3A_525 = tpu.vector_load %arg5[%get3A_524] {strides = array<i32>} : memref<528xi32, #tpu.memory_space<vmem>>, vector<16xi32>,
    %get3A_526 = vector.shape_cast %get3A_525 : vector<16xi32> to vector<16xi32>
    %get3A_527 = arith.constant 191 : index
    %get3A_528 = tpu.vector_load %arg5[%get3A_527] {strides = array<i32>} : memref<528xi32, #tpu.memory_space<vmem>>, vector<16xi32>,
    %get3A_529 = vector.shape_cast %get3A_528 : vector<16xi32> to vector<16xi32>
    %mul3A_530 = arith.constant 36313 : i32
    %mul3A_531 = vector.broadcast %mul3A_530 : i32 to vector<16xi32>
    %mul3A_532 = arith.muli %mul3A_531, %get3A_526 : vector<16xi32>
    %mul3A_533 = arith.constant 27191 : i32
    %mul3A_534 = vector.broadcast %mul3A_533 : i32 to vector<16xi32>
    %mul3A_535 = arith.muli %mul3A_534, %get3A_529 : vector<16xi32>
    %xor3A_536 = arith.xori %mul3A_532, %mul3A_535 : vector<16xi32>
    %jit3A_537 = arith.constant 99999 : i32
    %eq3A_538 = arith.constant 0 : i32
    %eq3A_539 = arith.cmpi eq, %jit3A_537, %eq3A_538 : i32
    %jit3A_540 = arith.constant 1 : i32
    %select_n3A_541 = arith.select %eq3A_539, %jit3A_540, %jit3A_537 : i32
    %rem3A_542 = vector.broadcast %select_n3A_541 : i32 to vector<16xi32>
    %rem3A_543 = arith.remsi %xor3A_536, %rem3A_542 : vector<16xi32>
    %ne3A_544 = arith.constant 0 : i32
    %ne3A_545 = vector.broadcast %ne3A_544 : i32 to vector<16xi32>
    %ne3A_546 = arith.cmpi ne, %rem3A_543, %ne3A_545 : vector<16xi32>
    %lt3A_547 = arith.constant 0 : i32
    %lt3A_548 = vector.broadcast %lt3A_547 : i32 to vector<16xi32>
    %lt3A_549 = arith.cmpi slt, %rem3A_543, %lt3A_548 : vector<16xi32>
    %lt3A_550 = arith.constant 0 : i32
    %lt3A_551 = arith.cmpi slt, %select_n3A_541, %lt3A_550 : i32
    %ne3A_552 = vector.broadcast %lt3A_551 : i1 to vector<16xi1>
    %ne3A_553 = vector.broadcast %ne3A_552 : vector<16xi1> to vector<16xi1>
    %ne3A_554 = arith.xori %lt3A_549, %ne3A_553 : vector<16xi1>
    %and3A_555 = arith.andi %ne3A_554, %ne3A_546 : vector<16xi1>
    %add3A_556 = vector.broadcast %select_n3A_541 : i32 to vector<16xi32>
    %add3A_557 = arith.addi %rem3A_543, %add3A_556 : vector<16xi32>
    %select_n3A_558 = arith.select %and3A_555, %add3A_557, %rem3A_543 : vector<16xi1>, vector<16xi32>
    %swap3A_559 = arith.constant 5 : i32
    %swap3A_560 = arith.index_cast %swap3A_559 : i32 to index
    %swap3A_561 = arith.constant 16 : index
    %swap3A_562 = tpu.vector_load %arg6[%swap3A_560, %swap3A_561] {strides = array<i32>} : memref<16x32xi32, #tpu.memory_space<vmem>>, vector<1x16xi32>,
    %swap3A_563 = vector.shape_cast %swap3A_562 : vector<1x16xi32> to vector<16xi32>
    %swap3A_564 = vector.shape_cast %select_n3A_558 : vector<16xi32> to vector<1x16xi32>
    tpu.vector_store %arg6[%swap3A_560, %swap3A_561], %swap3A_564 {strides = array<i32>} : memref<16x32xi32, #tpu.memory_space<vmem>>, vector<1x16xi32>,
    %dma_start3A_565 = arith.constant 5 : i32
    %dma_start3A_566 = arith.constant 160 : i32
    %dma_start3A_567 = arith.constant 0 : i32
    %dma_start3A_568 = tpu.memref_slice %arg7[%dma_start3A_566, %dma_start3A_567] : memref<512x128xf32, #tpu.memory_space<vmem>> -> memref<32x128xf32, #tpu.memory_space<vmem>>
    %dma_start3A_569 = arith.constant 0 : i32
    %dma_start3A_570 = tpu.memref_slice %arg6[%dma_start3A_565, %dma_start3A_569] : memref<16x32xi32, #tpu.memory_space<vmem>> -> memref<1x32xi32, #tpu.memory_space<vmem>>
    %dma_start3A_571 = tpu.memref_squeeze %dma_start3A_570 : memref<1x32xi32, #tpu.memory_space<vmem>> -> memref<32xi32, #tpu.memory_space<vmem>>
    %dma_start3A_572 = arith.constant 0 : i32
    %dma_start3A_573 = arith.constant 0 : i32
    %dma_start3A_574 = tpu.memref_slice %arg3[%dma_start3A_572, %dma_start3A_573] : memref<100000x128xf32, #tpu.memory_space<hbm>> -> memref<100000x128xf32, #tpu.memory_space<hbm>>
    tpu.enqueue_indirect_dma source(%dma_start3A_574 : memref<100000x128xf32, #tpu.memory_space<hbm>>) target(%dma_start3A_568 : memref<32x128xf32, #tpu.memory_space<vmem>>) offsets(%dma_start3A_571 : memref<32xi32, #tpu.memory_space<vmem>>) semaphore(%arg8 : memref<!tpu.dma_semaphore, #tpu.memory_space<semaphore_mem>>)
    %get3A_575 = arith.constant 208 : index
    %get3A_576 = tpu.vector_load %arg5[%get3A_575] {strides = array<i32>} : memref<528xi32, #tpu.memory_space<vmem>>, vector<16xi32>,
    %get3A_577 = vector.shape_cast %get3A_576 : vector<16xi32> to vector<16xi32>
    %get3A_578 = arith.constant 207 : index
    %get3A_579 = tpu.vector_load %arg5[%get3A_578] {strides = array<i32>} : memref<528xi32, #tpu.memory_space<vmem>>, vector<16xi32>,
    %get3A_580 = vector.shape_cast %get3A_579 : vector<16xi32> to vector<16xi32>
    %mul3A_581 = arith.constant 36313 : i32
    %mul3A_582 = vector.broadcast %mul3A_581 : i32 to vector<16xi32>
    %mul3A_583 = arith.muli %mul3A_582, %get3A_577 : vector<16xi32>
    %mul3A_584 = arith.constant 27191 : i32
    %mul3A_585 = vector.broadcast %mul3A_584 : i32 to vector<16xi32>
    %mul3A_586 = arith.muli %mul3A_585, %get3A_580 : vector<16xi32>
    %xor3A_587 = arith.xori %mul3A_583, %mul3A_586 : vector<16xi32>
    %jit3A_588 = arith.constant 99999 : i32
    %eq3A_589 = arith.constant 0 : i32
    %eq3A_590 = arith.cmpi eq, %jit3A_588, %eq3A_589 : i32
    %jit3A_591 = arith.constant 1 : i32
    %select_n3A_592 = arith.select %eq3A_590, %jit3A_591, %jit3A_588 : i32
    %rem3A_593 = vector.broadcast %select_n3A_592 : i32 to vector<16xi32>
    %rem3A_594 = arith.remsi %xor3A_587, %rem3A_593 : vector<16xi32>
    %ne3A_595 = arith.constant 0 : i32
    %ne3A_596 = vector.broadcast %ne3A_595 : i32 to vector<16xi32>
    %ne3A_597 = arith.cmpi ne, %rem3A_594, %ne3A_596 : vector<16xi32>
    %lt3A_598 = arith.constant 0 : i32
    %lt3A_599 = vector.broadcast %lt3A_598 : i32 to vector<16xi32>
    %lt3A_600 = arith.cmpi slt, %rem3A_594, %lt3A_599 : vector<16xi32>
    %lt3A_601 = arith.constant 0 : i32
    %lt3A_602 = arith.cmpi slt, %select_n3A_592, %lt3A_601 : i32
    %ne3A_603 = vector.broadcast %lt3A_602 : i1 to vector<16xi1>
    %ne3A_604 = vector.broadcast %ne3A_603 : vector<16xi1> to vector<16xi1>
    %ne3A_605 = arith.xori %lt3A_600, %ne3A_604 : vector<16xi1>
    %and3A_606 = arith.andi %ne3A_605, %ne3A_597 : vector<16xi1>
    %add3A_607 = vector.broadcast %select_n3A_592 : i32 to vector<16xi32>
    %add3A_608 = arith.addi %rem3A_594, %add3A_607 : vector<16xi32>
    %select_n3A_609 = arith.select %and3A_606, %add3A_608, %rem3A_594 : vector<16xi1>, vector<16xi32>
    %swap3A_610 = arith.constant 6 : i32
    %swap3A_611 = arith.index_cast %swap3A_610 : i32 to index
    %swap3A_612 = arith.constant 0 : index
    %swap3A_613 = tpu.vector_load %arg6[%swap3A_611, %swap3A_612] {strides = array<i32>} : memref<16x32xi32, #tpu.memory_space<vmem>>, vector<1x16xi32>,
    %swap3A_614 = vector.shape_cast %swap3A_613 : vector<1x16xi32> to vector<16xi32>
    %swap3A_615 = vector.shape_cast %select_n3A_609 : vector<16xi32> to vector<1x16xi32>
    tpu.vector_store %arg6[%swap3A_611, %swap3A_612], %swap3A_615 {strides = array<i32>} : memref<16x32xi32, #tpu.memory_space<vmem>>, vector<1x16xi32>,
    %get3A_616 = arith.constant 224 : index
    %get3A_617 = tpu.vector_load %arg5[%get3A_616] {strides = array<i32>} : memref<528xi32, #tpu.memory_space<vmem>>, vector<16xi32>,
    %get3A_618 = vector.shape_cast %get3A_617 : vector<16xi32> to vector<16xi32>
    %get3A_619 = arith.constant 223 : index
    %get3A_620 = tpu.vector_load %arg5[%get3A_619] {strides = array<i32>} : memref<528xi32, #tpu.memory_space<vmem>>, vector<16xi32>,
    %get3A_621 = vector.shape_cast %get3A_620 : vector<16xi32> to vector<16xi32>
    %mul3A_622 = arith.constant 36313 : i32
    %mul3A_623 = vector.broadcast %mul3A_622 : i32 to vector<16xi32>
    %mul3A_624 = arith.muli %mul3A_623, %get3A_618 : vector<16xi32>
    %mul3A_625 = arith.constant 27191 : i32
    %mul3A_626 = vector.broadcast %mul3A_625 : i32 to vector<16xi32>
    %mul3A_627 = arith.muli %mul3A_626, %get3A_621 : vector<16xi32>
    %xor3A_628 = arith.xori %mul3A_624, %mul3A_627 : vector<16xi32>
    %jit3A_629 = arith.constant 99999 : i32
    %eq3A_630 = arith.constant 0 : i32
    %eq3A_631 = arith.cmpi eq, %jit3A_629, %eq3A_630 : i32
    %jit3A_632 = arith.constant 1 : i32
    %select_n3A_633 = arith.select %eq3A_631, %jit3A_632, %jit3A_629 : i32
    %rem3A_634 = vector.broadcast %select_n3A_633 : i32 to vector<16xi32>
    %rem3A_635 = arith.remsi %xor3A_628, %rem3A_634 : vector<16xi32>
    %ne3A_636 = arith.constant 0 : i32
    %ne3A_637 = vector.broadcast %ne3A_636 : i32 to vector<16xi32>
    %ne3A_638 = arith.cmpi ne, %rem3A_635, %ne3A_637 : vector<16xi32>
    %lt3A_639 = arith.constant 0 : i32
    %lt3A_640 = vector.broadcast %lt3A_639 : i32 to vector<16xi32>
    %lt3A_641 = arith.cmpi slt, %rem3A_635, %lt3A_640 : vector<16xi32>
    %lt3A_642 = arith.constant 0 : i32
    %lt3A_643 = arith.cmpi slt, %select_n3A_633, %lt3A_642 : i32
    %ne3A_644 = vector.broadcast %lt3A_643 : i1 to vector<16xi1>
    %ne3A_645 = vector.broadcast %ne3A_644 : vector<16xi1> to vector<16xi1>
    %ne3A_646 = arith.xori %lt3A_641, %ne3A_645 : vector<16xi1>
    %and3A_647 = arith.andi %ne3A_646, %ne3A_638 : vector<16xi1>
    %add3A_648 = vector.broadcast %select_n3A_633 : i32 to vector<16xi32>
    %add3A_649 = arith.addi %rem3A_635, %add3A_648 : vector<16xi32>
    %select_n3A_650 = arith.select %and3A_647, %add3A_649, %rem3A_635 : vector<16xi1>, vector<16xi32>
    %swap3A_651 = arith.constant 6 : i32
    %swap3A_652 = arith.index_cast %swap3A_651 : i32 to index
    %swap3A_653 = arith.constant 16 : index
    %swap3A_654 = tpu.vector_load %arg6[%swap3A_652, %swap3A_653] {strides = array<i32>} : memref<16x32xi32, #tpu.memory_space<vmem>>, vector<1x16xi32>,
    %swap3A_655 = vector.shape_cast %swap3A_654 : vector<1x16xi32> to vector<16xi32>
    %swap3A_656 = vector.shape_cast %select_n3A_650 : vector<16xi32> to vector<1x16xi32>
    tpu.vector_store %arg6[%swap3A_652, %swap3A_653], %swap3A_656 {strides = array<i32>} : memref<16x32xi32, #tpu.memory_space<vmem>>, vector<1x16xi32>,
    %dma_start3A_657 = arith.constant 6 : i32
    %dma_start3A_658 = arith.constant 192 : i32
    %dma_start3A_659 = arith.constant 0 : i32
    %dma_start3A_660 = tpu.memref_slice %arg7[%dma_start3A_658, %dma_start3A_659] : memref<512x128xf32, #tpu.memory_space<vmem>> -> memref<32x128xf32, #tpu.memory_space<vmem>>
    %dma_start3A_661 = arith.constant 0 : i32
    %dma_start3A_662 = tpu.memref_slice %arg6[%dma_start3A_657, %dma_start3A_661] : memref<16x32xi32, #tpu.memory_space<vmem>> -> memref<1x32xi32, #tpu.memory_space<vmem>>
    %dma_start3A_663 = tpu.memref_squeeze %dma_start3A_662 : memref<1x32xi32, #tpu.memory_space<vmem>> -> memref<32xi32, #tpu.memory_space<vmem>>
    %dma_start3A_664 = arith.constant 0 : i32
    %dma_start3A_665 = arith.constant 0 : i32
    %dma_start3A_666 = tpu.memref_slice %arg3[%dma_start3A_664, %dma_start3A_665] : memref<100000x128xf32, #tpu.memory_space<hbm>> -> memref<100000x128xf32, #tpu.memory_space<hbm>>
    tpu.enqueue_indirect_dma source(%dma_start3A_666 : memref<100000x128xf32, #tpu.memory_space<hbm>>) target(%dma_start3A_660 : memref<32x128xf32, #tpu.memory_space<vmem>>) offsets(%dma_start3A_663 : memref<32xi32, #tpu.memory_space<vmem>>) semaphore(%arg8 : memref<!tpu.dma_semaphore, #tpu.memory_space<semaphore_mem>>)
    %get3A_667 = arith.constant 240 : index
    %get3A_668 = tpu.vector_load %arg5[%get3A_667] {strides = array<i32>} : memref<528xi32, #tpu.memory_space<vmem>>, vector<16xi32>,
    %get3A_669 = vector.shape_cast %get3A_668 : vector<16xi32> to vector<16xi32>
    %get3A_670 = arith.constant 239 : index
    %get3A_671 = tpu.vector_load %arg5[%get3A_670] {strides = array<i32>} : memref<528xi32, #tpu.memory_space<vmem>>, vector<16xi32>,
    %get3A_672 = vector.shape_cast %get3A_671 : vector<16xi32> to vector<16xi32>
    %mul3A_673 = arith.constant 36313 : i32
    %mul3A_674 = vector.broadcast %mul3A_673 : i32 to vector<16xi32>
    %mul3A_675 = arith.muli %mul3A_674, %get3A_669 : vector<16xi32>
    %mul3A_676 = arith.constant 27191 : i32
    %mul3A_677 = vector.broadcast %mul3A_676 : i32 to vector<16xi32>
    %mul3A_678 = arith.muli %mul3A_677, %get3A_672 : vector<16xi32>
    %xor3A_679 = arith.xori %mul3A_675, %mul3A_678 : vector<16xi32>
    %jit3A_680 = arith.constant 99999 : i32
    %eq3A_681 = arith.constant 0 : i32
    %eq3A_682 = arith.cmpi eq, %jit3A_680, %eq3A_681 : i32
    %jit3A_683 = arith.constant 1 : i32
    %select_n3A_684 = arith.select %eq3A_682, %jit3A_683, %jit3A_680 : i32
    %rem3A_685 = vector.broadcast %select_n3A_684 : i32 to vector<16xi32>
    %rem3A_686 = arith.remsi %xor3A_679, %rem3A_685 : vector<16xi32>
    %ne3A_687 = arith.constant 0 : i32
    %ne3A_688 = vector.broadcast %ne3A_687 : i32 to vector<16xi32>
    %ne3A_689 = arith.cmpi ne, %rem3A_686, %ne3A_688 : vector<16xi32>
    %lt3A_690 = arith.constant 0 : i32
    %lt3A_691 = vector.broadcast %lt3A_690 : i32 to vector<16xi32>
    %lt3A_692 = arith.cmpi slt, %rem3A_686, %lt3A_691 : vector<16xi32>
    %lt3A_693 = arith.constant 0 : i32
    %lt3A_694 = arith.cmpi slt, %select_n3A_684, %lt3A_693 : i32
    %ne3A_695 = vector.broadcast %lt3A_694 : i1 to vector<16xi1>
    %ne3A_696 = vector.broadcast %ne3A_695 : vector<16xi1> to vector<16xi1>
    %ne3A_697 = arith.xori %lt3A_692, %ne3A_696 : vector<16xi1>
    %and3A_698 = arith.andi %ne3A_697, %ne3A_689 : vector<16xi1>
    %add3A_699 = vector.broadcast %select_n3A_684 : i32 to vector<16xi32>
    %add3A_700 = arith.addi %rem3A_686, %add3A_699 : vector<16xi32>
    %select_n3A_701 = arith.select %and3A_698, %add3A_700, %rem3A_686 : vector<16xi1>, vector<16xi32>
    %swap3A_702 = arith.constant 7 : i32
    %swap3A_703 = arith.index_cast %swap3A_702 : i32 to index
    %swap3A_704 = arith.constant 0 : index
    %swap3A_705 = tpu.vector_load %arg6[%swap3A_703, %swap3A_704] {strides = array<i32>} : memref<16x32xi32, #tpu.memory_space<vmem>>, vector<1x16xi32>,
    %swap3A_706 = vector.shape_cast %swap3A_705 : vector<1x16xi32> to vector<16xi32>
    %swap3A_707 = vector.shape_cast %select_n3A_701 : vector<16xi32> to vector<1x16xi32>
    tpu.vector_store %arg6[%swap3A_703, %swap3A_704], %swap3A_707 {strides = array<i32>} : memref<16x32xi32, #tpu.memory_space<vmem>>, vector<1x16xi32>,
    %get3A_708 = arith.constant 256 : index
    %get3A_709 = tpu.vector_load %arg5[%get3A_708] {strides = array<i32>} : memref<528xi32, #tpu.memory_space<vmem>>, vector<16xi32>,
    %get3A_710 = vector.shape_cast %get3A_709 : vector<16xi32> to vector<16xi32>
    %get3A_711 = arith.constant 255 : index
    %get3A_712 = tpu.vector_load %arg5[%get3A_711] {strides = array<i32>} : memref<528xi32, #tpu.memory_space<vmem>>, vector<16xi32>,
    %get3A_713 = vector.shape_cast %get3A_712 : vector<16xi32> to vector<16xi32>
    %mul3A_714 = arith.constant 36313 : i32
    %mul3A_715 = vector.broadcast %mul3A_714 : i32 to vector<16xi32>
    %mul3A_716 = arith.muli %mul3A_715, %get3A_710 : vector<16xi32>
    %mul3A_717 = arith.constant 27191 : i32
    %mul3A_718 = vector.broadcast %mul3A_717 : i32 to vector<16xi32>
    %mul3A_719 = arith.muli %mul3A_718, %get3A_713 : vector<16xi32>
    %xor3A_720 = arith.xori %mul3A_716, %mul3A_719 : vector<16xi32>
    %jit3A_721 = arith.constant 99999 : i32
    %eq3A_722 = arith.constant 0 : i32
    %eq3A_723 = arith.cmpi eq, %jit3A_721, %eq3A_722 : i32
    %jit3A_724 = arith.constant 1 : i32
    %select_n3A_725 = arith.select %eq3A_723, %jit3A_724, %jit3A_721 : i32
    %rem3A_726 = vector.broadcast %select_n3A_725 : i32 to vector<16xi32>
    %rem3A_727 = arith.remsi %xor3A_720, %rem3A_726 : vector<16xi32>
    %ne3A_728 = arith.constant 0 : i32
    %ne3A_729 = vector.broadcast %ne3A_728 : i32 to vector<16xi32>
    %ne3A_730 = arith.cmpi ne, %rem3A_727, %ne3A_729 : vector<16xi32>
    %lt3A_731 = arith.constant 0 : i32
    %lt3A_732 = vector.broadcast %lt3A_731 : i32 to vector<16xi32>
    %lt3A_733 = arith.cmpi slt, %rem3A_727, %lt3A_732 : vector<16xi32>
    %lt3A_734 = arith.constant 0 : i32
    %lt3A_735 = arith.cmpi slt, %select_n3A_725, %lt3A_734 : i32
    %ne3A_736 = vector.broadcast %lt3A_735 : i1 to vector<16xi1>
    %ne3A_737 = vector.broadcast %ne3A_736 : vector<16xi1> to vector<16xi1>
    %ne3A_738 = arith.xori %lt3A_733, %ne3A_737 : vector<16xi1>
    %and3A_739 = arith.andi %ne3A_738, %ne3A_730 : vector<16xi1>
    %add3A_740 = vector.broadcast %select_n3A_725 : i32 to vector<16xi32>
    %add3A_741 = arith.addi %rem3A_727, %add3A_740 : vector<16xi32>
    %select_n3A_742 = arith.select %and3A_739, %add3A_741, %rem3A_727 : vector<16xi1>, vector<16xi32>
    %swap3A_743 = arith.constant 7 : i32
    %swap3A_744 = arith.index_cast %swap3A_743 : i32 to index
    %swap3A_745 = arith.constant 16 : index
    %swap3A_746 = tpu.vector_load %arg6[%swap3A_744, %swap3A_745] {strides = array<i32>} : memref<16x32xi32, #tpu.memory_space<vmem>>, vector<1x16xi32>,
    %swap3A_747 = vector.shape_cast %swap3A_746 : vector<1x16xi32> to vector<16xi32>
    %swap3A_748 = vector.shape_cast %select_n3A_742 : vector<16xi32> to vector<1x16xi32>
    tpu.vector_store %arg6[%swap3A_744, %swap3A_745], %swap3A_748 {strides = array<i32>} : memref<16x32xi32, #tpu.memory_space<vmem>>, vector<1x16xi32>,
    %dma_start3A_749 = arith.constant 7 : i32
    %dma_start3A_750 = arith.constant 224 : i32
    %dma_start3A_751 = arith.constant 0 : i32
    %dma_start3A_752 = tpu.memref_slice %arg7[%dma_start3A_750, %dma_start3A_751] : memref<512x128xf32, #tpu.memory_space<vmem>> -> memref<32x128xf32, #tpu.memory_space<vmem>>
    %dma_start3A_753 = arith.constant 0 : i32
    %dma_start3A_754 = tpu.memref_slice %arg6[%dma_start3A_749, %dma_start3A_753] : memref<16x32xi32, #tpu.memory_space<vmem>> -> memref<1x32xi32, #tpu.memory_space<vmem>>
    %dma_start3A_755 = tpu.memref_squeeze %dma_start3A_754 : memref<1x32xi32, #tpu.memory_space<vmem>> -> memref<32xi32, #tpu.memory_space<vmem>>
    %dma_start3A_756 = arith.constant 0 : i32
    %dma_start3A_757 = arith.constant 0 : i32
    %dma_start3A_758 = tpu.memref_slice %arg3[%dma_start3A_756, %dma_start3A_757] : memref<100000x128xf32, #tpu.memory_space<hbm>> -> memref<100000x128xf32, #tpu.memory_space<hbm>>
    tpu.enqueue_indirect_dma source(%dma_start3A_758 : memref<100000x128xf32, #tpu.memory_space<hbm>>) target(%dma_start3A_752 : memref<32x128xf32, #tpu.memory_space<vmem>>) offsets(%dma_start3A_755 : memref<32xi32, #tpu.memory_space<vmem>>) semaphore(%arg8 : memref<!tpu.dma_semaphore, #tpu.memory_space<semaphore_mem>>)
    %get3A_759 = arith.constant 272 : index
    %get3A_760 = tpu.vector_load %arg5[%get3A_759] {strides = array<i32>} : memref<528xi32, #tpu.memory_space<vmem>>, vector<16xi32>,
    %get3A_761 = vector.shape_cast %get3A_760 : vector<16xi32> to vector<16xi32>
    %get3A_762 = arith.constant 271 : index
    %get3A_763 = tpu.vector_load %arg5[%get3A_762] {strides = array<i32>} : memref<528xi32, #tpu.memory_space<vmem>>, vector<16xi32>,
    %get3A_764 = vector.shape_cast %get3A_763 : vector<16xi32> to vector<16xi32>
    %mul3A_765 = arith.constant 36313 : i32
    %mul3A_766 = vector.broadcast %mul3A_765 : i32 to vector<16xi32>
    %mul3A_767 = arith.muli %mul3A_766, %get3A_761 : vector<16xi32>
    %mul3A_768 = arith.constant 27191 : i32
    %mul3A_769 = vector.broadcast %mul3A_768 : i32 to vector<16xi32>
    %mul3A_770 = arith.muli %mul3A_769, %get3A_764 : vector<16xi32>
    %xor3A_771 = arith.xori %mul3A_767, %mul3A_770 : vector<16xi32>
    %jit3A_772 = arith.constant 99999 : i32
    %eq3A_773 = arith.constant 0 : i32
    %eq3A_774 = arith.cmpi eq, %jit3A_772, %eq3A_773 : i32
    %jit3A_775 = arith.constant 1 : i32
    %select_n3A_776 = arith.select %eq3A_774, %jit3A_775, %jit3A_772 : i32
    %rem3A_777 = vector.broadcast %select_n3A_776 : i32 to vector<16xi32>
    %rem3A_778 = arith.remsi %xor3A_771, %rem3A_777 : vector<16xi32>
    %ne3A_779 = arith.constant 0 : i32
    %ne3A_780 = vector.broadcast %ne3A_779 : i32 to vector<16xi32>
    %ne3A_781 = arith.cmpi ne, %rem3A_778, %ne3A_780 : vector<16xi32>
    %lt3A_782 = arith.constant 0 : i32
    %lt3A_783 = vector.broadcast %lt3A_782 : i32 to vector<16xi32>
    %lt3A_784 = arith.cmpi slt, %rem3A_778, %lt3A_783 : vector<16xi32>
    %lt3A_785 = arith.constant 0 : i32
    %lt3A_786 = arith.cmpi slt, %select_n3A_776, %lt3A_785 : i32
    %ne3A_787 = vector.broadcast %lt3A_786 : i1 to vector<16xi1>
    %ne3A_788 = vector.broadcast %ne3A_787 : vector<16xi1> to vector<16xi1>
    %ne3A_789 = arith.xori %lt3A_784, %ne3A_788 : vector<16xi1>
    %and3A_790 = arith.andi %ne3A_789, %ne3A_781 : vector<16xi1>
    %add3A_791 = vector.broadcast %select_n3A_776 : i32 to vector<16xi32>
    %add3A_792 = arith.addi %rem3A_778, %add3A_791 : vector<16xi32>
    %select_n3A_793 = arith.select %and3A_790, %add3A_792, %rem3A_778 : vector<16xi1>, vector<16xi32>
    %swap3A_794 = arith.constant 8 : i32
    %swap3A_795 = arith.index_cast %swap3A_794 : i32 to index
    %swap3A_796 = arith.constant 0 : index
    %swap3A_797 = tpu.vector_load %arg6[%swap3A_795, %swap3A_796] {strides = array<i32>} : memref<16x32xi32, #tpu.memory_space<vmem>>, vector<1x16xi32>,
    %swap3A_798 = vector.shape_cast %swap3A_797 : vector<1x16xi32> to vector<16xi32>
    %swap3A_799 = vector.shape_cast %select_n3A_793 : vector<16xi32> to vector<1x16xi32>
    tpu.vector_store %arg6[%swap3A_795, %swap3A_796], %swap3A_799 {strides = array<i32>} : memref<16x32xi32, #tpu.memory_space<vmem>>, vector<1x16xi32>,
    %get3A_800 = arith.constant 288 : index
    %get3A_801 = tpu.vector_load %arg5[%get3A_800] {strides = array<i32>} : memref<528xi32, #tpu.memory_space<vmem>>, vector<16xi32>,
    %get3A_802 = vector.shape_cast %get3A_801 : vector<16xi32> to vector<16xi32>
    %get3A_803 = arith.constant 287 : index
    %get3A_804 = tpu.vector_load %arg5[%get3A_803] {strides = array<i32>} : memref<528xi32, #tpu.memory_space<vmem>>, vector<16xi32>,
    %get3A_805 = vector.shape_cast %get3A_804 : vector<16xi32> to vector<16xi32>
    %mul3A_806 = arith.constant 36313 : i32
    %mul3A_807 = vector.broadcast %mul3A_806 : i32 to vector<16xi32>
    %mul3A_808 = arith.muli %mul3A_807, %get3A_802 : vector<16xi32>
    %mul3A_809 = arith.constant 27191 : i32
    %mul3A_810 = vector.broadcast %mul3A_809 : i32 to vector<16xi32>
    %mul3A_811 = arith.muli %mul3A_810, %get3A_805 : vector<16xi32>
    %xor3A_812 = arith.xori %mul3A_808, %mul3A_811 : vector<16xi32>
    %jit3A_813 = arith.constant 99999 : i32
    %eq3A_814 = arith.constant 0 : i32
    %eq3A_815 = arith.cmpi eq, %jit3A_813, %eq3A_814 : i32
    %jit3A_816 = arith.constant 1 : i32
    %select_n3A_817 = arith.select %eq3A_815, %jit3A_816, %jit3A_813 : i32
    %rem3A_818 = vector.broadcast %select_n3A_817 : i32 to vector<16xi32>
    %rem3A_819 = arith.remsi %xor3A_812, %rem3A_818 : vector<16xi32>
    %ne3A_820 = arith.constant 0 : i32
    %ne3A_821 = vector.broadcast %ne3A_820 : i32 to vector<16xi32>
    %ne3A_822 = arith.cmpi ne, %rem3A_819, %ne3A_821 : vector<16xi32>
    %lt3A_823 = arith.constant 0 : i32
    %lt3A_824 = vector.broadcast %lt3A_823 : i32 to vector<16xi32>
    %lt3A_825 = arith.cmpi slt, %rem3A_819, %lt3A_824 : vector<16xi32>
    %lt3A_826 = arith.constant 0 : i32
    %lt3A_827 = arith.cmpi slt, %select_n3A_817, %lt3A_826 : i32
    %ne3A_828 = vector.broadcast %lt3A_827 : i1 to vector<16xi1>
    %ne3A_829 = vector.broadcast %ne3A_828 : vector<16xi1> to vector<16xi1>
    %ne3A_830 = arith.xori %lt3A_825, %ne3A_829 : vector<16xi1>
    %and3A_831 = arith.andi %ne3A_830, %ne3A_822 : vector<16xi1>
    %add3A_832 = vector.broadcast %select_n3A_817 : i32 to vector<16xi32>
    %add3A_833 = arith.addi %rem3A_819, %add3A_832 : vector<16xi32>
    %select_n3A_834 = arith.select %and3A_831, %add3A_833, %rem3A_819 : vector<16xi1>, vector<16xi32>
    %swap3A_835 = arith.constant 8 : i32
    %swap3A_836 = arith.index_cast %swap3A_835 : i32 to index
    %swap3A_837 = arith.constant 16 : index
    %swap3A_838 = tpu.vector_load %arg6[%swap3A_836, %swap3A_837] {strides = array<i32>} : memref<16x32xi32, #tpu.memory_space<vmem>>, vector<1x16xi32>,
    %swap3A_839 = vector.shape_cast %swap3A_838 : vector<1x16xi32> to vector<16xi32>
    %swap3A_840 = vector.shape_cast %select_n3A_834 : vector<16xi32> to vector<1x16xi32>
    tpu.vector_store %arg6[%swap3A_836, %swap3A_837], %swap3A_840 {strides = array<i32>} : memref<16x32xi32, #tpu.memory_space<vmem>>, vector<1x16xi32>,
    %dma_start3A_841 = arith.constant 8 : i32
    %dma_start3A_842 = arith.constant 256 : i32
    %dma_start3A_843 = arith.constant 0 : i32
    %dma_start3A_844 = tpu.memref_slice %arg7[%dma_start3A_842, %dma_start3A_843] : memref<512x128xf32, #tpu.memory_space<vmem>> -> memref<32x128xf32, #tpu.memory_space<vmem>>
    %dma_start3A_845 = arith.constant 0 : i32
    %dma_start3A_846 = tpu.memref_slice %arg6[%dma_start3A_841, %dma_start3A_845] : memref<16x32xi32, #tpu.memory_space<vmem>> -> memref<1x32xi32, #tpu.memory_space<vmem>>
    %dma_start3A_847 = tpu.memref_squeeze %dma_start3A_846 : memref<1x32xi32, #tpu.memory_space<vmem>> -> memref<32xi32, #tpu.memory_space<vmem>>
    %dma_start3A_848 = arith.constant 0 : i32
    %dma_start3A_849 = arith.constant 0 : i32
    %dma_start3A_850 = tpu.memref_slice %arg3[%dma_start3A_848, %dma_start3A_849] : memref<100000x128xf32, #tpu.memory_space<hbm>> -> memref<100000x128xf32, #tpu.memory_space<hbm>>
    tpu.enqueue_indirect_dma source(%dma_start3A_850 : memref<100000x128xf32, #tpu.memory_space<hbm>>) target(%dma_start3A_844 : memref<32x128xf32, #tpu.memory_space<vmem>>) offsets(%dma_start3A_847 : memref<32xi32, #tpu.memory_space<vmem>>) semaphore(%arg8 : memref<!tpu.dma_semaphore, #tpu.memory_space<semaphore_mem>>)
    %get3A_851 = arith.constant 304 : index
    %get3A_852 = tpu.vector_load %arg5[%get3A_851] {strides = array<i32>} : memref<528xi32, #tpu.memory_space<vmem>>, vector<16xi32>,
    %get3A_853 = vector.shape_cast %get3A_852 : vector<16xi32> to vector<16xi32>
    %get3A_854 = arith.constant 303 : index
    %get3A_855 = tpu.vector_load %arg5[%get3A_854] {strides = array<i32>} : memref<528xi32, #tpu.memory_space<vmem>>, vector<16xi32>,
    %get3A_856 = vector.shape_cast %get3A_855 : vector<16xi32> to vector<16xi32>
    %mul3A_857 = arith.constant 36313 : i32
    %mul3A_858 = vector.broadcast %mul3A_857 : i32 to vector<16xi32>
    %mul3A_859 = arith.muli %mul3A_858, %get3A_853 : vector<16xi32>
    %mul3A_860 = arith.constant 27191 : i32
    %mul3A_861 = vector.broadcast %mul3A_860 : i32 to vector<16xi32>
    %mul3A_862 = arith.muli %mul3A_861, %get3A_856 : vector<16xi32>
    %xor3A_863 = arith.xori %mul3A_859, %mul3A_862 : vector<16xi32>
    %jit3A_864 = arith.constant 99999 : i32
    %eq3A_865 = arith.constant 0 : i32
    %eq3A_866 = arith.cmpi eq, %jit3A_864, %eq3A_865 : i32
    %jit3A_867 = arith.constant 1 : i32
    %select_n3A_868 = arith.select %eq3A_866, %jit3A_867, %jit3A_864 : i32
    %rem3A_869 = vector.broadcast %select_n3A_868 : i32 to vector<16xi32>
    %rem3A_870 = arith.remsi %xor3A_863, %rem3A_869 : vector<16xi32>
    %ne3A_871 = arith.constant 0 : i32
    %ne3A_872 = vector.broadcast %ne3A_871 : i32 to vector<16xi32>
    %ne3A_873 = arith.cmpi ne, %rem3A_870, %ne3A_872 : vector<16xi32>
    %lt3A_874 = arith.constant 0 : i32
    %lt3A_875 = vector.broadcast %lt3A_874 : i32 to vector<16xi32>
    %lt3A_876 = arith.cmpi slt, %rem3A_870, %lt3A_875 : vector<16xi32>
    %lt3A_877 = arith.constant 0 : i32
    %lt3A_878 = arith.cmpi slt, %select_n3A_868, %lt3A_877 : i32
    %ne3A_879 = vector.broadcast %lt3A_878 : i1 to vector<16xi1>
    %ne3A_880 = vector.broadcast %ne3A_879 : vector<16xi1> to vector<16xi1>
    %ne3A_881 = arith.xori %lt3A_876, %ne3A_880 : vector<16xi1>
    %and3A_882 = arith.andi %ne3A_881, %ne3A_873 : vector<16xi1>
    %add3A_883 = vector.broadcast %select_n3A_868 : i32 to vector<16xi32>
    %add3A_884 = arith.addi %rem3A_870, %add3A_883 : vector<16xi32>
    %select_n3A_885 = arith.select %and3A_882, %add3A_884, %rem3A_870 : vector<16xi1>, vector<16xi32>
    %swap3A_886 = arith.constant 9 : i32
    %swap3A_887 = arith.index_cast %swap3A_886 : i32 to index
    %swap3A_888 = arith.constant 0 : index
    %swap3A_889 = tpu.vector_load %arg6[%swap3A_887, %swap3A_888] {strides = array<i32>} : memref<16x32xi32, #tpu.memory_space<vmem>>, vector<1x16xi32>,
    %swap3A_890 = vector.shape_cast %swap3A_889 : vector<1x16xi32> to vector<16xi32>
    %swap3A_891 = vector.shape_cast %select_n3A_885 : vector<16xi32> to vector<1x16xi32>
    tpu.vector_store %arg6[%swap3A_887, %swap3A_888], %swap3A_891 {strides = array<i32>} : memref<16x32xi32, #tpu.memory_space<vmem>>, vector<1x16xi32>,
    %get3A_892 = arith.constant 320 : index
    %get3A_893 = tpu.vector_load %arg5[%get3A_892] {strides = array<i32>} : memref<528xi32, #tpu.memory_space<vmem>>, vector<16xi32>,
    %get3A_894 = vector.shape_cast %get3A_893 : vector<16xi32> to vector<16xi32>
    %get3A_895 = arith.constant 319 : index
    %get3A_896 = tpu.vector_load %arg5[%get3A_895] {strides = array<i32>} : memref<528xi32, #tpu.memory_space<vmem>>, vector<16xi32>,
    %get3A_897 = vector.shape_cast %get3A_896 : vector<16xi32> to vector<16xi32>
    %mul3A_898 = arith.constant 36313 : i32
    %mul3A_899 = vector.broadcast %mul3A_898 : i32 to vector<16xi32>
    %mul3A_900 = arith.muli %mul3A_899, %get3A_894 : vector<16xi32>
    %mul3A_901 = arith.constant 27191 : i32
    %mul3A_902 = vector.broadcast %mul3A_901 : i32 to vector<16xi32>
    %mul3A_903 = arith.muli %mul3A_902, %get3A_897 : vector<16xi32>
    %xor3A_904 = arith.xori %mul3A_900, %mul3A_903 : vector<16xi32>
    %jit3A_905 = arith.constant 99999 : i32
    %eq3A_906 = arith.constant 0 : i32
    %eq3A_907 = arith.cmpi eq, %jit3A_905, %eq3A_906 : i32
    %jit3A_908 = arith.constant 1 : i32
    %select_n3A_909 = arith.select %eq3A_907, %jit3A_908, %jit3A_905 : i32
    %rem3A_910 = vector.broadcast %select_n3A_909 : i32 to vector<16xi32>
    %rem3A_911 = arith.remsi %xor3A_904, %rem3A_910 : vector<16xi32>
    %ne3A_912 = arith.constant 0 : i32
    %ne3A_913 = vector.broadcast %ne3A_912 : i32 to vector<16xi32>
    %ne3A_914 = arith.cmpi ne, %rem3A_911, %ne3A_913 : vector<16xi32>
    %lt3A_915 = arith.constant 0 : i32
    %lt3A_916 = vector.broadcast %lt3A_915 : i32 to vector<16xi32>
    %lt3A_917 = arith.cmpi slt, %rem3A_911, %lt3A_916 : vector<16xi32>
    %lt3A_918 = arith.constant 0 : i32
    %lt3A_919 = arith.cmpi slt, %select_n3A_909, %lt3A_918 : i32
    %ne3A_920 = vector.broadcast %lt3A_919 : i1 to vector<16xi1>
    %ne3A_921 = vector.broadcast %ne3A_920 : vector<16xi1> to vector<16xi1>
    %ne3A_922 = arith.xori %lt3A_917, %ne3A_921 : vector<16xi1>
    %and3A_923 = arith.andi %ne3A_922, %ne3A_914 : vector<16xi1>
    %add3A_924 = vector.broadcast %select_n3A_909 : i32 to vector<16xi32>
    %add3A_925 = arith.addi %rem3A_911, %add3A_924 : vector<16xi32>
    %select_n3A_926 = arith.select %and3A_923, %add3A_925, %rem3A_911 : vector<16xi1>, vector<16xi32>
    %swap3A_927 = arith.constant 9 : i32
    %swap3A_928 = arith.index_cast %swap3A_927 : i32 to index
    %swap3A_929 = arith.constant 16 : index
    %swap3A_930 = tpu.vector_load %arg6[%swap3A_928, %swap3A_929] {strides = array<i32>} : memref<16x32xi32, #tpu.memory_space<vmem>>, vector<1x16xi32>,
    %swap3A_931 = vector.shape_cast %swap3A_930 : vector<1x16xi32> to vector<16xi32>
    %swap3A_932 = vector.shape_cast %select_n3A_926 : vector<16xi32> to vector<1x16xi32>
    tpu.vector_store %arg6[%swap3A_928, %swap3A_929], %swap3A_932 {strides = array<i32>} : memref<16x32xi32, #tpu.memory_space<vmem>>, vector<1x16xi32>,
    %dma_start3A_933 = arith.constant 9 : i32
    %dma_start3A_934 = arith.constant 288 : i32
    %dma_start3A_935 = arith.constant 0 : i32
    %dma_start3A_936 = tpu.memref_slice %arg7[%dma_start3A_934, %dma_start3A_935] : memref<512x128xf32, #tpu.memory_space<vmem>> -> memref<32x128xf32, #tpu.memory_space<vmem>>
    %dma_start3A_937 = arith.constant 0 : i32
    %dma_start3A_938 = tpu.memref_slice %arg6[%dma_start3A_933, %dma_start3A_937] : memref<16x32xi32, #tpu.memory_space<vmem>> -> memref<1x32xi32, #tpu.memory_space<vmem>>
    %dma_start3A_939 = tpu.memref_squeeze %dma_start3A_938 : memref<1x32xi32, #tpu.memory_space<vmem>> -> memref<32xi32, #tpu.memory_space<vmem>>
    %dma_start3A_940 = arith.constant 0 : i32
    %dma_start3A_941 = arith.constant 0 : i32
    %dma_start3A_942 = tpu.memref_slice %arg3[%dma_start3A_940, %dma_start3A_941] : memref<100000x128xf32, #tpu.memory_space<hbm>> -> memref<100000x128xf32, #tpu.memory_space<hbm>>
    tpu.enqueue_indirect_dma source(%dma_start3A_942 : memref<100000x128xf32, #tpu.memory_space<hbm>>) target(%dma_start3A_936 : memref<32x128xf32, #tpu.memory_space<vmem>>) offsets(%dma_start3A_939 : memref<32xi32, #tpu.memory_space<vmem>>) semaphore(%arg8 : memref<!tpu.dma_semaphore, #tpu.memory_space<semaphore_mem>>)
    %get3A_943 = arith.constant 336 : index
    %get3A_944 = tpu.vector_load %arg5[%get3A_943] {strides = array<i32>} : memref<528xi32, #tpu.memory_space<vmem>>, vector<16xi32>,
    %get3A_945 = vector.shape_cast %get3A_944 : vector<16xi32> to vector<16xi32>
    %get3A_946 = arith.constant 335 : index
    %get3A_947 = tpu.vector_load %arg5[%get3A_946] {strides = array<i32>} : memref<528xi32, #tpu.memory_space<vmem>>, vector<16xi32>,
    %get3A_948 = vector.shape_cast %get3A_947 : vector<16xi32> to vector<16xi32>
    %mul3A_949 = arith.constant 36313 : i32
    %mul3A_950 = vector.broadcast %mul3A_949 : i32 to vector<16xi32>
    %mul3A_951 = arith.muli %mul3A_950, %get3A_945 : vector<16xi32>
    %mul3A_952 = arith.constant 27191 : i32
    %mul3A_953 = vector.broadcast %mul3A_952 : i32 to vector<16xi32>
    %mul3A_954 = arith.muli %mul3A_953, %get3A_948 : vector<16xi32>
    %xor3A_955 = arith.xori %mul3A_951, %mul3A_954 : vector<16xi32>
    %jit3A_956 = arith.constant 99999 : i32
    %eq3A_957 = arith.constant 0 : i32
    %eq3A_958 = arith.cmpi eq, %jit3A_956, %eq3A_957 : i32
    %jit3A_959 = arith.constant 1 : i32
    %select_n3A_960 = arith.select %eq3A_958, %jit3A_959, %jit3A_956 : i32
    %rem3A_961 = vector.broadcast %select_n3A_960 : i32 to vector<16xi32>
    %rem3A_962 = arith.remsi %xor3A_955, %rem3A_961 : vector<16xi32>
    %ne3A_963 = arith.constant 0 : i32
    %ne3A_964 = vector.broadcast %ne3A_963 : i32 to vector<16xi32>
    %ne3A_965 = arith.cmpi ne, %rem3A_962, %ne3A_964 : vector<16xi32>
    %lt3A_966 = arith.constant 0 : i32
    %lt3A_967 = vector.broadcast %lt3A_966 : i32 to vector<16xi32>
    %lt3A_968 = arith.cmpi slt, %rem3A_962, %lt3A_967 : vector<16xi32>
    %lt3A_969 = arith.constant 0 : i32
    %lt3A_970 = arith.cmpi slt, %select_n3A_960, %lt3A_969 : i32
    %ne3A_971 = vector.broadcast %lt3A_970 : i1 to vector<16xi1>
    %ne3A_972 = vector.broadcast %ne3A_971 : vector<16xi1> to vector<16xi1>
    %ne3A_973 = arith.xori %lt3A_968, %ne3A_972 : vector<16xi1>
    %and3A_974 = arith.andi %ne3A_973, %ne3A_965 : vector<16xi1>
    %add3A_975 = vector.broadcast %select_n3A_960 : i32 to vector<16xi32>
    %add3A_976 = arith.addi %rem3A_962, %add3A_975 : vector<16xi32>
    %select_n3A_977 = arith.select %and3A_974, %add3A_976, %rem3A_962 : vector<16xi1>, vector<16xi32>
    %swap3A_978 = arith.constant 10 : i32
    %swap3A_979 = arith.index_cast %swap3A_978 : i32 to index
    %swap3A_980 = arith.constant 0 : index
    %swap3A_981 = tpu.vector_load %arg6[%swap3A_979, %swap3A_980] {strides = array<i32>} : memref<16x32xi32, #tpu.memory_space<vmem>>, vector<1x16xi32>,
    %swap3A_982 = vector.shape_cast %swap3A_981 : vector<1x16xi32> to vector<16xi32>
    %swap3A_983 = vector.shape_cast %select_n3A_977 : vector<16xi32> to vector<1x16xi32>
    tpu.vector_store %arg6[%swap3A_979, %swap3A_980], %swap3A_983 {strides = array<i32>} : memref<16x32xi32, #tpu.memory_space<vmem>>, vector<1x16xi32>,
    %get3A_984 = arith.constant 352 : index
    %get3A_985 = tpu.vector_load %arg5[%get3A_984] {strides = array<i32>} : memref<528xi32, #tpu.memory_space<vmem>>, vector<16xi32>,
    %get3A_986 = vector.shape_cast %get3A_985 : vector<16xi32> to vector<16xi32>
    %get3A_987 = arith.constant 351 : index
    %get3A_988 = tpu.vector_load %arg5[%get3A_987] {strides = array<i32>} : memref<528xi32, #tpu.memory_space<vmem>>, vector<16xi32>,
    %get3A_989 = vector.shape_cast %get3A_988 : vector<16xi32> to vector<16xi32>
    %mul3A_990 = arith.constant 36313 : i32
    %mul3A_991 = vector.broadcast %mul3A_990 : i32 to vector<16xi32>
    %mul3A_992 = arith.muli %mul3A_991, %get3A_986 : vector<16xi32>
    %mul3A_993 = arith.constant 27191 : i32
    %mul3A_994 = vector.broadcast %mul3A_993 : i32 to vector<16xi32>
    %mul3A_995 = arith.muli %mul3A_994, %get3A_989 : vector<16xi32>
    %xor3A_996 = arith.xori %mul3A_992, %mul3A_995 : vector<16xi32>
    %jit3A_997 = arith.constant 99999 : i32
    %eq3A_998 = arith.constant 0 : i32
    %eq3A_999 = arith.cmpi eq, %jit3A_997, %eq3A_998 : i32
    %jit3A_1000 = arith.constant 1 : i32
    %select_n3A_1001 = arith.select %eq3A_999, %jit3A_1000, %jit3A_997 : i32
    %rem3A_1002 = vector.broadcast %select_n3A_1001 : i32 to vector<16xi32>
    %rem3A_1003 = arith.remsi %xor3A_996, %rem3A_1002 : vector<16xi32>
    %ne3A_1004 = arith.constant 0 : i32
    %ne3A_1005 = vector.broadcast %ne3A_1004 : i32 to vector<16xi32>
    %ne3A_1006 = arith.cmpi ne, %rem3A_1003, %ne3A_1005 : vector<16xi32>
    %lt3A_1007 = arith.constant 0 : i32
    %lt3A_1008 = vector.broadcast %lt3A_1007 : i32 to vector<16xi32>
    %lt3A_1009 = arith.cmpi slt, %rem3A_1003, %lt3A_1008 : vector<16xi32>
    %lt3A_1010 = arith.constant 0 : i32
    %lt3A_1011 = arith.cmpi slt, %select_n3A_1001, %lt3A_1010 : i32
    %ne3A_1012 = vector.broadcast %lt3A_1011 : i1 to vector<16xi1>
    %ne3A_1013 = vector.broadcast %ne3A_1012 : vector<16xi1> to vector<16xi1>
    %ne3A_1014 = arith.xori %lt3A_1009, %ne3A_1013 : vector<16xi1>
    %and3A_1015 = arith.andi %ne3A_1014, %ne3A_1006 : vector<16xi1>
    %add3A_1016 = vector.broadcast %select_n3A_1001 : i32 to vector<16xi32>
    %add3A_1017 = arith.addi %rem3A_1003, %add3A_1016 : vector<16xi32>
    %select_n3A_1018 = arith.select %and3A_1015, %add3A_1017, %rem3A_1003 : vector<16xi1>, vector<16xi32>
    %swap3A_1019 = arith.constant 10 : i32
    %swap3A_1020 = arith.index_cast %swap3A_1019 : i32 to index
    %swap3A_1021 = arith.constant 16 : index
    %swap3A_1022 = tpu.vector_load %arg6[%swap3A_1020, %swap3A_1021] {strides = array<i32>} : memref<16x32xi32, #tpu.memory_space<vmem>>, vector<1x16xi32>,
    %swap3A_1023 = vector.shape_cast %swap3A_1022 : vector<1x16xi32> to vector<16xi32>
    %swap3A_1024 = vector.shape_cast %select_n3A_1018 : vector<16xi32> to vector<1x16xi32>
    tpu.vector_store %arg6[%swap3A_1020, %swap3A_1021], %swap3A_1024 {strides = array<i32>} : memref<16x32xi32, #tpu.memory_space<vmem>>, vector<1x16xi32>,
    %dma_start3A_1025 = arith.constant 10 : i32
    %dma_start3A_1026 = arith.constant 320 : i32
    %dma_start3A_1027 = arith.constant 0 : i32
    %dma_start3A_1028 = tpu.memref_slice %arg7[%dma_start3A_1026, %dma_start3A_1027] : memref<512x128xf32, #tpu.memory_space<vmem>> -> memref<32x128xf32, #tpu.memory_space<vmem>>
    %dma_start3A_1029 = arith.constant 0 : i32
    %dma_start3A_1030 = tpu.memref_slice %arg6[%dma_start3A_1025, %dma_start3A_1029] : memref<16x32xi32, #tpu.memory_space<vmem>> -> memref<1x32xi32, #tpu.memory_space<vmem>>
    %dma_start3A_1031 = tpu.memref_squeeze %dma_start3A_1030 : memref<1x32xi32, #tpu.memory_space<vmem>> -> memref<32xi32, #tpu.memory_space<vmem>>
    %dma_start3A_1032 = arith.constant 0 : i32
    %dma_start3A_1033 = arith.constant 0 : i32
    %dma_start3A_1034 = tpu.memref_slice %arg3[%dma_start3A_1032, %dma_start3A_1033] : memref<100000x128xf32, #tpu.memory_space<hbm>> -> memref<100000x128xf32, #tpu.memory_space<hbm>>
    tpu.enqueue_indirect_dma source(%dma_start3A_1034 : memref<100000x128xf32, #tpu.memory_space<hbm>>) target(%dma_start3A_1028 : memref<32x128xf32, #tpu.memory_space<vmem>>) offsets(%dma_start3A_1031 : memref<32xi32, #tpu.memory_space<vmem>>) semaphore(%arg8 : memref<!tpu.dma_semaphore, #tpu.memory_space<semaphore_mem>>)
    %get3A_1035 = arith.constant 368 : index
    %get3A_1036 = tpu.vector_load %arg5[%get3A_1035] {strides = array<i32>} : memref<528xi32, #tpu.memory_space<vmem>>, vector<16xi32>,
    %get3A_1037 = vector.shape_cast %get3A_1036 : vector<16xi32> to vector<16xi32>
    %get3A_1038 = arith.constant 367 : index
    %get3A_1039 = tpu.vector_load %arg5[%get3A_1038] {strides = array<i32>} : memref<528xi32, #tpu.memory_space<vmem>>, vector<16xi32>,
    %get3A_1040 = vector.shape_cast %get3A_1039 : vector<16xi32> to vector<16xi32>
    %mul3A_1041 = arith.constant 36313 : i32
    %mul3A_1042 = vector.broadcast %mul3A_1041 : i32 to vector<16xi32>
    %mul3A_1043 = arith.muli %mul3A_1042, %get3A_1037 : vector<16xi32>
    %mul3A_1044 = arith.constant 27191 : i32
    %mul3A_1045 = vector.broadcast %mul3A_1044 : i32 to vector<16xi32>
    %mul3A_1046 = arith.muli %mul3A_1045, %get3A_1040 : vector<16xi32>
    %xor3A_1047 = arith.xori %mul3A_1043, %mul3A_1046 : vector<16xi32>
    %jit3A_1048 = arith.constant 99999 : i32
    %eq3A_1049 = arith.constant 0 : i32
    %eq3A_1050 = arith.cmpi eq, %jit3A_1048, %eq3A_1049 : i32
    %jit3A_1051 = arith.constant 1 : i32
    %select_n3A_1052 = arith.select %eq3A_1050, %jit3A_1051, %jit3A_1048 : i32
    %rem3A_1053 = vector.broadcast %select_n3A_1052 : i32 to vector<16xi32>
    %rem3A_1054 = arith.remsi %xor3A_1047, %rem3A_1053 : vector<16xi32>
    %ne3A_1055 = arith.constant 0 : i32
    %ne3A_1056 = vector.broadcast %ne3A_1055 : i32 to vector<16xi32>
    %ne3A_1057 = arith.cmpi ne, %rem3A_1054, %ne3A_1056 : vector<16xi32>
    %lt3A_1058 = arith.constant 0 : i32
    %lt3A_1059 = vector.broadcast %lt3A_1058 : i32 to vector<16xi32>
    %lt3A_1060 = arith.cmpi slt, %rem3A_1054, %lt3A_1059 : vector<16xi32>
    %lt3A_1061 = arith.constant 0 : i32
    %lt3A_1062 = arith.cmpi slt, %select_n3A_1052, %lt3A_1061 : i32
    %ne3A_1063 = vector.broadcast %lt3A_1062 : i1 to vector<16xi1>
    %ne3A_1064 = vector.broadcast %ne3A_1063 : vector<16xi1> to vector<16xi1>
    %ne3A_1065 = arith.xori %lt3A_1060, %ne3A_1064 : vector<16xi1>
    %and3A_1066 = arith.andi %ne3A_1065, %ne3A_1057 : vector<16xi1>
    %add3A_1067 = vector.broadcast %select_n3A_1052 : i32 to vector<16xi32>
    %add3A_1068 = arith.addi %rem3A_1054, %add3A_1067 : vector<16xi32>
    %select_n3A_1069 = arith.select %and3A_1066, %add3A_1068, %rem3A_1054 : vector<16xi1>, vector<16xi32>
    %swap3A_1070 = arith.constant 11 : i32
    %swap3A_1071 = arith.index_cast %swap3A_1070 : i32 to index
    %swap3A_1072 = arith.constant 0 : index
    %swap3A_1073 = tpu.vector_load %arg6[%swap3A_1071, %swap3A_1072] {strides = array<i32>} : memref<16x32xi32, #tpu.memory_space<vmem>>, vector<1x16xi32>,
    %swap3A_1074 = vector.shape_cast %swap3A_1073 : vector<1x16xi32> to vector<16xi32>
    %swap3A_1075 = vector.shape_cast %select_n3A_1069 : vector<16xi32> to vector<1x16xi32>
    tpu.vector_store %arg6[%swap3A_1071, %swap3A_1072], %swap3A_1075 {strides = array<i32>} : memref<16x32xi32, #tpu.memory_space<vmem>>, vector<1x16xi32>,
    %get3A_1076 = arith.constant 384 : index
    %get3A_1077 = tpu.vector_load %arg5[%get3A_1076] {strides = array<i32>} : memref<528xi32, #tpu.memory_space<vmem>>, vector<16xi32>,
    %get3A_1078 = vector.shape_cast %get3A_1077 : vector<16xi32> to vector<16xi32>
    %get3A_1079 = arith.constant 383 : index
    %get3A_1080 = tpu.vector_load %arg5[%get3A_1079] {strides = array<i32>} : memref<528xi32, #tpu.memory_space<vmem>>, vector<16xi32>,
    %get3A_1081 = vector.shape_cast %get3A_1080 : vector<16xi32> to vector<16xi32>
    %mul3A_1082 = arith.constant 36313 : i32
    %mul3A_1083 = vector.broadcast %mul3A_1082 : i32 to vector<16xi32>
    %mul3A_1084 = arith.muli %mul3A_1083, %get3A_1078 : vector<16xi32>
    %mul3A_1085 = arith.constant 27191 : i32
    %mul3A_1086 = vector.broadcast %mul3A_1085 : i32 to vector<16xi32>
    %mul3A_1087 = arith.muli %mul3A_1086, %get3A_1081 : vector<16xi32>
    %xor3A_1088 = arith.xori %mul3A_1084, %mul3A_1087 : vector<16xi32>
    %jit3A_1089 = arith.constant 99999 : i32
    %eq3A_1090 = arith.constant 0 : i32
    %eq3A_1091 = arith.cmpi eq, %jit3A_1089, %eq3A_1090 : i32
    %jit3A_1092 = arith.constant 1 : i32
    %select_n3A_1093 = arith.select %eq3A_1091, %jit3A_1092, %jit3A_1089 : i32
    %rem3A_1094 = vector.broadcast %select_n3A_1093 : i32 to vector<16xi32>
    %rem3A_1095 = arith.remsi %xor3A_1088, %rem3A_1094 : vector<16xi32>
    %ne3A_1096 = arith.constant 0 : i32
    %ne3A_1097 = vector.broadcast %ne3A_1096 : i32 to vector<16xi32>
    %ne3A_1098 = arith.cmpi ne, %rem3A_1095, %ne3A_1097 : vector<16xi32>
    %lt3A_1099 = arith.constant 0 : i32
    %lt3A_1100 = vector.broadcast %lt3A_1099 : i32 to vector<16xi32>
    %lt3A_1101 = arith.cmpi slt, %rem3A_1095, %lt3A_1100 : vector<16xi32>
    %lt3A_1102 = arith.constant 0 : i32
    %lt3A_1103 = arith.cmpi slt, %select_n3A_1093, %lt3A_1102 : i32
    %ne3A_1104 = vector.broadcast %lt3A_1103 : i1 to vector<16xi1>
    %ne3A_1105 = vector.broadcast %ne3A_1104 : vector<16xi1> to vector<16xi1>
    %ne3A_1106 = arith.xori %lt3A_1101, %ne3A_1105 : vector<16xi1>
    %and3A_1107 = arith.andi %ne3A_1106, %ne3A_1098 : vector<16xi1>
    %add3A_1108 = vector.broadcast %select_n3A_1093 : i32 to vector<16xi32>
    %add3A_1109 = arith.addi %rem3A_1095, %add3A_1108 : vector<16xi32>
    %select_n3A_1110 = arith.select %and3A_1107, %add3A_1109, %rem3A_1095 : vector<16xi1>, vector<16xi32>
    %swap3A_1111 = arith.constant 11 : i32
    %swap3A_1112 = arith.index_cast %swap3A_1111 : i32 to index
    %swap3A_1113 = arith.constant 16 : index
    %swap3A_1114 = tpu.vector_load %arg6[%swap3A_1112, %swap3A_1113] {strides = array<i32>} : memref<16x32xi32, #tpu.memory_space<vmem>>, vector<1x16xi32>,
    %swap3A_1115 = vector.shape_cast %swap3A_1114 : vector<1x16xi32> to vector<16xi32>
    %swap3A_1116 = vector.shape_cast %select_n3A_1110 : vector<16xi32> to vector<1x16xi32>
    tpu.vector_store %arg6[%swap3A_1112, %swap3A_1113], %swap3A_1116 {strides = array<i32>} : memref<16x32xi32, #tpu.memory_space<vmem>>, vector<1x16xi32>,
    %dma_start3A_1117 = arith.constant 11 : i32
    %dma_start3A_1118 = arith.constant 352 : i32
    %dma_start3A_1119 = arith.constant 0 : i32
    %dma_start3A_1120 = tpu.memref_slice %arg7[%dma_start3A_1118, %dma_start3A_1119] : memref<512x128xf32, #tpu.memory_space<vmem>> -> memref<32x128xf32, #tpu.memory_space<vmem>>
    %dma_start3A_1121 = arith.constant 0 : i32
    %dma_start3A_1122 = tpu.memref_slice %arg6[%dma_start3A_1117, %dma_start3A_1121] : memref<16x32xi32, #tpu.memory_space<vmem>> -> memref<1x32xi32, #tpu.memory_space<vmem>>
    %dma_start3A_1123 = tpu.memref_squeeze %dma_start3A_1122 : memref<1x32xi32, #tpu.memory_space<vmem>> -> memref<32xi32, #tpu.memory_space<vmem>>
    %dma_start3A_1124 = arith.constant 0 : i32
    %dma_start3A_1125 = arith.constant 0 : i32
    %dma_start3A_1126 = tpu.memref_slice %arg3[%dma_start3A_1124, %dma_start3A_1125] : memref<100000x128xf32, #tpu.memory_space<hbm>> -> memref<100000x128xf32, #tpu.memory_space<hbm>>
    tpu.enqueue_indirect_dma source(%dma_start3A_1126 : memref<100000x128xf32, #tpu.memory_space<hbm>>) target(%dma_start3A_1120 : memref<32x128xf32, #tpu.memory_space<vmem>>) offsets(%dma_start3A_1123 : memref<32xi32, #tpu.memory_space<vmem>>) semaphore(%arg8 : memref<!tpu.dma_semaphore, #tpu.memory_space<semaphore_mem>>)
    %get3A_1127 = arith.constant 400 : index
    %get3A_1128 = tpu.vector_load %arg5[%get3A_1127] {strides = array<i32>} : memref<528xi32, #tpu.memory_space<vmem>>, vector<16xi32>,
    %get3A_1129 = vector.shape_cast %get3A_1128 : vector<16xi32> to vector<16xi32>
    %get3A_1130 = arith.constant 399 : index
    %get3A_1131 = tpu.vector_load %arg5[%get3A_1130] {strides = array<i32>} : memref<528xi32, #tpu.memory_space<vmem>>, vector<16xi32>,
    %get3A_1132 = vector.shape_cast %get3A_1131 : vector<16xi32> to vector<16xi32>
    %mul3A_1133 = arith.constant 36313 : i32
    %mul3A_1134 = vector.broadcast %mul3A_1133 : i32 to vector<16xi32>
    %mul3A_1135 = arith.muli %mul3A_1134, %get3A_1129 : vector<16xi32>
    %mul3A_1136 = arith.constant 27191 : i32
    %mul3A_1137 = vector.broadcast %mul3A_1136 : i32 to vector<16xi32>
    %mul3A_1138 = arith.muli %mul3A_1137, %get3A_1132 : vector<16xi32>
    %xor3A_1139 = arith.xori %mul3A_1135, %mul3A_1138 : vector<16xi32>
    %jit3A_1140 = arith.constant 99999 : i32
    %eq3A_1141 = arith.constant 0 : i32
    %eq3A_1142 = arith.cmpi eq, %jit3A_1140, %eq3A_1141 : i32
    %jit3A_1143 = arith.constant 1 : i32
    %select_n3A_1144 = arith.select %eq3A_1142, %jit3A_1143, %jit3A_1140 : i32
    %rem3A_1145 = vector.broadcast %select_n3A_1144 : i32 to vector<16xi32>
    %rem3A_1146 = arith.remsi %xor3A_1139, %rem3A_1145 : vector<16xi32>
    %ne3A_1147 = arith.constant 0 : i32
    %ne3A_1148 = vector.broadcast %ne3A_1147 : i32 to vector<16xi32>
    %ne3A_1149 = arith.cmpi ne, %rem3A_1146, %ne3A_1148 : vector<16xi32>
    %lt3A_1150 = arith.constant 0 : i32
    %lt3A_1151 = vector.broadcast %lt3A_1150 : i32 to vector<16xi32>
    %lt3A_1152 = arith.cmpi slt, %rem3A_1146, %lt3A_1151 : vector<16xi32>
    %lt3A_1153 = arith.constant 0 : i32
    %lt3A_1154 = arith.cmpi slt, %select_n3A_1144, %lt3A_1153 : i32
    %ne3A_1155 = vector.broadcast %lt3A_1154 : i1 to vector<16xi1>
    %ne3A_1156 = vector.broadcast %ne3A_1155 : vector<16xi1> to vector<16xi1>
    %ne3A_1157 = arith.xori %lt3A_1152, %ne3A_1156 : vector<16xi1>
    %and3A_1158 = arith.andi %ne3A_1157, %ne3A_1149 : vector<16xi1>
    %add3A_1159 = vector.broadcast %select_n3A_1144 : i32 to vector<16xi32>
    %add3A_1160 = arith.addi %rem3A_1146, %add3A_1159 : vector<16xi32>
    %select_n3A_1161 = arith.select %and3A_1158, %add3A_1160, %rem3A_1146 : vector<16xi1>, vector<16xi32>
    %swap3A_1162 = arith.constant 12 : i32
    %swap3A_1163 = arith.index_cast %swap3A_1162 : i32 to index
    %swap3A_1164 = arith.constant 0 : index
    %swap3A_1165 = tpu.vector_load %arg6[%swap3A_1163, %swap3A_1164] {strides = array<i32>} : memref<16x32xi32, #tpu.memory_space<vmem>>, vector<1x16xi32>,
    %swap3A_1166 = vector.shape_cast %swap3A_1165 : vector<1x16xi32> to vector<16xi32>
    %swap3A_1167 = vector.shape_cast %select_n3A_1161 : vector<16xi32> to vector<1x16xi32>
    tpu.vector_store %arg6[%swap3A_1163, %swap3A_1164], %swap3A_1167 {strides = array<i32>} : memref<16x32xi32, #tpu.memory_space<vmem>>, vector<1x16xi32>,
    %get3A_1168 = arith.constant 416 : index
    %get3A_1169 = tpu.vector_load %arg5[%get3A_1168] {strides = array<i32>} : memref<528xi32, #tpu.memory_space<vmem>>, vector<16xi32>,
    %get3A_1170 = vector.shape_cast %get3A_1169 : vector<16xi32> to vector<16xi32>
    %get3A_1171 = arith.constant 415 : index
    %get3A_1172 = tpu.vector_load %arg5[%get3A_1171] {strides = array<i32>} : memref<528xi32, #tpu.memory_space<vmem>>, vector<16xi32>,
    %get3A_1173 = vector.shape_cast %get3A_1172 : vector<16xi32> to vector<16xi32>
    %mul3A_1174 = arith.constant 36313 : i32
    %mul3A_1175 = vector.broadcast %mul3A_1174 : i32 to vector<16xi32>
    %mul3A_1176 = arith.muli %mul3A_1175, %get3A_1170 : vector<16xi32>
    %mul3A_1177 = arith.constant 27191 : i32
    %mul3A_1178 = vector.broadcast %mul3A_1177 : i32 to vector<16xi32>
    %mul3A_1179 = arith.muli %mul3A_1178, %get3A_1173 : vector<16xi32>
    %xor3A_1180 = arith.xori %mul3A_1176, %mul3A_1179 : vector<16xi32>
    %jit3A_1181 = arith.constant 99999 : i32
    %eq3A_1182 = arith.constant 0 : i32
    %eq3A_1183 = arith.cmpi eq, %jit3A_1181, %eq3A_1182 : i32
    %jit3A_1184 = arith.constant 1 : i32
    %select_n3A_1185 = arith.select %eq3A_1183, %jit3A_1184, %jit3A_1181 : i32
    %rem3A_1186 = vector.broadcast %select_n3A_1185 : i32 to vector<16xi32>
    %rem3A_1187 = arith.remsi %xor3A_1180, %rem3A_1186 : vector<16xi32>
    %ne3A_1188 = arith.constant 0 : i32
    %ne3A_1189 = vector.broadcast %ne3A_1188 : i32 to vector<16xi32>
    %ne3A_1190 = arith.cmpi ne, %rem3A_1187, %ne3A_1189 : vector<16xi32>
    %lt3A_1191 = arith.constant 0 : i32
    %lt3A_1192 = vector.broadcast %lt3A_1191 : i32 to vector<16xi32>
    %lt3A_1193 = arith.cmpi slt, %rem3A_1187, %lt3A_1192 : vector<16xi32>
    %lt3A_1194 = arith.constant 0 : i32
    %lt3A_1195 = arith.cmpi slt, %select_n3A_1185, %lt3A_1194 : i32
    %ne3A_1196 = vector.broadcast %lt3A_1195 : i1 to vector<16xi1>
    %ne3A_1197 = vector.broadcast %ne3A_1196 : vector<16xi1> to vector<16xi1>
    %ne3A_1198 = arith.xori %lt3A_1193, %ne3A_1197 : vector<16xi1>
    %and3A_1199 = arith.andi %ne3A_1198, %ne3A_1190 : vector<16xi1>
    %add3A_1200 = vector.broadcast %select_n3A_1185 : i32 to vector<16xi32>
    %add3A_1201 = arith.addi %rem3A_1187, %add3A_1200 : vector<16xi32>
    %select_n3A_1202 = arith.select %and3A_1199, %add3A_1201, %rem3A_1187 : vector<16xi1>, vector<16xi32>
    %swap3A_1203 = arith.constant 12 : i32
    %swap3A_1204 = arith.index_cast %swap3A_1203 : i32 to index
    %swap3A_1205 = arith.constant 16 : index
    %swap3A_1206 = tpu.vector_load %arg6[%swap3A_1204, %swap3A_1205] {strides = array<i32>} : memref<16x32xi32, #tpu.memory_space<vmem>>, vector<1x16xi32>,
    %swap3A_1207 = vector.shape_cast %swap3A_1206 : vector<1x16xi32> to vector<16xi32>
    %swap3A_1208 = vector.shape_cast %select_n3A_1202 : vector<16xi32> to vector<1x16xi32>
    tpu.vector_store %arg6[%swap3A_1204, %swap3A_1205], %swap3A_1208 {strides = array<i32>} : memref<16x32xi32, #tpu.memory_space<vmem>>, vector<1x16xi32>,
    %dma_start3A_1209 = arith.constant 12 : i32
    %dma_start3A_1210 = arith.constant 384 : i32
    %dma_start3A_1211 = arith.constant 0 : i32
    %dma_start3A_1212 = tpu.memref_slice %arg7[%dma_start3A_1210, %dma_start3A_1211] : memref<512x128xf32, #tpu.memory_space<vmem>> -> memref<32x128xf32, #tpu.memory_space<vmem>>
    %dma_start3A_1213 = arith.constant 0 : i32
    %dma_start3A_1214 = tpu.memref_slice %arg6[%dma_start3A_1209, %dma_start3A_1213] : memref<16x32xi32, #tpu.memory_space<vmem>> -> memref<1x32xi32, #tpu.memory_space<vmem>>
    %dma_start3A_1215 = tpu.memref_squeeze %dma_start3A_1214 : memref<1x32xi32, #tpu.memory_space<vmem>> -> memref<32xi32, #tpu.memory_space<vmem>>
    %dma_start3A_1216 = arith.constant 0 : i32
    %dma_start3A_1217 = arith.constant 0 : i32
    %dma_start3A_1218 = tpu.memref_slice %arg3[%dma_start3A_1216, %dma_start3A_1217] : memref<100000x128xf32, #tpu.memory_space<hbm>> -> memref<100000x128xf32, #tpu.memory_space<hbm>>
    tpu.enqueue_indirect_dma source(%dma_start3A_1218 : memref<100000x128xf32, #tpu.memory_space<hbm>>) target(%dma_start3A_1212 : memref<32x128xf32, #tpu.memory_space<vmem>>) offsets(%dma_start3A_1215 : memref<32xi32, #tpu.memory_space<vmem>>) semaphore(%arg8 : memref<!tpu.dma_semaphore, #tpu.memory_space<semaphore_mem>>)
    %get3A_1219 = arith.constant 432 : index
    %get3A_1220 = tpu.vector_load %arg5[%get3A_1219] {strides = array<i32>} : memref<528xi32, #tpu.memory_space<vmem>>, vector<16xi32>,
    %get3A_1221 = vector.shape_cast %get3A_1220 : vector<16xi32> to vector<16xi32>
    %get3A_1222 = arith.constant 431 : index
    %get3A_1223 = tpu.vector_load %arg5[%get3A_1222] {strides = array<i32>} : memref<528xi32, #tpu.memory_space<vmem>>, vector<16xi32>,
    %get3A_1224 = vector.shape_cast %get3A_1223 : vector<16xi32> to vector<16xi32>
    %mul3A_1225 = arith.constant 36313 : i32
    %mul3A_1226 = vector.broadcast %mul3A_1225 : i32 to vector<16xi32>
    %mul3A_1227 = arith.muli %mul3A_1226, %get3A_1221 : vector<16xi32>
    %mul3A_1228 = arith.constant 27191 : i32
    %mul3A_1229 = vector.broadcast %mul3A_1228 : i32 to vector<16xi32>
    %mul3A_1230 = arith.muli %mul3A_1229, %get3A_1224 : vector<16xi32>
    %xor3A_1231 = arith.xori %mul3A_1227, %mul3A_1230 : vector<16xi32>
    %jit3A_1232 = arith.constant 99999 : i32
    %eq3A_1233 = arith.constant 0 : i32
    %eq3A_1234 = arith.cmpi eq, %jit3A_1232, %eq3A_1233 : i32
    %jit3A_1235 = arith.constant 1 : i32
    %select_n3A_1236 = arith.select %eq3A_1234, %jit3A_1235, %jit3A_1232 : i32
    %rem3A_1237 = vector.broadcast %select_n3A_1236 : i32 to vector<16xi32>
    %rem3A_1238 = arith.remsi %xor3A_1231, %rem3A_1237 : vector<16xi32>
    %ne3A_1239 = arith.constant 0 : i32
    %ne3A_1240 = vector.broadcast %ne3A_1239 : i32 to vector<16xi32>
    %ne3A_1241 = arith.cmpi ne, %rem3A_1238, %ne3A_1240 : vector<16xi32>
    %lt3A_1242 = arith.constant 0 : i32
    %lt3A_1243 = vector.broadcast %lt3A_1242 : i32 to vector<16xi32>
    %lt3A_1244 = arith.cmpi slt, %rem3A_1238, %lt3A_1243 : vector<16xi32>
    %lt3A_1245 = arith.constant 0 : i32
    %lt3A_1246 = arith.cmpi slt, %select_n3A_1236, %lt3A_1245 : i32
    %ne3A_1247 = vector.broadcast %lt3A_1246 : i1 to vector<16xi1>
    %ne3A_1248 = vector.broadcast %ne3A_1247 : vector<16xi1> to vector<16xi1>
    %ne3A_1249 = arith.xori %lt3A_1244, %ne3A_1248 : vector<16xi1>
    %and3A_1250 = arith.andi %ne3A_1249, %ne3A_1241 : vector<16xi1>
    %add3A_1251 = vector.broadcast %select_n3A_1236 : i32 to vector<16xi32>
    %add3A_1252 = arith.addi %rem3A_1238, %add3A_1251 : vector<16xi32>
    %select_n3A_1253 = arith.select %and3A_1250, %add3A_1252, %rem3A_1238 : vector<16xi1>, vector<16xi32>
    %swap3A_1254 = arith.constant 13 : i32
    %swap3A_1255 = arith.index_cast %swap3A_1254 : i32 to index
    %swap3A_1256 = arith.constant 0 : index
    %swap3A_1257 = tpu.vector_load %arg6[%swap3A_1255, %swap3A_1256] {strides = array<i32>} : memref<16x32xi32, #tpu.memory_space<vmem>>, vector<1x16xi32>,
    %swap3A_1258 = vector.shape_cast %swap3A_1257 : vector<1x16xi32> to vector<16xi32>
    %swap3A_1259 = vector.shape_cast %select_n3A_1253 : vector<16xi32> to vector<1x16xi32>
    tpu.vector_store %arg6[%swap3A_1255, %swap3A_1256], %swap3A_1259 {strides = array<i32>} : memref<16x32xi32, #tpu.memory_space<vmem>>, vector<1x16xi32>,
    %get3A_1260 = arith.constant 448 : index
    %get3A_1261 = tpu.vector_load %arg5[%get3A_1260] {strides = array<i32>} : memref<528xi32, #tpu.memory_space<vmem>>, vector<16xi32>,
    %get3A_1262 = vector.shape_cast %get3A_1261 : vector<16xi32> to vector<16xi32>
    %get3A_1263 = arith.constant 447 : index
    %get3A_1264 = tpu.vector_load %arg5[%get3A_1263] {strides = array<i32>} : memref<528xi32, #tpu.memory_space<vmem>>, vector<16xi32>,
    %get3A_1265 = vector.shape_cast %get3A_1264 : vector<16xi32> to vector<16xi32>
    %mul3A_1266 = arith.constant 36313 : i32
    %mul3A_1267 = vector.broadcast %mul3A_1266 : i32 to vector<16xi32>
    %mul3A_1268 = arith.muli %mul3A_1267, %get3A_1262 : vector<16xi32>
    %mul3A_1269 = arith.constant 27191 : i32
    %mul3A_1270 = vector.broadcast %mul3A_1269 : i32 to vector<16xi32>
    %mul3A_1271 = arith.muli %mul3A_1270, %get3A_1265 : vector<16xi32>
    %xor3A_1272 = arith.xori %mul3A_1268, %mul3A_1271 : vector<16xi32>
    %jit3A_1273 = arith.constant 99999 : i32
    %eq3A_1274 = arith.constant 0 : i32
    %eq3A_1275 = arith.cmpi eq, %jit3A_1273, %eq3A_1274 : i32
    %jit3A_1276 = arith.constant 1 : i32
    %select_n3A_1277 = arith.select %eq3A_1275, %jit3A_1276, %jit3A_1273 : i32
    %rem3A_1278 = vector.broadcast %select_n3A_1277 : i32 to vector<16xi32>
    %rem3A_1279 = arith.remsi %xor3A_1272, %rem3A_1278 : vector<16xi32>
    %ne3A_1280 = arith.constant 0 : i32
    %ne3A_1281 = vector.broadcast %ne3A_1280 : i32 to vector<16xi32>
    %ne3A_1282 = arith.cmpi ne, %rem3A_1279, %ne3A_1281 : vector<16xi32>
    %lt3A_1283 = arith.constant 0 : i32
    %lt3A_1284 = vector.broadcast %lt3A_1283 : i32 to vector<16xi32>
    %lt3A_1285 = arith.cmpi slt, %rem3A_1279, %lt3A_1284 : vector<16xi32>
    %lt3A_1286 = arith.constant 0 : i32
    %lt3A_1287 = arith.cmpi slt, %select_n3A_1277, %lt3A_1286 : i32
    %ne3A_1288 = vector.broadcast %lt3A_1287 : i1 to vector<16xi1>
    %ne3A_1289 = vector.broadcast %ne3A_1288 : vector<16xi1> to vector<16xi1>
    %ne3A_1290 = arith.xori %lt3A_1285, %ne3A_1289 : vector<16xi1>
    %and3A_1291 = arith.andi %ne3A_1290, %ne3A_1282 : vector<16xi1>
    %add3A_1292 = vector.broadcast %select_n3A_1277 : i32 to vector<16xi32>
    %add3A_1293 = arith.addi %rem3A_1279, %add3A_1292 : vector<16xi32>
    %select_n3A_1294 = arith.select %and3A_1291, %add3A_1293, %rem3A_1279 : vector<16xi1>, vector<16xi32>
    %swap3A_1295 = arith.constant 13 : i32
    %swap3A_1296 = arith.index_cast %swap3A_1295 : i32 to index
    %swap3A_1297 = arith.constant 16 : index
    %swap3A_1298 = tpu.vector_load %arg6[%swap3A_1296, %swap3A_1297] {strides = array<i32>} : memref<16x32xi32, #tpu.memory_space<vmem>>, vector<1x16xi32>,
    %swap3A_1299 = vector.shape_cast %swap3A_1298 : vector<1x16xi32> to vector<16xi32>
    %swap3A_1300 = vector.shape_cast %select_n3A_1294 : vector<16xi32> to vector<1x16xi32>
    tpu.vector_store %arg6[%swap3A_1296, %swap3A_1297], %swap3A_1300 {strides = array<i32>} : memref<16x32xi32, #tpu.memory_space<vmem>>, vector<1x16xi32>,
    %dma_start3A_1301 = arith.constant 13 : i32
    %dma_start3A_1302 = arith.constant 416 : i32
    %dma_start3A_1303 = arith.constant 0 : i32
    %dma_start3A_1304 = tpu.memref_slice %arg7[%dma_start3A_1302, %dma_start3A_1303] : memref<512x128xf32, #tpu.memory_space<vmem>> -> memref<32x128xf32, #tpu.memory_space<vmem>>
    %dma_start3A_1305 = arith.constant 0 : i32
    %dma_start3A_1306 = tpu.memref_slice %arg6[%dma_start3A_1301, %dma_start3A_1305] : memref<16x32xi32, #tpu.memory_space<vmem>> -> memref<1x32xi32, #tpu.memory_space<vmem>>
    %dma_start3A_1307 = tpu.memref_squeeze %dma_start3A_1306 : memref<1x32xi32, #tpu.memory_space<vmem>> -> memref<32xi32, #tpu.memory_space<vmem>>
    %dma_start3A_1308 = arith.constant 0 : i32
    %dma_start3A_1309 = arith.constant 0 : i32
    %dma_start3A_1310 = tpu.memref_slice %arg3[%dma_start3A_1308, %dma_start3A_1309] : memref<100000x128xf32, #tpu.memory_space<hbm>> -> memref<100000x128xf32, #tpu.memory_space<hbm>>
    tpu.enqueue_indirect_dma source(%dma_start3A_1310 : memref<100000x128xf32, #tpu.memory_space<hbm>>) target(%dma_start3A_1304 : memref<32x128xf32, #tpu.memory_space<vmem>>) offsets(%dma_start3A_1307 : memref<32xi32, #tpu.memory_space<vmem>>) semaphore(%arg8 : memref<!tpu.dma_semaphore, #tpu.memory_space<semaphore_mem>>)
    %get3A_1311 = arith.constant 464 : index
    %get3A_1312 = tpu.vector_load %arg5[%get3A_1311] {strides = array<i32>} : memref<528xi32, #tpu.memory_space<vmem>>, vector<16xi32>,
    %get3A_1313 = vector.shape_cast %get3A_1312 : vector<16xi32> to vector<16xi32>
    %get3A_1314 = arith.constant 463 : index
    %get3A_1315 = tpu.vector_load %arg5[%get3A_1314] {strides = array<i32>} : memref<528xi32, #tpu.memory_space<vmem>>, vector<16xi32>,
    %get3A_1316 = vector.shape_cast %get3A_1315 : vector<16xi32> to vector<16xi32>
    %mul3A_1317 = arith.constant 36313 : i32
    %mul3A_1318 = vector.broadcast %mul3A_1317 : i32 to vector<16xi32>
    %mul3A_1319 = arith.muli %mul3A_1318, %get3A_1313 : vector<16xi32>
    %mul3A_1320 = arith.constant 27191 : i32
    %mul3A_1321 = vector.broadcast %mul3A_1320 : i32 to vector<16xi32>
    %mul3A_1322 = arith.muli %mul3A_1321, %get3A_1316 : vector<16xi32>
    %xor3A_1323 = arith.xori %mul3A_1319, %mul3A_1322 : vector<16xi32>
    %jit3A_1324 = arith.constant 99999 : i32
    %eq3A_1325 = arith.constant 0 : i32
    %eq3A_1326 = arith.cmpi eq, %jit3A_1324, %eq3A_1325 : i32
    %jit3A_1327 = arith.constant 1 : i32
    %select_n3A_1328 = arith.select %eq3A_1326, %jit3A_1327, %jit3A_1324 : i32
    %rem3A_1329 = vector.broadcast %select_n3A_1328 : i32 to vector<16xi32>
    %rem3A_1330 = arith.remsi %xor3A_1323, %rem3A_1329 : vector<16xi32>
    %ne3A_1331 = arith.constant 0 : i32
    %ne3A_1332 = vector.broadcast %ne3A_1331 : i32 to vector<16xi32>
    %ne3A_1333 = arith.cmpi ne, %rem3A_1330, %ne3A_1332 : vector<16xi32>
    %lt3A_1334 = arith.constant 0 : i32
    %lt3A_1335 = vector.broadcast %lt3A_1334 : i32 to vector<16xi32>
    %lt3A_1336 = arith.cmpi slt, %rem3A_1330, %lt3A_1335 : vector<16xi32>
    %lt3A_1337 = arith.constant 0 : i32
    %lt3A_1338 = arith.cmpi slt, %select_n3A_1328, %lt3A_1337 : i32
    %ne3A_1339 = vector.broadcast %lt3A_1338 : i1 to vector<16xi1>
    %ne3A_1340 = vector.broadcast %ne3A_1339 : vector<16xi1> to vector<16xi1>
    %ne3A_1341 = arith.xori %lt3A_1336, %ne3A_1340 : vector<16xi1>
    %and3A_1342 = arith.andi %ne3A_1341, %ne3A_1333 : vector<16xi1>
    %add3A_1343 = vector.broadcast %select_n3A_1328 : i32 to vector<16xi32>
    %add3A_1344 = arith.addi %rem3A_1330, %add3A_1343 : vector<16xi32>
    %select_n3A_1345 = arith.select %and3A_1342, %add3A_1344, %rem3A_1330 : vector<16xi1>, vector<16xi32>
    %swap3A_1346 = arith.constant 14 : i32
    %swap3A_1347 = arith.index_cast %swap3A_1346 : i32 to index
    %swap3A_1348 = arith.constant 0 : index
    %swap3A_1349 = tpu.vector_load %arg6[%swap3A_1347, %swap3A_1348] {strides = array<i32>} : memref<16x32xi32, #tpu.memory_space<vmem>>, vector<1x16xi32>,
    %swap3A_1350 = vector.shape_cast %swap3A_1349 : vector<1x16xi32> to vector<16xi32>
    %swap3A_1351 = vector.shape_cast %select_n3A_1345 : vector<16xi32> to vector<1x16xi32>
    tpu.vector_store %arg6[%swap3A_1347, %swap3A_1348], %swap3A_1351 {strides = array<i32>} : memref<16x32xi32, #tpu.memory_space<vmem>>, vector<1x16xi32>,
    %get3A_1352 = arith.constant 480 : index
    %get3A_1353 = tpu.vector_load %arg5[%get3A_1352] {strides = array<i32>} : memref<528xi32, #tpu.memory_space<vmem>>, vector<16xi32>,
    %get3A_1354 = vector.shape_cast %get3A_1353 : vector<16xi32> to vector<16xi32>
    %get3A_1355 = arith.constant 479 : index
    %get3A_1356 = tpu.vector_load %arg5[%get3A_1355] {strides = array<i32>} : memref<528xi32, #tpu.memory_space<vmem>>, vector<16xi32>,
    %get3A_1357 = vector.shape_cast %get3A_1356 : vector<16xi32> to vector<16xi32>
    %mul3A_1358 = arith.constant 36313 : i32
    %mul3A_1359 = vector.broadcast %mul3A_1358 : i32 to vector<16xi32>
    %mul3A_1360 = arith.muli %mul3A_1359, %get3A_1354 : vector<16xi32>
    %mul3A_1361 = arith.constant 27191 : i32
    %mul3A_1362 = vector.broadcast %mul3A_1361 : i32 to vector<16xi32>
    %mul3A_1363 = arith.muli %mul3A_1362, %get3A_1357 : vector<16xi32>
    %xor3A_1364 = arith.xori %mul3A_1360, %mul3A_1363 : vector<16xi32>
    %jit3A_1365 = arith.constant 99999 : i32
    %eq3A_1366 = arith.constant 0 : i32
    %eq3A_1367 = arith.cmpi eq, %jit3A_1365, %eq3A_1366 : i32
    %jit3A_1368 = arith.constant 1 : i32
    %select_n3A_1369 = arith.select %eq3A_1367, %jit3A_1368, %jit3A_1365 : i32
    %rem3A_1370 = vector.broadcast %select_n3A_1369 : i32 to vector<16xi32>
    %rem3A_1371 = arith.remsi %xor3A_1364, %rem3A_1370 : vector<16xi32>
    %ne3A_1372 = arith.constant 0 : i32
    %ne3A_1373 = vector.broadcast %ne3A_1372 : i32 to vector<16xi32>
    %ne3A_1374 = arith.cmpi ne, %rem3A_1371, %ne3A_1373 : vector<16xi32>
    %lt3A_1375 = arith.constant 0 : i32
    %lt3A_1376 = vector.broadcast %lt3A_1375 : i32 to vector<16xi32>
    %lt3A_1377 = arith.cmpi slt, %rem3A_1371, %lt3A_1376 : vector<16xi32>
    %lt3A_1378 = arith.constant 0 : i32
    %lt3A_1379 = arith.cmpi slt, %select_n3A_1369, %lt3A_1378 : i32
    %ne3A_1380 = vector.broadcast %lt3A_1379 : i1 to vector<16xi1>
    %ne3A_1381 = vector.broadcast %ne3A_1380 : vector<16xi1> to vector<16xi1>
    %ne3A_1382 = arith.xori %lt3A_1377, %ne3A_1381 : vector<16xi1>
    %and3A_1383 = arith.andi %ne3A_1382, %ne3A_1374 : vector<16xi1>
    %add3A_1384 = vector.broadcast %select_n3A_1369 : i32 to vector<16xi32>
    %add3A_1385 = arith.addi %rem3A_1371, %add3A_1384 : vector<16xi32>
    %select_n3A_1386 = arith.select %and3A_1383, %add3A_1385, %rem3A_1371 : vector<16xi1>, vector<16xi32>
    %swap3A_1387 = arith.constant 14 : i32
    %swap3A_1388 = arith.index_cast %swap3A_1387 : i32 to index
    %swap3A_1389 = arith.constant 16 : index
    %swap3A_1390 = tpu.vector_load %arg6[%swap3A_1388, %swap3A_1389] {strides = array<i32>} : memref<16x32xi32, #tpu.memory_space<vmem>>, vector<1x16xi32>,
    %swap3A_1391 = vector.shape_cast %swap3A_1390 : vector<1x16xi32> to vector<16xi32>
    %swap3A_1392 = vector.shape_cast %select_n3A_1386 : vector<16xi32> to vector<1x16xi32>
    tpu.vector_store %arg6[%swap3A_1388, %swap3A_1389], %swap3A_1392 {strides = array<i32>} : memref<16x32xi32, #tpu.memory_space<vmem>>, vector<1x16xi32>,
    %dma_start3A_1393 = arith.constant 14 : i32
    %dma_start3A_1394 = arith.constant 448 : i32
    %dma_start3A_1395 = arith.constant 0 : i32
    %dma_start3A_1396 = tpu.memref_slice %arg7[%dma_start3A_1394, %dma_start3A_1395] : memref<512x128xf32, #tpu.memory_space<vmem>> -> memref<32x128xf32, #tpu.memory_space<vmem>>
    %dma_start3A_1397 = arith.constant 0 : i32
    %dma_start3A_1398 = tpu.memref_slice %arg6[%dma_start3A_1393, %dma_start3A_1397] : memref<16x32xi32, #tpu.memory_space<vmem>> -> memref<1x32xi32, #tpu.memory_space<vmem>>
    %dma_start3A_1399 = tpu.memref_squeeze %dma_start3A_1398 : memref<1x32xi32, #tpu.memory_space<vmem>> -> memref<32xi32, #tpu.memory_space<vmem>>
    %dma_start3A_1400 = arith.constant 0 : i32
    %dma_start3A_1401 = arith.constant 0 : i32
    %dma_start3A_1402 = tpu.memref_slice %arg3[%dma_start3A_1400, %dma_start3A_1401] : memref<100000x128xf32, #tpu.memory_space<hbm>> -> memref<100000x128xf32, #tpu.memory_space<hbm>>
    tpu.enqueue_indirect_dma source(%dma_start3A_1402 : memref<100000x128xf32, #tpu.memory_space<hbm>>) target(%dma_start3A_1396 : memref<32x128xf32, #tpu.memory_space<vmem>>) offsets(%dma_start3A_1399 : memref<32xi32, #tpu.memory_space<vmem>>) semaphore(%arg8 : memref<!tpu.dma_semaphore, #tpu.memory_space<semaphore_mem>>)
    %get3A_1403 = arith.constant 496 : index
    %get3A_1404 = tpu.vector_load %arg5[%get3A_1403] {strides = array<i32>} : memref<528xi32, #tpu.memory_space<vmem>>, vector<16xi32>,
    %get3A_1405 = vector.shape_cast %get3A_1404 : vector<16xi32> to vector<16xi32>
    %get3A_1406 = arith.constant 495 : index
    %get3A_1407 = tpu.vector_load %arg5[%get3A_1406] {strides = array<i32>} : memref<528xi32, #tpu.memory_space<vmem>>, vector<16xi32>,
    %get3A_1408 = vector.shape_cast %get3A_1407 : vector<16xi32> to vector<16xi32>
    %mul3A_1409 = arith.constant 36313 : i32
    %mul3A_1410 = vector.broadcast %mul3A_1409 : i32 to vector<16xi32>
    %mul3A_1411 = arith.muli %mul3A_1410, %get3A_1405 : vector<16xi32>
    %mul3A_1412 = arith.constant 27191 : i32
    %mul3A_1413 = vector.broadcast %mul3A_1412 : i32 to vector<16xi32>
    %mul3A_1414 = arith.muli %mul3A_1413, %get3A_1408 : vector<16xi32>
    %xor3A_1415 = arith.xori %mul3A_1411, %mul3A_1414 : vector<16xi32>
    %jit3A_1416 = arith.constant 99999 : i32
    %eq3A_1417 = arith.constant 0 : i32
    %eq3A_1418 = arith.cmpi eq, %jit3A_1416, %eq3A_1417 : i32
    %jit3A_1419 = arith.constant 1 : i32
    %select_n3A_1420 = arith.select %eq3A_1418, %jit3A_1419, %jit3A_1416 : i32
    %rem3A_1421 = vector.broadcast %select_n3A_1420 : i32 to vector<16xi32>
    %rem3A_1422 = arith.remsi %xor3A_1415, %rem3A_1421 : vector<16xi32>
    %ne3A_1423 = arith.constant 0 : i32
    %ne3A_1424 = vector.broadcast %ne3A_1423 : i32 to vector<16xi32>
    %ne3A_1425 = arith.cmpi ne, %rem3A_1422, %ne3A_1424 : vector<16xi32>
    %lt3A_1426 = arith.constant 0 : i32
    %lt3A_1427 = vector.broadcast %lt3A_1426 : i32 to vector<16xi32>
    %lt3A_1428 = arith.cmpi slt, %rem3A_1422, %lt3A_1427 : vector<16xi32>
    %lt3A_1429 = arith.constant 0 : i32
    %lt3A_1430 = arith.cmpi slt, %select_n3A_1420, %lt3A_1429 : i32
    %ne3A_1431 = vector.broadcast %lt3A_1430 : i1 to vector<16xi1>
    %ne3A_1432 = vector.broadcast %ne3A_1431 : vector<16xi1> to vector<16xi1>
    %ne3A_1433 = arith.xori %lt3A_1428, %ne3A_1432 : vector<16xi1>
    %and3A_1434 = arith.andi %ne3A_1433, %ne3A_1425 : vector<16xi1>
    %add3A_1435 = vector.broadcast %select_n3A_1420 : i32 to vector<16xi32>
    %add3A_1436 = arith.addi %rem3A_1422, %add3A_1435 : vector<16xi32>
    %select_n3A_1437 = arith.select %and3A_1434, %add3A_1436, %rem3A_1422 : vector<16xi1>, vector<16xi32>
    %swap3A_1438 = arith.constant 15 : i32
    %swap3A_1439 = arith.index_cast %swap3A_1438 : i32 to index
    %swap3A_1440 = arith.constant 0 : index
    %swap3A_1441 = tpu.vector_load %arg6[%swap3A_1439, %swap3A_1440] {strides = array<i32>} : memref<16x32xi32, #tpu.memory_space<vmem>>, vector<1x16xi32>,
    %swap3A_1442 = vector.shape_cast %swap3A_1441 : vector<1x16xi32> to vector<16xi32>
    %swap3A_1443 = vector.shape_cast %select_n3A_1437 : vector<16xi32> to vector<1x16xi32>
    tpu.vector_store %arg6[%swap3A_1439, %swap3A_1440], %swap3A_1443 {strides = array<i32>} : memref<16x32xi32, #tpu.memory_space<vmem>>, vector<1x16xi32>,
    %get3A_1444 = arith.constant 512 : index
    %get3A_1445 = tpu.vector_load %arg5[%get3A_1444] {strides = array<i32>} : memref<528xi32, #tpu.memory_space<vmem>>, vector<16xi32>,
    %get3A_1446 = vector.shape_cast %get3A_1445 : vector<16xi32> to vector<16xi32>
    %get3A_1447 = arith.constant 511 : index
    %get3A_1448 = tpu.vector_load %arg5[%get3A_1447] {strides = array<i32>} : memref<528xi32, #tpu.memory_space<vmem>>, vector<16xi32>,
    %get3A_1449 = vector.shape_cast %get3A_1448 : vector<16xi32> to vector<16xi32>
    %mul3A_1450 = arith.constant 36313 : i32
    %mul3A_1451 = vector.broadcast %mul3A_1450 : i32 to vector<16xi32>
    %mul3A_1452 = arith.muli %mul3A_1451, %get3A_1446 : vector<16xi32>
    %mul3A_1453 = arith.constant 27191 : i32
    %mul3A_1454 = vector.broadcast %mul3A_1453 : i32 to vector<16xi32>
    %mul3A_1455 = arith.muli %mul3A_1454, %get3A_1449 : vector<16xi32>
    %xor3A_1456 = arith.xori %mul3A_1452, %mul3A_1455 : vector<16xi32>
    %jit3A_1457 = arith.constant 99999 : i32
    %eq3A_1458 = arith.constant 0 : i32
    %eq3A_1459 = arith.cmpi eq, %jit3A_1457, %eq3A_1458 : i32
    %jit3A_1460 = arith.constant 1 : i32
    %select_n3A_1461 = arith.select %eq3A_1459, %jit3A_1460, %jit3A_1457 : i32
    %rem3A_1462 = vector.broadcast %select_n3A_1461 : i32 to vector<16xi32>
    %rem3A_1463 = arith.remsi %xor3A_1456, %rem3A_1462 : vector<16xi32>
    %ne3A_1464 = arith.constant 0 : i32
    %ne3A_1465 = vector.broadcast %ne3A_1464 : i32 to vector<16xi32>
    %ne3A_1466 = arith.cmpi ne, %rem3A_1463, %ne3A_1465 : vector<16xi32>
    %lt3A_1467 = arith.constant 0 : i32
    %lt3A_1468 = vector.broadcast %lt3A_1467 : i32 to vector<16xi32>
    %lt3A_1469 = arith.cmpi slt, %rem3A_1463, %lt3A_1468 : vector<16xi32>
    %lt3A_1470 = arith.constant 0 : i32
    %lt3A_1471 = arith.cmpi slt, %select_n3A_1461, %lt3A_1470 : i32
    %ne3A_1472 = vector.broadcast %lt3A_1471 : i1 to vector<16xi1>
    %ne3A_1473 = vector.broadcast %ne3A_1472 : vector<16xi1> to vector<16xi1>
    %ne3A_1474 = arith.xori %lt3A_1469, %ne3A_1473 : vector<16xi1>
    %and3A_1475 = arith.andi %ne3A_1474, %ne3A_1466 : vector<16xi1>
    %add3A_1476 = vector.broadcast %select_n3A_1461 : i32 to vector<16xi32>
    %add3A_1477 = arith.addi %rem3A_1463, %add3A_1476 : vector<16xi32>
    %select_n3A_1478 = arith.select %and3A_1475, %add3A_1477, %rem3A_1463 : vector<16xi1>, vector<16xi32>
    %swap3A_1479 = arith.constant 15 : i32
    %swap3A_1480 = arith.index_cast %swap3A_1479 : i32 to index
    %swap3A_1481 = arith.constant 16 : index
    %swap3A_1482 = tpu.vector_load %arg6[%swap3A_1480, %swap3A_1481] {strides = array<i32>} : memref<16x32xi32, #tpu.memory_space<vmem>>, vector<1x16xi32>,
    %swap3A_1483 = vector.shape_cast %swap3A_1482 : vector<1x16xi32> to vector<16xi32>
    %swap3A_1484 = vector.shape_cast %select_n3A_1478 : vector<16xi32> to vector<1x16xi32>
    tpu.vector_store %arg6[%swap3A_1480, %swap3A_1481], %swap3A_1484 {strides = array<i32>} : memref<16x32xi32, #tpu.memory_space<vmem>>, vector<1x16xi32>,
    %dma_start3A_1485 = arith.constant 15 : i32
    %dma_start3A_1486 = arith.constant 480 : i32
    %dma_start3A_1487 = arith.constant 0 : i32
    %dma_start3A_1488 = tpu.memref_slice %arg7[%dma_start3A_1486, %dma_start3A_1487] : memref<512x128xf32, #tpu.memory_space<vmem>> -> memref<32x128xf32, #tpu.memory_space<vmem>>
    %dma_start3A_1489 = arith.constant 0 : i32
    %dma_start3A_1490 = tpu.memref_slice %arg6[%dma_start3A_1485, %dma_start3A_1489] : memref<16x32xi32, #tpu.memory_space<vmem>> -> memref<1x32xi32, #tpu.memory_space<vmem>>
    %dma_start3A_1491 = tpu.memref_squeeze %dma_start3A_1490 : memref<1x32xi32, #tpu.memory_space<vmem>> -> memref<32xi32, #tpu.memory_space<vmem>>
    %dma_start3A_1492 = arith.constant 0 : i32
    %dma_start3A_1493 = arith.constant 0 : i32
    %dma_start3A_1494 = tpu.memref_slice %arg3[%dma_start3A_1492, %dma_start3A_1493] : memref<100000x128xf32, #tpu.memory_space<hbm>> -> memref<100000x128xf32, #tpu.memory_space<hbm>>
    tpu.enqueue_indirect_dma source(%dma_start3A_1494 : memref<100000x128xf32, #tpu.memory_space<hbm>>) target(%dma_start3A_1488 : memref<32x128xf32, #tpu.memory_space<vmem>>) offsets(%dma_start3A_1491 : memref<32xi32, #tpu.memory_space<vmem>>) semaphore(%arg8 : memref<!tpu.dma_semaphore, #tpu.memory_space<semaphore_mem>>)
    %dma_wait3A = arith.constant 0 : i32
    %dma_wait3A_1495 = arith.constant 0 : i32
    %dma_wait3A_1496 = arith.constant 0 : i32
    %dma_wait3A_1497 = tpu.memref_slice %arg7[%dma_wait3A_1495, %dma_wait3A_1496] : memref<512x128xf32, #tpu.memory_space<vmem>> -> memref<32x128xf32, #tpu.memory_space<vmem>>
    %dma_wait3A_1498 = arith.constant 0 : i32
    %dma_wait3A_1499 = tpu.memref_slice %arg6[%dma_wait3A, %dma_wait3A_1498] : memref<16x32xi32, #tpu.memory_space<vmem>> -> memref<1x32xi32, #tpu.memory_space<vmem>>
    %dma_wait3A_1500 = tpu.memref_squeeze %dma_wait3A_1499 : memref<1x32xi32, #tpu.memory_space<vmem>> -> memref<32xi32, #tpu.memory_space<vmem>>
    %dma_wait3A_1501 = arith.constant 0 : i32
    %dma_wait3A_1502 = arith.constant 0 : i32
    %dma_wait3A_1503 = tpu.memref_slice %arg3[%dma_wait3A_1501, %dma_wait3A_1502] : memref<100000x128xf32, #tpu.memory_space<hbm>> -> memref<100000x128xf32, #tpu.memory_space<hbm>>
    tpu.wait_indirect_dma semaphore(%arg8 : memref<!tpu.dma_semaphore, #tpu.memory_space<semaphore_mem>>) src(%dma_wait3A_1503 : memref<100000x128xf32, #tpu.memory_space<hbm>>) dst(%dma_wait3A_1497 : memref<32x128xf32, #tpu.memory_space<vmem>>)
    %add3A_1504 = arith.constant 0 : i32
    %add3A_1505 = arith.addi %mul3A_2, %add3A_1504 : i32
    %dma_start3A_1506 = arith.constant 0 : i32
    %dma_start3A_1507 = arith.constant 0 : i32
    %dma_start3A_1508 = tpu.memref_slice %arg7[%dma_start3A_1506, %dma_start3A_1507] : memref<512x128xf32, #tpu.memory_space<vmem>> -> memref<32x128xf32, #tpu.memory_space<vmem>>
    %dma_start3A_1509 = arith.constant 0 : i32
    %dma_start3A_1510 = tpu.memref_slice %arg4[%add3A_1505, %dma_start3A_1509] : memref<16384x128xf32, #tpu.memory_space<hbm>> -> memref<32x128xf32, #tpu.memory_space<hbm>>
    %dma_start3A_1511 = arith.constant 0 : i32
    %dma_start3A_1512 = tpu.memref_slice %arg4[%add3A_1505, %dma_start3A_1511] : memref<16384x128xf32, #tpu.memory_space<hbm>> -> memref<32x128xf32, #tpu.memory_space<hbm>>
    %dma_start3A_1513 = arith.constant 0 : i32
    %dma_start3A_1514 = arith.constant 0 : i32
    %dma_start3A_1515 = tpu.memref_slice %arg7[%dma_start3A_1513, %dma_start3A_1514] : memref<512x128xf32, #tpu.memory_space<vmem>> -> memref<32x128xf32, #tpu.memory_space<vmem>>
    tpu.enqueue_dma source(%dma_start3A_1515 : memref<32x128xf32, #tpu.memory_space<vmem>>) target(%dma_start3A_1512 : memref<32x128xf32, #tpu.memory_space<hbm>>) target_semaphore(%arg9 : memref<!tpu.dma_semaphore, #tpu.memory_space<semaphore_mem>>)
    %dma_wait3A_1516 = arith.constant 1 : i32
    %dma_wait3A_1517 = arith.constant 32 : i32
    %dma_wait3A_1518 = arith.constant 0 : i32
    %dma_wait3A_1519 = tpu.memref_slice %arg7[%dma_wait3A_1517, %dma_wait3A_1518] : memref<512x128xf32, #tpu.memory_space<vmem>> -> memref<32x128xf32, #tpu.memory_space<vmem>>
    %dma_wait3A_1520 = arith.constant 0 : i32
    %dma_wait3A_1521 = tpu.memref_slice %arg6[%dma_wait3A_1516, %dma_wait3A_1520] : memref<16x32xi32, #tpu.memory_space<vmem>> -> memref<1x32xi32, #tpu.memory_space<vmem>>
    %dma_wait3A_1522 = tpu.memref_squeeze %dma_wait3A_1521 : memref<1x32xi32, #tpu.memory_space<vmem>> -> memref<32xi32, #tpu.memory_space<vmem>>
    %dma_wait3A_1523 = arith.constant 0 : i32
    %dma_wait3A_1524 = arith.constant 0 : i32
    %dma_wait3A_1525 = tpu.memref_slice %arg3[%dma_wait3A_1523, %dma_wait3A_1524] : memref<100000x128xf32, #tpu.memory_space<hbm>> -> memref<100000x128xf32, #tpu.memory_space<hbm>>
    tpu.wait_indirect_dma semaphore(%arg8 : memref<!tpu.dma_semaphore, #tpu.memory_space<semaphore_mem>>) src(%dma_wait3A_1525 : memref<100000x128xf32, #tpu.memory_space<hbm>>) dst(%dma_wait3A_1519 : memref<32x128xf32, #tpu.memory_space<vmem>>)
    %add3A_1526 = arith.constant 32 : i32
    %add3A_1527 = arith.addi %mul3A_2, %add3A_1526 : i32
    %dma_start3A_1528 = arith.constant 32 : i32
    %dma_start3A_1529 = arith.constant 0 : i32
    %dma_start3A_1530 = tpu.memref_slice %arg7[%dma_start3A_1528, %dma_start3A_1529] : memref<512x128xf32, #tpu.memory_space<vmem>> -> memref<32x128xf32, #tpu.memory_space<vmem>>
    %dma_start3A_1531 = arith.constant 0 : i32
    %dma_start3A_1532 = tpu.memref_slice %arg4[%add3A_1527, %dma_start3A_1531] : memref<16384x128xf32, #tpu.memory_space<hbm>> -> memref<32x128xf32, #tpu.memory_space<hbm>>
    %dma_start3A_1533 = arith.constant 0 : i32
    %dma_start3A_1534 = tpu.memref_slice %arg4[%add3A_1527, %dma_start3A_1533] : memref<16384x128xf32, #tpu.memory_space<hbm>> -> memref<32x128xf32, #tpu.memory_space<hbm>>
    %dma_start3A_1535 = arith.constant 32 : i32
    %dma_start3A_1536 = arith.constant 0 : i32
    %dma_start3A_1537 = tpu.memref_slice %arg7[%dma_start3A_1535, %dma_start3A_1536] : memref<512x128xf32, #tpu.memory_space<vmem>> -> memref<32x128xf32, #tpu.memory_space<vmem>>
    tpu.enqueue_dma source(%dma_start3A_1537 : memref<32x128xf32, #tpu.memory_space<vmem>>) target(%dma_start3A_1534 : memref<32x128xf32, #tpu.memory_space<hbm>>) target_semaphore(%arg9 : memref<!tpu.dma_semaphore, #tpu.memory_space<semaphore_mem>>)
    %dma_wait3A_1538 = arith.constant 2 : i32
    %dma_wait3A_1539 = arith.constant 64 : i32
    %dma_wait3A_1540 = arith.constant 0 : i32
    %dma_wait3A_1541 = tpu.memref_slice %arg7[%dma_wait3A_1539, %dma_wait3A_1540] : memref<512x128xf32, #tpu.memory_space<vmem>> -> memref<32x128xf32, #tpu.memory_space<vmem>>
    %dma_wait3A_1542 = arith.constant 0 : i32
    %dma_wait3A_1543 = tpu.memref_slice %arg6[%dma_wait3A_1538, %dma_wait3A_1542] : memref<16x32xi32, #tpu.memory_space<vmem>> -> memref<1x32xi32, #tpu.memory_space<vmem>>
    %dma_wait3A_1544 = tpu.memref_squeeze %dma_wait3A_1543 : memref<1x32xi32, #tpu.memory_space<vmem>> -> memref<32xi32, #tpu.memory_space<vmem>>
    %dma_wait3A_1545 = arith.constant 0 : i32
    %dma_wait3A_1546 = arith.constant 0 : i32
    %dma_wait3A_1547 = tpu.memref_slice %arg3[%dma_wait3A_1545, %dma_wait3A_1546] : memref<100000x128xf32, #tpu.memory_space<hbm>> -> memref<100000x128xf32, #tpu.memory_space<hbm>>
    tpu.wait_indirect_dma semaphore(%arg8 : memref<!tpu.dma_semaphore, #tpu.memory_space<semaphore_mem>>) src(%dma_wait3A_1547 : memref<100000x128xf32, #tpu.memory_space<hbm>>) dst(%dma_wait3A_1541 : memref<32x128xf32, #tpu.memory_space<vmem>>)
    %add3A_1548 = arith.constant 64 : i32
    %add3A_1549 = arith.addi %mul3A_2, %add3A_1548 : i32
    %dma_start3A_1550 = arith.constant 64 : i32
    %dma_start3A_1551 = arith.constant 0 : i32
    %dma_start3A_1552 = tpu.memref_slice %arg7[%dma_start3A_1550, %dma_start3A_1551] : memref<512x128xf32, #tpu.memory_space<vmem>> -> memref<32x128xf32, #tpu.memory_space<vmem>>
    %dma_start3A_1553 = arith.constant 0 : i32
    %dma_start3A_1554 = tpu.memref_slice %arg4[%add3A_1549, %dma_start3A_1553] : memref<16384x128xf32, #tpu.memory_space<hbm>> -> memref<32x128xf32, #tpu.memory_space<hbm>>
    %dma_start3A_1555 = arith.constant 0 : i32
    %dma_start3A_1556 = tpu.memref_slice %arg4[%add3A_1549, %dma_start3A_1555] : memref<16384x128xf32, #tpu.memory_space<hbm>> -> memref<32x128xf32, #tpu.memory_space<hbm>>
    %dma_start3A_1557 = arith.constant 64 : i32
    %dma_start3A_1558 = arith.constant 0 : i32
    %dma_start3A_1559 = tpu.memref_slice %arg7[%dma_start3A_1557, %dma_start3A_1558] : memref<512x128xf32, #tpu.memory_space<vmem>> -> memref<32x128xf32, #tpu.memory_space<vmem>>
    tpu.enqueue_dma source(%dma_start3A_1559 : memref<32x128xf32, #tpu.memory_space<vmem>>) target(%dma_start3A_1556 : memref<32x128xf32, #tpu.memory_space<hbm>>) target_semaphore(%arg9 : memref<!tpu.dma_semaphore, #tpu.memory_space<semaphore_mem>>)
    %dma_wait3A_1560 = arith.constant 3 : i32
    %dma_wait3A_1561 = arith.constant 96 : i32
    %dma_wait3A_1562 = arith.constant 0 : i32
    %dma_wait3A_1563 = tpu.memref_slice %arg7[%dma_wait3A_1561, %dma_wait3A_1562] : memref<512x128xf32, #tpu.memory_space<vmem>> -> memref<32x128xf32, #tpu.memory_space<vmem>>
    %dma_wait3A_1564 = arith.constant 0 : i32
    %dma_wait3A_1565 = tpu.memref_slice %arg6[%dma_wait3A_1560, %dma_wait3A_1564] : memref<16x32xi32, #tpu.memory_space<vmem>> -> memref<1x32xi32, #tpu.memory_space<vmem>>
    %dma_wait3A_1566 = tpu.memref_squeeze %dma_wait3A_1565 : memref<1x32xi32, #tpu.memory_space<vmem>> -> memref<32xi32, #tpu.memory_space<vmem>>
    %dma_wait3A_1567 = arith.constant 0 : i32
    %dma_wait3A_1568 = arith.constant 0 : i32
    %dma_wait3A_1569 = tpu.memref_slice %arg3[%dma_wait3A_1567, %dma_wait3A_1568] : memref<100000x128xf32, #tpu.memory_space<hbm>> -> memref<100000x128xf32, #tpu.memory_space<hbm>>
    tpu.wait_indirect_dma semaphore(%arg8 : memref<!tpu.dma_semaphore, #tpu.memory_space<semaphore_mem>>) src(%dma_wait3A_1569 : memref<100000x128xf32, #tpu.memory_space<hbm>>) dst(%dma_wait3A_1563 : memref<32x128xf32, #tpu.memory_space<vmem>>)
    %add3A_1570 = arith.constant 96 : i32
    %add3A_1571 = arith.addi %mul3A_2, %add3A_1570 : i32
    %dma_start3A_1572 = arith.constant 96 : i32
    %dma_start3A_1573 = arith.constant 0 : i32
    %dma_start3A_1574 = tpu.memref_slice %arg7[%dma_start3A_1572, %dma_start3A_1573] : memref<512x128xf32, #tpu.memory_space<vmem>> -> memref<32x128xf32, #tpu.memory_space<vmem>>
    %dma_start3A_1575 = arith.constant 0 : i32
    %dma_start3A_1576 = tpu.memref_slice %arg4[%add3A_1571, %dma_start3A_1575] : memref<16384x128xf32, #tpu.memory_space<hbm>> -> memref<32x128xf32, #tpu.memory_space<hbm>>
    %dma_start3A_1577 = arith.constant 0 : i32
    %dma_start3A_1578 = tpu.memref_slice %arg4[%add3A_1571, %dma_start3A_1577] : memref<16384x128xf32, #tpu.memory_space<hbm>> -> memref<32x128xf32, #tpu.memory_space<hbm>>
    %dma_start3A_1579 = arith.constant 96 : i32
    %dma_start3A_1580 = arith.constant 0 : i32
    %dma_start3A_1581 = tpu.memref_slice %arg7[%dma_start3A_1579, %dma_start3A_1580] : memref<512x128xf32, #tpu.memory_space<vmem>> -> memref<32x128xf32, #tpu.memory_space<vmem>>
    tpu.enqueue_dma source(%dma_start3A_1581 : memref<32x128xf32, #tpu.memory_space<vmem>>) target(%dma_start3A_1578 : memref<32x128xf32, #tpu.memory_space<hbm>>) target_semaphore(%arg9 : memref<!tpu.dma_semaphore, #tpu.memory_space<semaphore_mem>>)
    %dma_wait3A_1582 = arith.constant 4 : i32
    %dma_wait3A_1583 = arith.constant 128 : i32
    %dma_wait3A_1584 = arith.constant 0 : i32
    %dma_wait3A_1585 = tpu.memref_slice %arg7[%dma_wait3A_1583, %dma_wait3A_1584] : memref<512x128xf32, #tpu.memory_space<vmem>> -> memref<32x128xf32, #tpu.memory_space<vmem>>
    %dma_wait3A_1586 = arith.constant 0 : i32
    %dma_wait3A_1587 = tpu.memref_slice %arg6[%dma_wait3A_1582, %dma_wait3A_1586] : memref<16x32xi32, #tpu.memory_space<vmem>> -> memref<1x32xi32, #tpu.memory_space<vmem>>
    %dma_wait3A_1588 = tpu.memref_squeeze %dma_wait3A_1587 : memref<1x32xi32, #tpu.memory_space<vmem>> -> memref<32xi32, #tpu.memory_space<vmem>>
    %dma_wait3A_1589 = arith.constant 0 : i32
    %dma_wait3A_1590 = arith.constant 0 : i32
    %dma_wait3A_1591 = tpu.memref_slice %arg3[%dma_wait3A_1589, %dma_wait3A_1590] : memref<100000x128xf32, #tpu.memory_space<hbm>> -> memref<100000x128xf32, #tpu.memory_space<hbm>>
    tpu.wait_indirect_dma semaphore(%arg8 : memref<!tpu.dma_semaphore, #tpu.memory_space<semaphore_mem>>) src(%dma_wait3A_1591 : memref<100000x128xf32, #tpu.memory_space<hbm>>) dst(%dma_wait3A_1585 : memref<32x128xf32, #tpu.memory_space<vmem>>)
    %add3A_1592 = arith.constant 128 : i32
    %add3A_1593 = arith.addi %mul3A_2, %add3A_1592 : i32
    %dma_start3A_1594 = arith.constant 128 : i32
    %dma_start3A_1595 = arith.constant 0 : i32
    %dma_start3A_1596 = tpu.memref_slice %arg7[%dma_start3A_1594, %dma_start3A_1595] : memref<512x128xf32, #tpu.memory_space<vmem>> -> memref<32x128xf32, #tpu.memory_space<vmem>>
    %dma_start3A_1597 = arith.constant 0 : i32
    %dma_start3A_1598 = tpu.memref_slice %arg4[%add3A_1593, %dma_start3A_1597] : memref<16384x128xf32, #tpu.memory_space<hbm>> -> memref<32x128xf32, #tpu.memory_space<hbm>>
    %dma_start3A_1599 = arith.constant 0 : i32
    %dma_start3A_1600 = tpu.memref_slice %arg4[%add3A_1593, %dma_start3A_1599] : memref<16384x128xf32, #tpu.memory_space<hbm>> -> memref<32x128xf32, #tpu.memory_space<hbm>>
    %dma_start3A_1601 = arith.constant 128 : i32
    %dma_start3A_1602 = arith.constant 0 : i32
    %dma_start3A_1603 = tpu.memref_slice %arg7[%dma_start3A_1601, %dma_start3A_1602] : memref<512x128xf32, #tpu.memory_space<vmem>> -> memref<32x128xf32, #tpu.memory_space<vmem>>
    tpu.enqueue_dma source(%dma_start3A_1603 : memref<32x128xf32, #tpu.memory_space<vmem>>) target(%dma_start3A_1600 : memref<32x128xf32, #tpu.memory_space<hbm>>) target_semaphore(%arg9 : memref<!tpu.dma_semaphore, #tpu.memory_space<semaphore_mem>>)
    %dma_wait3A_1604 = arith.constant 5 : i32
    %dma_wait3A_1605 = arith.constant 160 : i32
    %dma_wait3A_1606 = arith.constant 0 : i32
    %dma_wait3A_1607 = tpu.memref_slice %arg7[%dma_wait3A_1605, %dma_wait3A_1606] : memref<512x128xf32, #tpu.memory_space<vmem>> -> memref<32x128xf32, #tpu.memory_space<vmem>>
    %dma_wait3A_1608 = arith.constant 0 : i32
    %dma_wait3A_1609 = tpu.memref_slice %arg6[%dma_wait3A_1604, %dma_wait3A_1608] : memref<16x32xi32, #tpu.memory_space<vmem>> -> memref<1x32xi32, #tpu.memory_space<vmem>>
    %dma_wait3A_1610 = tpu.memref_squeeze %dma_wait3A_1609 : memref<1x32xi32, #tpu.memory_space<vmem>> -> memref<32xi32, #tpu.memory_space<vmem>>
    %dma_wait3A_1611 = arith.constant 0 : i32
    %dma_wait3A_1612 = arith.constant 0 : i32
    %dma_wait3A_1613 = tpu.memref_slice %arg3[%dma_wait3A_1611, %dma_wait3A_1612] : memref<100000x128xf32, #tpu.memory_space<hbm>> -> memref<100000x128xf32, #tpu.memory_space<hbm>>
    tpu.wait_indirect_dma semaphore(%arg8 : memref<!tpu.dma_semaphore, #tpu.memory_space<semaphore_mem>>) src(%dma_wait3A_1613 : memref<100000x128xf32, #tpu.memory_space<hbm>>) dst(%dma_wait3A_1607 : memref<32x128xf32, #tpu.memory_space<vmem>>)
    %add3A_1614 = arith.constant 160 : i32
    %add3A_1615 = arith.addi %mul3A_2, %add3A_1614 : i32
    %dma_start3A_1616 = arith.constant 160 : i32
    %dma_start3A_1617 = arith.constant 0 : i32
    %dma_start3A_1618 = tpu.memref_slice %arg7[%dma_start3A_1616, %dma_start3A_1617] : memref<512x128xf32, #tpu.memory_space<vmem>> -> memref<32x128xf32, #tpu.memory_space<vmem>>
    %dma_start3A_1619 = arith.constant 0 : i32
    %dma_start3A_1620 = tpu.memref_slice %arg4[%add3A_1615, %dma_start3A_1619] : memref<16384x128xf32, #tpu.memory_space<hbm>> -> memref<32x128xf32, #tpu.memory_space<hbm>>
    %dma_start3A_1621 = arith.constant 0 : i32
    %dma_start3A_1622 = tpu.memref_slice %arg4[%add3A_1615, %dma_start3A_1621] : memref<16384x128xf32, #tpu.memory_space<hbm>> -> memref<32x128xf32, #tpu.memory_space<hbm>>
    %dma_start3A_1623 = arith.constant 160 : i32
    %dma_start3A_1624 = arith.constant 0 : i32
    %dma_start3A_1625 = tpu.memref_slice %arg7[%dma_start3A_1623, %dma_start3A_1624] : memref<512x128xf32, #tpu.memory_space<vmem>> -> memref<32x128xf32, #tpu.memory_space<vmem>>
    tpu.enqueue_dma source(%dma_start3A_1625 : memref<32x128xf32, #tpu.memory_space<vmem>>) target(%dma_start3A_1622 : memref<32x128xf32, #tpu.memory_space<hbm>>) target_semaphore(%arg9 : memref<!tpu.dma_semaphore, #tpu.memory_space<semaphore_mem>>)
    %dma_wait3A_1626 = arith.constant 6 : i32
    %dma_wait3A_1627 = arith.constant 192 : i32
    %dma_wait3A_1628 = arith.constant 0 : i32
    %dma_wait3A_1629 = tpu.memref_slice %arg7[%dma_wait3A_1627, %dma_wait3A_1628] : memref<512x128xf32, #tpu.memory_space<vmem>> -> memref<32x128xf32, #tpu.memory_space<vmem>>
    %dma_wait3A_1630 = arith.constant 0 : i32
    %dma_wait3A_1631 = tpu.memref_slice %arg6[%dma_wait3A_1626, %dma_wait3A_1630] : memref<16x32xi32, #tpu.memory_space<vmem>> -> memref<1x32xi32, #tpu.memory_space<vmem>>
    %dma_wait3A_1632 = tpu.memref_squeeze %dma_wait3A_1631 : memref<1x32xi32, #tpu.memory_space<vmem>> -> memref<32xi32, #tpu.memory_space<vmem>>
    %dma_wait3A_1633 = arith.constant 0 : i32
    %dma_wait3A_1634 = arith.constant 0 : i32
    %dma_wait3A_1635 = tpu.memref_slice %arg3[%dma_wait3A_1633, %dma_wait3A_1634] : memref<100000x128xf32, #tpu.memory_space<hbm>> -> memref<100000x128xf32, #tpu.memory_space<hbm>>
    tpu.wait_indirect_dma semaphore(%arg8 : memref<!tpu.dma_semaphore, #tpu.memory_space<semaphore_mem>>) src(%dma_wait3A_1635 : memref<100000x128xf32, #tpu.memory_space<hbm>>) dst(%dma_wait3A_1629 : memref<32x128xf32, #tpu.memory_space<vmem>>)
    %add3A_1636 = arith.constant 192 : i32
    %add3A_1637 = arith.addi %mul3A_2, %add3A_1636 : i32
    %dma_start3A_1638 = arith.constant 192 : i32
    %dma_start3A_1639 = arith.constant 0 : i32
    %dma_start3A_1640 = tpu.memref_slice %arg7[%dma_start3A_1638, %dma_start3A_1639] : memref<512x128xf32, #tpu.memory_space<vmem>> -> memref<32x128xf32, #tpu.memory_space<vmem>>
    %dma_start3A_1641 = arith.constant 0 : i32
    %dma_start3A_1642 = tpu.memref_slice %arg4[%add3A_1637, %dma_start3A_1641] : memref<16384x128xf32, #tpu.memory_space<hbm>> -> memref<32x128xf32, #tpu.memory_space<hbm>>
    %dma_start3A_1643 = arith.constant 0 : i32
    %dma_start3A_1644 = tpu.memref_slice %arg4[%add3A_1637, %dma_start3A_1643] : memref<16384x128xf32, #tpu.memory_space<hbm>> -> memref<32x128xf32, #tpu.memory_space<hbm>>
    %dma_start3A_1645 = arith.constant 192 : i32
    %dma_start3A_1646 = arith.constant 0 : i32
    %dma_start3A_1647 = tpu.memref_slice %arg7[%dma_start3A_1645, %dma_start3A_1646] : memref<512x128xf32, #tpu.memory_space<vmem>> -> memref<32x128xf32, #tpu.memory_space<vmem>>
    tpu.enqueue_dma source(%dma_start3A_1647 : memref<32x128xf32, #tpu.memory_space<vmem>>) target(%dma_start3A_1644 : memref<32x128xf32, #tpu.memory_space<hbm>>) target_semaphore(%arg9 : memref<!tpu.dma_semaphore, #tpu.memory_space<semaphore_mem>>)
    %dma_wait3A_1648 = arith.constant 7 : i32
    %dma_wait3A_1649 = arith.constant 224 : i32
    %dma_wait3A_1650 = arith.constant 0 : i32
    %dma_wait3A_1651 = tpu.memref_slice %arg7[%dma_wait3A_1649, %dma_wait3A_1650] : memref<512x128xf32, #tpu.memory_space<vmem>> -> memref<32x128xf32, #tpu.memory_space<vmem>>
    %dma_wait3A_1652 = arith.constant 0 : i32
    %dma_wait3A_1653 = tpu.memref_slice %arg6[%dma_wait3A_1648, %dma_wait3A_1652] : memref<16x32xi32, #tpu.memory_space<vmem>> -> memref<1x32xi32, #tpu.memory_space<vmem>>
    %dma_wait3A_1654 = tpu.memref_squeeze %dma_wait3A_1653 : memref<1x32xi32, #tpu.memory_space<vmem>> -> memref<32xi32, #tpu.memory_space<vmem>>
    %dma_wait3A_1655 = arith.constant 0 : i32
    %dma_wait3A_1656 = arith.constant 0 : i32
    %dma_wait3A_1657 = tpu.memref_slice %arg3[%dma_wait3A_1655, %dma_wait3A_1656] : memref<100000x128xf32, #tpu.memory_space<hbm>> -> memref<100000x128xf32, #tpu.memory_space<hbm>>
    tpu.wait_indirect_dma semaphore(%arg8 : memref<!tpu.dma_semaphore, #tpu.memory_space<semaphore_mem>>) src(%dma_wait3A_1657 : memref<100000x128xf32, #tpu.memory_space<hbm>>) dst(%dma_wait3A_1651 : memref<32x128xf32, #tpu.memory_space<vmem>>)
    %add3A_1658 = arith.constant 224 : i32
    %add3A_1659 = arith.addi %mul3A_2, %add3A_1658 : i32
    %dma_start3A_1660 = arith.constant 224 : i32
    %dma_start3A_1661 = arith.constant 0 : i32
    %dma_start3A_1662 = tpu.memref_slice %arg7[%dma_start3A_1660, %dma_start3A_1661] : memref<512x128xf32, #tpu.memory_space<vmem>> -> memref<32x128xf32, #tpu.memory_space<vmem>>
    %dma_start3A_1663 = arith.constant 0 : i32
    %dma_start3A_1664 = tpu.memref_slice %arg4[%add3A_1659, %dma_start3A_1663] : memref<16384x128xf32, #tpu.memory_space<hbm>> -> memref<32x128xf32, #tpu.memory_space<hbm>>
    %dma_start3A_1665 = arith.constant 0 : i32
    %dma_start3A_1666 = tpu.memref_slice %arg4[%add3A_1659, %dma_start3A_1665] : memref<16384x128xf32, #tpu.memory_space<hbm>> -> memref<32x128xf32, #tpu.memory_space<hbm>>
    %dma_start3A_1667 = arith.constant 224 : i32
    %dma_start3A_1668 = arith.constant 0 : i32
    %dma_start3A_1669 = tpu.memref_slice %arg7[%dma_start3A_1667, %dma_start3A_1668] : memref<512x128xf32, #tpu.memory_space<vmem>> -> memref<32x128xf32, #tpu.memory_space<vmem>>
    tpu.enqueue_dma source(%dma_start3A_1669 : memref<32x128xf32, #tpu.memory_space<vmem>>) target(%dma_start3A_1666 : memref<32x128xf32, #tpu.memory_space<hbm>>) target_semaphore(%arg9 : memref<!tpu.dma_semaphore, #tpu.memory_space<semaphore_mem>>)
    %dma_wait3A_1670 = arith.constant 8 : i32
    %dma_wait3A_1671 = arith.constant 256 : i32
    %dma_wait3A_1672 = arith.constant 0 : i32
    %dma_wait3A_1673 = tpu.memref_slice %arg7[%dma_wait3A_1671, %dma_wait3A_1672] : memref<512x128xf32, #tpu.memory_space<vmem>> -> memref<32x128xf32, #tpu.memory_space<vmem>>
    %dma_wait3A_1674 = arith.constant 0 : i32
    %dma_wait3A_1675 = tpu.memref_slice %arg6[%dma_wait3A_1670, %dma_wait3A_1674] : memref<16x32xi32, #tpu.memory_space<vmem>> -> memref<1x32xi32, #tpu.memory_space<vmem>>
    %dma_wait3A_1676 = tpu.memref_squeeze %dma_wait3A_1675 : memref<1x32xi32, #tpu.memory_space<vmem>> -> memref<32xi32, #tpu.memory_space<vmem>>
    %dma_wait3A_1677 = arith.constant 0 : i32
    %dma_wait3A_1678 = arith.constant 0 : i32
    %dma_wait3A_1679 = tpu.memref_slice %arg3[%dma_wait3A_1677, %dma_wait3A_1678] : memref<100000x128xf32, #tpu.memory_space<hbm>> -> memref<100000x128xf32, #tpu.memory_space<hbm>>
    tpu.wait_indirect_dma semaphore(%arg8 : memref<!tpu.dma_semaphore, #tpu.memory_space<semaphore_mem>>) src(%dma_wait3A_1679 : memref<100000x128xf32, #tpu.memory_space<hbm>>) dst(%dma_wait3A_1673 : memref<32x128xf32, #tpu.memory_space<vmem>>)
    %add3A_1680 = arith.constant 256 : i32
    %add3A_1681 = arith.addi %mul3A_2, %add3A_1680 : i32
    %dma_start3A_1682 = arith.constant 256 : i32
    %dma_start3A_1683 = arith.constant 0 : i32
    %dma_start3A_1684 = tpu.memref_slice %arg7[%dma_start3A_1682, %dma_start3A_1683] : memref<512x128xf32, #tpu.memory_space<vmem>> -> memref<32x128xf32, #tpu.memory_space<vmem>>
    %dma_start3A_1685 = arith.constant 0 : i32
    %dma_start3A_1686 = tpu.memref_slice %arg4[%add3A_1681, %dma_start3A_1685] : memref<16384x128xf32, #tpu.memory_space<hbm>> -> memref<32x128xf32, #tpu.memory_space<hbm>>
    %dma_start3A_1687 = arith.constant 0 : i32
    %dma_start3A_1688 = tpu.memref_slice %arg4[%add3A_1681, %dma_start3A_1687] : memref<16384x128xf32, #tpu.memory_space<hbm>> -> memref<32x128xf32, #tpu.memory_space<hbm>>
    %dma_start3A_1689 = arith.constant 256 : i32
    %dma_start3A_1690 = arith.constant 0 : i32
    %dma_start3A_1691 = tpu.memref_slice %arg7[%dma_start3A_1689, %dma_start3A_1690] : memref<512x128xf32, #tpu.memory_space<vmem>> -> memref<32x128xf32, #tpu.memory_space<vmem>>
    tpu.enqueue_dma source(%dma_start3A_1691 : memref<32x128xf32, #tpu.memory_space<vmem>>) target(%dma_start3A_1688 : memref<32x128xf32, #tpu.memory_space<hbm>>) target_semaphore(%arg9 : memref<!tpu.dma_semaphore, #tpu.memory_space<semaphore_mem>>)
    %dma_wait3A_1692 = arith.constant 9 : i32
    %dma_wait3A_1693 = arith.constant 288 : i32
    %dma_wait3A_1694 = arith.constant 0 : i32
    %dma_wait3A_1695 = tpu.memref_slice %arg7[%dma_wait3A_1693, %dma_wait3A_1694] : memref<512x128xf32, #tpu.memory_space<vmem>> -> memref<32x128xf32, #tpu.memory_space<vmem>>
    %dma_wait3A_1696 = arith.constant 0 : i32
    %dma_wait3A_1697 = tpu.memref_slice %arg6[%dma_wait3A_1692, %dma_wait3A_1696] : memref<16x32xi32, #tpu.memory_space<vmem>> -> memref<1x32xi32, #tpu.memory_space<vmem>>
    %dma_wait3A_1698 = tpu.memref_squeeze %dma_wait3A_1697 : memref<1x32xi32, #tpu.memory_space<vmem>> -> memref<32xi32, #tpu.memory_space<vmem>>
    %dma_wait3A_1699 = arith.constant 0 : i32
    %dma_wait3A_1700 = arith.constant 0 : i32
    %dma_wait3A_1701 = tpu.memref_slice %arg3[%dma_wait3A_1699, %dma_wait3A_1700] : memref<100000x128xf32, #tpu.memory_space<hbm>> -> memref<100000x128xf32, #tpu.memory_space<hbm>>
    tpu.wait_indirect_dma semaphore(%arg8 : memref<!tpu.dma_semaphore, #tpu.memory_space<semaphore_mem>>) src(%dma_wait3A_1701 : memref<100000x128xf32, #tpu.memory_space<hbm>>) dst(%dma_wait3A_1695 : memref<32x128xf32, #tpu.memory_space<vmem>>)
    %add3A_1702 = arith.constant 288 : i32
    %add3A_1703 = arith.addi %mul3A_2, %add3A_1702 : i32
    %dma_start3A_1704 = arith.constant 288 : i32
    %dma_start3A_1705 = arith.constant 0 : i32
    %dma_start3A_1706 = tpu.memref_slice %arg7[%dma_start3A_1704, %dma_start3A_1705] : memref<512x128xf32, #tpu.memory_space<vmem>> -> memref<32x128xf32, #tpu.memory_space<vmem>>
    %dma_start3A_1707 = arith.constant 0 : i32
    %dma_start3A_1708 = tpu.memref_slice %arg4[%add3A_1703, %dma_start3A_1707] : memref<16384x128xf32, #tpu.memory_space<hbm>> -> memref<32x128xf32, #tpu.memory_space<hbm>>
    %dma_start3A_1709 = arith.constant 0 : i32
    %dma_start3A_1710 = tpu.memref_slice %arg4[%add3A_1703, %dma_start3A_1709] : memref<16384x128xf32, #tpu.memory_space<hbm>> -> memref<32x128xf32, #tpu.memory_space<hbm>>
    %dma_start3A_1711 = arith.constant 288 : i32
    %dma_start3A_1712 = arith.constant 0 : i32
    %dma_start3A_1713 = tpu.memref_slice %arg7[%dma_start3A_1711, %dma_start3A_1712] : memref<512x128xf32, #tpu.memory_space<vmem>> -> memref<32x128xf32, #tpu.memory_space<vmem>>
    tpu.enqueue_dma source(%dma_start3A_1713 : memref<32x128xf32, #tpu.memory_space<vmem>>) target(%dma_start3A_1710 : memref<32x128xf32, #tpu.memory_space<hbm>>) target_semaphore(%arg9 : memref<!tpu.dma_semaphore, #tpu.memory_space<semaphore_mem>>)
    %dma_wait3A_1714 = arith.constant 10 : i32
    %dma_wait3A_1715 = arith.constant 320 : i32
    %dma_wait3A_1716 = arith.constant 0 : i32
    %dma_wait3A_1717 = tpu.memref_slice %arg7[%dma_wait3A_1715, %dma_wait3A_1716] : memref<512x128xf32, #tpu.memory_space<vmem>> -> memref<32x128xf32, #tpu.memory_space<vmem>>
    %dma_wait3A_1718 = arith.constant 0 : i32
    %dma_wait3A_1719 = tpu.memref_slice %arg6[%dma_wait3A_1714, %dma_wait3A_1718] : memref<16x32xi32, #tpu.memory_space<vmem>> -> memref<1x32xi32, #tpu.memory_space<vmem>>
    %dma_wait3A_1720 = tpu.memref_squeeze %dma_wait3A_1719 : memref<1x32xi32, #tpu.memory_space<vmem>> -> memref<32xi32, #tpu.memory_space<vmem>>
    %dma_wait3A_1721 = arith.constant 0 : i32
    %dma_wait3A_1722 = arith.constant 0 : i32
    %dma_wait3A_1723 = tpu.memref_slice %arg3[%dma_wait3A_1721, %dma_wait3A_1722] : memref<100000x128xf32, #tpu.memory_space<hbm>> -> memref<100000x128xf32, #tpu.memory_space<hbm>>
    tpu.wait_indirect_dma semaphore(%arg8 : memref<!tpu.dma_semaphore, #tpu.memory_space<semaphore_mem>>) src(%dma_wait3A_1723 : memref<100000x128xf32, #tpu.memory_space<hbm>>) dst(%dma_wait3A_1717 : memref<32x128xf32, #tpu.memory_space<vmem>>)
    %add3A_1724 = arith.constant 320 : i32
    %add3A_1725 = arith.addi %mul3A_2, %add3A_1724 : i32
    %dma_start3A_1726 = arith.constant 320 : i32
    %dma_start3A_1727 = arith.constant 0 : i32
    %dma_start3A_1728 = tpu.memref_slice %arg7[%dma_start3A_1726, %dma_start3A_1727] : memref<512x128xf32, #tpu.memory_space<vmem>> -> memref<32x128xf32, #tpu.memory_space<vmem>>
    %dma_start3A_1729 = arith.constant 0 : i32
    %dma_start3A_1730 = tpu.memref_slice %arg4[%add3A_1725, %dma_start3A_1729] : memref<16384x128xf32, #tpu.memory_space<hbm>> -> memref<32x128xf32, #tpu.memory_space<hbm>>
    %dma_start3A_1731 = arith.constant 0 : i32
    %dma_start3A_1732 = tpu.memref_slice %arg4[%add3A_1725, %dma_start3A_1731] : memref<16384x128xf32, #tpu.memory_space<hbm>> -> memref<32x128xf32, #tpu.memory_space<hbm>>
    %dma_start3A_1733 = arith.constant 320 : i32
    %dma_start3A_1734 = arith.constant 0 : i32
    %dma_start3A_1735 = tpu.memref_slice %arg7[%dma_start3A_1733, %dma_start3A_1734] : memref<512x128xf32, #tpu.memory_space<vmem>> -> memref<32x128xf32, #tpu.memory_space<vmem>>
    tpu.enqueue_dma source(%dma_start3A_1735 : memref<32x128xf32, #tpu.memory_space<vmem>>) target(%dma_start3A_1732 : memref<32x128xf32, #tpu.memory_space<hbm>>) target_semaphore(%arg9 : memref<!tpu.dma_semaphore, #tpu.memory_space<semaphore_mem>>)
    %dma_wait3A_1736 = arith.constant 11 : i32
    %dma_wait3A_1737 = arith.constant 352 : i32
    %dma_wait3A_1738 = arith.constant 0 : i32
    %dma_wait3A_1739 = tpu.memref_slice %arg7[%dma_wait3A_1737, %dma_wait3A_1738] : memref<512x128xf32, #tpu.memory_space<vmem>> -> memref<32x128xf32, #tpu.memory_space<vmem>>
    %dma_wait3A_1740 = arith.constant 0 : i32
    %dma_wait3A_1741 = tpu.memref_slice %arg6[%dma_wait3A_1736, %dma_wait3A_1740] : memref<16x32xi32, #tpu.memory_space<vmem>> -> memref<1x32xi32, #tpu.memory_space<vmem>>
    %dma_wait3A_1742 = tpu.memref_squeeze %dma_wait3A_1741 : memref<1x32xi32, #tpu.memory_space<vmem>> -> memref<32xi32, #tpu.memory_space<vmem>>
    %dma_wait3A_1743 = arith.constant 0 : i32
    %dma_wait3A_1744 = arith.constant 0 : i32
    %dma_wait3A_1745 = tpu.memref_slice %arg3[%dma_wait3A_1743, %dma_wait3A_1744] : memref<100000x128xf32, #tpu.memory_space<hbm>> -> memref<100000x128xf32, #tpu.memory_space<hbm>>
    tpu.wait_indirect_dma semaphore(%arg8 : memref<!tpu.dma_semaphore, #tpu.memory_space<semaphore_mem>>) src(%dma_wait3A_1745 : memref<100000x128xf32, #tpu.memory_space<hbm>>) dst(%dma_wait3A_1739 : memref<32x128xf32, #tpu.memory_space<vmem>>)
    %add3A_1746 = arith.constant 352 : i32
    %add3A_1747 = arith.addi %mul3A_2, %add3A_1746 : i32
    %dma_start3A_1748 = arith.constant 352 : i32
    %dma_start3A_1749 = arith.constant 0 : i32
    %dma_start3A_1750 = tpu.memref_slice %arg7[%dma_start3A_1748, %dma_start3A_1749] : memref<512x128xf32, #tpu.memory_space<vmem>> -> memref<32x128xf32, #tpu.memory_space<vmem>>
    %dma_start3A_1751 = arith.constant 0 : i32
    %dma_start3A_1752 = tpu.memref_slice %arg4[%add3A_1747, %dma_start3A_1751] : memref<16384x128xf32, #tpu.memory_space<hbm>> -> memref<32x128xf32, #tpu.memory_space<hbm>>
    %dma_start3A_1753 = arith.constant 0 : i32
    %dma_start3A_1754 = tpu.memref_slice %arg4[%add3A_1747, %dma_start3A_1753] : memref<16384x128xf32, #tpu.memory_space<hbm>> -> memref<32x128xf32, #tpu.memory_space<hbm>>
    %dma_start3A_1755 = arith.constant 352 : i32
    %dma_start3A_1756 = arith.constant 0 : i32
    %dma_start3A_1757 = tpu.memref_slice %arg7[%dma_start3A_1755, %dma_start3A_1756] : memref<512x128xf32, #tpu.memory_space<vmem>> -> memref<32x128xf32, #tpu.memory_space<vmem>>
    tpu.enqueue_dma source(%dma_start3A_1757 : memref<32x128xf32, #tpu.memory_space<vmem>>) target(%dma_start3A_1754 : memref<32x128xf32, #tpu.memory_space<hbm>>) target_semaphore(%arg9 : memref<!tpu.dma_semaphore, #tpu.memory_space<semaphore_mem>>)
    %dma_wait3A_1758 = arith.constant 12 : i32
    %dma_wait3A_1759 = arith.constant 384 : i32
    %dma_wait3A_1760 = arith.constant 0 : i32
    %dma_wait3A_1761 = tpu.memref_slice %arg7[%dma_wait3A_1759, %dma_wait3A_1760] : memref<512x128xf32, #tpu.memory_space<vmem>> -> memref<32x128xf32, #tpu.memory_space<vmem>>
    %dma_wait3A_1762 = arith.constant 0 : i32
    %dma_wait3A_1763 = tpu.memref_slice %arg6[%dma_wait3A_1758, %dma_wait3A_1762] : memref<16x32xi32, #tpu.memory_space<vmem>> -> memref<1x32xi32, #tpu.memory_space<vmem>>
    %dma_wait3A_1764 = tpu.memref_squeeze %dma_wait3A_1763 : memref<1x32xi32, #tpu.memory_space<vmem>> -> memref<32xi32, #tpu.memory_space<vmem>>
    %dma_wait3A_1765 = arith.constant 0 : i32
    %dma_wait3A_1766 = arith.constant 0 : i32
    %dma_wait3A_1767 = tpu.memref_slice %arg3[%dma_wait3A_1765, %dma_wait3A_1766] : memref<100000x128xf32, #tpu.memory_space<hbm>> -> memref<100000x128xf32, #tpu.memory_space<hbm>>
    tpu.wait_indirect_dma semaphore(%arg8 : memref<!tpu.dma_semaphore, #tpu.memory_space<semaphore_mem>>) src(%dma_wait3A_1767 : memref<100000x128xf32, #tpu.memory_space<hbm>>) dst(%dma_wait3A_1761 : memref<32x128xf32, #tpu.memory_space<vmem>>)
    %add3A_1768 = arith.constant 384 : i32
    %add3A_1769 = arith.addi %mul3A_2, %add3A_1768 : i32
    %dma_start3A_1770 = arith.constant 384 : i32
    %dma_start3A_1771 = arith.constant 0 : i32
    %dma_start3A_1772 = tpu.memref_slice %arg7[%dma_start3A_1770, %dma_start3A_1771] : memref<512x128xf32, #tpu.memory_space<vmem>> -> memref<32x128xf32, #tpu.memory_space<vmem>>
    %dma_start3A_1773 = arith.constant 0 : i32
    %dma_start3A_1774 = tpu.memref_slice %arg4[%add3A_1769, %dma_start3A_1773] : memref<16384x128xf32, #tpu.memory_space<hbm>> -> memref<32x128xf32, #tpu.memory_space<hbm>>
    %dma_start3A_1775 = arith.constant 0 : i32
    %dma_start3A_1776 = tpu.memref_slice %arg4[%add3A_1769, %dma_start3A_1775] : memref<16384x128xf32, #tpu.memory_space<hbm>> -> memref<32x128xf32, #tpu.memory_space<hbm>>
    %dma_start3A_1777 = arith.constant 384 : i32
    %dma_start3A_1778 = arith.constant 0 : i32
    %dma_start3A_1779 = tpu.memref_slice %arg7[%dma_start3A_1777, %dma_start3A_1778] : memref<512x128xf32, #tpu.memory_space<vmem>> -> memref<32x128xf32, #tpu.memory_space<vmem>>
    tpu.enqueue_dma source(%dma_start3A_1779 : memref<32x128xf32, #tpu.memory_space<vmem>>) target(%dma_start3A_1776 : memref<32x128xf32, #tpu.memory_space<hbm>>) target_semaphore(%arg9 : memref<!tpu.dma_semaphore, #tpu.memory_space<semaphore_mem>>)
    %dma_wait3A_1780 = arith.constant 13 : i32
    %dma_wait3A_1781 = arith.constant 416 : i32
    %dma_wait3A_1782 = arith.constant 0 : i32
    %dma_wait3A_1783 = tpu.memref_slice %arg7[%dma_wait3A_1781, %dma_wait3A_1782] : memref<512x128xf32, #tpu.memory_space<vmem>> -> memref<32x128xf32, #tpu.memory_space<vmem>>
    %dma_wait3A_1784 = arith.constant 0 : i32
    %dma_wait3A_1785 = tpu.memref_slice %arg6[%dma_wait3A_1780, %dma_wait3A_1784] : memref<16x32xi32, #tpu.memory_space<vmem>> -> memref<1x32xi32, #tpu.memory_space<vmem>>
    %dma_wait3A_1786 = tpu.memref_squeeze %dma_wait3A_1785 : memref<1x32xi32, #tpu.memory_space<vmem>> -> memref<32xi32, #tpu.memory_space<vmem>>
    %dma_wait3A_1787 = arith.constant 0 : i32
    %dma_wait3A_1788 = arith.constant 0 : i32
    %dma_wait3A_1789 = tpu.memref_slice %arg3[%dma_wait3A_1787, %dma_wait3A_1788] : memref<100000x128xf32, #tpu.memory_space<hbm>> -> memref<100000x128xf32, #tpu.memory_space<hbm>>
    tpu.wait_indirect_dma semaphore(%arg8 : memref<!tpu.dma_semaphore, #tpu.memory_space<semaphore_mem>>) src(%dma_wait3A_1789 : memref<100000x128xf32, #tpu.memory_space<hbm>>) dst(%dma_wait3A_1783 : memref<32x128xf32, #tpu.memory_space<vmem>>)
    %add3A_1790 = arith.constant 416 : i32
    %add3A_1791 = arith.addi %mul3A_2, %add3A_1790 : i32
    %dma_start3A_1792 = arith.constant 416 : i32
    %dma_start3A_1793 = arith.constant 0 : i32
    %dma_start3A_1794 = tpu.memref_slice %arg7[%dma_start3A_1792, %dma_start3A_1793] : memref<512x128xf32, #tpu.memory_space<vmem>> -> memref<32x128xf32, #tpu.memory_space<vmem>>
    %dma_start3A_1795 = arith.constant 0 : i32
    %dma_start3A_1796 = tpu.memref_slice %arg4[%add3A_1791, %dma_start3A_1795] : memref<16384x128xf32, #tpu.memory_space<hbm>> -> memref<32x128xf32, #tpu.memory_space<hbm>>
    %dma_start3A_1797 = arith.constant 0 : i32
    %dma_start3A_1798 = tpu.memref_slice %arg4[%add3A_1791, %dma_start3A_1797] : memref<16384x128xf32, #tpu.memory_space<hbm>> -> memref<32x128xf32, #tpu.memory_space<hbm>>
    %dma_start3A_1799 = arith.constant 416 : i32
    %dma_start3A_1800 = arith.constant 0 : i32
    %dma_start3A_1801 = tpu.memref_slice %arg7[%dma_start3A_1799, %dma_start3A_1800] : memref<512x128xf32, #tpu.memory_space<vmem>> -> memref<32x128xf32, #tpu.memory_space<vmem>>
    tpu.enqueue_dma source(%dma_start3A_1801 : memref<32x128xf32, #tpu.memory_space<vmem>>) target(%dma_start3A_1798 : memref<32x128xf32, #tpu.memory_space<hbm>>) target_semaphore(%arg9 : memref<!tpu.dma_semaphore, #tpu.memory_space<semaphore_mem>>)
    %dma_wait3A_1802 = arith.constant 14 : i32
    %dma_wait3A_1803 = arith.constant 448 : i32
    %dma_wait3A_1804 = arith.constant 0 : i32
    %dma_wait3A_1805 = tpu.memref_slice %arg7[%dma_wait3A_1803, %dma_wait3A_1804] : memref<512x128xf32, #tpu.memory_space<vmem>> -> memref<32x128xf32, #tpu.memory_space<vmem>>
    %dma_wait3A_1806 = arith.constant 0 : i32
    %dma_wait3A_1807 = tpu.memref_slice %arg6[%dma_wait3A_1802, %dma_wait3A_1806] : memref<16x32xi32, #tpu.memory_space<vmem>> -> memref<1x32xi32, #tpu.memory_space<vmem>>
    %dma_wait3A_1808 = tpu.memref_squeeze %dma_wait3A_1807 : memref<1x32xi32, #tpu.memory_space<vmem>> -> memref<32xi32, #tpu.memory_space<vmem>>
    %dma_wait3A_1809 = arith.constant 0 : i32
    %dma_wait3A_1810 = arith.constant 0 : i32
    %dma_wait3A_1811 = tpu.memref_slice %arg3[%dma_wait3A_1809, %dma_wait3A_1810] : memref<100000x128xf32, #tpu.memory_space<hbm>> -> memref<100000x128xf32, #tpu.memory_space<hbm>>
    tpu.wait_indirect_dma semaphore(%arg8 : memref<!tpu.dma_semaphore, #tpu.memory_space<semaphore_mem>>) src(%dma_wait3A_1811 : memref<100000x128xf32, #tpu.memory_space<hbm>>) dst(%dma_wait3A_1805 : memref<32x128xf32, #tpu.memory_space<vmem>>)
    %add3A_1812 = arith.constant 448 : i32
    %add3A_1813 = arith.addi %mul3A_2, %add3A_1812 : i32
    %dma_start3A_1814 = arith.constant 448 : i32
    %dma_start3A_1815 = arith.constant 0 : i32
    %dma_start3A_1816 = tpu.memref_slice %arg7[%dma_start3A_1814, %dma_start3A_1815] : memref<512x128xf32, #tpu.memory_space<vmem>> -> memref<32x128xf32, #tpu.memory_space<vmem>>
    %dma_start3A_1817 = arith.constant 0 : i32
    %dma_start3A_1818 = tpu.memref_slice %arg4[%add3A_1813, %dma_start3A_1817] : memref<16384x128xf32, #tpu.memory_space<hbm>> -> memref<32x128xf32, #tpu.memory_space<hbm>>
    %dma_start3A_1819 = arith.constant 0 : i32
    %dma_start3A_1820 = tpu.memref_slice %arg4[%add3A_1813, %dma_start3A_1819] : memref<16384x128xf32, #tpu.memory_space<hbm>> -> memref<32x128xf32, #tpu.memory_space<hbm>>
    %dma_start3A_1821 = arith.constant 448 : i32
    %dma_start3A_1822 = arith.constant 0 : i32
    %dma_start3A_1823 = tpu.memref_slice %arg7[%dma_start3A_1821, %dma_start3A_1822] : memref<512x128xf32, #tpu.memory_space<vmem>> -> memref<32x128xf32, #tpu.memory_space<vmem>>
    tpu.enqueue_dma source(%dma_start3A_1823 : memref<32x128xf32, #tpu.memory_space<vmem>>) target(%dma_start3A_1820 : memref<32x128xf32, #tpu.memory_space<hbm>>) target_semaphore(%arg9 : memref<!tpu.dma_semaphore, #tpu.memory_space<semaphore_mem>>)
    %dma_wait3A_1824 = arith.constant 15 : i32
    %dma_wait3A_1825 = arith.constant 480 : i32
    %dma_wait3A_1826 = arith.constant 0 : i32
    %dma_wait3A_1827 = tpu.memref_slice %arg7[%dma_wait3A_1825, %dma_wait3A_1826] : memref<512x128xf32, #tpu.memory_space<vmem>> -> memref<32x128xf32, #tpu.memory_space<vmem>>
    %dma_wait3A_1828 = arith.constant 0 : i32
    %dma_wait3A_1829 = tpu.memref_slice %arg6[%dma_wait3A_1824, %dma_wait3A_1828] : memref<16x32xi32, #tpu.memory_space<vmem>> -> memref<1x32xi32, #tpu.memory_space<vmem>>
    %dma_wait3A_1830 = tpu.memref_squeeze %dma_wait3A_1829 : memref<1x32xi32, #tpu.memory_space<vmem>> -> memref<32xi32, #tpu.memory_space<vmem>>
    %dma_wait3A_1831 = arith.constant 0 : i32
    %dma_wait3A_1832 = arith.constant 0 : i32
    %dma_wait3A_1833 = tpu.memref_slice %arg3[%dma_wait3A_1831, %dma_wait3A_1832] : memref<100000x128xf32, #tpu.memory_space<hbm>> -> memref<100000x128xf32, #tpu.memory_space<hbm>>
    tpu.wait_indirect_dma semaphore(%arg8 : memref<!tpu.dma_semaphore, #tpu.memory_space<semaphore_mem>>) src(%dma_wait3A_1833 : memref<100000x128xf32, #tpu.memory_space<hbm>>) dst(%dma_wait3A_1827 : memref<32x128xf32, #tpu.memory_space<vmem>>)
    %add3A_1834 = arith.constant 480 : i32
    %add3A_1835 = arith.addi %mul3A_2, %add3A_1834 : i32
    %dma_start3A_1836 = arith.constant 480 : i32
    %dma_start3A_1837 = arith.constant 0 : i32
    %dma_start3A_1838 = tpu.memref_slice %arg7[%dma_start3A_1836, %dma_start3A_1837] : memref<512x128xf32, #tpu.memory_space<vmem>> -> memref<32x128xf32, #tpu.memory_space<vmem>>
    %dma_start3A_1839 = arith.constant 0 : i32
    %dma_start3A_1840 = tpu.memref_slice %arg4[%add3A_1835, %dma_start3A_1839] : memref<16384x128xf32, #tpu.memory_space<hbm>> -> memref<32x128xf32, #tpu.memory_space<hbm>>
    %dma_start3A_1841 = arith.constant 0 : i32
    %dma_start3A_1842 = tpu.memref_slice %arg4[%add3A_1835, %dma_start3A_1841] : memref<16384x128xf32, #tpu.memory_space<hbm>> -> memref<32x128xf32, #tpu.memory_space<hbm>>
    %dma_start3A_1843 = arith.constant 480 : i32
    %dma_start3A_1844 = arith.constant 0 : i32
    %dma_start3A_1845 = tpu.memref_slice %arg7[%dma_start3A_1843, %dma_start3A_1844] : memref<512x128xf32, #tpu.memory_space<vmem>> -> memref<32x128xf32, #tpu.memory_space<vmem>>
    tpu.enqueue_dma source(%dma_start3A_1845 : memref<32x128xf32, #tpu.memory_space<vmem>>) target(%dma_start3A_1842 : memref<32x128xf32, #tpu.memory_space<hbm>>) target_semaphore(%arg9 : memref<!tpu.dma_semaphore, #tpu.memory_space<semaphore_mem>>)
    %dma_wait3A_1846 = arith.constant 0 : i32
    %dma_wait3A_1847 = arith.constant 0 : i32
    %dma_wait3A_1848 = tpu.memref_slice %arg7[%dma_wait3A_1846, %dma_wait3A_1847] : memref<512x128xf32, #tpu.memory_space<vmem>> -> memref<32x128xf32, #tpu.memory_space<vmem>>
    %dma_wait3A_1849 = arith.constant 0 : i32
    %dma_wait3A_1850 = tpu.memref_slice %arg4[%add3A_1505, %dma_wait3A_1849] : memref<16384x128xf32, #tpu.memory_space<hbm>> -> memref<32x128xf32, #tpu.memory_space<hbm>>
    %dma_wait3A_1851 = arith.constant 0 : i32
    %dma_wait3A_1852 = tpu.memref_slice %arg4[%add3A_1505, %dma_wait3A_1851] : memref<16384x128xf32, #tpu.memory_space<hbm>> -> memref<32x128xf32, #tpu.memory_space<hbm>>
    %dma_wait3A_1853 = arith.constant 0 : i32
    %dma_wait3A_1854 = arith.constant 0 : i32
    %dma_wait3A_1855 = tpu.memref_slice %arg7[%dma_wait3A_1853, %dma_wait3A_1854] : memref<512x128xf32, #tpu.memory_space<vmem>> -> memref<32x128xf32, #tpu.memory_space<vmem>>
    tpu.wait_dma2 semaphore(%arg9 : memref<!tpu.dma_semaphore, #tpu.memory_space<semaphore_mem>>) src(%dma_wait3A_1855 : memref<32x128xf32, #tpu.memory_space<vmem>>) dst(%dma_wait3A_1852 : memref<32x128xf32, #tpu.memory_space<hbm>>)
    %dma_wait3A_1856 = arith.constant 32 : i32
    %dma_wait3A_1857 = arith.constant 0 : i32
    %dma_wait3A_1858 = tpu.memref_slice %arg7[%dma_wait3A_1856, %dma_wait3A_1857] : memref<512x128xf32, #tpu.memory_space<vmem>> -> memref<32x128xf32, #tpu.memory_space<vmem>>
    %dma_wait3A_1859 = arith.constant 0 : i32
    %dma_wait3A_1860 = tpu.memref_slice %arg4[%add3A_1527, %dma_wait3A_1859] : memref<16384x128xf32, #tpu.memory_space<hbm>> -> memref<32x128xf32, #tpu.memory_space<hbm>>
    %dma_wait3A_1861 = arith.constant 0 : i32
    %dma_wait3A_1862 = tpu.memref_slice %arg4[%add3A_1527, %dma_wait3A_1861] : memref<16384x128xf32, #tpu.memory_space<hbm>> -> memref<32x128xf32, #tpu.memory_space<hbm>>
    %dma_wait3A_1863 = arith.constant 32 : i32
    %dma_wait3A_1864 = arith.constant 0 : i32
    %dma_wait3A_1865 = tpu.memref_slice %arg7[%dma_wait3A_1863, %dma_wait3A_1864] : memref<512x128xf32, #tpu.memory_space<vmem>> -> memref<32x128xf32, #tpu.memory_space<vmem>>
    tpu.wait_dma2 semaphore(%arg9 : memref<!tpu.dma_semaphore, #tpu.memory_space<semaphore_mem>>) src(%dma_wait3A_1865 : memref<32x128xf32, #tpu.memory_space<vmem>>) dst(%dma_wait3A_1862 : memref<32x128xf32, #tpu.memory_space<hbm>>)
    %dma_wait3A_1866 = arith.constant 64 : i32
    %dma_wait3A_1867 = arith.constant 0 : i32
    %dma_wait3A_1868 = tpu.memref_slice %arg7[%dma_wait3A_1866, %dma_wait3A_1867] : memref<512x128xf32, #tpu.memory_space<vmem>> -> memref<32x128xf32, #tpu.memory_space<vmem>>
    %dma_wait3A_1869 = arith.constant 0 : i32
    %dma_wait3A_1870 = tpu.memref_slice %arg4[%add3A_1549, %dma_wait3A_1869] : memref<16384x128xf32, #tpu.memory_space<hbm>> -> memref<32x128xf32, #tpu.memory_space<hbm>>
    %dma_wait3A_1871 = arith.constant 0 : i32
    %dma_wait3A_1872 = tpu.memref_slice %arg4[%add3A_1549, %dma_wait3A_1871] : memref<16384x128xf32, #tpu.memory_space<hbm>> -> memref<32x128xf32, #tpu.memory_space<hbm>>
    %dma_wait3A_1873 = arith.constant 64 : i32
    %dma_wait3A_1874 = arith.constant 0 : i32
    %dma_wait3A_1875 = tpu.memref_slice %arg7[%dma_wait3A_1873, %dma_wait3A_1874] : memref<512x128xf32, #tpu.memory_space<vmem>> -> memref<32x128xf32, #tpu.memory_space<vmem>>
    tpu.wait_dma2 semaphore(%arg9 : memref<!tpu.dma_semaphore, #tpu.memory_space<semaphore_mem>>) src(%dma_wait3A_1875 : memref<32x128xf32, #tpu.memory_space<vmem>>) dst(%dma_wait3A_1872 : memref<32x128xf32, #tpu.memory_space<hbm>>)
    %dma_wait3A_1876 = arith.constant 96 : i32
    %dma_wait3A_1877 = arith.constant 0 : i32
    %dma_wait3A_1878 = tpu.memref_slice %arg7[%dma_wait3A_1876, %dma_wait3A_1877] : memref<512x128xf32, #tpu.memory_space<vmem>> -> memref<32x128xf32, #tpu.memory_space<vmem>>
    %dma_wait3A_1879 = arith.constant 0 : i32
    %dma_wait3A_1880 = tpu.memref_slice %arg4[%add3A_1571, %dma_wait3A_1879] : memref<16384x128xf32, #tpu.memory_space<hbm>> -> memref<32x128xf32, #tpu.memory_space<hbm>>
    %dma_wait3A_1881 = arith.constant 0 : i32
    %dma_wait3A_1882 = tpu.memref_slice %arg4[%add3A_1571, %dma_wait3A_1881] : memref<16384x128xf32, #tpu.memory_space<hbm>> -> memref<32x128xf32, #tpu.memory_space<hbm>>
    %dma_wait3A_1883 = arith.constant 96 : i32
    %dma_wait3A_1884 = arith.constant 0 : i32
    %dma_wait3A_1885 = tpu.memref_slice %arg7[%dma_wait3A_1883, %dma_wait3A_1884] : memref<512x128xf32, #tpu.memory_space<vmem>> -> memref<32x128xf32, #tpu.memory_space<vmem>>
    tpu.wait_dma2 semaphore(%arg9 : memref<!tpu.dma_semaphore, #tpu.memory_space<semaphore_mem>>) src(%dma_wait3A_1885 : memref<32x128xf32, #tpu.memory_space<vmem>>) dst(%dma_wait3A_1882 : memref<32x128xf32, #tpu.memory_space<hbm>>)
    %dma_wait3A_1886 = arith.constant 128 : i32
    %dma_wait3A_1887 = arith.constant 0 : i32
    %dma_wait3A_1888 = tpu.memref_slice %arg7[%dma_wait3A_1886, %dma_wait3A_1887] : memref<512x128xf32, #tpu.memory_space<vmem>> -> memref<32x128xf32, #tpu.memory_space<vmem>>
    %dma_wait3A_1889 = arith.constant 0 : i32
    %dma_wait3A_1890 = tpu.memref_slice %arg4[%add3A_1593, %dma_wait3A_1889] : memref<16384x128xf32, #tpu.memory_space<hbm>> -> memref<32x128xf32, #tpu.memory_space<hbm>>
    %dma_wait3A_1891 = arith.constant 0 : i32
    %dma_wait3A_1892 = tpu.memref_slice %arg4[%add3A_1593, %dma_wait3A_1891] : memref<16384x128xf32, #tpu.memory_space<hbm>> -> memref<32x128xf32, #tpu.memory_space<hbm>>
    %dma_wait3A_1893 = arith.constant 128 : i32
    %dma_wait3A_1894 = arith.constant 0 : i32
    %dma_wait3A_1895 = tpu.memref_slice %arg7[%dma_wait3A_1893, %dma_wait3A_1894] : memref<512x128xf32, #tpu.memory_space<vmem>> -> memref<32x128xf32, #tpu.memory_space<vmem>>
    tpu.wait_dma2 semaphore(%arg9 : memref<!tpu.dma_semaphore, #tpu.memory_space<semaphore_mem>>) src(%dma_wait3A_1895 : memref<32x128xf32, #tpu.memory_space<vmem>>) dst(%dma_wait3A_1892 : memref<32x128xf32, #tpu.memory_space<hbm>>)
    %dma_wait3A_1896 = arith.constant 160 : i32
    %dma_wait3A_1897 = arith.constant 0 : i32
    %dma_wait3A_1898 = tpu.memref_slice %arg7[%dma_wait3A_1896, %dma_wait3A_1897] : memref<512x128xf32, #tpu.memory_space<vmem>> -> memref<32x128xf32, #tpu.memory_space<vmem>>
    %dma_wait3A_1899 = arith.constant 0 : i32
    %dma_wait3A_1900 = tpu.memref_slice %arg4[%add3A_1615, %dma_wait3A_1899] : memref<16384x128xf32, #tpu.memory_space<hbm>> -> memref<32x128xf32, #tpu.memory_space<hbm>>
    %dma_wait3A_1901 = arith.constant 0 : i32
    %dma_wait3A_1902 = tpu.memref_slice %arg4[%add3A_1615, %dma_wait3A_1901] : memref<16384x128xf32, #tpu.memory_space<hbm>> -> memref<32x128xf32, #tpu.memory_space<hbm>>
    %dma_wait3A_1903 = arith.constant 160 : i32
    %dma_wait3A_1904 = arith.constant 0 : i32
    %dma_wait3A_1905 = tpu.memref_slice %arg7[%dma_wait3A_1903, %dma_wait3A_1904] : memref<512x128xf32, #tpu.memory_space<vmem>> -> memref<32x128xf32, #tpu.memory_space<vmem>>
    tpu.wait_dma2 semaphore(%arg9 : memref<!tpu.dma_semaphore, #tpu.memory_space<semaphore_mem>>) src(%dma_wait3A_1905 : memref<32x128xf32, #tpu.memory_space<vmem>>) dst(%dma_wait3A_1902 : memref<32x128xf32, #tpu.memory_space<hbm>>)
    %dma_wait3A_1906 = arith.constant 192 : i32
    %dma_wait3A_1907 = arith.constant 0 : i32
    %dma_wait3A_1908 = tpu.memref_slice %arg7[%dma_wait3A_1906, %dma_wait3A_1907] : memref<512x128xf32, #tpu.memory_space<vmem>> -> memref<32x128xf32, #tpu.memory_space<vmem>>
    %dma_wait3A_1909 = arith.constant 0 : i32
    %dma_wait3A_1910 = tpu.memref_slice %arg4[%add3A_1637, %dma_wait3A_1909] : memref<16384x128xf32, #tpu.memory_space<hbm>> -> memref<32x128xf32, #tpu.memory_space<hbm>>
    %dma_wait3A_1911 = arith.constant 0 : i32
    %dma_wait3A_1912 = tpu.memref_slice %arg4[%add3A_1637, %dma_wait3A_1911] : memref<16384x128xf32, #tpu.memory_space<hbm>> -> memref<32x128xf32, #tpu.memory_space<hbm>>
    %dma_wait3A_1913 = arith.constant 192 : i32
    %dma_wait3A_1914 = arith.constant 0 : i32
    %dma_wait3A_1915 = tpu.memref_slice %arg7[%dma_wait3A_1913, %dma_wait3A_1914] : memref<512x128xf32, #tpu.memory_space<vmem>> -> memref<32x128xf32, #tpu.memory_space<vmem>>
    tpu.wait_dma2 semaphore(%arg9 : memref<!tpu.dma_semaphore, #tpu.memory_space<semaphore_mem>>) src(%dma_wait3A_1915 : memref<32x128xf32, #tpu.memory_space<vmem>>) dst(%dma_wait3A_1912 : memref<32x128xf32, #tpu.memory_space<hbm>>)
    %dma_wait3A_1916 = arith.constant 224 : i32
    %dma_wait3A_1917 = arith.constant 0 : i32
    %dma_wait3A_1918 = tpu.memref_slice %arg7[%dma_wait3A_1916, %dma_wait3A_1917] : memref<512x128xf32, #tpu.memory_space<vmem>> -> memref<32x128xf32, #tpu.memory_space<vmem>>
    %dma_wait3A_1919 = arith.constant 0 : i32
    %dma_wait3A_1920 = tpu.memref_slice %arg4[%add3A_1659, %dma_wait3A_1919] : memref<16384x128xf32, #tpu.memory_space<hbm>> -> memref<32x128xf32, #tpu.memory_space<hbm>>
    %dma_wait3A_1921 = arith.constant 0 : i32
    %dma_wait3A_1922 = tpu.memref_slice %arg4[%add3A_1659, %dma_wait3A_1921] : memref<16384x128xf32, #tpu.memory_space<hbm>> -> memref<32x128xf32, #tpu.memory_space<hbm>>
    %dma_wait3A_1923 = arith.constant 224 : i32
    %dma_wait3A_1924 = arith.constant 0 : i32
    %dma_wait3A_1925 = tpu.memref_slice %arg7[%dma_wait3A_1923, %dma_wait3A_1924] : memref<512x128xf32, #tpu.memory_space<vmem>> -> memref<32x128xf32, #tpu.memory_space<vmem>>
    tpu.wait_dma2 semaphore(%arg9 : memref<!tpu.dma_semaphore, #tpu.memory_space<semaphore_mem>>) src(%dma_wait3A_1925 : memref<32x128xf32, #tpu.memory_space<vmem>>) dst(%dma_wait3A_1922 : memref<32x128xf32, #tpu.memory_space<hbm>>)
    %dma_wait3A_1926 = arith.constant 256 : i32
    %dma_wait3A_1927 = arith.constant 0 : i32
    %dma_wait3A_1928 = tpu.memref_slice %arg7[%dma_wait3A_1926, %dma_wait3A_1927] : memref<512x128xf32, #tpu.memory_space<vmem>> -> memref<32x128xf32, #tpu.memory_space<vmem>>
    %dma_wait3A_1929 = arith.constant 0 : i32
    %dma_wait3A_1930 = tpu.memref_slice %arg4[%add3A_1681, %dma_wait3A_1929] : memref<16384x128xf32, #tpu.memory_space<hbm>> -> memref<32x128xf32, #tpu.memory_space<hbm>>
    %dma_wait3A_1931 = arith.constant 0 : i32
    %dma_wait3A_1932 = tpu.memref_slice %arg4[%add3A_1681, %dma_wait3A_1931] : memref<16384x128xf32, #tpu.memory_space<hbm>> -> memref<32x128xf32, #tpu.memory_space<hbm>>
    %dma_wait3A_1933 = arith.constant 256 : i32
    %dma_wait3A_1934 = arith.constant 0 : i32
    %dma_wait3A_1935 = tpu.memref_slice %arg7[%dma_wait3A_1933, %dma_wait3A_1934] : memref<512x128xf32, #tpu.memory_space<vmem>> -> memref<32x128xf32, #tpu.memory_space<vmem>>
    tpu.wait_dma2 semaphore(%arg9 : memref<!tpu.dma_semaphore, #tpu.memory_space<semaphore_mem>>) src(%dma_wait3A_1935 : memref<32x128xf32, #tpu.memory_space<vmem>>) dst(%dma_wait3A_1932 : memref<32x128xf32, #tpu.memory_space<hbm>>)
    %dma_wait3A_1936 = arith.constant 288 : i32
    %dma_wait3A_1937 = arith.constant 0 : i32
    %dma_wait3A_1938 = tpu.memref_slice %arg7[%dma_wait3A_1936, %dma_wait3A_1937] : memref<512x128xf32, #tpu.memory_space<vmem>> -> memref<32x128xf32, #tpu.memory_space<vmem>>
    %dma_wait3A_1939 = arith.constant 0 : i32
    %dma_wait3A_1940 = tpu.memref_slice %arg4[%add3A_1703, %dma_wait3A_1939] : memref<16384x128xf32, #tpu.memory_space<hbm>> -> memref<32x128xf32, #tpu.memory_space<hbm>>
    %dma_wait3A_1941 = arith.constant 0 : i32
    %dma_wait3A_1942 = tpu.memref_slice %arg4[%add3A_1703, %dma_wait3A_1941] : memref<16384x128xf32, #tpu.memory_space<hbm>> -> memref<32x128xf32, #tpu.memory_space<hbm>>
    %dma_wait3A_1943 = arith.constant 288 : i32
    %dma_wait3A_1944 = arith.constant 0 : i32
    %dma_wait3A_1945 = tpu.memref_slice %arg7[%dma_wait3A_1943, %dma_wait3A_1944] : memref<512x128xf32, #tpu.memory_space<vmem>> -> memref<32x128xf32, #tpu.memory_space<vmem>>
    tpu.wait_dma2 semaphore(%arg9 : memref<!tpu.dma_semaphore, #tpu.memory_space<semaphore_mem>>) src(%dma_wait3A_1945 : memref<32x128xf32, #tpu.memory_space<vmem>>) dst(%dma_wait3A_1942 : memref<32x128xf32, #tpu.memory_space<hbm>>)
    %dma_wait3A_1946 = arith.constant 320 : i32
    %dma_wait3A_1947 = arith.constant 0 : i32
    %dma_wait3A_1948 = tpu.memref_slice %arg7[%dma_wait3A_1946, %dma_wait3A_1947] : memref<512x128xf32, #tpu.memory_space<vmem>> -> memref<32x128xf32, #tpu.memory_space<vmem>>
    %dma_wait3A_1949 = arith.constant 0 : i32
    %dma_wait3A_1950 = tpu.memref_slice %arg4[%add3A_1725, %dma_wait3A_1949] : memref<16384x128xf32, #tpu.memory_space<hbm>> -> memref<32x128xf32, #tpu.memory_space<hbm>>
    %dma_wait3A_1951 = arith.constant 0 : i32
    %dma_wait3A_1952 = tpu.memref_slice %arg4[%add3A_1725, %dma_wait3A_1951] : memref<16384x128xf32, #tpu.memory_space<hbm>> -> memref<32x128xf32, #tpu.memory_space<hbm>>
    %dma_wait3A_1953 = arith.constant 320 : i32
    %dma_wait3A_1954 = arith.constant 0 : i32
    %dma_wait3A_1955 = tpu.memref_slice %arg7[%dma_wait3A_1953, %dma_wait3A_1954] : memref<512x128xf32, #tpu.memory_space<vmem>> -> memref<32x128xf32, #tpu.memory_space<vmem>>
    tpu.wait_dma2 semaphore(%arg9 : memref<!tpu.dma_semaphore, #tpu.memory_space<semaphore_mem>>) src(%dma_wait3A_1955 : memref<32x128xf32, #tpu.memory_space<vmem>>) dst(%dma_wait3A_1952 : memref<32x128xf32, #tpu.memory_space<hbm>>)
    %dma_wait3A_1956 = arith.constant 352 : i32
    %dma_wait3A_1957 = arith.constant 0 : i32
    %dma_wait3A_1958 = tpu.memref_slice %arg7[%dma_wait3A_1956, %dma_wait3A_1957] : memref<512x128xf32, #tpu.memory_space<vmem>> -> memref<32x128xf32, #tpu.memory_space<vmem>>
    %dma_wait3A_1959 = arith.constant 0 : i32
    %dma_wait3A_1960 = tpu.memref_slice %arg4[%add3A_1747, %dma_wait3A_1959] : memref<16384x128xf32, #tpu.memory_space<hbm>> -> memref<32x128xf32, #tpu.memory_space<hbm>>
    %dma_wait3A_1961 = arith.constant 0 : i32
    %dma_wait3A_1962 = tpu.memref_slice %arg4[%add3A_1747, %dma_wait3A_1961] : memref<16384x128xf32, #tpu.memory_space<hbm>> -> memref<32x128xf32, #tpu.memory_space<hbm>>
    %dma_wait3A_1963 = arith.constant 352 : i32
    %dma_wait3A_1964 = arith.constant 0 : i32
    %dma_wait3A_1965 = tpu.memref_slice %arg7[%dma_wait3A_1963, %dma_wait3A_1964] : memref<512x128xf32, #tpu.memory_space<vmem>> -> memref<32x128xf32, #tpu.memory_space<vmem>>
    tpu.wait_dma2 semaphore(%arg9 : memref<!tpu.dma_semaphore, #tpu.memory_space<semaphore_mem>>) src(%dma_wait3A_1965 : memref<32x128xf32, #tpu.memory_space<vmem>>) dst(%dma_wait3A_1962 : memref<32x128xf32, #tpu.memory_space<hbm>>)
    %dma_wait3A_1966 = arith.constant 384 : i32
    %dma_wait3A_1967 = arith.constant 0 : i32
    %dma_wait3A_1968 = tpu.memref_slice %arg7[%dma_wait3A_1966, %dma_wait3A_1967] : memref<512x128xf32, #tpu.memory_space<vmem>> -> memref<32x128xf32, #tpu.memory_space<vmem>>
    %dma_wait3A_1969 = arith.constant 0 : i32
    %dma_wait3A_1970 = tpu.memref_slice %arg4[%add3A_1769, %dma_wait3A_1969] : memref<16384x128xf32, #tpu.memory_space<hbm>> -> memref<32x128xf32, #tpu.memory_space<hbm>>
    %dma_wait3A_1971 = arith.constant 0 : i32
    %dma_wait3A_1972 = tpu.memref_slice %arg4[%add3A_1769, %dma_wait3A_1971] : memref<16384x128xf32, #tpu.memory_space<hbm>> -> memref<32x128xf32, #tpu.memory_space<hbm>>
    %dma_wait3A_1973 = arith.constant 384 : i32
    %dma_wait3A_1974 = arith.constant 0 : i32
    %dma_wait3A_1975 = tpu.memref_slice %arg7[%dma_wait3A_1973, %dma_wait3A_1974] : memref<512x128xf32, #tpu.memory_space<vmem>> -> memref<32x128xf32, #tpu.memory_space<vmem>>
    tpu.wait_dma2 semaphore(%arg9 : memref<!tpu.dma_semaphore, #tpu.memory_space<semaphore_mem>>) src(%dma_wait3A_1975 : memref<32x128xf32, #tpu.memory_space<vmem>>) dst(%dma_wait3A_1972 : memref<32x128xf32, #tpu.memory_space<hbm>>)
    %dma_wait3A_1976 = arith.constant 416 : i32
    %dma_wait3A_1977 = arith.constant 0 : i32
    %dma_wait3A_1978 = tpu.memref_slice %arg7[%dma_wait3A_1976, %dma_wait3A_1977] : memref<512x128xf32, #tpu.memory_space<vmem>> -> memref<32x128xf32, #tpu.memory_space<vmem>>
    %dma_wait3A_1979 = arith.constant 0 : i32
    %dma_wait3A_1980 = tpu.memref_slice %arg4[%add3A_1791, %dma_wait3A_1979] : memref<16384x128xf32, #tpu.memory_space<hbm>> -> memref<32x128xf32, #tpu.memory_space<hbm>>
    %dma_wait3A_1981 = arith.constant 0 : i32
    %dma_wait3A_1982 = tpu.memref_slice %arg4[%add3A_1791, %dma_wait3A_1981] : memref<16384x128xf32, #tpu.memory_space<hbm>> -> memref<32x128xf32, #tpu.memory_space<hbm>>
    %dma_wait3A_1983 = arith.constant 416 : i32
    %dma_wait3A_1984 = arith.constant 0 : i32
    %dma_wait3A_1985 = tpu.memref_slice %arg7[%dma_wait3A_1983, %dma_wait3A_1984] : memref<512x128xf32, #tpu.memory_space<vmem>> -> memref<32x128xf32, #tpu.memory_space<vmem>>
    tpu.wait_dma2 semaphore(%arg9 : memref<!tpu.dma_semaphore, #tpu.memory_space<semaphore_mem>>) src(%dma_wait3A_1985 : memref<32x128xf32, #tpu.memory_space<vmem>>) dst(%dma_wait3A_1982 : memref<32x128xf32, #tpu.memory_space<hbm>>)
    %dma_wait3A_1986 = arith.constant 448 : i32
    %dma_wait3A_1987 = arith.constant 0 : i32
    %dma_wait3A_1988 = tpu.memref_slice %arg7[%dma_wait3A_1986, %dma_wait3A_1987] : memref<512x128xf32, #tpu.memory_space<vmem>> -> memref<32x128xf32, #tpu.memory_space<vmem>>
    %dma_wait3A_1989 = arith.constant 0 : i32
    %dma_wait3A_1990 = tpu.memref_slice %arg4[%add3A_1813, %dma_wait3A_1989] : memref<16384x128xf32, #tpu.memory_space<hbm>> -> memref<32x128xf32, #tpu.memory_space<hbm>>
    %dma_wait3A_1991 = arith.constant 0 : i32
    %dma_wait3A_1992 = tpu.memref_slice %arg4[%add3A_1813, %dma_wait3A_1991] : memref<16384x128xf32, #tpu.memory_space<hbm>> -> memref<32x128xf32, #tpu.memory_space<hbm>>
    %dma_wait3A_1993 = arith.constant 448 : i32
    %dma_wait3A_1994 = arith.constant 0 : i32
    %dma_wait3A_1995 = tpu.memref_slice %arg7[%dma_wait3A_1993, %dma_wait3A_1994] : memref<512x128xf32, #tpu.memory_space<vmem>> -> memref<32x128xf32, #tpu.memory_space<vmem>>
    tpu.wait_dma2 semaphore(%arg9 : memref<!tpu.dma_semaphore, #tpu.memory_space<semaphore_mem>>) src(%dma_wait3A_1995 : memref<32x128xf32, #tpu.memory_space<vmem>>) dst(%dma_wait3A_1992 : memref<32x128xf32, #tpu.memory_space<hbm>>)
    %dma_wait3A_1996 = arith.constant 480 : i32
    %dma_wait3A_1997 = arith.constant 0 : i32
    %dma_wait3A_1998 = tpu.memref_slice %arg7[%dma_wait3A_1996, %dma_wait3A_1997] : memref<512x128xf32, #tpu.memory_space<vmem>> -> memref<32x128xf32, #tpu.memory_space<vmem>>
    %dma_wait3A_1999 = arith.constant 0 : i32
    %dma_wait3A_2000 = tpu.memref_slice %arg4[%add3A_1835, %dma_wait3A_1999] : memref<16384x128xf32, #tpu.memory_space<hbm>> -> memref<32x128xf32, #tpu.memory_space<hbm>>
    %dma_wait3A_2001 = arith.constant 0 : i32
    %dma_wait3A_2002 = tpu.memref_slice %arg4[%add3A_1835, %dma_wait3A_2001] : memref<16384x128xf32, #tpu.memory_space<hbm>> -> memref<32x128xf32, #tpu.memory_space<hbm>>
    %dma_wait3A_2003 = arith.constant 480 : i32
    %dma_wait3A_2004 = arith.constant 0 : i32
    %dma_wait3A_2005 = tpu.memref_slice %arg7[%dma_wait3A_2003, %dma_wait3A_2004] : memref<512x128xf32, #tpu.memory_space<vmem>> -> memref<32x128xf32, #tpu.memory_space<vmem>>
    tpu.wait_dma2 semaphore(%arg9 : memref<!tpu.dma_semaphore, #tpu.memory_space<semaphore_mem>>) src(%dma_wait3A_2005 : memref<32x128xf32, #tpu.memory_space<vmem>>) dst(%dma_wait3A_2002 : memref<32x128xf32, #tpu.memory_space<hbm>>)
    return
  }
}

module attributes {stable_mosaic.version = 14 : i64} {
  func.func @mm(%arg0: i32, %arg1: memref<1xf32, #tpu.memory_space<smem>>, %arg2: memref<1024x128xf32, #tpu.memory_space<vmem>>, %arg3: memref<2048x128xf32, #tpu.memory_space<vmem>>, %arg4: memref<1024x2048xf32, #tpu.memory_space<vmem>>) attributes {dimension_semantics = [#tpu.dimension_semantics<arbitrary>], iteration_bounds = array<i64: 16>, scalar_prefetch = 0 : i64, scratch_operands = 0 : i64, tpu.core_type = #tpu.core_type<tc>, window_params = [{transform_indices = @transform_0, window_bounds = array<i64: 1>}, {transform_indices = @transform_1, window_bounds = array<i64: 1024, 128>}, {pipeline_mode = #tpu.pipeline_mode<synchronous>, transform_indices = @transform_2, window_bounds = array<i64: 2048, 128>}, {transform_indices = @transform_3, window_bounds = array<i64: 1024, 2048>}]} {
    %get3A = arith.constant 0 : index
    %get3A_0 = arith.constant 0 : index
    %get3A_1 = vector.load %arg2[%get3A, %get3A_0] : memref<1024x128xf32, #tpu.memory_space<vmem>>, vector<1024x128xf32>
    %convert_element_type3A = arith.truncf %get3A_1 : vector<1024x128xf32> to vector<1024x128xbf16>
    %get3A_2 = arith.constant 0 : index
    %get3A_3 = arith.constant 0 : index
    %get3A_4 = vector.load %arg3[%get3A_2, %get3A_3] : memref<2048x128xf32, #tpu.memory_space<vmem>>, vector<2048x128xf32>
    %convert_element_type3A_5 = arith.truncf %get3A_4 : vector<2048x128xf32> to vector<2048x128xbf16>
    %dot_general3A = arith.constant dense<0.000000e+00> : vector<1024x2048xf32>
    %dot_general3A_6 = tpu.matmul %convert_element_type3A, %convert_element_type3A_5, %dot_general3A {dimension_numbers = #tpu.dot_dimension_numbers<[1], [1], [0], [0], [0, 0, 1, 0], [], []>, transpose_lhs_hint = false} : vector<1024x128xbf16>, vector<2048x128xbf16>, vector<1024x2048xf32> -> vector<1024x2048xf32>
    %get3A_7 = arith.constant 0 : index
    %get3A_8 = memref.load %arg1[%get3A_7] : memref<1xf32, #tpu.memory_space<smem>>
    %mul3A = vector.broadcast %get3A_8 : f32 to vector<1024x2048xf32>
    %mul3A_9 = arith.mulf %dot_general3A_6, %mul3A : vector<1024x2048xf32>
    %swap3A = arith.constant 0 : index
    %swap3A_10 = arith.constant 0 : index
    %swap3A_11 = vector.load %arg4[%swap3A, %swap3A_10] : memref<1024x2048xf32, #tpu.memory_space<vmem>>, vector<1024x2048xf32>
    tpu.vector_store %arg4[%swap3A, %swap3A_10], %mul3A_9 {strides = array<i32>} : memref<1024x2048xf32, #tpu.memory_space<vmem>>, vector<1024x2048xf32>,
    return
  }
  func.func @transform_0(%arg0: i32) -> i32 {
    %c0_i32 = arith.constant 0 : i32
    %c0_i32_0 = arith.constant 0 : i32
    return %c0_i32 : i32
  }
  func.func @transform_1(%arg0: i32) -> (i32, i32) {
    %c0_i32 = arith.constant 0 : i32
    %c0_i32_0 = arith.constant 0 : i32
    return %arg0, %c0_i32 : i32, i32
  }
  func.func @transform_2(%arg0: i32) -> (i32, i32) {
    %c0_i32 = arith.constant 0 : i32
    %c0_i32_0 = arith.constant 0 : i32
    %c0_i32_1 = arith.constant 0 : i32
    return %c0_i32, %c0_i32_0 : i32, i32
  }
  func.func @transform_3(%arg0: i32) -> (i32, i32) {
    %c0_i32 = arith.constant 0 : i32
    %c0_i32_0 = arith.constant 0 : i32
    return %arg0, %c0_i32 : i32, i32
  }
}

</mosaic_0001>

<sc_bundles>
// kernel: kernel.4.cloned.1.call-start
scs
__scs_entry_jumppad:
0x0: {  	(pc) =	sbr.rel $0x88, $3  }
0x1: {  	(tag) =	ssettag $0x0;
	lr =	simm.s32 $0x1  }
0x2: {  	[smem:$0x3F9D] =	sst lr;
	_ =	strace $0xD0000000  }
0x3: {  	_ = 	snop  }
0x4: {  	_ = 	snop  }
0x5: {  	_ = 	snop  }
0x6: {  	_ = 	snop  }
0x7: {  	_ = 	snop  }
__scs_overlays_trampoline_lowered:
0x8: {  	[smem:$0x3FAC] =	sst s0  }
0x9: {  	[smem:$0x3FAD] =	sst s1  }
0xa: {  	[smem:$0x3FAE] =	sst s2  }
0xb: {  	[smem:$0x3FAF] =	sst s3  }
0xc: {  	[smem:$0x3FB0] =	sst s4  }
0xd: {  	[smem:$0x3FB1] =	sst s5  }
0xe: {  	[smem:$0x3FB2] =	sst s6  }
0xf: {  	[smem:$0x3FB3] =	sst s7  }
0x10: {  	[smem:$0x3FB4] =	sst s8  }
0x11: {  	[smem:$0x3FB5] =	sst s9;
	s0 =	simm.s32 @!p0 $0x0  }
0x12: {  	s1 =	sld [smem:$0x3F9B];
	s0 =	simm.s32 @p0 $0x1  }
0x13: {  	[smem:$0x3FB6] =	sst s0;
	s0 =	simm.s32 @!p1 $0x0  }
0x14: {  	s2 =	sld [smem:$0x3F9A];
	s0 =	simm.s32 @p1 $0x1  }
0x15: {  	[smem:$0x3FB7] =	sst s0;
	s0 =	simm.s32 @!p2 $0x0  }
0x16: {  	s3 =	sld [smem:$0x3FDB];
	s0 =	simm.s32 @p2 $0x1  }
0x17: {  	s4 =	simm.s32 $0x1BF5;
	[smem:$0x3FB9] =	sst s0  }
0x18: {  	s0 =	sld [smem:$0x3F9C];
	_ =	swait.ge [sflag:s4], $0x0  }
0x19: {  	s7 =	sld [smem:$0x3F9D]  }
0x1a: {  	s8 =	sadd.s32 $0xFFFFE003, lr  }
0x1b: {  	s9 =	sadd.s32 $0xFFFFFEF7, lr;
	s5 =	simm.s32 $0xFFFFFFFF;
	p2 =	slt.u32 s8, $0xFFFFF086  }
0x1c: {  	p1 =	slt.u32 s9, $0xF7A;
	s5 =	simm.s32 @!p2 $0x0  }
0x1d: {  	s5 =	simm.s32 @p1 $0x1;
	p0 =	seq.s32 s7, s2  }
0x1e: {  	s7 =	smul.u32 @!p0 $0xF7A, s2;
	p2 =	seq.s32 @!p0 s5, $0x0  }
0x1f: {  	s9 =	smul.u32 $0xF7A, s1;
	s8 =	simm.s32 @!p0 $0x1BF5;
	p2 =	por !p2, p0  }
0x20: {  	[sflag:s8] =	ssyncset.s32 @!p0 $0xFFFFF086;
	s6 =	sadd.s32 @!p0 s3, s7;
	s7 =	simm.s32 @!p0 $0x108  }
0x21: {  	s3 =	sadd.s32 s3, s9;
	s6 =	sadd.s32 @!p0 $0x88, s6;
	s7 =	simm.s32 @p2 $0x1082  }
0x22: {  	[simem:s7], [sflag:s8] =	dma.local @!p0 [hbm:s6], $0xF7A  }
0x23: {  	s9 =	sor.u32 $0xD0000000, s2;
	s6 =	simm.s32 $0x108;
	_ =	swait.ge @!p0 [sflag:s8], $0x0  }
0x24: {  	s3 =	sadd.s32 $0x88, s3;
	s6 =	simm.s32 @!p1 $0x1082;
	[sflag:s4] =	ssyncset.s32 $0xFFFFF086  }
0x25: {  	[simem:s6], [sflag:s4] =	dma.local [hbm:s3], $0xF7A  }
0x26: {  	[smem:$0x3F9D] =	sst s1;
	(tag) =	ssettag s2;
	_ =	strace s9  }
0x27: {  	s1 =	sld [smem:$0x3FAD]  }
0x28: {  	s2 =	sld [smem:$0x3FAE]  }
0x29: {  	s4 =	sld [smem:$0x3FB0]  }
0x2a: {  	p0 =	seq.s32 s5, $0x0;
	s5 =	sld [smem:$0x3FB1]  }
0x2b: {  	s6 =	sld [smem:$0x3FB2]  }
0x2c: {  	s7 =	sld [smem:$0x3FB3]  }
0x2d: {  	s3 =	simm.s32 $0x108;
	s8 =	sld [smem:$0x3FB4]  }
0x2e: {  	s3 =	simm.s32 @!p0 $0x1082;
	s9 =	sld [smem:$0x3FB5]  }
0x2f: {  	lr =	sadd.s32 s0, s3;
	s0 =	sld [smem:$0x3FAC]  }
0x30: {  	s3 =	sld [smem:$0x3FAF]  }
0x31: {  	[smem:$0x3FB8] =	sst s10  }
0x32: {  	s10 =	sld [smem:$0x3FB6];
	_ =	sdelay $0x3  }
0x33: {  	p0 =	seq.s32 s10, $0x1;
	s10 =	sld [smem:$0x3FB8];
	_ =	sdelay $0x3  }
0x34: {  	[smem:$0x3FB8] =	sst s10  }
0x35: {  	s10 =	sld [smem:$0x3FB7];
	_ =	sdelay $0x3  }
0x36: {  	p1 =	seq.s32 s10, $0x1;
	s10 =	sld [smem:$0x3FB8];
	_ =	sdelay $0x3  }
0x37: {  	[smem:$0x3FB8] =	sst s10  }
0x38: {  	s10 =	sld [smem:$0x3FB9]  }
0x39: {  	_ = 	snop;
	(pc) =	sbr.ind lr, $3  }
0x3a: {  	_ = 	snop  }
0x3b: {  	_ = 	snop  }
0x3c: {  	p2 =	seq.s32 s10, $0x1;
	s10 =	sld [smem:$0x3FB8]  }
0x3d: {  	_ =	shalt  }
0x3e: {  	_ =	shalt  }
0x3f: {  	_ =	shalt  }
0x40: {  	_ =	shalt  }
0x41: {  	_ =	shalt  }
0x42: {  	_ =	shalt  }
0x43: {  	_ =	shalt  }
0x44: {  	_ =	shalt  }
0x45: {  	_ =	shalt  }
0x46: {  	_ =	shalt  }
0x47: {  	_ =	shalt  }
0x48: {  	_ =	shalt  }
0x49: {  	_ =	shalt  }
0x4a: {  	_ =	shalt  }
0x4b: {  	_ =	shalt  }
0x4c: {  	_ =	shalt  }
0x4d: {  	_ =	shalt  }
0x4e: {  	_ =	shalt  }
0x4f: {  	_ =	shalt  }
0x50: {  	_ =	shalt  }
0x51: {  	_ =	shalt  }
0x52: {  	_ =	shalt  }
0x53: {  	_ =	shalt  }
0x54: {  	_ =	shalt  }
0x55: {  	_ =	shalt  }
0x56: {  	_ =	shalt  }
0x57: {  	_ =	shalt  }
0x58: {  	_ =	shalt  }
0x59: {  	_ =	shalt  }
0x5a: {  	_ =	shalt  }
0x5b: {  	_ =	shalt  }
0x5c: {  	_ =	shalt  }
0x5d: {  	_ =	shalt  }
0x5e: {  	_ =	shalt  }
0x5f: {  	_ =	shalt  }
0x60: {  	_ =	shalt  }
0x61: {  	_ =	shalt  }
0x62: {  	_ =	shalt  }
0x63: {  	_ =	shalt  }
0x64: {  	_ =	shalt  }
0x65: {  	_ =	shalt  }
0x66: {  	_ =	shalt  }
0x67: {  	_ =	shalt  }
0x68: {  	_ =	shalt  }
0x69: {  	_ =	shalt  }
0x6a: {  	_ =	shalt  }
0x6b: {  	_ =	shalt  }
0x6c: {  	_ =	shalt  }
0x6d: {  	_ =	shalt  }
0x6e: {  	_ =	shalt  }
0x6f: {  	_ =	shalt  }
0x70: {  	_ =	shalt  }
0x71: {  	_ =	shalt  }
0x72: {  	_ =	shalt  }
0x73: {  	_ =	shalt  }
0x74: {  	_ =	shalt  }
0x75: {  	_ =	shalt  }
0x76: {  	_ =	shalt  }
0x77: {  	_ =	shalt  }
0x78: {  	_ =	shalt  }
0x79: {  	_ =	shalt  }
0x7a: {  	_ =	shalt  }
0x7b: {  	_ =	shalt  }
0x7c: {  	_ =	shalt  }
0x7d: {  	_ =	shalt  }
0x7e: {  	_ =	shalt  }
0x7f: {  	_ =	shalt  }
0x80: {  	_ =	shalt  }
0x81: {  	_ =	shalt  }
0x82: {  	_ =	shalt  }
0x83: {  	_ =	shalt  }
0x84: {  	_ =	shalt  }
0x85: {  	_ =	shalt  }
0x86: {  	_ =	shalt  }
0x87: {  	_ =	shalt  }
.Lfunc_end0:
.L_simem_size_0:
called_computation_lowered:
.L_overlay_start_0:
0x88: {  	s2 =	sld [smem:$0x3FD9]  }
0x89: {  	s3 =	sld [smem:$0x3FFE];
	_ =	sdelay $0x1  }
0x8a: {  	s1 =	srdreg.scid  }
0x8b: {  	s0 =	sand.u32 $0x1, s1  }
0x8c: {  	s17 =	sshll.u32 s0, $0xA;
	s2 =	sadd.s32 s3, s2  }
0x8d: {  	s2 =	sadd.s32 s2, s17  }
0x8e: {  	[smem:$0x3FC4] =	sst s2  }
0x8f: {  	_ = 	snop  }
0x90: {  	s2 =	sld [smem:$0x3FC8]  }
0x91: {  	s18 =	sld [smem:$0x3FD0];
	(tm) =	ssettm $0x1  }
0x92: {  	s4 =	sld [smem:$0x3FFB];
	_ =	sdelay $0x3  }
0x93: {  	_ =	strace s4  }
0x94: {  	s4 =	sld [smem:$0x3FFC];
	_ =	sdelay $0x3  }
0x95: {  	_ =	strace s4  }
0x96: {  	s4 =	sld [smem:$0x3FFD];
	_ =	sdelay $0x3  }
0x97: {  	_ =	strace s4  }
0x98: {  	_ =	strace $0x8FFFFFFF  }
0x99: {  	s19 =	sld [smem:$0x3FDB];
	_ =	sdelay $0x1  }
0x9a: {  	s5 =	simm.s32 $_scs_section_size  }
0x9b: {  	s6 =	simm.s32 $_size__tile_overlayer_lowered;
	s7 =	simm.s32 $_tile_overlayer_lowered  }
0x9c: {  	s22 =	simm.s32 $0x1BFF;
	s21 =	sshll.u32 s7, $0x1;
	s4 =	sadd.s32 s5, s19  }
0x9d: {  	s8 =	simm.s32 $0x0;
	s20 =	sshll.u32 s6, $0x1;
	s6 =	sadd.s32 s21, s4  }
0x9e: {  	[timem:s8], [sflag:s22] =	dma.local [hbm:s6], s20  }
0x9f: {  	_ =	swait.ge [sflag:s22], s20  }
0xa0: {  	s5 =	ssub.s32 $0x0, s20;
	[sflag:s22] =	ssyncset.done $0x0  }
0xa1: {  	[sflag:s22] =	ssyncadd.s32 s5;
	_ =	sdelay $0x1  }
0xa2: {  	s23 =	simm.s32 $0x1B8B  }
0xa3: {  	_ =	swait.ge [sflag:s23], $0x1  }
0xa4: {  	[sflag:s23] =	ssyncset.done $0x0  }
0xa5: {  	s25 =	simm.s32 $0x1B8E;
	s24 =	sld [smem:$0x3FFE];
	[sflag:s23] =	ssyncadd.s32 $0xFFFFFFFF  }
0xa6: {  	s26 =	simm.s32 $execute0_lowered;
	[smem:$0x3FD2] =	sst s25  }
0xa7: {  	s6 =	sshll.u32 s26, $0x1;
	_ =	strace $0x80000046;
	[dreg:$0x1] =	wrdreg $0xFFFFFFFF  }
0xa8: {  	s28 =	simm.s32 $_size_execute0_lowered;
	s4 =	sadd.s32 s4, s6;
	[dreg:$0x0] =	wrdreg $0x0  }
0xa9: {  	s6 =	sshll.u32 s28, $0x1;
	[dreg:$0x2] =	wrdreg s4  }
0xaa: {  	[dreg:$0x3] =	wrdreg s6  }
0xab: {  	[dreg:$0x4] =	wrdreg $0xC0  }
0xac: {  	_ =	task [dreg:s8], $0x5FFFF  }
0xad: {  	[dreg:$0x1] =	wrdreg $0xFFFFFFFF  }
0xae: {  	[dreg:$0x0] =	wrdreg $0x60  }
0xaf: {  	[dreg:$0x2] =	wrdreg s24  }
0xb0: {  	[dreg:$0x3] =	wrdreg s2  }
0xb1: {  	[dreg:$0x4] =	wrdreg s18  }
0xb2: {  	[dreg:$0x5] =	wrdreg $0x9  }
0xb3: {  	_ =	task.clear_ibuf [dreg:s8], $0x6FFFF;
	_ =	strace $0x90000046  }
0xb4: {  	s29 =	simm.s32 $0x9;
	_ =	strace $0x80000048  }
0xb5: {  	_ =	swait.ge [sflag:s29], $0x1  }
0xb6: {  	[sflag:s29] =	ssyncadd.s32 $0xFFFFFFFF  }
0xb7: {  	_ =	strace $0x90000048  }
0xb8: {  	_ =	sfence  }
0xb9: {  	s30 =	sld [smem:$0x0];
	_ =	sdelay $0x2  }
0xba: {  	s31 =	sshll.u32 s1, $0xD;
	s1 =	sshrl.u32 s1, $0x2  }
0xbb: {  	s3 =	sand.u32 $0x4000, s31;
	s1 =	sadd.s32 s1, s30  }
0xbc: {  	s0 =	sor.u32 s3, s0;
	s1 =	sshll.u32 s1, $0x11  }
0xbd: {  	s0 =	sor.u32 s1, s0  }
0xbe: {  	s0 =	sadd.s32 $0x8F2B, s0  }
0xbf: {  	[sflag:s0] =	ssyncadd.remote.s32 $0x1  }
0xc0: {  	_ =	sfence.sel $0xFFFF  }
0xc1: {  	[dreg:$0x0] =	wrdreg $0xFFFFFFFF;
	(pc) =	sbr.abs _section_cstart, $3  }
0xc2: {  	[dreg:$0x1] =	wrdreg $0xFFFFFFFF  }
0xc3: {  	_ =	task.clear_ibuf [dreg:s8], $0x2FFFF;
	_ =	strace $0x9FFFFFFF  }
0xc4: {  	(tm) =	ssettm $0x7FFFFFFF  }
0xc5: {  	_ =	shalt  }
tec
execute0_lowered:
.L_overlay_start_1:
0x0: {  	(tag) =	ssettag $0x1  }
0x1: {  	s0 =	rddreg [dreg:$0x0]  }
0x2: {  	s1 =	rddreg [dreg:$0x2];
	s4 =	simm.s32 $0x0  }
0x3: {  	s2 =	srdreg.scid;
	s14 =	simm.s32 $0x10;
	[smem:$0x7FF] =	sst s4  }
0x4: {  	s15 =	simm.s32 $0x280;
	_ =	strace $0x80000047;
	[dreg:$0x15] =	wrdreg s14  }
0x5: {  	s3 =	stileid.u32;
	s16 =	simm.s32 $0x300;
	[dreg:$0x16] =	wrdreg s15  }
0x6: {  	s17 =	simm.s32 $0x380;
	s18 =	simm.s32 $0x400;
	[dreg:$0x17] =	wrdreg s16  }
0x7: {  	s19 =	simm.s32 $0x480;
	s20 =	simm.s32 $0x500;
	[dreg:$0x18] =	wrdreg s17  }
0x8: {  	s2 =	sand.u32 $0x1, s2;
	s3 =	sshll.u32 s3, $0x1;
	[dreg:$0x19] =	wrdreg s18  }
0x9: {  	s21 =	simm.s32 $0x580;
	s3 =	sor.u32 s2, s3;
	[dreg:$0x1a] =	wrdreg s19  }
0xa: {  	s0 =	sadd.s32 $0x800, s0;
	[dreg:$0x1b] =	wrdreg s20;
	s5 =	sshll.u32 s3, $0x6  }
0xb: {  	[dreg:$0x1c] =	wrdreg s21;
	s6 =	sshll.u32 s3, $0xD;
	s5 =	sadd.s32 s0, s5  }
0xc: {  	s22 =	sshll.u32 s3, $0x9;
	s23 =	sadd.s32 s1, s6;
	[dreg:$0x4] =	wrdreg s5  }
0xd: {  	s4 =	sadd.s32 $0xFFFFFFF8, s22;
	s22 =	simm.s32 $0x600;
	[smem:$0x7F7] =	sst s23  }
0xe: {  	s24 =	sadd.s32 $0x200, s23;
	[dreg:$0x1d] =	wrdreg s22  }
0xf: {  	s25 =	sadd.s32 $0x400, s23;
	[dreg:$0x6] =	wrdreg s24  }
0x10: {  	s26 =	sadd.s32 $0x600, s23;
	[dreg:$0x7] =	wrdreg s25  }
0x11: {  	s28 =	sadd.s32 $0x800, s23;
	[dreg:$0x8] =	wrdreg s26  }
0x12: {  	s29 =	sadd.s32 $0xA00, s23;
	[dreg:$0x9] =	wrdreg s28  }
0x13: {  	s30 =	sadd.s32 $0xC00, s23;
	[dreg:$0xa] =	wrdreg s29  }
0x14: {  	s31 =	sadd.s32 $0xE00, s23;
	[dreg:$0xb] =	wrdreg s30  }
0x15: {  	s1 =	sadd.s32 $0x1000, s23;
	[dreg:$0xc] =	wrdreg s31  }
0x16: {  	s6 =	sadd.s32 $0x1200, s23;
	[dreg:$0xd] =	wrdreg s1  }
0x17: {  	s7 =	sadd.s32 $0x1400, s23;
	[dreg:$0xe] =	wrdreg s6  }
0x18: {  	s8 =	sadd.s32 $0x1600, s23;
	[dreg:$0xf] =	wrdreg s7  }
0x19: {  	s9 =	sand.u32 $0x7, s3;
	s10 =	sadd.s32 $0x1800, s23;
	[dreg:$0x10] =	wrdreg s8  }
0x1a: {  	p0 =	sne.s32 s9, $0x0;
	s11 =	sadd.s32 $0x1A00, s23;
	[dreg:$0x11] =	wrdreg s10  }
0x1b: {  	s4 =	sshrl.u32 s4, $0x3;
	s12 =	sadd.s32 $0x1C00, s23;
	[dreg:$0x12] =	wrdreg s11  }
0x1c: {  	s5 =	ssub.s32 $0x2, s2;
	s13 =	sadd.s32 $0x1E00, s23;
	[dreg:$0x13] =	wrdreg s12  }
0x1d: {  	s23 =	simm.s32 $0x680;
	s0 =	sadd.s32 s0, s4;
	[dreg:$0x14] =	wrdreg s13  }
0x1e: {  	s2 =	sshrl.u32 s5, $0x1;
	[dreg:$0x1e] =	wrdreg s23;
	s24 =	simm.s32 $0x700  }
0x1f: {  	v1 =	vlaneseq.u32;
	[dreg:$0x5] =	wrdreg s0;
	s1 =	ssub.s32 s5, s2;
	s2 =	simm.s32 $0x1  }
0x20: {  	v0 =	vmul.u32 $0xFFFFFFFF, v1;
	s25 =	simm.s32 $0x780;
	[dreg:$0x1f] =	wrdreg s24;
	s2 =	simm.s32 @!p0 $0x0  }
0x21: {  	s26 =	simm.s32 $0x800;
	[smem:$0x7F8] =	sst s25;
	v2 =	vmov s2  }
0x22: {  	s28 =	simm.s32 $0x880;
	[smem:$0x7F9] =	sst s26;
	vm0 =	veq.s32 v2, v0;
	v0 =	vimm.s32 $0x0  }
0x23: {  	v3 =	vimm.s32 $0xECA86420;
	s29 =	simm.s32 $0x900;
	[smem:$0x7FA] =	sst s28;
	v0 =	vsel vm0, $0xFFFFFFFF, v0  }
0x24: {  	s30 =	simm.s32 $0x980;
	[smem:$0x7FB] =	sst s29;
	v2 =	vimm.s32 $0x0;
	vm0 =	vmmov $0xff;
	[tilespmem:$0x1FFE0] =	vst v0;
	v0 =	vunpack.c.l.s4.s8 v3  }
0x25: {  	vm3 =	vcmask $0x1310;
	s31 =	simm.s32 $0xA00;
	[smem:$0x7FC] =	sst s30;
	v2 =	vsel vm0, $0xFFFFFFFF, v2  }
0x26: {  	vm5 =	vcmask $0x1B18;
	v1 =	vmul.u32 $0x2, v1;
	[smem:$0x7FD] =	sst s31;
	s1 =	smax.u32 s1, $0x1;
	p0 =	seq.s32 s3, $0x0;
	[tilespmem:$0x1FFF0] =	vst v2;
	v0 =	vunpack.c.0.s8.s32 v0  }
.LBB2_1:
0x27: {  	[smem:$0x7F6] =	sst s1  }
0x28: {  	s0 =	rddreg [dreg:$0x4]  }
0x29: {  	s10 =	rddreg [dreg:$0x15];
	s2 =	simm.s32 $0x0;
	s11 =	simm.s32 $0x3  }
0x2a: {  	[tilespmem:s10], [sflag:$0x3] =	stream.linear.gather [hbm4b:s0+s2], $0x200, $0x38;
	[tilespmem:$0x10A80] =	vst v63  }
0x2b: {  	_ =	swait.ge [sflag:s11], $0x200  }
0x2c: {  	s1 =	simm.s32 @!p0 $0x0;
	[sflag:s11] =	ssyncset.done $0x0  }
0x2d: {  	s2 =	simm.s32 @!p0 $0x8;
	s0 =	rddreg [dreg:$0x5];
	[sflag:s11] =	ssyncadd.s32 $0xFFFFFE00  }
0x2e: {  	[tilespmem:s2], [sflag:$0x3] =	stream.linear.gather @!p0 [hbm4b:s0+s1], $0x8, $0x38;
	[tilespmem:$0x10A80] =	vst v63  }
0x2f: {  	s0 =	simm.s32 @!p0 $0x3  }
0x30: {  	_ =	swait.ge @!p0 [sflag:s0], $0x8  }
0x31: {  	[sflag:s0] =	ssyncset.done @!p0 $0x0  }
0x32: {  	v4 =	vld [tilespmem:$0x1FFE0];
	[sflag:s0] =	ssyncadd.s32 @!p0 $0xFFFFFFF8  }
0x33: {  	v2 =	vld [tilespmem:$0xF]  }
0x34: {  	v3 =	vld [tilespmem:$0x10];
	_ =	sdelay $0x3  }
0x35: {  	v2 =	vmul.u32 $0x6A37, v2  }
0x36: {  	vm10 =	vnez.u8 v4;
	v3 =	vmul.u32 $0x8DD9, v3  }
0x37: {  	v2 =	vsel vm10, $0x0, v2  }
0x38: {  	v2 =	vxor.u32 v3, v2  }
0x39: {  	(v2sf) =	vpush v2, $0xD;
	_ =	sdelay $0x1  }
0x3a: {  	(v2sf) =	vpush v2, $0xC;
	_ =	sdelay $0x1  }
0x3b: {  	(v2sf) =	vpush v2, $0xE;
	_ =	sdelay $0x1  }
0x3c: {  	(v2sf) =	vpush v2, $0xF;
	_ =	sdelay $0x1  }
0x3d: {  	(v2sf) =	vpush v2, $0x9;
	_ =	sdelay $0x1  }
0x3e: {  	(v2sf) =	vpush v2, $0x8;
	_ =	sdelay $0x1  }
0x3f: {  	(v2sf) =	vpush v2, $0xA;
	_ =	sdelay $0x1  }
0x40: {  	(v2sf) =	vpush v2, $0xB  }
0x41: {  	s12 =	spop (v2sf)  }
0x42: {  	(v2sf) =	vpush v2, $0x0;
	s0 =	smulhi.u32 $0x29F1868F, s12;
	s1 =	sshra.s32 s12, $0x1F  }
0x43: {  	(v2sf) =	vpush v2, $0x1;
	s13 =	spop (v2sf);
	s4 =	smul.u32 $0x29F1868F, s1  }
0x44: {  	s1 =	smulhi.u32 $0x29F1868F, s13;
	s2 =	sshra.s32 s13, $0x1F  }
0x45: {  	s14 =	spop (v2sf);
	s19 =	smul.u32 $0x29F1868F, s2  }
0x46: {  	(v2sf) =	vpush v2, $0x2;
	s8 =	smulhi.u32 $0x29F1868F, s14;
	s2 =	sshra.s32 s14, $0x1F  }
0x47: {  	s15 =	spop (v2sf);
	s6 =	smul.u32 $0x29F1868F, s2  }
0x48: {  	s9 =	smulhi.u32 $0x29F1868F, s15;
	s2 =	sshra.s32 s15, $0x1F  }
0x49: {  	v57 =	vld [tilespmem:$0x1F];
	(v2sf) =	vpush v2, $0x3;
	s16 =	spop (v2sf);
	s11 =	smul.u32 $0x29F1868F, s2  }
0x4a: {  	v3 =	vld [tilespmem:$0x20];
	s10 =	smulhi.u32 $0x29F1868F, s16;
	s2 =	sshra.s32 s16, $0x1F  }
0x4b: {  	(v2sf) =	vpush v2, $0x4;
	s17 =	spop (v2sf);
	s3 =	smul.u32 $0x29F1868F, s2  }
0x4c: {  	(v2sf) =	vpush v2, $0x5;
	s12 =	smulhi.u32 $0x29F1868F, s17;
	s2 =	sshra.s32 s17, $0x1F  }
0x4d: {  	s18 =	spop (v2sf);
	s20 =	smul.u32 $0x29F1868F, s2  }
0x4e: {  	(v2sf) =	vpush v2, $0x6;
	s22 =	smulhi.u32 $0x29F1868F, s18;
	s2 =	sshra.s32 s18, $0x1F  }
0x4f: {  	v4 =	vmul.u32 $0x6A37, v57;
	v3 =	vmul.u32 $0x8DD9, v3;
	s21 =	spop (v2sf);
	s25 =	smul.u32 $0x29F1868F, s2  }
0x50: {  	(v2sf) =	vpush v2, $0x7;
	s5 =	smulhi.u32 $0x29F1868F, s21;
	s2 =	sshra.s32 s21, $0x1F  }
0x51: {  	v3 =	vxor.u32 v3, v4;
	s23 =	spop (v2sf);
	s24 =	smul.u32 $0x29F1868F, s2  }
0x52: {  	(v2sf) =	vpush v3, $0xD;
	s26 =	smulhi.u32 $0x29F1868F, s23;
	s2 =	sshra.s32 s23, $0x1F;
	s28 =	spop (v2sf)  }
0x53: {  	s0 =	sadd.s32 s4, s0;
	[smem:$0x694] =	sst s5;
	s5 =	smul.u32 $0x29F1868F, s2  }
0x54: {  	[smem:$0x6A2] =	sst s0;
	(v2sf) =	vpush v3, $0xC;
	s7 =	smulhi.u32 $0x29F1868F, s28  }
0x55: {  	s29 =	spop (v2sf);
	[smem:$0x695] =	sst s26  }
0x56: {  	s2 =	sshra.s32 s28, $0x1F;
	s13 =	smulhi.u32 $0x29F1868F, s29;
	s4 =	sld [smem:$0x694]  }
0x57: {  	[smem:$0x696] =	sst s7;
	s7 =	smul.u32 $0x29F1868F, s2;
	s2 =	sshra.s32 s29, $0x1F  }
0x58: {  	(v2sf) =	vpush v3, $0xE;
	s23 =	smul.u32 $0x29F1868F, s2;
	s30 =	spop (v2sf)  }
0x59: {  	[smem:$0x697] =	sst s13;
	s31 =	smulhi.u32 $0x29F1868F, s30;
	s2 =	sshra.s32 s30, $0x1F  }
0x5a: {  	s14 =	spop (v2sf);
	s18 =	smul.u32 $0x29F1868F, s2  }
0x5b: {  	s15 =	smulhi.u32 $0x29F1868F, s14;
	s2 =	sshra.s32 s14, $0x1F;
	s16 =	spop (v2sf)  }
0x5c: {  	[smem:$0x698] =	sst s31;
	s17 =	smul.u32 $0x29F1868F, s2  }
0x5d: {  	s21 =	smulhi.u32 $0x29F1868F, s16;
	s2 =	sshra.s32 s16, $0x1F;
	s26 =	spop (v2sf)  }
0x5e: {  	(v2sf) =	vpush v3, $0xF;
	[smem:$0x699] =	sst s15;
	s15 =	smul.u32 $0x29F1868F, s2  }
0x5f: {  	s28 =	smulhi.u32 $0x29F1868F, s26;
	s2 =	sshra.s32 s26, $0x1F;
	s29 =	spop (v2sf)  }
0x60: {  	(v2sf) =	vpush v3, $0x9;
	[smem:$0x69A] =	sst s21;
	s14 =	smul.u32 $0x29F1868F, s2  }
0x61: {  	s30 =	smulhi.u32 $0x29F1868F, s29;
	s2 =	sshra.s32 s29, $0x1F;
	s31 =	spop (v2sf)  }
0x62: {  	(v2sf) =	vpush v3, $0x8;
	[smem:$0x69B] =	sst s28;
	s13 =	smul.u32 $0x29F1868F, s2  }
0x63: {  	s16 =	smulhi.u32 $0x29F1868F, s31;
	s21 =	spop (v2sf)  }
0x64: {  	(v2sf) =	vpush v3, $0xA;
	s2 =	sshra.s32 s31, $0x1F;
	[smem:$0x69C] =	sst s30;
	s26 =	smulhi.u32 $0x29F1868F, s21  }
0x65: {  	[smem:$0x69D] =	sst s16;
	s16 =	smul.u32 $0x29F1868F, s2  }
0x66: {  	(v2sf) =	vpush v3, $0xB;
	s2 =	sshra.s32 s21, $0x1F;
	s21 =	sadd.s32 s11, s9;
	s9 =	sld [smem:$0x696]  }
0x67: {  	s29 =	spop (v2sf);
	[smem:$0x69F] =	sst s26  }
0x68: {  	s31 =	smulhi.u32 $0x29F1868F, s29;
	s26 =	sadd.s32 s6, s8;
	s6 =	sld [smem:$0x695]  }
0x69: {  	(v2sf) =	vpush v3, $0x0;
	[smem:$0x69E] =	sst s16  }
0x6a: {  	s28 =	smul.u32 $0x29F1868F, s2;
	[smem:$0x6A1] =	sst s31  }
0x6b: {  	s20 =	sadd.s32 s20, s12;
	s16 =	sadd.s32 s3, s10;
	s10 =	sld [smem:$0x697]  }
0x6c: {  	s25 =	sadd.s32 s25, s22;
	s0 =	sshra.s32 s29, $0x1F;
	[smem:$0x6A0] =	sst s28  }
0x6d: {  	s28 =	smul.u32 $0x29F1868F, s0;
	s5 =	sadd.s32 s5, s6;
	s2 =	spop (v2sf)  }
0x6e: {  	s6 =	sld [smem:$0x69A];
	s29 =	smulhi.u32 $0x29F1868F, s2;
	s0 =	sshra.s32 s2, $0x1F  }
0x6f: {  	s30 =	sadd.s32 s19, s1;
	s3 =	spop (v2sf);
	s19 =	smul.u32 $0x29F1868F, s0  }
0x70: {  	s2 =	sld [smem:$0x698];
	s22 =	smulhi.u32 $0x29F1868F, s3;
	s0 =	sshra.s32 s3, $0x1F  }
0x71: {  	s7 =	sadd.s32 s7, s9;
	s8 =	spop (v2sf);
	s12 =	smul.u32 $0x29F1868F, s0  }
0x72: {  	s3 =	sld [smem:$0x699];
	s11 =	smulhi.u32 $0x29F1868F, s8;
	s0 =	sshra.s32 s8, $0x1F  }
0x73: {  	s23 =	sadd.s32 s23, s10;
	s31 =	spop (v2sf);
	s9 =	smul.u32 $0x29F1868F, s0  }
0x74: {  	(v2sf) =	vpush v3, $0x1;
	s10 =	smulhi.u32 $0x29F1868F, s31;
	s0 =	sshra.s32 s31, $0x1F;
	s31 =	sld [smem:$0x69B]  }
0x75: {  	s24 =	sadd.s32 s24, s4;
	s4 =	spop (v2sf);
	s8 =	smul.u32 $0x29F1868F, s0  }
0x76: {  	(v2sf) =	vpush v3, $0x2;
	s15 =	sadd.s32 s15, s6;
	s18 =	sadd.s32 s18, s2;
	s6 =	smulhi.u32 $0x29F1868F, s4  }
0x77: {  	s0 =	sshra.s32 s4, $0x1F;
	s14 =	sadd.s32 s14, s31;
	s31 =	sld [smem:$0x69C]  }
0x78: {  	s17 =	sadd.s32 s17, s3;
	s2 =	spop (v2sf);
	s4 =	smul.u32 $0x29F1868F, s0  }
0x79: {  	s3 =	smulhi.u32 $0x29F1868F, s2;
	s0 =	sshra.s32 s2, $0x1F;
	s2 =	sld [smem:$0x69D]  }
0x7a: {  	s13 =	sadd.s32 s13, s31;
	s31 =	sld [smem:$0x69E];
	_ =	sdelay $0x2  }
0x7b: {  	s1 =	sadd.s32 s31, s2;
	s31 =	sld [smem:$0x6A0]  }
0x7c: {  	[smem:$0x6A3] =	sst s1  }
0x7d: {  	s12 =	sadd.s32 s12, s22;
	s1 =	sld [smem:$0x69F]  }
0x7e: {  	[smem:$0x6A6] =	sst s12;
	s9 =	sadd.s32 s9, s11  }
0x7f: {  	[smem:$0x6A7] =	sst s9  }
0x80: {  	s29 =	sadd.s32 s19, s29;
	s1 =	sadd.s32 s31, s1;
	s31 =	sld [smem:$0x6A1]  }
0x81: {  	s12 =	sshra.s32 s21, $0xE;
	s2 =	smul.u32 $0x29F1868F, s0;
	s0 =	spop (v2sf)  }
0x82: {  	s11 =	sshra.s32 s13, $0x1F;
	[smem:$0x6A4] =	sst s1;
	s1 =	smulhi.u32 $0x29F1868F, s0  }
0x83: {  	s0 =	sshra.s32 s0, $0x1F;
	s28 =	sadd.s32 s28, s31;
	s31 =	spop (v2sf)  }
0x84: {  	v58 =	vmov s11;
	s11 =	sshrl.u32 s7, $0x1F;
	[smem:$0x6A5] =	sst s28;
	s28 =	smul.u32 $0x29F1868F, s0  }
0x85: {  	(v2sf) =	vpush v3, $0x3;
	s3 =	sadd.s32 s2, s3;
	s19 =	smulhi.u32 $0x29F1868F, s31;
	s0 =	sshra.s32 s31, $0x1F  }
0x86: {  	s31 =	sadd.s32 s8, s10;
	s8 =	sadd.s32 s4, s6;
	s10 =	sld [smem:$0x6A2]  }
0x87: {  	(v2sf) =	vpush v3, $0x4;
	s4 =	sshra.s32 s16, $0xE;
	s22 =	smul.u32 $0x29F1868F, s0;
	[smem:$0x6A8] =	sst s31  }
0x88: {  	(v2sf) =	vpush v3, $0x5;
	[smem:$0x6A9] =	sst s8;
	s8 =	sshra.s32 s30, $0xE;
	s31 =	sshrl.u32 s25, $0x1F  }
0x89: {  	vm1 =	vcmask $0x300;
	(v2sf) =	vpush v3, $0x6;
	s0 =	sshra.s32 s5, $0xE;
	s6 =	sadd.s32 s28, s1;
	s28 =	sshrl.u32 s26, $0x1F  }
0x8a: {  	(v2sf) =	vpush v3, $0x7;
	s1 =	sshra.s32 s20, $0xE;
	v4 =	vsel vm1, s0, v58;
	s0 =	sshra.s32 s7, $0xE;
	s9 =	sadd.s32 s22, s19  }
0x8b: {  	s19 =	sshrl.u32 s30, $0x1F;
	s22 =	sshra.s32 s26, $0xE;
	s26 =	sshrl.u32 s21, $0x1F  }
0x8c: {  	vm11 =	vcmask $0x704;
	vm4 =	vcmask $0xB08;
	vm12 =	vcmask $0xF0C;
	s30 =	sshrl.u32 s16, $0x1F;
	s16 =	sshrl.u32 s20, $0x1F;
	s21 =	sshra.s32 s25, $0xE  }
0x8d: {  	vm13 =	vcmask $0x1714;
	vm6 =	vcmask $0x2320;
	v8 =	vmov s8;
	s25 =	sshrl.u32 s24, $0x1F;
	s20 =	sshra.s32 s24, $0xE;
	s24 =	sshrl.u32 s5, $0x1F  }
0x8e: {  	s2 =	sshrl.u32 s10, $0x1F;
	s10 =	sshra.s32 s10, $0xE;
	s5 =	sshra.s32 s5, $0x1F;
	v9 =	vmov s1;
	v5 =	vmov s19;
	v6 =	vmov s24  }
0x8f: {  	v4 =	vsel vm11, s5, v4;
	s24 =	sshra.s32 s7, $0x1F;
	s7 =	sshrl.u32 s23, $0x1F;
	s19 =	sshra.s32 s23, $0xE;
	v7 =	vmov s16;
	v8 =	vsel vm4, s10, v8  }
0x90: {  	v9 =	vsel vm4, s4, v9;
	s10 =	sshrl.u32 s6, $0x1F;
	v4 =	vsel vm4, s0, v4;
	s0 =	sshra.s32 s23, $0x1F;
	v8 =	vsel vm3, s22, v8;
	s22 =	sld [smem:$0x6A5]  }
0x91: {  	v5 =	vsel vm4, s2, v5;
	v6 =	vnsel vm1, $0x0, v6;
	s2 =	sshrl.u32 s18, $0x1F;
	s23 =	sshra.s32 s18, $0xE;
	v9 =	vsel vm3, s21, v9;
	s21 =	sld [smem:$0x6A8]  }
0x92: {  	v7 =	vsel vm4, s30, v7;
	v6 =	vsel vm4, s11, v6;
	v4 =	vsel vm12, s24, v4;
	s11 =	sshra.s32 s18, $0x1F;
	s24 =	sshrl.u32 s17, $0x1F;
	s18 =	sshra.s32 s17, $0xE  }
0x93: {  	v5 =	vsel vm3, s28, v5;
	s28 =	sshrl.u32 s15, $0x1F;
	v9 =	vsel vm5, s20, v9;
	s20 =	sld [smem:$0x6A9];
	v6 =	vsel vm3, s7, v6;
	s7 =	sshra.s32 s17, $0x1F  }
0x94: {  	v7 =	vsel vm3, s31, v7;
	v5 =	vsel vm5, s26, v5;
	v4 =	vsel vm3, s19, v4;
	s19 =	spop (v2sf);
	s26 =	sshrl.u32 s14, $0x1F;
	s17 =	sshra.s32 s13, $0xE  }
0x95: {  	v7 =	vsel vm5, s25, v7;
	s25 =	sld [smem:$0x6A4];
	v6 =	vsel vm5, s2, v6;
	v4 =	vsel vm13, s0, v4;
	s0 =	sshra.s32 s15, $0xE;
	s15 =	sshra.s32 s15, $0x1F  }
0x96: {  	vm14 =	vcmask $0x1F1C;
	s16 =	spop (v2sf);
	s4 =	sshrl.u32 s22, $0x1F;
	v6 =	vsel vm6, s24, v6;
	v4 =	vsel vm5, s23, v4;
	s24 =	sshra.s32 s14, $0xE  }
0x97: {  	vm9 =	vcmask $0x2B28;
	s5 =	spop (v2sf);
	s23 =	sld [smem:$0x6A3];
	v4 =	vsel vm14, s11, v4;
	s11 =	sshra.s32 s14, $0x1F  }
0x98: {  	v6 =	vsel vm9, s28, v6;
	s28 =	sshrl.u32 s13, $0x1F;
	s2 =	spop (v2sf);
	s8 =	smulhi.u32 $0x29F1868F, s5  }
0x99: {  	vm8 =	vcmask $0x3330;
	vm2 =	vcmask $0x3B38;
	s14 =	sshrl.u32 s29, $0x1F;
	v4 =	vsel vm6, s18, v4;
	s18 =	smulhi.u32 $0x29F1868F, s19;
	s30 =	spop (v2sf)  }
0x9a: {  	vm7 =	vcmask $0x2724;
	v8 =	vsel vm5, s12, v8;
	s5 =	sshra.s32 s5, $0x1F;
	v6 =	vsel vm8, s26, v6;
	s31 =	smulhi.u32 $0x29F1868F, s30;
	s13 =	sshra.s32 s30, $0x1F  }
0x9b: {  	v59 =	vcombine.low v9, v8;
	v5 =	vcombine.low v7, v5;
	s19 =	sshra.s32 s19, $0x1F;
	s26 =	sld [smem:$0x6A6];
	v6 =	vsel vm2, s28, v6;
	s28 =	smul.u32 $0x29F1868F, s13  }
0x9c: {  	vm15 =	vcmask $0x2F2C;
	vm0 =	vcmask $0x3734;
	s5 =	smul.u32 $0x29F1868F, s5;
	v4 =	vsel vm7, s7, v4;
	s1 =	sshrl.u32 s23, $0x1F;
	s30 =	sshrl.u32 s25, $0x1F  }
0x9d: {  	v7 =	vperm.xlane v59, v0;
	v5 =	vperm.xlane v5, v0;
	s7 =	smul.u32 $0x29F1868F, s19;
	s19 =	sshrl.u32 s21, $0x1F;
	v4 =	vsel vm9, s0, v4;
	s13 =	sadd.s32 s28, s31  }
0x9e: {  	v60 =	vmov s30;
	s30 =	sshra.s32 s3, $0xE;
	v6 =	vperm.xlane v6, v1;
	s5 =	sadd.s32 s5, s8;
	v4 =	vsel vm15, s15, v4;
	s28 =	sshra.s32 s13, $0x1F  }
0x9f: {  	v8 =	vsel vm4, s1, v60;
	s1 =	smulhi.u32 $0x29F1868F, s16;
	s16 =	sshra.s32 s16, $0x1F;
	v4 =	vsel vm8, s24, v4;
	s24 =	sld [smem:$0x6A7];
	v61 =	vmov s28  }
0xa0: {  	s31 =	sshrl.u32 s3, $0x1F;
	s16 =	smul.u32 $0x29F1868F, s16;
	s3 =	sshra.s32 s3, $0x1F;
	v8 =	vsel vm3, s4, v8;
	v4 =	vsel vm0, s11, v4;
	v9 =	vsel vm1, s30, v61  }
0xa1: {  	s15 =	sshrl.u32 s26, $0x1F;
	s7 =	sadd.s32 s7, s18;
	v10 =	vmov s31;
	s31 =	sshra.s32 s6, $0xE;
	v8 =	vsel vm5, s14, v8;
	v9 =	vsel vm11, s3, v9  }
0xa2: {  	s18 =	sshra.s32 s6, $0x1F;
	s11 =	sshrl.u32 s9, $0x1F;
	v4 =	vsel vm2, s17, v4;
	v10 =	vnsel vm1, $0x0, v10;
	s1 =	sadd.s32 s16, s1;
	v9 =	vsel vm4, s31, v9  }
0xa3: {  	s16 =	sshra.s32 s25, $0xE;
	s12 =	sshrl.u32 s24, $0x1F;
	v4 =	vperm.xlane v4, v1;
	v10 =	vsel vm4, s10, v10;
	s30 =	sshra.s32 s9, $0xE;
	v9 =	vsel vm12, s18, v9  }
0xa4: {  	s28 =	smulhi.u32 $0x29F1868F, s2;
	s2 =	sshra.s32 s2, $0x1F;
	v62 =	vmov s16;
	v11 =	vmov s12;
	s31 =	sshra.s32 s9, $0x1F;
	v9 =	vsel vm3, s30, v9  }
0xa5: {  	s17 =	sshrl.u32 s7, $0x1F;
	s2 =	smul.u32 $0x29F1868F, s2;
	s10 =	sshra.s32 s7, $0xE;
	v10 =	vsel vm3, s11, v10;
	v11 =	vsel vm4, s15, v11;
	v9 =	vsel vm13, s31, v9  }
0xa6: {  	s12 =	sshra.s32 s7, $0x1F;
	v10 =	vsel vm5, s17, v10;
	s9 =	sshrl.u32 s1, $0x1F;
	s17 =	sshra.s32 s24, $0xE;
	v11 =	vsel vm3, s19, v11;
	v9 =	vsel vm5, s10, v9  }
0xa7: {  	s0 =	sshrl.u32 s20, $0x1F;
	s11 =	sshrl.u32 s5, $0x1F;
	s15 =	sshra.s32 s1, $0xE;
	v10 =	vsel vm6, s9, v10;
	v12 =	vmov s17;
	v9 =	vsel vm14, s12, v9  }
0xa8: {  	s2 =	sadd.s32 s2, s28;
	s1 =	sshra.s32 s1, $0x1F;
	s19 =	sshra.s32 s26, $0xE;
	v11 =	vsel vm5, s0, v11;
	v10 =	vsel vm9, s11, v10;
	v9 =	vsel vm6, s15, v9  }
0xa9: {  	s14 =	sshrl.u32 s2, $0x1F;
	s18 =	sshra.s32 s23, $0xE;
	s23 =	sshra.s32 s5, $0xE;
	v12 =	vsel vm4, s19, v12;
	v8 =	vcombine.low v11, v8;
	v9 =	vsel vm7, s1, v9  }
0xaa: {  	v63 =	vld [tilespmem:$0x1FFF0];
	s25 =	sshra.s32 s21, $0xE;
	s24 =	sshra.s32 s22, $0xE;
	s26 =	sshra.s32 s5, $0x1F;
	v10 =	vsel vm8, s14, v10;
	v11 =	vsel vm4, s18, v62;
	v9 =	vsel vm9, s23, v9  }
0xab: {  	s28 =	sshra.s32 s29, $0xE;
	s29 =	sshra.s32 s20, $0xE;
	s30 =	sshra.s32 s2, $0xE;
	v12 =	vsel vm3, s25, v12;
	v11 =	vsel vm3, s24, v11;
	v9 =	vsel vm15, s26, v9  }
0xac: {  	s2 =	sshra.s32 s2, $0x1F;
	s31 =	sshrl.u32 s13, $0x1F;
	v12 =	vsel vm5, s29, v12;
	v11 =	vsel vm5, s28, v11;
	v9 =	vsel vm8, s30, v9  }
0xad: {  	s3 =	sshra.s32 s13, $0xE;
	v10 =	vsel vm2, s31, v10;
	v11 =	vcombine.low v12, v11;
	v9 =	vsel vm0, s2, v9  }
0xae: {  	v8 =	vperm.xlane v8, v0;
	v10 =	vperm.xlane v10, v1;
	v9 =	vsel vm2, s3, v9  }
0xaf: {  	vm7 =	vnez.u8 v63;
	v11 =	vperm.xlane v11, v0;
	v9 =	vperm.xlane v9, v1  }
0xb0: {  	v5 =	vsel vm7, v6, v5;
	v4 =	vsel vm7, v4, v7  }
0xb1: {  	v13 =	vsel vm7, v10, v8;
	v4 =	vadd.s32 v5, v4;
	v14 =	vsel vm7, v9, v11  }
0xb2: {  	v4 =	vmul.u32 $0x1869F, v4;
	v5 =	vadd.s32 v13, v14  }
0xb3: {  	v5 =	vmul.u32 $0x1869F, v5  }
0xb4: {  	v2 =	vsub.s32 v2, v4  }
0xb5: {  	vm10 =	vlt.s32 v2, $0x0;
	v4 =	vadd.s32 $0x1869F, v2;
	v3 =	vsub.s32 v3, v5  }
0xb6: {  	v2 =	vsel vm10, v4, v2;
	vm10 =	vlt.s32 v3, $0x0;
	v15 =	vadd.s32 $0x1869F, v3  }
0xb7: {  	s4 =	rddreg [dreg:$0x16];
	[tilespmem:$0x280] =	vst v2;
	v2 =	vsel vm10, v15, v3  }
0xb8: {  	s6 =	simm.s32 $0x20;
	s7 =	simm.s32 $0xA80;
	s5 =	rddreg [dreg:$0x1];
	[tilespmem:$0x290] =	vst v2  }
0xb9: {  	[tilespmem:s7], [sflag:$0x1] =	stream.indirect.gather [hbm4b:s5+s6], $0x80, s4, s6, $0xb8;
	[tilespmem:$0x10A80] =	vst v63  }
0xba: {  	v2 =	vld [tilespmem:$0x30]  }
0xbb: {  	v3 =	vld [tilespmem:$0x2F];
	_ =	sdelay $0x4  }
0xbc: {  	v2 =	vmul.u32 $0x8DD9, v2;
	v3 =	vmul.u32 $0x6A37, v3;
	_ =	sdelay $0x1  }
0xbd: {  	v2 =	vxor.u32 v2, v3  }
0xbe: {  	(v2sf) =	vpush v2, $0xD;
	_ =	sdelay $0x1  }
0xbf: {  	(v2sf) =	vpush v2, $0xC;
	_ =	sdelay $0x1  }
0xc0: {  	(v2sf) =	vpush v2, $0xE;
	_ =	sdelay $0x1  }
0xc1: {  	(v2sf) =	vpush v2, $0xF;
	_ =	sdelay $0x1  }
0xc2: {  	(v2sf) =	vpush v2, $0x9;
	_ =	sdelay $0x1  }
0xc3: {  	(v2sf) =	vpush v2, $0x8;
	_ =	sdelay $0x1  }
0xc4: {  	(v2sf) =	vpush v2, $0xA;
	_ =	sdelay $0x1  }
0xc5: {  	(v2sf) =	vpush v2, $0xB  }
0xc6: {  	s8 =	spop (v2sf)  }
0xc7: {  	(v2sf) =	vpush v2, $0x0;
	s0 =	smulhi.u32 $0x29F1868F, s8;
	s1 =	sshra.s32 s8, $0x1F  }
0xc8: {  	(v2sf) =	vpush v2, $0x1;
	s9 =	spop (v2sf);
	s4 =	smul.u32 $0x29F1868F, s1  }
0xc9: {  	s1 =	smulhi.u32 $0x29F1868F, s9;
	s2 =	sshra.s32 s9, $0x1F  }
0xca: {  	(v2sf) =	vpush v2, $0x2;
	s10 =	spop (v2sf);
	s19 =	smul.u32 $0x29F1868F, s2  }
0xcb: {  	s8 =	smulhi.u32 $0x29F1868F, s10;
	s2 =	sshra.s32 s10, $0x1F  }
0xcc: {  	(v2sf) =	vpush v2, $0x3;
	s11 =	spop (v2sf);
	s6 =	smul.u32 $0x29F1868F, s2  }
0xcd: {  	s9 =	smulhi.u32 $0x29F1868F, s11;
	s2 =	sshra.s32 s11, $0x1F  }
0xce: {  	v16 =	vld [tilespmem:$0x3F];
	s12 =	spop (v2sf);
	s11 =	smul.u32 $0x29F1868F, s2  }
0xcf: {  	v3 =	vld [tilespmem:$0x40];
	(v2sf) =	vpush v2, $0x4;
	s10 =	smulhi.u32 $0x29F1868F, s12;
	s2 =	sshra.s32 s12, $0x1F  }
0xd0: {  	s13 =	spop (v2sf);
	s3 =	smul.u32 $0x29F1868F, s2  }
0xd1: {  	(v2sf) =	vpush v2, $0x5;
	s12 =	smulhi.u32 $0x29F1868F, s13;
	s2 =	sshra.s32 s13, $0x1F  }
0xd2: {  	s14 =	spop (v2sf);
	s20 =	smul.u32 $0x29F1868F, s2  }
0xd3: {  	(v2sf) =	vpush v2, $0x6;
	s22 =	smulhi.u32 $0x29F1868F, s14;
	s2 =	sshra.s32 s14, $0x1F  }
0xd4: {  	v4 =	vmul.u32 $0x6A37, v16;
	v3 =	vmul.u32 $0x8DD9, v3;
	s0 =	sadd.s32 s4, s0;
	s15 =	spop (v2sf);
	s25 =	smul.u32 $0x29F1868F, s2  }
0xd5: {  	[smem:$0x6B8] =	sst s0;
	(v2sf) =	vpush v2, $0x7;
	s16 =	smulhi.u32 $0x29F1868F, s15;
	s2 =	sshra.s32 s15, $0x1F  }
0xd6: {  	v3 =	vxor.u32 v3, v4;
	s17 =	spop (v2sf);
	s24 =	smul.u32 $0x29F1868F, s2  }
0xd7: {  	(v2sf) =	vpush v3, $0xD;
	s18 =	smulhi.u32 $0x29F1868F, s17;
	s2 =	sshra.s32 s17, $0x1F;
	s21 =	spop (v2sf)  }
0xd8: {  	[smem:$0x6AA] =	sst s16;
	s5 =	smul.u32 $0x29F1868F, s2  }
0xd9: {  	(v2sf) =	vpush v3, $0xC;
	s23 =	smulhi.u32 $0x29F1868F, s21;
	s2 =	sshra.s32 s21, $0x1F;
	s26 =	spop (v2sf)  }
0xda: {  	[smem:$0x6AB] =	sst s18;
	s7 =	smul.u32 $0x29F1868F, s2  }
0xdb: {  	s28 =	smulhi.u32 $0x29F1868F, s26;
	s2 =	sshra.s32 s26, $0x1F;
	s29 =	spop (v2sf)  }
0xdc: {  	[smem:$0x6AC] =	sst s23;
	s23 =	smul.u32 $0x29F1868F, s2  }
0xdd: {  	s4 =	sld [smem:$0x6AA];
	s30 =	smulhi.u32 $0x29F1868F, s29;
	s2 =	sshra.s32 s29, $0x1F  }
0xde: {  	(v2sf) =	vpush v3, $0xE;
	s18 =	smul.u32 $0x29F1868F, s2;
	s31 =	spop (v2sf)  }
0xdf: {  	[smem:$0x6AD] =	sst s28;
	s14 =	smulhi.u32 $0x29F1868F, s31;
	s2 =	sshra.s32 s31, $0x1F  }
0xe0: {  	s15 =	spop (v2sf);
	s17 =	smul.u32 $0x29F1868F, s2  }
0xe1: {  	(v2sf) =	vpush v3, $0xF;
	[smem:$0x6AE] =	sst s30;
	s16 =	smulhi.u32 $0x29F1868F, s15;
	s2 =	sshra.s32 s15, $0x1F  }
0xe2: {  	s21 =	spop (v2sf);
	s15 =	smul.u32 $0x29F1868F, s2  }
0xe3: {  	[smem:$0x6AF] =	sst s14;
	s26 =	smulhi.u32 $0x29F1868F, s21;
	s2 =	sshra.s32 s21, $0x1F  }
0xe4: {  	(v2sf) =	vpush v3, $0x9;
	s28 =	spop (v2sf);
	s14 =	smul.u32 $0x29F1868F, s2  }
0xe5: {  	[smem:$0x6B0] =	sst s16;
	s29 =	smulhi.u32 $0x29F1868F, s28;
	s2 =	sshra.s32 s28, $0x1F  }
0xe6: {  	(v2sf) =	vpush v3, $0x8;
	s30 =	spop (v2sf);
	s13 =	smul.u32 $0x29F1868F, s2  }
0xe7: {  	[smem:$0x6B1] =	sst s26;
	s31 =	smulhi.u32 $0x29F1868F, s30;
	s2 =	sshra.s32 s30, $0x1F  }
0xe8: {  	(v2sf) =	vpush v3, $0xA;
	s21 =	spop (v2sf);
	s16 =	smul.u32 $0x29F1868F, s2  }
0xe9: {  	[smem:$0x6B2] =	sst s29;
	s26 =	smulhi.u32 $0x29F1868F, s21  }
0xea: {  	(v2sf) =	vpush v3, $0xB;
	s2 =	sshra.s32 s21, $0x1F;
	s21 =	sadd.s32 s11, s9;
	s9 =	sld [smem:$0x6AC]  }
0xeb: {  	[smem:$0x6B3] =	sst s31  }
0xec: {  	s20 =	sadd.s32 s20, s12;
	[smem:$0x6B4] =	sst s16  }
0xed: {  	s25 =	sadd.s32 s25, s22;
	(v2sf) =	vpush v3, $0x0;
	s29 =	spop (v2sf);
	[smem:$0x6B5] =	sst s26  }
0xee: {  	s28 =	smul.u32 $0x29F1868F, s2;
	s26 =	sadd.s32 s6, s8;
	s6 =	sld [smem:$0x6AB]  }
0xef: {  	s31 =	smulhi.u32 $0x29F1868F, s29;
	s16 =	sadd.s32 s3, s10;
	s10 =	sld [smem:$0x6AD]  }
0xf0: {  	s30 =	sadd.s32 s19, s1;
	s2 =	spop (v2sf);
	[smem:$0x6B6] =	sst s28  }
0xf1: {  	s0 =	sshra.s32 s29, $0x1F;
	s29 =	smulhi.u32 $0x29F1868F, s2;
	[smem:$0x6B7] =	sst s31  }
0xf2: {  	s28 =	smul.u32 $0x29F1868F, s0;
	s0 =	sshra.s32 s2, $0x1F;
	s2 =	sld [smem:$0x6AE]  }
0xf3: {  	s19 =	smul.u32 $0x29F1868F, s0;
	s5 =	sadd.s32 s5, s6;
	s3 =	spop (v2sf)  }
0xf4: {  	s6 =	sld [smem:$0x6B0];
	s22 =	smulhi.u32 $0x29F1868F, s3;
	s0 =	sshra.s32 s3, $0x1F  }
0xf5: {  	s7 =	sadd.s32 s7, s9;
	s8 =	spop (v2sf);
	s12 =	smul.u32 $0x29F1868F, s0  }
0xf6: {  	s3 =	sld [smem:$0x6AF];
	s11 =	smulhi.u32 $0x29F1868F, s8;
	s0 =	sshra.s32 s8, $0x1F  }
0xf7: {  	s23 =	sadd.s32 s23, s10;
	s31 =	spop (v2sf);
	s9 =	smul.u32 $0x29F1868F, s0  }
0xf8: {  	(v2sf) =	vpush v3, $0x1;
	s10 =	smulhi.u32 $0x29F1868F, s31;
	s0 =	sshra.s32 s31, $0x1F;
	s31 =	sld [smem:$0x6B1]  }
0xf9: {  	s24 =	sadd.s32 s24, s4;
	s4 =	spop (v2sf);
	s8 =	smul.u32 $0x29F1868F, s0  }
0xfa: {  	(v2sf) =	vpush v3, $0x2;
	s18 =	sadd.s32 s18, s2;
	s15 =	sadd.s32 s15, s6;
	s6 =	smulhi.u32 $0x29F1868F, s4  }
0xfb: {  	s0 =	sshra.s32 s4, $0x1F;
	s14 =	sadd.s32 s14, s31;
	s31 =	sld [smem:$0x6B2]  }
0xfc: {  	s17 =	sadd.s32 s17, s3;
	s2 =	spop (v2sf);
	s4 =	smul.u32 $0x29F1868F, s0  }
0xfd: {  	s3 =	smulhi.u32 $0x29F1868F, s2;
	s0 =	sshra.s32 s2, $0x1F;
	s2 =	sld [smem:$0x6B3]  }
0xfe: {  	s13 =	sadd.s32 s13, s31;
	s31 =	sld [smem:$0x6B4];
	_ =	sdelay $0x2  }
0xff: {  	s1 =	sadd.s32 s31, s2;
	s31 =	sld [smem:$0x6B6]  }
0x100: {  	[smem:$0x6B9] =	sst s1  }
0x101: {  	s12 =	sadd.s32 s12, s22;
	s1 =	sld [smem:$0x6B5]  }
0x102: {  	[smem:$0x6BC] =	sst s12;
	s9 =	sadd.s32 s9, s11  }
0x103: {  	[smem:$0x6BD] =	sst s9  }
0x104: {  	s29 =	sadd.s32 s19, s29;
	s1 =	sadd.s32 s31, s1;
	s31 =	sld [smem:$0x6B7]  }
0x105: {  	s12 =	sshra.s32 s21, $0xE;
	s2 =	smul.u32 $0x29F1868F, s0;
	s0 =	spop (v2sf)  }
0x106: {  	s11 =	sshra.s32 s13, $0x1F;
	[smem:$0x6BA] =	sst s1;
	s1 =	smulhi.u32 $0x29F1868F, s0  }
0x107: {  	s0 =	sshra.s32 s0, $0x1F;
	s28 =	sadd.s32 s28, s31;
	s31 =	spop (v2sf)  }
0x108: {  	v17 =	vmov s11;
	s11 =	sshrl.u32 s7, $0x1F;
	[smem:$0x6BB] =	sst s28;
	s28 =	smul.u32 $0x29F1868F, s0  }
0x109: {  	(v2sf) =	vpush v3, $0x3;
	s3 =	sadd.s32 s2, s3;
	s19 =	smulhi.u32 $0x29F1868F, s31;
	s0 =	sshra.s32 s31, $0x1F  }
0x10a: {  	s31 =	sadd.s32 s8, s10;
	s8 =	sadd.s32 s4, s6;
	s10 =	sld [smem:$0x6B8]  }
0x10b: {  	(v2sf) =	vpush v3, $0x4;
	s4 =	sshra.s32 s16, $0xE;
	s22 =	smul.u32 $0x29F1868F, s0;
	[smem:$0x6BE] =	sst s31  }
0x10c: {  	(v2sf) =	vpush v3, $0x5;
	[smem:$0x6BF] =	sst s8;
	s8 =	sshra.s32 s30, $0xE;
	s31 =	sshrl.u32 s25, $0x1F  }
0x10d: {  	(v2sf) =	vpush v3, $0x6;
	s0 =	sshra.s32 s5, $0xE;
	s6 =	sadd.s32 s28, s1;
	s28 =	sshrl.u32 s26, $0x1F  }
0x10e: {  	(v2sf) =	vpush v3, $0x7;
	s1 =	sshra.s32 s20, $0xE;
	v4 =	vsel vm1, s0, v17;
	s0 =	sshra.s32 s7, $0xE;
	s9 =	sadd.s32 s22, s19  }
0x10f: {  	s19 =	sshrl.u32 s30, $0x1F;
	s22 =	sshra.s32 s26, $0xE;
	s26 =	sshrl.u32 s21, $0x1F  }
0x110: {  	s30 =	sshrl.u32 s16, $0x1F;
	s16 =	sshrl.u32 s20, $0x1F;
	s21 =	sshra.s32 s25, $0xE  }
0x111: {  	v21 =	vmov s8;
	s25 =	sshrl.u32 s24, $0x1F;
	s20 =	sshra.s32 s24, $0xE;
	s24 =	sshrl.u32 s5, $0x1F  }
0x112: {  	s2 =	sshrl.u32 s10, $0x1F;
	s10 =	sshra.s32 s10, $0xE;
	s5 =	sshra.s32 s5, $0x1F;
	v22 =	vmov s1;
	v18 =	vmov s19;
	v19 =	vmov s24  }
0x113: {  	v4 =	vsel vm11, s5, v4;
	s24 =	sshra.s32 s7, $0x1F;
	s7 =	sshrl.u32 s23, $0x1F;
	s19 =	sshra.s32 s23, $0xE;
	v20 =	vmov s16;
	v8 =	vsel vm4, s10, v21  }
0x114: {  	v9 =	vsel vm4, s4, v22;
	s10 =	sshrl.u32 s6, $0x1F;
	v4 =	vsel vm4, s0, v4;
	s0 =	sshra.s32 s23, $0x1F;
	v8 =	vsel vm3, s22, v8;
	s22 =	sld [smem:$0x6BB]  }
0x115: {  	v5 =	vsel vm4, s2, v18;
	v6 =	vnsel vm1, $0x0, v19;
	s2 =	sshrl.u32 s18, $0x1F;
	s23 =	sshra.s32 s18, $0xE;
	v9 =	vsel vm3, s21, v9;
	s21 =	sld [smem:$0x6BE]  }
0x116: {  	v7 =	vsel vm4, s30, v20;
	v6 =	vsel vm4, s11, v6;
	v4 =	vsel vm12, s24, v4;
	s11 =	sshra.s32 s18, $0x1F;
	s24 =	sshrl.u32 s17, $0x1F;
	s18 =	sshra.s32 s17, $0xE  }
0x117: {  	v5 =	vsel vm3, s28, v5;
	s28 =	sshrl.u32 s15, $0x1F;
	v9 =	vsel vm5, s20, v9;
	s20 =	sld [smem:$0x6BF];
	v6 =	vsel vm3, s7, v6;
	s7 =	sshra.s32 s17, $0x1F  }
0x118: {  	v7 =	vsel vm3, s31, v7;
	v5 =	vsel vm5, s26, v5;
	v4 =	vsel vm3, s19, v4;
	s19 =	spop (v2sf);
	s26 =	sshrl.u32 s14, $0x1F;
	s17 =	sshra.s32 s13, $0xE  }
0x119: {  	v7 =	vsel vm5, s25, v7;
	s25 =	sld [smem:$0x6BA];
	v6 =	vsel vm5, s2, v6;
	v4 =	vsel vm13, s0, v4;
	s0 =	sshra.s32 s15, $0xE;
	s15 =	sshra.s32 s15, $0x1F  }
0x11a: {  	s16 =	spop (v2sf);
	s4 =	sshrl.u32 s22, $0x1F;
	v6 =	vsel vm6, s24, v6;
	v4 =	vsel vm5, s23, v4;
	s24 =	sshra.s32 s14, $0xE  }
0x11b: {  	s5 =	spop (v2sf);
	s23 =	sld [smem:$0x6B9];
	v4 =	vsel vm14, s11, v4;
	s11 =	sshra.s32 s14, $0x1F  }
0x11c: {  	v6 =	vsel vm9, s28, v6;
	s28 =	sshrl.u32 s13, $0x1F;
	s2 =	spop (v2sf);
	s8 =	smulhi.u32 $0x29F1868F, s5  }
0x11d: {  	s14 =	sshrl.u32 s29, $0x1F;
	v4 =	vsel vm6, s18, v4;
	s18 =	smulhi.u32 $0x29F1868F, s19;
	s30 =	spop (v2sf)  }
0x11e: {  	vm10 =	vcmask $0x2724;
	v8 =	vsel vm5, s12, v8;
	s5 =	sshra.s32 s5, $0x1F;
	v6 =	vsel vm8, s26, v6;
	s31 =	smulhi.u32 $0x29F1868F, s30;
	s13 =	sshra.s32 s30, $0x1F  }
0x11f: {  	v23 =	vcombine.low v9, v8;
	v5 =	vcombine.low v7, v5;
	s19 =	sshra.s32 s19, $0x1F;
	s26 =	sld [smem:$0x6BC];
	v6 =	vsel vm2, s28, v6;
	s28 =	smul.u32 $0x29F1868F, s13  }
0x120: {  	s5 =	smul.u32 $0x29F1868F, s5;
	v4 =	vsel vm10, s7, v4;
	s1 =	sshrl.u32 s23, $0x1F;
	s30 =	sshrl.u32 s25, $0x1F  }
0x121: {  	v7 =	vperm.xlane v23, v0;
	v5 =	vperm.xlane v5, v0;
	s7 =	smul.u32 $0x29F1868F, s19;
	s19 =	sshrl.u32 s21, $0x1F;
	v4 =	vsel vm9, s0, v4;
	s13 =	sadd.s32 s28, s31  }
0x122: {  	v24 =	vmov s30;
	s30 =	sshra.s32 s3, $0xE;
	v6 =	vperm.xlane v6, v1;
	s5 =	sadd.s32 s5, s8;
	v4 =	vsel vm15, s15, v4;
	s28 =	sshra.s32 s13, $0x1F  }
0x123: {  	v8 =	vsel vm4, s1, v24;
	s1 =	smulhi.u32 $0x29F1868F, s16;
	s16 =	sshra.s32 s16, $0x1F;
	v4 =	vsel vm8, s24, v4;
	s24 =	sld [smem:$0x6BD];
	v25 =	vmov s28  }
0x124: {  	s31 =	sshrl.u32 s3, $0x1F;
	s16 =	smul.u32 $0x29F1868F, s16;
	s3 =	sshra.s32 s3, $0x1F;
	v8 =	vsel vm3, s4, v8;
	v4 =	vsel vm0, s11, v4;
	v9 =	vsel vm1, s30, v25  }
0x125: {  	s15 =	sshrl.u32 s26, $0x1F;
	s7 =	sadd.s32 s7, s18;
	v26 =	vmov s31;
	s31 =	sshra.s32 s6, $0xE;
	v8 =	vsel vm5, s14, v8;
	v9 =	vsel vm11, s3, v9  }
0x126: {  	s18 =	sshra.s32 s6, $0x1F;
	s11 =	sshrl.u32 s9, $0x1F;
	v4 =	vsel vm2, s17, v4;
	v10 =	vnsel vm1, $0x0, v26;
	s1 =	sadd.s32 s16, s1;
	v9 =	vsel vm4, s31, v9  }
0x127: {  	s16 =	sshra.s32 s25, $0xE;
	s12 =	sshrl.u32 s24, $0x1F;
	v4 =	vperm.xlane v4, v1;
	v10 =	vsel vm4, s10, v10;
	s30 =	sshra.s32 s9, $0xE;
	v9 =	vsel vm12, s18, v9  }
0x128: {  	s28 =	smulhi.u32 $0x29F1868F, s2;
	s2 =	sshra.s32 s2, $0x1F;
	v28 =	vmov s16;
	v27 =	vmov s12;
	s31 =	sshra.s32 s9, $0x1F;
	v9 =	vsel vm3, s30, v9  }
0x129: {  	s17 =	sshrl.u32 s7, $0x1F;
	s2 =	smul.u32 $0x29F1868F, s2;
	s10 =	sshra.s32 s7, $0xE;
	v10 =	vsel vm3, s11, v10;
	v11 =	vsel vm4, s15, v27;
	v9 =	vsel vm13, s31, v9  }
0x12a: {  	s12 =	sshra.s32 s7, $0x1F;
	v10 =	vsel vm5, s17, v10;
	s9 =	sshrl.u32 s1, $0x1F;
	s17 =	sshra.s32 s24, $0xE;
	v11 =	vsel vm3, s19, v11;
	v9 =	vsel vm5, s10, v9  }
0x12b: {  	s0 =	sshrl.u32 s20, $0x1F;
	s11 =	sshrl.u32 s5, $0x1F;
	s15 =	sshra.s32 s1, $0xE;
	v10 =	vsel vm6, s9, v10;
	v29 =	vmov s17;
	v9 =	vsel vm14, s12, v9  }
0x12c: {  	s2 =	sadd.s32 s2, s28;
	s1 =	sshra.s32 s1, $0x1F;
	s19 =	sshra.s32 s26, $0xE;
	v11 =	vsel vm5, s0, v11;
	v10 =	vsel vm9, s11, v10;
	v9 =	vsel vm6, s15, v9  }
0x12d: {  	s14 =	sshrl.u32 s2, $0x1F;
	s18 =	sshra.s32 s23, $0xE;
	s23 =	sshra.s32 s5, $0xE;
	v12 =	vsel vm4, s19, v29;
	v8 =	vcombine.low v11, v8;
	v9 =	vsel vm10, s1, v9  }
0x12e: {  	s25 =	sshra.s32 s21, $0xE;
	s24 =	sshra.s32 s22, $0xE;
	s26 =	sshra.s32 s5, $0x1F;
	v10 =	vsel vm8, s14, v10;
	v11 =	vsel vm4, s18, v28;
	v9 =	vsel vm9, s23, v9  }
0x12f: {  	s28 =	sshra.s32 s29, $0xE;
	s29 =	sshra.s32 s20, $0xE;
	s30 =	sshra.s32 s2, $0xE;
	v12 =	vsel vm3, s25, v12;
	v11 =	vsel vm3, s24, v11;
	v9 =	vsel vm15, s26, v9  }
0x130: {  	s2 =	sshra.s32 s2, $0x1F;
	s31 =	sshrl.u32 s13, $0x1F;
	v12 =	vsel vm5, s29, v12;
	v11 =	vsel vm5, s28, v11;
	v9 =	vsel vm8, s30, v9  }
0x131: {  	s3 =	sshra.s32 s13, $0xE;
	v10 =	vsel vm2, s31, v10;
	v11 =	vcombine.low v12, v11;
	v9 =	vsel vm0, s2, v9  }
0x132: {  	v8 =	vperm.xlane v8, v0;
	v10 =	vperm.xlane v10, v1;
	v9 =	vsel vm2, s3, v9  }
0x133: {  	v11 =	vperm.xlane v11, v0;
	v9 =	vperm.xlane v9, v1  }
0x134: {  	v5 =	vsel vm7, v6, v5;
	v4 =	vsel vm7, v4, v7  }
0x135: {  	v4 =	vadd.s32 v5, v4;
	v30 =	vsel vm7, v10, v8;
	v31 =	vsel vm7, v9, v11  }
0x136: {  	v4 =	vmul.u32 $0x1869F, v4;
	v5 =	vadd.s32 v30, v31  }
0x137: {  	v5 =	vmul.u32 $0x1869F, v5  }
0x138: {  	v2 =	vsub.s32 v2, v4;
	vm14 =	vmmov vm15  }
0x139: {  	v4 =	vadd.s32 $0x1869F, v2;
	vm15 =	vlt.s32 v2, $0x0;
	v3 =	vsub.s32 v3, v5  }
0x13a: {  	v2 =	vsel vm15, v4, v2;
	vm13 =	vlt.s32 v3, $0x0;
	v32 =	vadd.s32 $0x1869F, v3  }
0x13b: {  	s4 =	rddreg [dreg:$0x17];
	[tilespmem:$0x300] =	vst v2;
	v2 =	vsel vm13, v32, v3  }
0x13c: {  	s6 =	rddreg [dreg:$0x1];
	s7 =	simm.s32 $0x20;
	s5 =	simm.s32 $0x1A80;
	[tilespmem:$0x310] =	vst v2  }
0x13d: {  	[tilespmem:s5], [sflag:$0x1] =	stream.indirect.gather [hbm4b:s6+s7], $0x80, s4, s7, $0xb8;
	[tilespmem:$0x10A80] =	vst v63  }
0x13e: {  	v2 =	vld [tilespmem:$0x50]  }
0x13f: {  	v3 =	vld [tilespmem:$0x4F];
	_ =	sdelay $0x4  }
0x140: {  	v2 =	vmul.u32 $0x8DD9, v2;
	v3 =	vmul.u32 $0x6A37, v3;
	_ =	sdelay $0x1  }
0x141: {  	v2 =	vxor.u32 v2, v3  }
0x142: {  	(v2sf) =	vpush v2, $0xD;
	_ =	sdelay $0x1  }
0x143: {  	(v2sf) =	vpush v2, $0xC;
	_ =	sdelay $0x1  }
0x144: {  	(v2sf) =	vpush v2, $0xE;
	_ =	sdelay $0x1  }
0x145: {  	(v2sf) =	vpush v2, $0xF;
	_ =	sdelay $0x1  }
0x146: {  	(v2sf) =	vpush v2, $0x9;
	_ =	sdelay $0x1  }
0x147: {  	(v2sf) =	vpush v2, $0x8;
	_ =	sdelay $0x1  }
0x148: {  	(v2sf) =	vpush v2, $0xA;
	_ =	sdelay $0x1  }
0x149: {  	(v2sf) =	vpush v2, $0xB  }
0x14a: {  	s8 =	spop (v2sf)  }
0x14b: {  	(v2sf) =	vpush v2, $0x0;
	s0 =	smulhi.u32 $0x29F1868F, s8;
	s1 =	sshra.s32 s8, $0x1F  }
0x14c: {  	(v2sf) =	vpush v2, $0x1;
	s9 =	spop (v2sf);
	s4 =	smul.u32 $0x29F1868F, s1  }
0x14d: {  	s1 =	smulhi.u32 $0x29F1868F, s9;
	s2 =	sshra.s32 s9, $0x1F  }
0x14e: {  	(v2sf) =	vpush v2, $0x2;
	s10 =	spop (v2sf);
	s19 =	smul.u32 $0x29F1868F, s2  }
0x14f: {  	s8 =	smulhi.u32 $0x29F1868F, s10;
	s2 =	sshra.s32 s10, $0x1F  }
0x150: {  	(v2sf) =	vpush v2, $0x3;
	s11 =	spop (v2sf);
	s6 =	smul.u32 $0x29F1868F, s2  }
0x151: {  	s9 =	smulhi.u32 $0x29F1868F, s11;
	s2 =	sshra.s32 s11, $0x1F  }
0x152: {  	v33 =	vld [tilespmem:$0x5F];
	s12 =	spop (v2sf);
	s11 =	smul.u32 $0x29F1868F, s2  }
0x153: {  	v3 =	vld [tilespmem:$0x60];
	(v2sf) =	vpush v2, $0x4;
	s10 =	smulhi.u32 $0x29F1868F, s12;
	s2 =	sshra.s32 s12, $0x1F  }
0x154: {  	s13 =	spop (v2sf);
	s3 =	smul.u32 $0x29F1868F, s2  }
0x155: {  	(v2sf) =	vpush v2, $0x5;
	s12 =	smulhi.u32 $0x29F1868F, s13;
	s2 =	sshra.s32 s13, $0x1F  }
0x156: {  	s14 =	spop (v2sf);
	s20 =	smul.u32 $0x29F1868F, s2  }
0x157: {  	(v2sf) =	vpush v2, $0x6;
	s22 =	smulhi.u32 $0x29F1868F, s14;
	s2 =	sshra.s32 s14, $0x1F  }
0x158: {  	v4 =	vmul.u32 $0x6A37, v33;
	v3 =	vmul.u32 $0x8DD9, v3;
	s0 =	sadd.s32 s4, s0;
	s15 =	spop (v2sf);
	s25 =	smul.u32 $0x29F1868F, s2  }
0x159: {  	[smem:$0x6CE] =	sst s0;
	(v2sf) =	vpush v2, $0x7;
	s16 =	smulhi.u32 $0x29F1868F, s15;
	s2 =	sshra.s32 s15, $0x1F  }
0x15a: {  	v3 =	vxor.u32 v3, v4;
	s17 =	spop (v2sf);
	s24 =	smul.u32 $0x29F1868F, s2  }
0x15b: {  	(v2sf) =	vpush v3, $0xD;
	s18 =	smulhi.u32 $0x29F1868F, s17;
	s2 =	sshra.s32 s17, $0x1F;
	s21 =	spop (v2sf)  }
0x15c: {  	[smem:$0x6C0] =	sst s16;
	s5 =	smul.u32 $0x29F1868F, s2  }
0x15d: {  	(v2sf) =	vpush v3, $0xC;
	s23 =	smulhi.u32 $0x29F1868F, s21;
	s2 =	sshra.s32 s21, $0x1F;
	s26 =	spop (v2sf)  }
0x15e: {  	[smem:$0x6C1] =	sst s18;
	s7 =	smul.u32 $0x29F1868F, s2  }
0x15f: {  	s28 =	smulhi.u32 $0x29F1868F, s26;
	s2 =	sshra.s32 s26, $0x1F;
	s29 =	spop (v2sf)  }
0x160: {  	[smem:$0x6C2] =	sst s23;
	s23 =	smul.u32 $0x29F1868F, s2  }
0x161: {  	s4 =	sld [smem:$0x6C0];
	s30 =	smulhi.u32 $0x29F1868F, s29;
	s2 =	sshra.s32 s29, $0x1F  }
0x162: {  	(v2sf) =	vpush v3, $0xE;
	s18 =	smul.u32 $0x29F1868F, s2;
	s31 =	spop (v2sf)  }
0x163: {  	[smem:$0x6C3] =	sst s28;
	s14 =	smulhi.u32 $0x29F1868F, s31;
	s2 =	sshra.s32 s31, $0x1F  }
0x164: {  	s15 =	spop (v2sf);
	s17 =	smul.u32 $0x29F1868F, s2  }
0x165: {  	(v2sf) =	vpush v3, $0xF;
	[smem:$0x6C4] =	sst s30;
	s16 =	smulhi.u32 $0x29F1868F, s15;
	s2 =	sshra.s32 s15, $0x1F  }
0x166: {  	s21 =	spop (v2sf);
	s15 =	smul.u32 $0x29F1868F, s2  }
0x167: {  	[smem:$0x6C5] =	sst s14;
	s26 =	smulhi.u32 $0x29F1868F, s21;
	s2 =	sshra.s32 s21, $0x1F  }
0x168: {  	(v2sf) =	vpush v3, $0x9;
	s28 =	spop (v2sf);
	s14 =	smul.u32 $0x29F1868F, s2  }
0x169: {  	[smem:$0x6C6] =	sst s16;
	s29 =	smulhi.u32 $0x29F1868F, s28;
	s2 =	sshra.s32 s28, $0x1F  }
0x16a: {  	(v2sf) =	vpush v3, $0x8;
	s30 =	spop (v2sf);
	s13 =	smul.u32 $0x29F1868F, s2  }
0x16b: {  	[smem:$0x6C7] =	sst s26;
	s31 =	smulhi.u32 $0x29F1868F, s30;
	s2 =	sshra.s32 s30, $0x1F  }
0x16c: {  	(v2sf) =	vpush v3, $0xA;
	s21 =	spop (v2sf);
	s16 =	smul.u32 $0x29F1868F, s2  }
0x16d: {  	[smem:$0x6C8] =	sst s29;
	s26 =	smulhi.u32 $0x29F1868F, s21  }
0x16e: {  	(v2sf) =	vpush v3, $0xB;
	s2 =	sshra.s32 s21, $0x1F;
	s21 =	sadd.s32 s11, s9;
	s9 =	sld [smem:$0x6C2]  }
0x16f: {  	[smem:$0x6C9] =	sst s31  }
0x170: {  	s20 =	sadd.s32 s20, s12;
	[smem:$0x6CA] =	sst s16  }
0x171: {  	s25 =	sadd.s32 s25, s22;
	(v2sf) =	vpush v3, $0x0;
	s29 =	spop (v2sf);
	[smem:$0x6CB] =	sst s26  }
0x172: {  	s28 =	smul.u32 $0x29F1868F, s2;
	s26 =	sadd.s32 s6, s8;
	s6 =	sld [smem:$0x6C1]  }
0x173: {  	s31 =	smulhi.u32 $0x29F1868F, s29;
	s16 =	sadd.s32 s3, s10;
	s10 =	sld [smem:$0x6C3]  }
0x174: {  	s30 =	sadd.s32 s19, s1;
	s2 =	spop (v2sf);
	[smem:$0x6CC] =	sst s28  }
0x175: {  	s0 =	sshra.s32 s29, $0x1F;
	s29 =	smulhi.u32 $0x29F1868F, s2;
	[smem:$0x6CD] =	sst s31  }
0x176: {  	s28 =	smul.u32 $0x29F1868F, s0;
	s0 =	sshra.s32 s2, $0x1F;
	s2 =	sld [smem:$0x6C4]  }
0x177: {  	s19 =	smul.u32 $0x29F1868F, s0;
	s5 =	sadd.s32 s5, s6;
	s3 =	spop (v2sf)  }
0x178: {  	s6 =	sld [smem:$0x6C6];
	s22 =	smulhi.u32 $0x29F1868F, s3;
	s0 =	sshra.s32 s3, $0x1F  }
0x179: {  	s7 =	sadd.s32 s7, s9;
	s8 =	spop (v2sf);
	s12 =	smul.u32 $0x29F1868F, s0  }
0x17a: {  	s3 =	sld [smem:$0x6C5];
	s11 =	smulhi.u32 $0x29F1868F, s8;
	s0 =	sshra.s32 s8, $0x1F  }
0x17b: {  	s23 =	sadd.s32 s23, s10;
	s31 =	spop (v2sf);
	s9 =	smul.u32 $0x29F1868F, s0  }
0x17c: {  	(v2sf) =	vpush v3, $0x1;
	s10 =	smulhi.u32 $0x29F1868F, s31;
	s0 =	sshra.s32 s31, $0x1F;
	s31 =	sld [smem:$0x6C7]  }
0x17d: {  	s24 =	sadd.s32 s24, s4;
	s4 =	spop (v2sf);
	s8 =	smul.u32 $0x29F1868F, s0  }
0x17e: {  	(v2sf) =	vpush v3, $0x2;
	s18 =	sadd.s32 s18, s2;
	s15 =	sadd.s32 s15, s6;
	s6 =	smulhi.u32 $0x29F1868F, s4  }
0x17f: {  	s0 =	sshra.s32 s4, $0x1F;
	s14 =	sadd.s32 s14, s31;
	s31 =	sld [smem:$0x6C8]  }
0x180: {  	s17 =	sadd.s32 s17, s3;
	s2 =	spop (v2sf);
	s4 =	smul.u32 $0x29F1868F, s0  }
0x181: {  	s3 =	smulhi.u32 $0x29F1868F, s2;
	s0 =	sshra.s32 s2, $0x1F;
	s2 =	sld [smem:$0x6C9]  }
0x182: {  	s13 =	sadd.s32 s13, s31;
	s31 =	sld [smem:$0x6CA];
	_ =	sdelay $0x2  }
0x183: {  	s1 =	sadd.s32 s31, s2;
	s31 =	sld [smem:$0x6CC]  }
0x184: {  	[smem:$0x6CF] =	sst s1  }
0x185: {  	s1 =	sld [smem:$0x6CB]  }
0x186: {  	s12 =	sadd.s32 s12, s22  }
0x187: {  	[smem:$0x6D2] =	sst s12  }
0x188: {  	s29 =	sadd.s32 s19, s29;
	s1 =	sadd.s32 s31, s1;
	s31 =	sld [smem:$0x6CD]  }
0x189: {  	s9 =	sadd.s32 s9, s11;
	s2 =	smul.u32 $0x29F1868F, s0;
	s0 =	spop (v2sf)  }
0x18a: {  	s12 =	sshra.s32 s21, $0xE;
	[smem:$0x6D0] =	sst s1;
	s1 =	smulhi.u32 $0x29F1868F, s0  }
0x18b: {  	s0 =	sshra.s32 s0, $0x1F;
	s28 =	sadd.s32 s28, s31;
	s31 =	spop (v2sf)  }
0x18c: {  	s11 =	sshra.s32 s13, $0x1F;
	[smem:$0x6D1] =	sst s28;
	s28 =	smul.u32 $0x29F1868F, s0  }
0x18d: {  	[smem:$0x6D3] =	sst s9;
	v34 =	vmov s11;
	s11 =	sshrl.u32 s7, $0x1F;
	s19 =	smulhi.u32 $0x29F1868F, s31  }
0x18e: {  	(v2sf) =	vpush v3, $0x3;
	s0 =	sshra.s32 s31, $0x1F;
	s31 =	sadd.s32 s8, s10;
	s10 =	sld [smem:$0x6CE]  }
0x18f: {  	(v2sf) =	vpush v3, $0x4;
	s3 =	sadd.s32 s2, s3;
	s8 =	sadd.s32 s4, s6;
	[smem:$0x6D4] =	sst s31  }
0x190: {  	(v2sf) =	vpush v3, $0x5;
	s4 =	sshra.s32 s16, $0xE;
	s22 =	smul.u32 $0x29F1868F, s0;
	[smem:$0x6D5] =	sst s8  }
0x191: {  	s8 =	sshra.s32 s30, $0xE;
	s31 =	sshrl.u32 s25, $0x1F;
	s0 =	sshra.s32 s5, $0xE  }
0x192: {  	(v2sf) =	vpush v3, $0x6;
	s6 =	sadd.s32 s28, s1;
	s28 =	sshrl.u32 s26, $0x1F;
	s1 =	sshra.s32 s20, $0xE  }
0x193: {  	(v2sf) =	vpush v3, $0x7;
	v4 =	vsel vm1, s0, v34;
	s0 =	sshra.s32 s7, $0xE;
	s9 =	sadd.s32 s22, s19;
	s19 =	sshrl.u32 s30, $0x1F  }
0x194: {  	s22 =	sshra.s32 s26, $0xE;
	s26 =	sshrl.u32 s21, $0x1F;
	s30 =	sshrl.u32 s16, $0x1F  }
0x195: {  	vm0 =	vmmov vm2;
	s16 =	sshrl.u32 s20, $0x1F;
	s21 =	sshra.s32 s25, $0xE;
	s25 =	sshrl.u32 s24, $0x1F  }
0x196: {  	vm2 =	vcmask $0x1714;
	v38 =	vmov s8;
	s20 =	sshra.s32 s24, $0xE;
	s24 =	sshrl.u32 s5, $0x1F;
	s5 =	sshra.s32 s5, $0x1F;
	v39 =	vmov s1  }
0x197: {  	s2 =	sshrl.u32 s10, $0x1F;
	s10 =	sshra.s32 s10, $0xE;
	v35 =	vmov s19;
	v36 =	vmov s24;
	v4 =	vsel vm11, s5, v4;
	s24 =	sshra.s32 s7, $0x1F  }
0x198: {  	s7 =	sshrl.u32 s23, $0x1F;
	s19 =	sshra.s32 s23, $0xE;
	v37 =	vmov s16;
	v8 =	vsel vm4, s10, v38;
	v9 =	vsel vm4, s4, v39;
	s10 =	sshrl.u32 s6, $0x1F  }
0x199: {  	v5 =	vsel vm4, s2, v35;
	v4 =	vsel vm4, s0, v4;
	s0 =	sshra.s32 s23, $0x1F;
	s2 =	sshrl.u32 s18, $0x1F;
	v8 =	vsel vm3, s22, v8;
	s22 =	sld [smem:$0x6D1]  }
0x19a: {  	v6 =	vnsel vm1, $0x0, v36;
	s23 =	sshra.s32 s18, $0xE;
	v7 =	vsel vm4, s30, v37;
	s30 =	sshrl.u32 s13, $0x1F;
	v9 =	vsel vm3, s21, v9;
	s21 =	sld [smem:$0x6D4]  }
0x19b: {  	vm13 =	vmmov vm1;
	v6 =	vsel vm4, s11, v6;
	v4 =	vsel vm12, s24, v4;
	s11 =	sshra.s32 s18, $0x1F;
	s24 =	sshrl.u32 s17, $0x1F;
	s18 =	sshra.s32 s17, $0xE  }
0x19c: {  	v5 =	vsel vm3, s28, v5;
	s28 =	sshrl.u32 s14, $0x1F;
	v9 =	vsel vm5, s20, v9;
	s20 =	sld [smem:$0x6D5];
	v6 =	vsel vm3, s7, v6;
	s7 =	sshra.s32 s17, $0x1F  }
0x19d: {  	v7 =	vsel vm3, s31, v7;
	v5 =	vsel vm5, s26, v5;
	v4 =	vsel vm3, s19, v4;
	s17 =	sshrl.u32 s15, $0x1F;
	s19 =	spop (v2sf);
	s26 =	sshra.s32 s15, $0xE  }
0x19e: {  	s15 =	sshra.s32 s15, $0x1F;
	v7 =	vsel vm5, s25, v7;
	s25 =	sld [smem:$0x6D0];
	v6 =	vsel vm5, s2, v6;
	v4 =	vsel vm2, s0, v4;
	s16 =	spop (v2sf)  }
0x19f: {  	vm1 =	vcmask $0x1F1C;
	s4 =	sshrl.u32 s22, $0x1F;
	v6 =	vsel vm6, s24, v6;
	v4 =	vsel vm5, s23, v4;
	s24 =	sshra.s32 s14, $0xE;
	s5 =	spop (v2sf)  }
0x1a0: {  	s23 =	sld [smem:$0x6CF];
	s0 =	sshrl.u32 s20, $0x1F;
	v4 =	vsel vm1, s11, v4;
	s8 =	smulhi.u32 $0x29F1868F, s5  }
0x1a1: {  	s2 =	spop (v2sf);
	s5 =	sshra.s32 s5, $0x1F;
	v4 =	vsel vm6, s18, v4;
	s18 =	smulhi.u32 $0x29F1868F, s19  }
0x1a2: {  	v8 =	vsel vm5, s12, v8;
	v6 =	vsel vm9, s17, v6;
	s11 =	sshra.s32 s14, $0x1F;
	s31 =	spop (v2sf);
	s5 =	smul.u32 $0x29F1868F, s5  }
0x1a3: {  	vm10 =	vmmov vm11;
	v40 =	vcombine.low v9, v8;
	s17 =	sshra.s32 s13, $0xE;
	v6 =	vsel vm8, s28, v6;
	s28 =	smulhi.u32 $0x29F1868F, s31;
	s13 =	sshra.s32 s31, $0x1F  }
0x1a4: {  	vm15 =	vcmask $0x2724;
	v5 =	vcombine.low v7, v5;
	s14 =	sshrl.u32 s29, $0x1F;
	s19 =	sshra.s32 s19, $0x1F;
	v6 =	vsel vm0, s30, v6;
	s30 =	smul.u32 $0x29F1868F, s13  }
0x1a5: {  	vm11 =	vmmov vm14;
	v7 =	vperm.xlane v40, v0;
	v4 =	vsel vm15, s7, v4;
	s1 =	sshrl.u32 s23, $0x1F;
	s31 =	sshrl.u32 s25, $0x1F;
	s7 =	smul.u32 $0x29F1868F, s19  }
0x1a6: {  	v5 =	vperm.xlane v5, v0;
	s19 =	sshrl.u32 s21, $0x1F;
	v4 =	vsel vm9, s26, v4;
	s26 =	sld [smem:$0x6D2];
	v41 =	vmov s31;
	s13 =	sadd.s32 s30, s28  }
0x1a7: {  	s31 =	sshra.s32 s3, $0xE;
	v6 =	vperm.xlane v6, v1;
	s5 =	sadd.s32 s5, s8;
	v4 =	vsel vm14, s15, v4;
	vm14 =	vcmask $0x3734;
	s30 =	sshra.s32 s13, $0x1F  }
0x1a8: {  	s7 =	sadd.s32 s7, s18;
	v8 =	vsel vm4, s1, v41;
	s1 =	smulhi.u32 $0x29F1868F, s16;
	s16 =	sshra.s32 s16, $0x1F;
	v4 =	vsel vm8, s24, v4;
	v42 =	vmov s30  }
0x1a9: {  	s24 =	sld [smem:$0x6D3];
	s28 =	sshrl.u32 s3, $0x1F;
	s3 =	sshra.s32 s3, $0x1F;
	v8 =	vsel vm3, s4, v8;
	v4 =	vsel vm14, s11, v4;
	v9 =	vsel vm13, s31, v42  }
0x1aa: {  	s16 =	smul.u32 $0x29F1868F, s16;
	s18 =	sshrl.u32 s7, $0x1F;
	v43 =	vmov s28;
	v4 =	vsel vm0, s17, v4;
	s17 =	sshra.s32 s6, $0xE;
	v9 =	vsel vm10, s3, v9  }
0x1ab: {  	s15 =	sshrl.u32 s26, $0x1F;
	s11 =	sshrl.u32 s9, $0x1F;
	s28 =	sshra.s32 s6, $0x1F;
	v8 =	vsel vm5, s14, v8;
	v10 =	vnsel vm13, $0x0, v43;
	v9 =	vsel vm4, s17, v9  }
0x1ac: {  	s14 =	sshra.s32 s7, $0x1F;
	s12 =	sshrl.u32 s24, $0x1F;
	v4 =	vperm.xlane v4, v1;
	v10 =	vsel vm4, s10, v10;
	s31 =	sshra.s32 s9, $0xE;
	v9 =	vsel vm12, s28, v9  }
0x1ad: {  	s30 =	smulhi.u32 $0x29F1868F, s2;
	s1 =	sadd.s32 s16, s1;
	s9 =	sshra.s32 s9, $0x1F;
	v44 =	vmov s12;
	v10 =	vsel vm3, s11, v10;
	v9 =	vsel vm3, s31, v9  }
0x1ae: {  	s2 =	sshra.s32 s2, $0x1F;
	s10 =	sshrl.u32 s1, $0x1F;
	s11 =	sshra.s32 s7, $0xE;
	v11 =	vsel vm4, s15, v44;
	v10 =	vsel vm5, s18, v10;
	v9 =	vsel vm2, s9, v9  }
0x1af: {  	s2 =	smul.u32 $0x29F1868F, s2;
	s17 =	sshra.s32 s25, $0xE;
	s18 =	sshra.s32 s24, $0xE;
	v11 =	vsel vm3, s19, v11;
	v10 =	vsel vm6, s10, v10;
	v9 =	vsel vm5, s11, v9  }
0x1b0: {  	s16 =	sshra.s32 s1, $0xE;
	s1 =	sshra.s32 s1, $0x1F;
	s12 =	sshrl.u32 s5, $0x1F;
	v45 =	vmov s17;
	v46 =	vmov s18;
	v9 =	vsel vm1, s14, v9  }
0x1b1: {  	s2 =	sadd.s32 s2, s30;
	s19 =	sshra.s32 s23, $0xE;
	s23 =	sshra.s32 s26, $0xE;
	v11 =	vsel vm5, s0, v11;
	v10 =	vsel vm9, s12, v10;
	v9 =	vsel vm6, s16, v9  }
0x1b2: {  	s24 =	sshra.s32 s5, $0xE;
	s15 =	sshrl.u32 s2, $0x1F;
	v12 =	vsel vm4, s23, v46;
	v8 =	vcombine.low v11, v8;
	v9 =	vsel vm15, s1, v9  }
0x1b3: {  	s25 =	sshra.s32 s22, $0xE;
	s26 =	sshra.s32 s21, $0xE;
	s28 =	sshra.s32 s5, $0x1F;
	v10 =	vsel vm8, s15, v10;
	v11 =	vsel vm4, s19, v45;
	v9 =	vsel vm9, s24, v9  }
0x1b4: {  	s30 =	sshra.s32 s29, $0xE;
	s4 =	sshra.s32 s2, $0xE;
	s31 =	sshra.s32 s20, $0xE;
	v12 =	vsel vm3, s26, v12;
	v11 =	vsel vm3, s25, v11;
	v9 =	vsel vm11, s28, v9  }
0x1b5: {  	s5 =	sshrl.u32 s13, $0x1F;
	s6 =	sshra.s32 s2, $0x1F;
	v12 =	vsel vm5, s31, v12;
	v11 =	vsel vm5, s30, v11;
	v9 =	vsel vm8, s4, v9  }
0x1b6: {  	s7 =	sshra.s32 s13, $0xE;
	v10 =	vsel vm0, s5, v10;
	v11 =	vcombine.low v12, v11;
	v9 =	vsel vm14, s6, v9  }
0x1b7: {  	v8 =	vperm.xlane v8, v0;
	v10 =	vperm.xlane v10, v1;
	v9 =	vsel vm0, s7, v9  }
0x1b8: {  	v11 =	vperm.xlane v11, v0;
	v9 =	vperm.xlane v9, v1  }
0x1b9: {  	v5 =	vsel vm7, v6, v5;
	v4 =	vsel vm7, v4, v7  }
0x1ba: {  	v4 =	vadd.s32 v5, v4;
	v47 =	vsel vm7, v10, v8;
	v48 =	vsel vm7, v9, v11  }
0x1bb: {  	v4 =	vmul.u32 $0x1869F, v4;
	v5 =	vadd.s32 v47, v48  }
0x1bc: {  	v5 =	vmul.u32 $0x1869F, v5  }
0x1bd: {  	v2 =	vsub.s32 v2, v4  }
0x1be: {  	v4 =	vadd.s32 $0x1869F, v2;
	vm14 =	vlt.s32 v2, $0x0;
	v3 =	vsub.s32 v3, v5  }
0x1bf: {  	v2 =	vsel vm14, v4, v2;
	vm14 =	vlt.s32 v3, $0x0;
	v49 =	vadd.s32 $0x1869F, v3  }
0x1c0: {  	s8 =	rddreg [dreg:$0x18];
	[tilespmem:$0x380] =	vst v2;
	v2 =	vsel vm14, v49, v3  }
0x1c1: {  	s10 =	rddreg [dreg:$0x1];
	s9 =	simm.s32 $0x2A80;
	s11 =	simm.s32 $0x20;
	[tilespmem:$0x390] =	vst v2  }
0x1c2: {  	[tilespmem:s9], [sflag:$0x1] =	stream.indirect.gather [hbm4b:s10+s11], $0x80, s8, s11, $0xb8;
	[tilespmem:$0x10A80] =	vst v63  }
0x1c3: {  	v2 =	vld [tilespmem:$0x70]  }
0x1c4: {  	v3 =	vld [tilespmem:$0x6F];
	_ =	sdelay $0x4  }
0x1c5: {  	v2 =	vmul.u32 $0x8DD9, v2;
	v3 =	vmul.u32 $0x6A37, v3;
	_ =	sdelay $0x1  }
0x1c6: {  	v2 =	vxor.u32 v2, v3  }
0x1c7: {  	(v2sf) =	vpush v2, $0xD;
	_ =	sdelay $0x1  }
0x1c8: {  	(v2sf) =	vpush v2, $0xC;
	_ =	sdelay $0x1  }
0x1c9: {  	(v2sf) =	vpush v2, $0xE;
	_ =	sdelay $0x1  }
0x1ca: {  	(v2sf) =	vpush v2, $0xF;
	_ =	sdelay $0x1  }
0x1cb: {  	(v2sf) =	vpush v2, $0x9;
	_ =	sdelay $0x1  }
0x1cc: {  	(v2sf) =	vpush v2, $0x8  }
0x1cd: {  	(v2sf) =	vpush v2, $0xA;
	_ =	sdelay $0x1  }
0x1ce: {  	(v2sf) =	vpush v2, $0xB;
	_ =	sdelay $0x1  }
0x1cf: {  	s12 =	spop (v2sf)  }
0x1d0: {  	(v2sf) =	vpush v2, $0x0;
	s11 =	smulhi.u32 $0x29F1868F, s12;
	s1 =	sshra.s32 s12, $0x1F  }
0x1d1: {  	(v2sf) =	vpush v2, $0x1;
	s13 =	spop (v2sf);
	s25 =	smul.u32 $0x29F1868F, s1  }
0x1d2: {  	(v2sf) =	vpush v2, $0x2;
	s12 =	smulhi.u32 $0x29F1868F, s13;
	s3 =	sshra.s32 s13, $0x1F  }
0x1d3: {  	s14 =	spop (v2sf);
	s28 =	smul.u32 $0x29F1868F, s3  }
0x1d4: {  	s26 =	smulhi.u32 $0x29F1868F, s14;
	s4 =	sshra.s32 s14, $0x1F  }
0x1d5: {  	(v2sf) =	vpush v2, $0x3;
	s15 =	spop (v2sf);
	s6 =	smul.u32 $0x29F1868F, s4  }
0x1d6: {  	s30 =	smulhi.u32 $0x29F1868F, s15;
	s8 =	sshra.s32 s15, $0x1F  }
0x1d7: {  	(v2sf) =	vpush v2, $0x4;
	s16 =	spop (v2sf);
	s2 =	smul.u32 $0x29F1868F, s8  }
0x1d8: {  	v50 =	vld [tilespmem:$0x7F];
	s8 =	smulhi.u32 $0x29F1868F, s16;
	s9 =	sshra.s32 s16, $0x1F  }
0x1d9: {  	v3 =	vld [tilespmem:$0x80];
	s17 =	spop (v2sf);
	s3 =	smul.u32 $0x29F1868F, s9  }
0x1da: {  	(v2sf) =	vpush v2, $0x5;
	s18 =	spop (v2sf);
	s9 =	smulhi.u32 $0x29F1868F, s17;
	s10 =	sshra.s32 s17, $0x1F  }
0x1db: {  	(v2sf) =	vpush v2, $0x6;
	s10 =	smul.u32 $0x29F1868F, s10;
	s14 =	sshra.s32 s18, $0x1F  }
0x1dc: {  	s19 =	spop (v2sf);
	s13 =	smul.u32 $0x29F1868F, s14  }
0x1dd: {  	s14 =	smulhi.u32 $0x29F1868F, s19  }
0x1de: {  	v4 =	vmul.u32 $0x6A37, v50;
	v3 =	vmul.u32 $0x8DD9, v3;
	s16 =	sshra.s32 s19, $0x1F;
	[smem:$0x6D6] =	sst s10;
	s10 =	smulhi.u32 $0x29F1868F, s18  }
0x1df: {  	(v2sf) =	vpush v2, $0x7;
	s20 =	spop (v2sf);
	s24 =	smul.u32 $0x29F1868F, s16  }
0x1e0: {  	v3 =	vxor.u32 v3, v4;
	s21 =	spop (v2sf);
	s5 =	smulhi.u32 $0x29F1868F, s20;
	s15 =	sshra.s32 s20, $0x1F  }
0x1e1: {  	(v2sf) =	vpush v3, $0xD;
	s29 =	spop (v2sf);
	s0 =	smul.u32 $0x29F1868F, s15  }
0x1e2: {  	[smem:$0x6D7] =	sst s13;
	s16 =	smulhi.u32 $0x29F1868F, s21;
	s17 =	sshra.s32 s21, $0x1F  }
0x1e3: {  	(v2sf) =	vpush v3, $0xC;
	[smem:$0x6D8] =	sst s14;
	s7 =	smul.u32 $0x29F1868F, s17  }
0x1e4: {  	s31 =	spop (v2sf);
	s18 =	smulhi.u32 $0x29F1868F, s29;
	s19 =	sshra.s32 s29, $0x1F  }
0x1e5: {  	s26 =	sadd.s32 s6, s26;
	s6 =	sld [smem:$0x6D8];
	s1 =	smul.u32 $0x29F1868F, s19  }
0x1e6: {  	s22 =	spop (v2sf);
	s20 =	smulhi.u32 $0x29F1868F, s31;
	s29 =	sshra.s32 s31, $0x1F  }
0x1e7: {  	(v2sf) =	vpush v3, $0xE;
	[smem:$0x6DA] =	sst s18;
	s18 =	smul.u32 $0x29F1868F, s29  }
0x1e8: {  	(v2sf) =	vpush v3, $0xF;
	[smem:$0x6D9] =	sst s16;
	s31 =	smulhi.u32 $0x29F1868F, s22;
	s14 =	sshra.s32 s22, $0x1F  }
0x1e9: {  	s4 =	spop (v2sf);
	s17 =	smul.u32 $0x29F1868F, s14  }
0x1ea: {  	s23 =	spop (v2sf);
	s15 =	smulhi.u32 $0x29F1868F, s4  }
0x1eb: {  	[smem:$0x6DB] =	sst s20;
	s4 =	sshra.s32 s4, $0x1F;
	s16 =	smulhi.u32 $0x29F1868F, s23  }
0x1ec: {  	(v2sf) =	vpush v3, $0x9;
	s19 =	sshra.s32 s23, $0x1F;
	[smem:$0x6DD] =	sst s15;
	s15 =	smul.u32 $0x29F1868F, s4  }
0x1ed: {  	[smem:$0x6DC] =	sst s31;
	s31 =	sadd.s32 s25, s11;
	s14 =	smul.u32 $0x29F1868F, s19  }
0x1ee: {  	(v2sf) =	vpush v3, $0x8;
	s20 =	spop (v2sf);
	[smem:$0x6E5] =	sst s31  }
0x1ef: {  	(v2sf) =	vpush v3, $0xA;
	[smem:$0x6DE] =	sst s16;
	s21 =	smulhi.u32 $0x29F1868F, s20;
	s4 =	sshra.s32 s20, $0x1F  }
0x1f0: {  	s24 =	sadd.s32 s24, s6;
	s22 =	spop (v2sf);
	s13 =	smul.u32 $0x29F1868F, s4  }
0x1f1: {  	s6 =	sld [smem:$0x6DD];
	s23 =	smulhi.u32 $0x29F1868F, s22;
	s29 =	sshra.s32 s22, $0x1F  }
0x1f2: {  	(v2sf) =	vpush v3, $0xB;
	s16 =	spop (v2sf);
	s22 =	sadd.s32 s2, s30;
	s30 =	sld [smem:$0x6D6]  }
0x1f3: {  	s2 =	sld [smem:$0x6DB];
	s11 =	smul.u32 $0x29F1868F, s29  }
0x1f4: {  	[smem:$0x6DF] =	sst s21;
	s19 =	smulhi.u32 $0x29F1868F, s16  }
0x1f5: {  	(v2sf) =	vpush v3, $0x0;
	s20 =	sshra.s32 s16, $0x1F;
	s16 =	sadd.s32 s3, s8;
	s3 =	sld [smem:$0x6D7]  }
0x1f6: {  	s21 =	spop (v2sf);
	[smem:$0x6E0] =	sst s23  }
0x1f7: {  	s20 =	smul.u32 $0x29F1868F, s20;
	s25 =	spop (v2sf)  }
0x1f8: {  	s23 =	smulhi.u32 $0x29F1868F, s21;
	[smem:$0x6E2] =	sst s19;
	s31 =	sshra.s32 s25, $0x1F  }
0x1f9: {  	[smem:$0x6E3] =	sst s20;
	s20 =	sshra.s32 s21, $0x1F;
	s19 =	smul.u32 $0x29F1868F, s31  }
0x1fa: {  	s29 =	sadd.s32 s28, s12;
	[smem:$0x6E1] =	sst s11;
	s28 =	smul.u32 $0x29F1868F, s20  }
0x1fb: {  	s4 =	spop (v2sf);
	s20 =	sadd.s32 s30, s9;
	s30 =	smulhi.u32 $0x29F1868F, s25  }
0x1fc: {  	[smem:$0x6E4] =	sst s23;
	s23 =	sshra.s32 s4, $0x1F;
	s25 =	smulhi.u32 $0x29F1868F, s4  }
0x1fd: {  	s5 =	sadd.s32 s0, s5;
	s8 =	spop (v2sf);
	s12 =	smul.u32 $0x29F1868F, s23  }
0x1fe: {  	s15 =	sadd.s32 s15, s6;
	s9 =	sld [smem:$0x6D9];
	s31 =	spop (v2sf)  }
0x1ff: {  	s21 =	sadd.s32 s3, s10;
	s11 =	smulhi.u32 $0x29F1868F, s8;
	s0 =	sshra.s32 s31, $0x1F  }
0x200: {  	s3 =	sld [smem:$0x6DC];
	s10 =	sshra.s32 s8, $0x1F;
	s8 =	smul.u32 $0x29F1868F, s0  }
0x201: {  	s4 =	spop (v2sf);
	s7 =	sadd.s32 s7, s9;
	s9 =	smul.u32 $0x29F1868F, s10  }
0x202: {  	s18 =	sadd.s32 s18, s2;
	s10 =	smulhi.u32 $0x29F1868F, s31;
	s31 =	sld [smem:$0x6DE]  }
0x203: {  	s23 =	sld [smem:$0x6DA];
	s17 =	sadd.s32 s17, s3;
	s6 =	smulhi.u32 $0x29F1868F, s4  }
0x204: {  	(v2sf) =	vpush v3, $0x1;
	s0 =	sshra.s32 s4, $0x1F;
	s2 =	spop (v2sf);
	s12 =	sadd.s32 s12, s25  }
0x205: {  	s4 =	smul.u32 $0x29F1868F, s0;
	s14 =	sadd.s32 s14, s31;
	s31 =	sld [smem:$0x6DF]  }
0x206: {  	(v2sf) =	vpush v3, $0x2;
	s3 =	smulhi.u32 $0x29F1868F, s2;
	s0 =	sshra.s32 s2, $0x1F;
	s2 =	sld [smem:$0x6E0]  }
0x207: {  	[smem:$0x6E9] =	sst s12  }
0x208: {  	s13 =	sadd.s32 s13, s31;
	s31 =	sld [smem:$0x6E1]  }
0x209: {  	s9 =	sadd.s32 s9, s11;
	s25 =	sadd.s32 s8, s10;
	s10 =	sld [smem:$0x6E5]  }
0x20a: {  	[smem:$0x6EA] =	sst s9  }
0x20b: {  	s23 =	sadd.s32 s1, s23;
	s1 =	sadd.s32 s31, s2;
	s31 =	sld [smem:$0x6E3]  }
0x20c: {  	[smem:$0x6E6] =	sst s1  }
0x20d: {  	s8 =	sadd.s32 s4, s6;
	s2 =	smul.u32 $0x29F1868F, s0;
	s1 =	sld [smem:$0x6E2]  }
0x20e: {  	s12 =	sshra.s32 s26, $0xE;
	[smem:$0x6EC] =	sst s8  }
0x20f: {  	s8 =	sshra.s32 s29, $0xE;
	s3 =	sadd.s32 s2, s3;
	s2 =	sshrl.u32 s10, $0x1F  }
0x210: {  	v55 =	vmov s8;
	s10 =	sshra.s32 s10, $0xE;
	s1 =	sadd.s32 s31, s1;
	s31 =	sld [smem:$0x6E4]  }
0x211: {  	s4 =	sshra.s32 s16, $0xE;
	[smem:$0x6EB] =	sst s25;
	s11 =	sshra.s32 s13, $0x1F;
	v8 =	vsel vm4, s10, v55  }
0x212: {  	(v2sf) =	vpush v3, $0x3;
	s25 =	sshra.s32 s22, $0xE;
	v51 =	vmov s11;
	s11 =	sshrl.u32 s7, $0x1F;
	v8 =	vsel vm3, s12, v8;
	[smem:$0x6E7] =	sst s1  }
0x213: {  	(v2sf) =	vpush v3, $0x4;
	s0 =	spop (v2sf);
	v8 =	vsel vm5, s25, v8;
	s25 =	sld [smem:$0x6EA];
	s28 =	sadd.s32 s28, s31  }
0x214: {  	(v2sf) =	vpush v3, $0x5;
	s1 =	smulhi.u32 $0x29F1868F, s0;
	s0 =	sshra.s32 s0, $0x1F;
	[smem:$0x6E8] =	sst s28  }
0x215: {  	s31 =	sadd.s32 s19, s30;
	s28 =	smul.u32 $0x29F1868F, s0;
	s0 =	spop (v2sf)  }
0x216: {  	(v2sf) =	vpush v3, $0x6;
	s12 =	sshrl.u32 s31, $0x1F;
	s30 =	smulhi.u32 $0x29F1868F, s0;
	s0 =	sshra.s32 s0, $0x1F  }
0x217: {  	(v2sf) =	vpush v3, $0x7;
	s19 =	smul.u32 $0x29F1868F, s0;
	s6 =	sadd.s32 s28, s1;
	s28 =	sshrl.u32 s29, $0x1F  }
0x218: {  	s29 =	sshrl.u32 s26, $0x1F;
	s26 =	sshrl.u32 s22, $0x1F;
	s22 =	sshrl.u32 s16, $0x1F  }
0x219: {  	s16 =	sshrl.u32 s20, $0x1F;
	s1 =	sshra.s32 s20, $0xE;
	s0 =	sshra.s32 s5, $0xE  }
0x21a: {  	vm2 =	vmmov vm0;
	s20 =	sshrl.u32 s24, $0x1F;
	s24 =	sshra.s32 s24, $0xE;
	v4 =	vsel vm13, s0, v51;
	s0 =	sshra.s32 s7, $0xE  }
0x21b: {  	vm0 =	vcmask $0x704;
	v52 =	vmov s28;
	s28 =	sshra.s32 s7, $0x1F;
	s7 =	sshrl.u32 s23, $0x1F;
	v54 =	vmov s16;
	s10 =	sshrl.u32 s6, $0x1F  }
0x21c: {  	v56 =	vmov s1;
	s9 =	sadd.s32 s19, s30;
	s19 =	sshrl.u32 s5, $0x1F;
	s5 =	sshra.s32 s5, $0x1F;
	v5 =	vsel vm4, s2, v52;
	v7 =	vsel vm4, s22, v54  }
0x21d: {  	s30 =	sshrl.u32 s21, $0x1F;
	s21 =	sshra.s32 s21, $0xE;
	s2 =	sshrl.u32 s18, $0x1F;
	v9 =	vsel vm4, s4, v56;
	v53 =	vmov s19;
	v4 =	vsel vm0, s5, v4  }
0x21e: {  	s22 =	sld [smem:$0x6E6];
	s19 =	sshra.s32 s23, $0xE;
	v5 =	vsel vm3, s29, v5;
	s29 =	sshrl.u32 s15, $0x1F;
	v7 =	vsel vm3, s30, v7;
	v9 =	vsel vm3, s21, v9  }
0x21f: {  	s21 =	sld [smem:$0x6EC];
	v4 =	vsel vm4, s0, v4;
	v6 =	vnsel vm13, $0x0, v53;
	s0 =	sshra.s32 s23, $0x1F;
	s23 =	sshra.s32 s18, $0xE;
	v5 =	vsel vm5, s26, v5  }
0x220: {  	s26 =	sshrl.u32 s14, $0x1F;
	v7 =	vsel vm5, s20, v7;
	s20 =	sld [smem:$0x6E8];
	v6 =	vsel vm4, s11, v6;
	v4 =	vsel vm12, s28, v4;
	s11 =	sshra.s32 s18, $0x1F  }
0x221: {  	vm1 =	vmmov vm13;
	vm13 =	vcmask $0x1714;
	s28 =	sshrl.u32 s17, $0x1F;
	s18 =	sshra.s32 s17, $0xE;
	v4 =	vsel vm3, s19, v4;
	s19 =	spop (v2sf)  }
0x222: {  	s1 =	sshrl.u32 s22, $0x1F;
	v6 =	vsel vm3, s7, v6;
	s7 =	sshra.s32 s17, $0x1F;
	v4 =	vsel vm13, s0, v4;
	s16 =	spop (v2sf)  }
0x223: {  	vm14 =	vcmask $0x1F1C;
	s17 =	sshra.s32 s13, $0xE;
	s0 =	sshra.s32 s15, $0xE;
	v4 =	vsel vm5, s23, v4;
	s5 =	spop (v2sf)  }
0x224: {  	v6 =	vsel vm5, s2, v6;
	s15 =	sshra.s32 s15, $0x1F;
	s4 =	sshrl.u32 s20, $0x1F;
	v4 =	vsel vm14, s11, v4;
	s8 =	smulhi.u32 $0x29F1868F, s5  }
0x225: {  	v6 =	vsel vm6, s28, v6;
	s2 =	spop (v2sf);
	s5 =	sshra.s32 s5, $0x1F;
	v4 =	vsel vm6, s18, v4;
	s18 =	smulhi.u32 $0x29F1868F, s19  }
0x226: {  	s23 =	sshra.s32 s14, $0xE;
	v6 =	vsel vm9, s29, v6;
	s5 =	smul.u32 $0x29F1868F, s5;
	s29 =	spop (v2sf)  }
0x227: {  	v9 =	vsel vm5, s24, v9;
	s28 =	sshrl.u32 s13, $0x1F;
	s30 =	smulhi.u32 $0x29F1868F, s29;
	s13 =	sshra.s32 s29, $0x1F  }
0x228: {  	v5 =	vcombine.low v7, v5;
	v6 =	vsel vm8, s26, v6;
	s19 =	sshra.s32 s19, $0x1F;
	s26 =	sld [smem:$0x6E7];
	v4 =	vsel vm15, s7, v4;
	s13 =	smul.u32 $0x29F1868F, s13  }
0x229: {  	v57 =	vcombine.low v9, v8;
	s11 =	sshra.s32 s14, $0x1F;
	v6 =	vsel vm2, s28, v6;
	s28 =	sld [smem:$0x6E9];
	s7 =	smul.u32 $0x29F1868F, s19;
	v4 =	vsel vm9, s0, v4  }
0x22a: {  	vm10 =	vcmask $0x3734;
	v5 =	vperm.xlane v5, v0;
	s0 =	sshrl.u32 s21, $0x1F;
	s5 =	sadd.s32 s5, s8;
	v4 =	vsel vm11, s15, v4;
	s13 =	sadd.s32 s13, s30  }
0x22b: {  	v7 =	vperm.xlane v57, v0;
	v6 =	vperm.xlane v6, v1;
	s15 =	sshrl.u32 s25, $0x1F;
	s29 =	sshrl.u32 s26, $0x1F;
	v4 =	vsel vm8, s23, v4;
	s24 =	sshra.s32 s13, $0x1F  }
0x22c: {  	s7 =	sadd.s32 s7, s18;
	s14 =	sshrl.u32 s28, $0x1F;
	v61 =	vmov s15;
	v58 =	vmov s29;
	s29 =	sshra.s32 s3, $0xE;
	v59 =	vmov s24  }
0x22d: {  	s23 =	sld [smem:$0x6EB];
	v4 =	vsel vm10, s11, v4;
	v11 =	vsel vm4, s14, v61;
	s30 =	sshrl.u32 s3, $0x1F;
	s3 =	sshra.s32 s3, $0x1F;
	v9 =	vsel vm1, s29, v59  }
0x22e: {  	s18 =	sshra.s32 s6, $0x1F;
	s11 =	sshrl.u32 s9, $0x1F;
	v8 =	vsel vm4, s1, v58;
	v60 =	vmov s30;
	s30 =	sshra.s32 s6, $0xE;
	v9 =	vsel vm0, s3, v9  }
0x22f: {  	v4 =	vsel vm2, s17, v4;
	s1 =	smulhi.u32 $0x29F1868F, s16;
	s16 =	sshra.s32 s16, $0x1F;
	s17 =	sshrl.u32 s7, $0x1F;
	v8 =	vsel vm3, s4, v8;
	v9 =	vsel vm4, s30, v9  }
0x230: {  	s19 =	sshrl.u32 s23, $0x1F;
	s16 =	smul.u32 $0x29F1868F, s16;
	v4 =	vperm.xlane v4, v1;
	v8 =	vsel vm5, s12, v8;
	s29 =	sshra.s32 s9, $0xE;
	v9 =	vsel vm12, s18, v9  }
0x231: {  	v11 =	vsel vm3, s19, v11;
	s12 =	sshra.s32 s7, $0x1F;
	v10 =	vnsel vm1, $0x0, v60;
	s24 =	smulhi.u32 $0x29F1868F, s2;
	s30 =	sshra.s32 s9, $0x1F;
	v9 =	vsel vm3, s29, v9  }
0x232: {  	s2 =	sshra.s32 s2, $0x1F;
	s1 =	sadd.s32 s16, s1;
	v11 =	vsel vm5, s0, v11;
	v10 =	vsel vm4, s10, v10;
	s10 =	sshra.s32 s7, $0xE;
	v9 =	vsel vm13, s30, v9  }
0x233: {  	s16 =	sshra.s32 s26, $0xE;
	s2 =	smul.u32 $0x29F1868F, s2;
	s15 =	sshra.s32 s1, $0xE;
	v8 =	vcombine.low v11, v8;
	v10 =	vsel vm3, s11, v10;
	v9 =	vsel vm5, s10, v9  }
0x234: {  	v62 =	vmov s16;
	s11 =	sshrl.u32 s5, $0x1F;
	v10 =	vsel vm5, s17, v10;
	s9 =	sshrl.u32 s1, $0x1F;
	s17 =	sshra.s32 s25, $0xE;
	v9 =	vsel vm14, s12, v9  }
0x235: {  	s2 =	sadd.s32 s2, s24;
	s1 =	sshra.s32 s1, $0x1F;
	v10 =	vsel vm6, s9, v10;
	s18 =	sshra.s32 s22, $0xE;
	v63 =	vmov s17;
	v9 =	vsel vm6, s15, v9  }
0x236: {  	s19 =	sshra.s32 s28, $0xE;
	s14 =	sshrl.u32 s2, $0x1F;
	s22 =	sshra.s32 s5, $0xE;
	v10 =	vsel vm9, s11, v10;
	v11 =	vsel vm4, s18, v62;
	v9 =	vsel vm15, s1, v9  }
0x237: {  	s26 =	sshra.s32 s5, $0x1F;
	s24 =	sshra.s32 s20, $0xE;
	s25 =	sshra.s32 s23, $0xE;
	v12 =	vsel vm4, s19, v63;
	v10 =	vsel vm8, s14, v10;
	v9 =	vsel vm9, s22, v9  }
0x238: {  	s28 =	sshra.s32 s31, $0xE;
	s29 =	sshra.s32 s21, $0xE;
	v11 =	vsel vm3, s24, v11;
	v12 =	vsel vm3, s25, v12;
	s30 =	sshra.s32 s2, $0xE;
	v9 =	vsel vm11, s26, v9  }
0x239: {  	s31 =	sshrl.u32 s13, $0x1F;
	s2 =	sshra.s32 s2, $0x1F;
	v11 =	vsel vm5, s28, v11;
	v12 =	vsel vm5, s29, v12;
	v9 =	vsel vm8, s30, v9  }
0x23a: {  	s3 =	sshra.s32 s13, $0xE;
	v10 =	vsel vm2, s31, v10;
	v11 =	vcombine.low v12, v11;
	v9 =	vsel vm10, s2, v9  }
0x23b: {  	v8 =	vperm.xlane v8, v0;
	v10 =	vperm.xlane v10, v1;
	v9 =	vsel vm2, s3, v9  }
0x23c: {  	v11 =	vperm.xlane v11, v0;
	v9 =	vperm.xlane v9, v1  }
0x23d: {  	v5 =	vsel vm7, v6, v5;
	v4 =	vsel vm7, v4, v7  }
0x23e: {  	v4 =	vadd.s32 v5, v4;
	v13 =	vsel vm7, v10, v8;
	v14 =	vsel vm7, v9, v11  }
0x23f: {  	v4 =	vmul.u32 $0x1869F, v4;
	v5 =	vadd.s32 v13, v14  }
0x240: {  	v5 =	vmul.u32 $0x1869F, v5  }
0x241: {  	v2 =	vsub.s32 v2, v4  }
0x242: {  	v4 =	vadd.s32 $0x1869F, v2;
	vm14 =	vlt.s32 v2, $0x0;
	v3 =	vsub.s32 v3, v5  }
0x243: {  	v2 =	vsel vm14, v4, v2;
	vm15 =	vlt.s32 v3, $0x0;
	v15 =	vadd.s32 $0x1869F, v3  }
0x244: {  	s4 =	rddreg [dreg:$0x19];
	[tilespmem:$0x400] =	vst v2;
	v2 =	vsel vm15, v15, v3  }
0x245: {  	s6 =	rddreg [dreg:$0x1];
	s7 =	simm.s32 $0x20;
	s5 =	simm.s32 $0x3A80;
	[tilespmem:$0x410] =	vst v2  }
0x246: {  	[tilespmem:s5], [sflag:$0x1] =	stream.indirect.gather [hbm4b:s6+s7], $0x80, s4, s7, $0xb8;
	[tilespmem:$0x10A80] =	vst v63  }
0x247: {  	v2 =	vld [tilespmem:$0x90]  }
0x248: {  	v3 =	vld [tilespmem:$0x8F];
	_ =	sdelay $0x4  }
0x249: {  	v2 =	vmul.u32 $0x8DD9, v2;
	v3 =	vmul.u32 $0x6A37, v3;
	_ =	sdelay $0x1  }
0x24a: {  	v2 =	vxor.u32 v2, v3  }
0x24b: {  	(v2sf) =	vpush v2, $0xD;
	_ =	sdelay $0x1  }
0x24c: {  	(v2sf) =	vpush v2, $0xC;
	_ =	sdelay $0x1  }
0x24d: {  	(v2sf) =	vpush v2, $0xE;
	_ =	sdelay $0x1  }
0x24e: {  	(v2sf) =	vpush v2, $0xF;
	_ =	sdelay $0x1  }
0x24f: {  	(v2sf) =	vpush v2, $0x9;
	_ =	sdelay $0x1  }
0x250: {  	(v2sf) =	vpush v2, $0x8;
	_ =	sdelay $0x1  }
0x251: {  	(v2sf) =	vpush v2, $0xA;
	_ =	sdelay $0x1  }
0x252: {  	(v2sf) =	vpush v2, $0xB  }
0x253: {  	s8 =	spop (v2sf)  }
0x254: {  	(v2sf) =	vpush v2, $0x0;
	s0 =	smulhi.u32 $0x29F1868F, s8;
	s1 =	sshra.s32 s8, $0x1F  }
0x255: {  	(v2sf) =	vpush v2, $0x1;
	s9 =	spop (v2sf);
	s4 =	smul.u32 $0x29F1868F, s1  }
0x256: {  	s1 =	smulhi.u32 $0x29F1868F, s9;
	s2 =	sshra.s32 s9, $0x1F  }
0x257: {  	(v2sf) =	vpush v2, $0x2;
	s10 =	spop (v2sf);
	s19 =	smul.u32 $0x29F1868F, s2  }
0x258: {  	s8 =	smulhi.u32 $0x29F1868F, s10;
	s2 =	sshra.s32 s10, $0x1F  }
0x259: {  	s11 =	spop (v2sf);
	s6 =	smul.u32 $0x29F1868F, s2  }
0x25a: {  	(v2sf) =	vpush v2, $0x3;
	s9 =	smulhi.u32 $0x29F1868F, s11;
	s2 =	sshra.s32 s11, $0x1F  }
0x25b: {  	v3 =	vld [tilespmem:$0xA0];
	s12 =	spop (v2sf);
	s11 =	smul.u32 $0x29F1868F, s2  }
0x25c: {  	v16 =	vld [tilespmem:$0x9F];
	(v2sf) =	vpush v2, $0x4;
	s10 =	smulhi.u32 $0x29F1868F, s12;
	s2 =	sshra.s32 s12, $0x1F  }
0x25d: {  	s13 =	spop (v2sf);
	s3 =	smul.u32 $0x29F1868F, s2  }
0x25e: {  	(v2sf) =	vpush v2, $0x5;
	s12 =	smulhi.u32 $0x29F1868F, s13;
	s2 =	sshra.s32 s13, $0x1F  }
0x25f: {  	s14 =	spop (v2sf);
	s20 =	smul.u32 $0x29F1868F, s2  }
0x260: {  	(v2sf) =	vpush v2, $0x6;
	s22 =	smulhi.u32 $0x29F1868F, s14;
	s2 =	sshra.s32 s14, $0x1F  }
0x261: {  	v3 =	vmul.u32 $0x8DD9, v3;
	v4 =	vmul.u32 $0x6A37, v16;
	s0 =	sadd.s32 s4, s0;
	s15 =	spop (v2sf);
	s25 =	smul.u32 $0x29F1868F, s2  }
0x262: {  	[smem:$0x6FB] =	sst s0;
	(v2sf) =	vpush v2, $0x7;
	s16 =	smulhi.u32 $0x29F1868F, s15;
	s2 =	sshra.s32 s15, $0x1F  }
0x263: {  	v3 =	vxor.u32 v3, v4;
	s17 =	spop (v2sf);
	s24 =	smul.u32 $0x29F1868F, s2  }
0x264: {  	(v2sf) =	vpush v3, $0xD;
	s18 =	smulhi.u32 $0x29F1868F, s17;
	s2 =	sshra.s32 s17, $0x1F;
	s21 =	spop (v2sf)  }
0x265: {  	[smem:$0x6ED] =	sst s16;
	s5 =	smul.u32 $0x29F1868F, s2  }
0x266: {  	(v2sf) =	vpush v3, $0xC;
	s23 =	smulhi.u32 $0x29F1868F, s21;
	s2 =	sshra.s32 s21, $0x1F;
	s26 =	spop (v2sf)  }
0x267: {  	[smem:$0x6EE] =	sst s18;
	s7 =	smul.u32 $0x29F1868F, s2  }
0x268: {  	s28 =	smulhi.u32 $0x29F1868F, s26;
	s2 =	sshra.s32 s26, $0x1F;
	[smem:$0x6EF] =	sst s23  }
0x269: {  	s23 =	smul.u32 $0x29F1868F, s2;
	s29 =	spop (v2sf)  }
0x26a: {  	s4 =	sld [smem:$0x6ED];
	s30 =	smulhi.u32 $0x29F1868F, s29;
	s2 =	sshra.s32 s29, $0x1F  }
0x26b: {  	(v2sf) =	vpush v3, $0xE;
	s18 =	smul.u32 $0x29F1868F, s2;
	s31 =	spop (v2sf)  }
0x26c: {  	[smem:$0x6F0] =	sst s28;
	s14 =	smulhi.u32 $0x29F1868F, s31;
	s2 =	sshra.s32 s31, $0x1F  }
0x26d: {  	s15 =	spop (v2sf);
	s17 =	smul.u32 $0x29F1868F, s2  }
0x26e: {  	[smem:$0x6F1] =	sst s30;
	s16 =	smulhi.u32 $0x29F1868F, s15;
	s2 =	sshra.s32 s15, $0x1F  }
0x26f: {  	s15 =	smul.u32 $0x29F1868F, s2;
	s21 =	spop (v2sf)  }
0x270: {  	(v2sf) =	vpush v3, $0xF;
	[smem:$0x6F2] =	sst s14;
	s26 =	smulhi.u32 $0x29F1868F, s21;
	s2 =	sshra.s32 s21, $0x1F  }
0x271: {  	s28 =	spop (v2sf);
	s14 =	smul.u32 $0x29F1868F, s2  }
0x272: {  	(v2sf) =	vpush v3, $0x9;
	[smem:$0x6F3] =	sst s16;
	s29 =	smulhi.u32 $0x29F1868F, s28;
	s2 =	sshra.s32 s28, $0x1F  }
0x273: {  	s30 =	spop (v2sf);
	s13 =	smul.u32 $0x29F1868F, s2  }
0x274: {  	(v2sf) =	vpush v3, $0x8;
	[smem:$0x6F4] =	sst s26;
	s31 =	smulhi.u32 $0x29F1868F, s30;
	s2 =	sshra.s32 s30, $0x1F  }
0x275: {  	s21 =	spop (v2sf);
	s16 =	smul.u32 $0x29F1868F, s2  }
0x276: {  	(v2sf) =	vpush v3, $0xA;
	[smem:$0x6F5] =	sst s29;
	s26 =	smulhi.u32 $0x29F1868F, s21  }
0x277: {  	s2 =	sshra.s32 s21, $0x1F;
	s21 =	sadd.s32 s11, s9;
	s9 =	sld [smem:$0x6EF]  }
0x278: {  	(v2sf) =	vpush v3, $0xB;
	[smem:$0x6F6] =	sst s31  }
0x279: {  	[smem:$0x6F7] =	sst s16  }
0x27a: {  	s29 =	spop (v2sf);
	[smem:$0x6F8] =	sst s26  }
0x27b: {  	(v2sf) =	vpush v3, $0x0;
	s28 =	smul.u32 $0x29F1868F, s2;
	s26 =	sadd.s32 s6, s8;
	s6 =	sld [smem:$0x6EE]  }
0x27c: {  	s31 =	smulhi.u32 $0x29F1868F, s29;
	s16 =	sadd.s32 s3, s10;
	s10 =	sld [smem:$0x6F0]  }
0x27d: {  	s20 =	sadd.s32 s20, s12;
	[smem:$0x6F9] =	sst s28  }
0x27e: {  	s25 =	sadd.s32 s25, s22;
	s0 =	sshra.s32 s29, $0x1F;
	[smem:$0x6FA] =	sst s31  }
0x27f: {  	s28 =	smul.u32 $0x29F1868F, s0;
	s2 =	spop (v2sf);
	s5 =	sadd.s32 s5, s6  }
0x280: {  	s6 =	sld [smem:$0x6F3];
	s29 =	smulhi.u32 $0x29F1868F, s2;
	s0 =	sshra.s32 s2, $0x1F  }
0x281: {  	s30 =	sadd.s32 s19, s1;
	s19 =	smul.u32 $0x29F1868F, s0;
	s3 =	spop (v2sf)  }
0x282: {  	s2 =	sld [smem:$0x6F1];
	s22 =	smulhi.u32 $0x29F1868F, s3;
	s0 =	sshra.s32 s3, $0x1F  }
0x283: {  	s7 =	sadd.s32 s7, s9;
	s8 =	spop (v2sf);
	s12 =	smul.u32 $0x29F1868F, s0  }
0x284: {  	s3 =	sld [smem:$0x6F2];
	s11 =	smulhi.u32 $0x29F1868F, s8;
	s0 =	sshra.s32 s8, $0x1F  }
0x285: {  	s23 =	sadd.s32 s23, s10;
	s9 =	smul.u32 $0x29F1868F, s0;
	s31 =	spop (v2sf)  }
0x286: {  	(v2sf) =	vpush v3, $0x1;
	s10 =	smulhi.u32 $0x29F1868F, s31;
	s0 =	sshra.s32 s31, $0x1F;
	s31 =	sld [smem:$0x6F4]  }
0x287: {  	s24 =	sadd.s32 s24, s4;
	s4 =	spop (v2sf);
	s8 =	smul.u32 $0x29F1868F, s0  }
0x288: {  	(v2sf) =	vpush v3, $0x2;
	s15 =	sadd.s32 s15, s6;
	s18 =	sadd.s32 s18, s2;
	s6 =	smulhi.u32 $0x29F1868F, s4  }
0x289: {  	s0 =	sshra.s32 s4, $0x1F;
	s14 =	sadd.s32 s14, s31;
	s31 =	sld [smem:$0x6F5]  }
0x28a: {  	s17 =	sadd.s32 s17, s3;
	s2 =	spop (v2sf);
	s4 =	smul.u32 $0x29F1868F, s0  }
0x28b: {  	s3 =	smulhi.u32 $0x29F1868F, s2;
	s0 =	sshra.s32 s2, $0x1F;
	s2 =	sld [smem:$0x6F6]  }
0x28c: {  	s13 =	sadd.s32 s13, s31;
	s31 =	sld [smem:$0x6F7];
	_ =	sdelay $0x2  }
0x28d: {  	s1 =	sadd.s32 s31, s2;
	s31 =	sld [smem:$0x6F9]  }
0x28e: {  	[smem:$0x6FC] =	sst s1  }
0x28f: {  	s12 =	sadd.s32 s12, s22;
	s1 =	sld [smem:$0x6F8]  }
0x290: {  	[smem:$0x6FF] =	sst s12;
	s9 =	sadd.s32 s9, s11  }
0x291: {  	[smem:$0x700] =	sst s9  }
0x292: {  	s29 =	sadd.s32 s19, s29;
	s1 =	sadd.s32 s31, s1;
	s31 =	sld [smem:$0x6FA]  }
0x293: {  	s12 =	sshra.s32 s21, $0xE;
	s2 =	smul.u32 $0x29F1868F, s0;
	s0 =	spop (v2sf)  }
0x294: {  	s11 =	sshra.s32 s13, $0x1F;
	[smem:$0x6FD] =	sst s1;
	s1 =	smulhi.u32 $0x29F1868F, s0  }
0x295: {  	s0 =	sshra.s32 s0, $0x1F;
	s28 =	sadd.s32 s28, s31;
	s31 =	spop (v2sf)  }
0x296: {  	v17 =	vmov s11;
	s11 =	sshrl.u32 s7, $0x1F;
	[smem:$0x6FE] =	sst s28;
	s28 =	smul.u32 $0x29F1868F, s0  }
0x297: {  	(v2sf) =	vpush v3, $0x3;
	s3 =	sadd.s32 s2, s3;
	s19 =	smulhi.u32 $0x29F1868F, s31;
	s0 =	sshra.s32 s31, $0x1F  }
0x298: {  	(v2sf) =	vpush v3, $0x4;
	s31 =	sadd.s32 s8, s10;
	s8 =	sadd.s32 s4, s6;
	s10 =	sld [smem:$0x6FB]  }
0x299: {  	(v2sf) =	vpush v3, $0x5;
	s4 =	sshra.s32 s16, $0xE;
	s22 =	smul.u32 $0x29F1868F, s0;
	[smem:$0x701] =	sst s31  }
0x29a: {  	[smem:$0x702] =	sst s8;
	s8 =	sshra.s32 s30, $0xE;
	s31 =	sshrl.u32 s25, $0x1F  }
0x29b: {  	(v2sf) =	vpush v3, $0x6;
	s0 =	sshra.s32 s5, $0xE;
	s6 =	sadd.s32 s28, s1;
	s28 =	sshrl.u32 s26, $0x1F  }
0x29c: {  	(v2sf) =	vpush v3, $0x7;
	s1 =	sshra.s32 s20, $0xE;
	v4 =	vsel vm1, s0, v17;
	s0 =	sshra.s32 s7, $0xE;
	s9 =	sadd.s32 s22, s19  }
0x29d: {  	s19 =	sshrl.u32 s30, $0x1F;
	s22 =	sshra.s32 s26, $0xE;
	s26 =	sshrl.u32 s21, $0x1F  }
0x29e: {  	s30 =	sshrl.u32 s16, $0x1F;
	s16 =	sshrl.u32 s20, $0x1F;
	s21 =	sshra.s32 s25, $0xE  }
0x29f: {  	v21 =	vmov s8;
	s25 =	sshrl.u32 s24, $0x1F;
	s20 =	sshra.s32 s24, $0xE;
	s24 =	sshrl.u32 s5, $0x1F  }
0x2a0: {  	s2 =	sshrl.u32 s10, $0x1F;
	s10 =	sshra.s32 s10, $0xE;
	s5 =	sshra.s32 s5, $0x1F;
	v22 =	vmov s1;
	v18 =	vmov s19;
	v19 =	vmov s24  }
0x2a1: {  	v4 =	vsel vm0, s5, v4;
	s24 =	sshra.s32 s7, $0x1F;
	s7 =	sshrl.u32 s23, $0x1F;
	s19 =	sshra.s32 s23, $0xE;
	v20 =	vmov s16;
	v8 =	vsel vm4, s10, v21  }
0x2a2: {  	v9 =	vsel vm4, s4, v22;
	s10 =	sshrl.u32 s6, $0x1F;
	v4 =	vsel vm4, s0, v4;
	s0 =	sshra.s32 s23, $0x1F;
	v8 =	vsel vm3, s22, v8;
	s22 =	sld [smem:$0x6FE]  }
0x2a3: {  	v5 =	vsel vm4, s2, v18;
	v6 =	vnsel vm1, $0x0, v19;
	s2 =	sshrl.u32 s18, $0x1F;
	s23 =	sshra.s32 s18, $0xE;
	v9 =	vsel vm3, s21, v9;
	s21 =	sld [smem:$0x701]  }
0x2a4: {  	v7 =	vsel vm4, s30, v20;
	v6 =	vsel vm4, s11, v6;
	v4 =	vsel vm12, s24, v4;
	s11 =	sshra.s32 s18, $0x1F;
	s24 =	sshrl.u32 s17, $0x1F;
	s18 =	sshra.s32 s17, $0xE  }
0x2a5: {  	v5 =	vsel vm3, s28, v5;
	s28 =	sshrl.u32 s15, $0x1F;
	v9 =	vsel vm5, s20, v9;
	s20 =	sld [smem:$0x702];
	v6 =	vsel vm3, s7, v6;
	s7 =	sshra.s32 s17, $0x1F  }
0x2a6: {  	v7 =	vsel vm3, s31, v7;
	v5 =	vsel vm5, s26, v5;
	v4 =	vsel vm3, s19, v4;
	s19 =	spop (v2sf);
	s26 =	sshrl.u32 s14, $0x1F;
	s17 =	sshra.s32 s13, $0xE  }
0x2a7: {  	v7 =	vsel vm5, s25, v7;
	s25 =	sld [smem:$0x6FD];
	v4 =	vsel vm13, s0, v4;
	s0 =	sshra.s32 s15, $0xE;
	s16 =	spop (v2sf)  }
0x2a8: {  	vm15 =	vcmask $0x1F1C;
	v6 =	vsel vm5, s2, v6;
	s15 =	sshra.s32 s15, $0x1F;
	s4 =	sshrl.u32 s22, $0x1F;
	v4 =	vsel vm5, s23, v4;
	s5 =	spop (v2sf)  }
0x2a9: {  	v6 =	vsel vm6, s24, v6;
	s24 =	sshra.s32 s14, $0xE;
	s23 =	sld [smem:$0x6FC];
	v4 =	vsel vm15, s11, v4;
	s8 =	smulhi.u32 $0x29F1868F, s5  }
0x2aa: {  	vm14 =	vmmov vm1;
	s2 =	spop (v2sf);
	s5 =	sshra.s32 s5, $0x1F;
	v4 =	vsel vm6, s18, v4;
	s18 =	smulhi.u32 $0x29F1868F, s19  }
0x2ab: {  	vm11 =	vmmov vm0;
	vm1 =	vmmov vm13;
	v6 =	vsel vm9, s28, v6;
	s11 =	sshra.s32 s14, $0x1F;
	s5 =	smul.u32 $0x29F1868F, s5;
	s30 =	spop (v2sf)  }
0x2ac: {  	v8 =	vsel vm5, s12, v8;
	vm13 =	vcmask $0x2724;
	s28 =	sshrl.u32 s13, $0x1F;
	v6 =	vsel vm8, s26, v6;
	s31 =	smulhi.u32 $0x29F1868F, s30;
	s13 =	sshra.s32 s30, $0x1F  }
0x2ad: {  	v23 =	vcombine.low v9, v8;
	s14 =	sshrl.u32 s29, $0x1F;
	s19 =	sshra.s32 s19, $0x1F;
	v6 =	vsel vm2, s28, v6;
	v4 =	vsel vm13, s7, v4;
	s28 =	smul.u32 $0x29F1868F, s13  }
0x2ae: {  	vm10 =	vcmask $0x2F2C;
	v5 =	vcombine.low v7, v5;
	s26 =	sld [smem:$0x6FF];
	s1 =	sshrl.u32 s23, $0x1F;
	s7 =	smul.u32 $0x29F1868F, s19;
	v4 =	vsel vm9, s0, v4  }
0x2af: {  	vm0 =	vcmask $0x3734;
	v7 =	vperm.xlane v23, v0;
	s19 =	sshrl.u32 s21, $0x1F;
	s0 =	sshrl.u32 s20, $0x1F;
	v4 =	vsel vm10, s15, v4;
	s13 =	sadd.s32 s28, s31  }
0x2b0: {  	v5 =	vperm.xlane v5, v0;
	v6 =	vperm.xlane v6, v1;
	s5 =	sadd.s32 s5, s8;
	s30 =	sshrl.u32 s25, $0x1F;
	v4 =	vsel vm8, s24, v4;
	s28 =	sshra.s32 s13, $0x1F  }
0x2b1: {  	s15 =	sshrl.u32 s26, $0x1F;
	s24 =	sld [smem:$0x700];
	v4 =	vsel vm0, s11, v4;
	v24 =	vmov s30;
	s30 =	sshra.s32 s3, $0xE;
	v25 =	vmov s28  }
0x2b2: {  	s7 =	sadd.s32 s7, s18;
	v4 =	vsel vm2, s17, v4;
	v8 =	vsel vm4, s1, v24;
	s31 =	sshrl.u32 s3, $0x1F;
	s3 =	sshra.s32 s3, $0x1F;
	v9 =	vsel vm14, s30, v25  }
0x2b3: {  	s1 =	smulhi.u32 $0x29F1868F, s16;
	s16 =	sshra.s32 s16, $0x1F;
	v8 =	vsel vm3, s4, v8;
	v26 =	vmov s31;
	s31 =	sshra.s32 s6, $0xE;
	v9 =	vsel vm11, s3, v9  }
0x2b4: {  	s18 =	sshra.s32 s6, $0x1F;
	s12 =	sshrl.u32 s24, $0x1F;
	s16 =	smul.u32 $0x29F1868F, s16;
	v4 =	vperm.xlane v4, v1;
	v8 =	vsel vm5, s14, v8;
	v9 =	vsel vm4, s31, v9  }
0x2b5: {  	s11 =	sshrl.u32 s9, $0x1F;
	s17 =	sshrl.u32 s7, $0x1F;
	v27 =	vmov s12;
	v10 =	vnsel vm14, $0x0, v26;
	s30 =	sshra.s32 s9, $0xE;
	v9 =	vsel vm12, s18, v9  }
0x2b6: {  	s1 =	sadd.s32 s16, s1;
	v11 =	vsel vm4, s15, v27;
	s16 =	sshra.s32 s25, $0xE;
	v10 =	vsel vm4, s10, v10;
	s31 =	sshra.s32 s9, $0x1F;
	v9 =	vsel vm3, s30, v9  }
0x2b7: {  	s28 =	smulhi.u32 $0x29F1868F, s2;
	s2 =	sshra.s32 s2, $0x1F;
	s10 =	sshra.s32 s7, $0xE;
	v11 =	vsel vm3, s19, v11;
	v28 =	vmov s16;
	v9 =	vsel vm1, s31, v9  }
0x2b8: {  	s12 =	sshra.s32 s7, $0x1F;
	s2 =	smul.u32 $0x29F1868F, s2;
	s15 =	sshra.s32 s1, $0xE;
	v10 =	vsel vm3, s11, v10;
	v11 =	vsel vm5, s0, v11;
	v9 =	vsel vm5, s10, v9  }
0x2b9: {  	s11 =	sshrl.u32 s5, $0x1F;
	v10 =	vsel vm5, s17, v10;
	s9 =	sshrl.u32 s1, $0x1F;
	v8 =	vcombine.low v11, v8;
	s17 =	sshra.s32 s24, $0xE;
	v9 =	vsel vm15, s12, v9  }
0x2ba: {  	s2 =	sadd.s32 s2, s28;
	s1 =	sshra.s32 s1, $0x1F;
	v10 =	vsel vm6, s9, v10;
	s18 =	sshra.s32 s23, $0xE;
	v29 =	vmov s17;
	v9 =	vsel vm6, s15, v9  }
0x2bb: {  	s19 =	sshra.s32 s26, $0xE;
	s14 =	sshrl.u32 s2, $0x1F;
	s23 =	sshra.s32 s5, $0xE;
	v10 =	vsel vm9, s11, v10;
	v11 =	vsel vm4, s18, v28;
	v9 =	vsel vm13, s1, v9  }
0x2bc: {  	s25 =	sshra.s32 s21, $0xE;
	s26 =	sshra.s32 s5, $0x1F;
	s24 =	sshra.s32 s22, $0xE;
	v12 =	vsel vm4, s19, v29;
	v10 =	vsel vm8, s14, v10;
	v9 =	vsel vm9, s23, v9  }
0x2bd: {  	s28 =	sshra.s32 s29, $0xE;
	s29 =	sshra.s32 s20, $0xE;
	s30 =	sshra.s32 s2, $0xE;
	v11 =	vsel vm3, s24, v11;
	v12 =	vsel vm3, s25, v12;
	v9 =	vsel vm10, s26, v9  }
0x2be: {  	s2 =	sshra.s32 s2, $0x1F;
	s31 =	sshrl.u32 s13, $0x1F;
	v11 =	vsel vm5, s28, v11;
	v12 =	vsel vm5, s29, v12;
	v9 =	vsel vm8, s30, v9  }
0x2bf: {  	s3 =	sshra.s32 s13, $0xE;
	v10 =	vsel vm2, s31, v10;
	v11 =	vcombine.low v12, v11;
	v9 =	vsel vm0, s2, v9  }
0x2c0: {  	v8 =	vperm.xlane v8, v0;
	v10 =	vperm.xlane v10, v1;
	v9 =	vsel vm2, s3, v9  }
0x2c1: {  	v11 =	vperm.xlane v11, v0;
	v9 =	vperm.xlane v9, v1  }
0x2c2: {  	v5 =	vsel vm7, v6, v5;
	v4 =	vsel vm7, v4, v7  }
0x2c3: {  	v4 =	vadd.s32 v5, v4;
	v30 =	vsel vm7, v10, v8;
	v31 =	vsel vm7, v9, v11  }
0x2c4: {  	v4 =	vmul.u32 $0x1869F, v4;
	v5 =	vadd.s32 v30, v31  }
0x2c5: {  	v5 =	vmul.u32 $0x1869F, v5  }
0x2c6: {  	v2 =	vsub.s32 v2, v4  }
0x2c7: {  	v4 =	vadd.s32 $0x1869F, v2;
	vm13 =	vlt.s32 v2, $0x0;
	v3 =	vsub.s32 v3, v5  }
0x2c8: {  	v2 =	vsel vm13, v4, v2;
	vm13 =	vlt.s32 v3, $0x0;
	v32 =	vadd.s32 $0x1869F, v3  }
0x2c9: {  	s4 =	rddreg [dreg:$0x1a];
	[tilespmem:$0x480] =	vst v2;
	v2 =	vsel vm13, v32, v3  }
0x2ca: {  	s6 =	rddreg [dreg:$0x1];
	s7 =	simm.s32 $0x20;
	s5 =	simm.s32 $0x4A80;
	[tilespmem:$0x490] =	vst v2  }
0x2cb: {  	[tilespmem:s5], [sflag:$0x1] =	stream.indirect.gather [hbm4b:s6+s7], $0x80, s4, s7, $0xb8;
	[tilespmem:$0x10A80] =	vst v63  }
0x2cc: {  	v2 =	vld [tilespmem:$0xB0]  }
0x2cd: {  	v3 =	vld [tilespmem:$0xAF];
	_ =	sdelay $0x4  }
0x2ce: {  	v2 =	vmul.u32 $0x8DD9, v2;
	v3 =	vmul.u32 $0x6A37, v3;
	_ =	sdelay $0x1  }
0x2cf: {  	v2 =	vxor.u32 v2, v3  }
0x2d0: {  	(v2sf) =	vpush v2, $0xD;
	_ =	sdelay $0x1  }
0x2d1: {  	(v2sf) =	vpush v2, $0xC;
	_ =	sdelay $0x1  }
0x2d2: {  	(v2sf) =	vpush v2, $0xE;
	_ =	sdelay $0x1  }
0x2d3: {  	(v2sf) =	vpush v2, $0xF;
	_ =	sdelay $0x1  }
0x2d4: {  	(v2sf) =	vpush v2, $0x9;
	_ =	sdelay $0x1  }
0x2d5: {  	(v2sf) =	vpush v2, $0x8;
	_ =	sdelay $0x1  }
0x2d6: {  	(v2sf) =	vpush v2, $0xA;
	_ =	sdelay $0x1  }
0x2d7: {  	(v2sf) =	vpush v2, $0xB  }
0x2d8: {  	s8 =	spop (v2sf)  }
0x2d9: {  	(v2sf) =	vpush v2, $0x0;
	s0 =	smulhi.u32 $0x29F1868F, s8;
	s1 =	sshra.s32 s8, $0x1F  }
0x2da: {  	(v2sf) =	vpush v2, $0x1;
	s9 =	spop (v2sf);
	s4 =	smul.u32 $0x29F1868F, s1  }
0x2db: {  	s1 =	smulhi.u32 $0x29F1868F, s9;
	s2 =	sshra.s32 s9, $0x1F  }
0x2dc: {  	(v2sf) =	vpush v2, $0x2;
	s10 =	spop (v2sf);
	s19 =	smul.u32 $0x29F1868F, s2  }
0x2dd: {  	s8 =	smulhi.u32 $0x29F1868F, s10;
	s2 =	sshra.s32 s10, $0x1F  }
0x2de: {  	s11 =	spop (v2sf);
	s6 =	smul.u32 $0x29F1868F, s2  }
0x2df: {  	(v2sf) =	vpush v2, $0x3;
	s9 =	smulhi.u32 $0x29F1868F, s11;
	s2 =	sshra.s32 s11, $0x1F  }
0x2e0: {  	v33 =	vld [tilespmem:$0xBF];
	s12 =	spop (v2sf);
	s11 =	smul.u32 $0x29F1868F, s2  }
0x2e1: {  	v3 =	vld [tilespmem:$0xC0];
	(v2sf) =	vpush v2, $0x4;
	s10 =	smulhi.u32 $0x29F1868F, s12;
	s2 =	sshra.s32 s12, $0x1F  }
0x2e2: {  	s13 =	spop (v2sf);
	s3 =	smul.u32 $0x29F1868F, s2  }
0x2e3: {  	(v2sf) =	vpush v2, $0x5;
	s12 =	smulhi.u32 $0x29F1868F, s13;
	s2 =	sshra.s32 s13, $0x1F  }
0x2e4: {  	s14 =	spop (v2sf);
	s20 =	smul.u32 $0x29F1868F, s2  }
0x2e5: {  	(v2sf) =	vpush v2, $0x6;
	s22 =	smulhi.u32 $0x29F1868F, s14;
	s2 =	sshra.s32 s14, $0x1F  }
0x2e6: {  	v4 =	vmul.u32 $0x6A37, v33;
	v3 =	vmul.u32 $0x8DD9, v3;
	s0 =	sadd.s32 s4, s0;
	s15 =	spop (v2sf);
	s25 =	smul.u32 $0x29F1868F, s2  }
0x2e7: {  	[smem:$0x711] =	sst s0;
	(v2sf) =	vpush v2, $0x7;
	s16 =	smulhi.u32 $0x29F1868F, s15;
	s2 =	sshra.s32 s15, $0x1F  }
0x2e8: {  	v3 =	vxor.u32 v3, v4;
	s17 =	spop (v2sf);
	s24 =	smul.u32 $0x29F1868F, s2  }
0x2e9: {  	(v2sf) =	vpush v3, $0xD;
	s18 =	smulhi.u32 $0x29F1868F, s17;
	s2 =	sshra.s32 s17, $0x1F;
	s21 =	spop (v2sf)  }
0x2ea: {  	[smem:$0x703] =	sst s16;
	s5 =	smul.u32 $0x29F1868F, s2  }
0x2eb: {  	(v2sf) =	vpush v3, $0xC;
	s23 =	smulhi.u32 $0x29F1868F, s21;
	s2 =	sshra.s32 s21, $0x1F;
	s26 =	spop (v2sf)  }
0x2ec: {  	[smem:$0x704] =	sst s18;
	s7 =	smul.u32 $0x29F1868F, s2  }
0x2ed: {  	s28 =	smulhi.u32 $0x29F1868F, s26;
	s2 =	sshra.s32 s26, $0x1F;
	[smem:$0x705] =	sst s23  }
0x2ee: {  	s23 =	smul.u32 $0x29F1868F, s2;
	s29 =	spop (v2sf)  }
0x2ef: {  	s4 =	sld [smem:$0x703];
	s30 =	smulhi.u32 $0x29F1868F, s29;
	s2 =	sshra.s32 s29, $0x1F  }
0x2f0: {  	(v2sf) =	vpush v3, $0xE;
	s31 =	spop (v2sf);
	s18 =	smul.u32 $0x29F1868F, s2  }
0x2f1: {  	[smem:$0x706] =	sst s28;
	s14 =	smulhi.u32 $0x29F1868F, s31;
	s2 =	sshra.s32 s31, $0x1F  }
0x2f2: {  	s15 =	spop (v2sf);
	s17 =	smul.u32 $0x29F1868F, s2  }
0x2f3: {  	[smem:$0x707] =	sst s30;
	s16 =	smulhi.u32 $0x29F1868F, s15;
	s2 =	sshra.s32 s15, $0x1F  }
0x2f4: {  	s15 =	smul.u32 $0x29F1868F, s2;
	s21 =	spop (v2sf)  }
0x2f5: {  	(v2sf) =	vpush v3, $0xF;
	[smem:$0x708] =	sst s14;
	s26 =	smulhi.u32 $0x29F1868F, s21;
	s2 =	sshra.s32 s21, $0x1F  }
0x2f6: {  	s28 =	spop (v2sf);
	s14 =	smul.u32 $0x29F1868F, s2  }
0x2f7: {  	(v2sf) =	vpush v3, $0x9;
	[smem:$0x709] =	sst s16;
	s29 =	smulhi.u32 $0x29F1868F, s28;
	s2 =	sshra.s32 s28, $0x1F  }
0x2f8: {  	s30 =	spop (v2sf);
	s13 =	smul.u32 $0x29F1868F, s2  }
0x2f9: {  	(v2sf) =	vpush v3, $0x8;
	[smem:$0x70A] =	sst s26;
	s31 =	smulhi.u32 $0x29F1868F, s30;
	s2 =	sshra.s32 s30, $0x1F  }
0x2fa: {  	s21 =	spop (v2sf);
	s16 =	smul.u32 $0x29F1868F, s2  }
0x2fb: {  	(v2sf) =	vpush v3, $0xA;
	[smem:$0x70B] =	sst s29;
	s26 =	smulhi.u32 $0x29F1868F, s21  }
0x2fc: {  	s2 =	sshra.s32 s21, $0x1F;
	s21 =	sadd.s32 s11, s9;
	s9 =	sld [smem:$0x705]  }
0x2fd: {  	(v2sf) =	vpush v3, $0xB;
	[smem:$0x70C] =	sst s31  }
0x2fe: {  	[smem:$0x70D] =	sst s16  }
0x2ff: {  	s29 =	spop (v2sf);
	[smem:$0x70E] =	sst s26  }
0x300: {  	(v2sf) =	vpush v3, $0x0;
	s28 =	smul.u32 $0x29F1868F, s2;
	s26 =	sadd.s32 s6, s8;
	s6 =	sld [smem:$0x704]  }
0x301: {  	s31 =	smulhi.u32 $0x29F1868F, s29;
	s16 =	sadd.s32 s3, s10;
	s10 =	sld [smem:$0x706]  }
0x302: {  	s20 =	sadd.s32 s20, s12;
	[smem:$0x70F] =	sst s28  }
0x303: {  	s25 =	sadd.s32 s25, s22;
	s0 =	sshra.s32 s29, $0x1F;
	[smem:$0x710] =	sst s31  }
0x304: {  	s28 =	smul.u32 $0x29F1868F, s0;
	s5 =	sadd.s32 s5, s6;
	s2 =	spop (v2sf)  }
0x305: {  	s6 =	sld [smem:$0x709];
	s29 =	smulhi.u32 $0x29F1868F, s2;
	s0 =	sshra.s32 s2, $0x1F  }
0x306: {  	s30 =	sadd.s32 s19, s1;
	s3 =	spop (v2sf);
	s19 =	smul.u32 $0x29F1868F, s0  }
0x307: {  	s2 =	sld [smem:$0x707];
	s22 =	smulhi.u32 $0x29F1868F, s3;
	s0 =	sshra.s32 s3, $0x1F  }
0x308: {  	s7 =	sadd.s32 s7, s9;
	s8 =	spop (v2sf);
	s12 =	smul.u32 $0x29F1868F, s0  }
0x309: {  	s3 =	sld [smem:$0x708];
	s11 =	smulhi.u32 $0x29F1868F, s8;
	s0 =	sshra.s32 s8, $0x1F  }
0x30a: {  	s23 =	sadd.s32 s23, s10;
	s9 =	smul.u32 $0x29F1868F, s0;
	s31 =	spop (v2sf)  }
0x30b: {  	(v2sf) =	vpush v3, $0x1;
	s10 =	smulhi.u32 $0x29F1868F, s31;
	s0 =	sshra.s32 s31, $0x1F;
	s31 =	sld [smem:$0x70A]  }
0x30c: {  	s24 =	sadd.s32 s24, s4;
	s4 =	spop (v2sf);
	s8 =	smul.u32 $0x29F1868F, s0  }
0x30d: {  	(v2sf) =	vpush v3, $0x2;
	s15 =	sadd.s32 s15, s6;
	s18 =	sadd.s32 s18, s2;
	s6 =	smulhi.u32 $0x29F1868F, s4  }
0x30e: {  	s0 =	sshra.s32 s4, $0x1F;
	s14 =	sadd.s32 s14, s31;
	s31 =	sld [smem:$0x70B]  }
0x30f: {  	s17 =	sadd.s32 s17, s3;
	s2 =	spop (v2sf);
	s4 =	smul.u32 $0x29F1868F, s0  }
0x310: {  	s3 =	smulhi.u32 $0x29F1868F, s2;
	s0 =	sshra.s32 s2, $0x1F;
	s2 =	sld [smem:$0x70C]  }
0x311: {  	s13 =	sadd.s32 s13, s31;
	s31 =	sld [smem:$0x70D];
	_ =	sdelay $0x2  }
0x312: {  	s1 =	sadd.s32 s31, s2;
	s31 =	sld [smem:$0x70F]  }
0x313: {  	[smem:$0x712] =	sst s1  }
0x314: {  	s12 =	sadd.s32 s12, s22;
	s1 =	sld [smem:$0x70E]  }
0x315: {  	[smem:$0x715] =	sst s12;
	s9 =	sadd.s32 s9, s11  }
0x316: {  	[smem:$0x716] =	sst s9  }
0x317: {  	s29 =	sadd.s32 s19, s29;
	s1 =	sadd.s32 s31, s1;
	s31 =	sld [smem:$0x710]  }
0x318: {  	s12 =	sshra.s32 s21, $0xE;
	s2 =	smul.u32 $0x29F1868F, s0;
	s0 =	spop (v2sf)  }
0x319: {  	s11 =	sshra.s32 s13, $0x1F;
	[smem:$0x713] =	sst s1;
	s1 =	smulhi.u32 $0x29F1868F, s0  }
0x31a: {  	s0 =	sshra.s32 s0, $0x1F;
	s28 =	sadd.s32 s28, s31;
	s31 =	spop (v2sf)  }
0x31b: {  	v34 =	vmov s11;
	s11 =	sshrl.u32 s7, $0x1F;
	[smem:$0x714] =	sst s28;
	s28 =	smul.u32 $0x29F1868F, s0  }
0x31c: {  	(v2sf) =	vpush v3, $0x3;
	s3 =	sadd.s32 s2, s3;
	s19 =	smulhi.u32 $0x29F1868F, s31;
	s0 =	sshra.s32 s31, $0x1F  }
0x31d: {  	(v2sf) =	vpush v3, $0x4;
	s31 =	sadd.s32 s8, s10;
	s8 =	sadd.s32 s4, s6;
	s10 =	sld [smem:$0x711]  }
0x31e: {  	(v2sf) =	vpush v3, $0x5;
	s4 =	sshra.s32 s16, $0xE;
	s22 =	smul.u32 $0x29F1868F, s0;
	[smem:$0x717] =	sst s31  }
0x31f: {  	[smem:$0x718] =	sst s8;
	s8 =	sshra.s32 s30, $0xE;
	s31 =	sshrl.u32 s25, $0x1F  }
0x320: {  	(v2sf) =	vpush v3, $0x6;
	s0 =	sshra.s32 s5, $0xE;
	s6 =	sadd.s32 s28, s1;
	s28 =	sshrl.u32 s26, $0x1F  }
0x321: {  	(v2sf) =	vpush v3, $0x7;
	s1 =	sshra.s32 s20, $0xE;
	v4 =	vsel vm14, s0, v34;
	s0 =	sshra.s32 s7, $0xE;
	s9 =	sadd.s32 s22, s19  }
0x322: {  	s19 =	sshrl.u32 s30, $0x1F;
	s22 =	sshra.s32 s26, $0xE;
	s26 =	sshrl.u32 s21, $0x1F  }
0x323: {  	vm11 =	vmmov vm1;
	s30 =	sshrl.u32 s16, $0x1F;
	s16 =	sshrl.u32 s20, $0x1F;
	s21 =	sshra.s32 s25, $0xE  }
0x324: {  	vm1 =	vmmov vm14;
	vm14 =	vcmask $0x704;
	v38 =	vmov s8;
	s25 =	sshrl.u32 s24, $0x1F;
	s20 =	sshra.s32 s24, $0xE;
	s24 =	sshrl.u32 s5, $0x1F  }
0x325: {  	s2 =	sshrl.u32 s10, $0x1F;
	s10 =	sshra.s32 s10, $0xE;
	s5 =	sshra.s32 s5, $0x1F;
	v39 =	vmov s1;
	v35 =	vmov s19;
	v36 =	vmov s24  }
0x326: {  	v4 =	vsel vm14, s5, v4;
	s24 =	sshra.s32 s7, $0x1F;
	s7 =	sshrl.u32 s23, $0x1F;
	s19 =	sshra.s32 s23, $0xE;
	v37 =	vmov s16;
	v8 =	vsel vm4, s10, v38  }
0x327: {  	v9 =	vsel vm4, s4, v39;
	s10 =	sshrl.u32 s6, $0x1F;
	v4 =	vsel vm4, s0, v4;
	s0 =	sshra.s32 s23, $0x1F;
	v8 =	vsel vm3, s22, v8;
	s22 =	sld [smem:$0x714]  }
0x328: {  	v5 =	vsel vm4, s2, v35;
	v6 =	vnsel vm1, $0x0, v36;
	s2 =	sshrl.u32 s18, $0x1F;
	s23 =	sshra.s32 s18, $0xE;
	v9 =	vsel vm3, s21, v9;
	s21 =	sld [smem:$0x717]  }
0x329: {  	v7 =	vsel vm4, s30, v37;
	v6 =	vsel vm4, s11, v6;
	v4 =	vsel vm12, s24, v4;
	s11 =	sshra.s32 s18, $0x1F;
	s24 =	sshrl.u32 s17, $0x1F;
	s18 =	sshra.s32 s17, $0xE  }
0x32a: {  	v5 =	vsel vm3, s28, v5;
	s28 =	sshrl.u32 s15, $0x1F;
	v9 =	vsel vm5, s20, v9;
	s20 =	sld [smem:$0x718];
	v6 =	vsel vm3, s7, v6;
	s7 =	sshra.s32 s17, $0x1F  }
0x32b: {  	v7 =	vsel vm3, s31, v7;
	v5 =	vsel vm5, s26, v5;
	v4 =	vsel vm3, s19, v4;
	s19 =	spop (v2sf);
	s26 =	sshrl.u32 s14, $0x1F;
	s17 =	sshra.s32 s13, $0xE  }
0x32c: {  	v7 =	vsel vm5, s25, v7;
	s25 =	sld [smem:$0x713];
	v4 =	vsel vm11, s0, v4;
	s0 =	sshra.s32 s15, $0xE;
	s16 =	spop (v2sf)  }
0x32d: {  	v6 =	vsel vm5, s2, v6;
	s15 =	sshra.s32 s15, $0x1F;
	s4 =	sshrl.u32 s22, $0x1F;
	v4 =	vsel vm5, s23, v4;
	s5 =	spop (v2sf)  }
0x32e: {  	v6 =	vsel vm6, s24, v6;
	s24 =	sshra.s32 s14, $0xE;
	s23 =	sld [smem:$0x712];
	v4 =	vsel vm15, s11, v4;
	s8 =	smulhi.u32 $0x29F1868F, s5  }
0x32f: {  	s2 =	spop (v2sf);
	s5 =	sshra.s32 s5, $0x1F;
	v4 =	vsel vm6, s18, v4;
	s18 =	smulhi.u32 $0x29F1868F, s19  }
0x330: {  	vm10 =	vcmask $0x2724;
	v6 =	vsel vm9, s28, v6;
	s11 =	sshra.s32 s14, $0x1F;
	s5 =	smul.u32 $0x29F1868F, s5;
	s30 =	spop (v2sf)  }
0x331: {  	vm13 =	vmmov vm11;
	v8 =	vsel vm5, s12, v8;
	s28 =	sshrl.u32 s13, $0x1F;
	v6 =	vsel vm8, s26, v6;
	s31 =	smulhi.u32 $0x29F1868F, s30;
	s13 =	sshra.s32 s30, $0x1F  }
0x332: {  	v40 =	vcombine.low v9, v8;
	s14 =	sshrl.u32 s29, $0x1F;
	s19 =	sshra.s32 s19, $0x1F;
	v6 =	vsel vm2, s28, v6;
	v4 =	vsel vm10, s7, v4;
	s28 =	smul.u32 $0x29F1868F, s13  }
0x333: {  	vm11 =	vcmask $0x2F2C;
	v5 =	vcombine.low v7, v5;
	s26 =	sld [smem:$0x715];
	s1 =	sshrl.u32 s23, $0x1F;
	s7 =	smul.u32 $0x29F1868F, s19;
	v4 =	vsel vm9, s0, v4  }
0x334: {  	v7 =	vperm.xlane v40, v0;
	s19 =	sshrl.u32 s21, $0x1F;
	s0 =	sshrl.u32 s20, $0x1F;
	v4 =	vsel vm11, s15, v4;
	s13 =	sadd.s32 s28, s31  }
0x335: {  	v5 =	vperm.xlane v5, v0;
	v6 =	vperm.xlane v6, v1;
	s5 =	sadd.s32 s5, s8;
	s30 =	sshrl.u32 s25, $0x1F;
	v4 =	vsel vm8, s24, v4;
	s28 =	sshra.s32 s13, $0x1F  }
0x336: {  	s15 =	sshrl.u32 s26, $0x1F;
	s24 =	sld [smem:$0x716];
	v4 =	vsel vm0, s11, v4;
	v41 =	vmov s30;
	s30 =	sshra.s32 s3, $0xE;
	v42 =	vmov s28  }
0x337: {  	s7 =	sadd.s32 s7, s18;
	v4 =	vsel vm2, s17, v4;
	v8 =	vsel vm4, s1, v41;
	s31 =	sshrl.u32 s3, $0x1F;
	s3 =	sshra.s32 s3, $0x1F;
	v9 =	vsel vm1, s30, v42  }
0x338: {  	s1 =	smulhi.u32 $0x29F1868F, s16;
	s16 =	sshra.s32 s16, $0x1F;
	v8 =	vsel vm3, s4, v8;
	v43 =	vmov s31;
	s31 =	sshra.s32 s6, $0xE;
	v9 =	vsel vm14, s3, v9  }
0x339: {  	s18 =	sshra.s32 s6, $0x1F;
	s12 =	sshrl.u32 s24, $0x1F;
	s16 =	smul.u32 $0x29F1868F, s16;
	v4 =	vperm.xlane v4, v1;
	v8 =	vsel vm5, s14, v8;
	v9 =	vsel vm4, s31, v9  }
0x33a: {  	s11 =	sshrl.u32 s9, $0x1F;
	s17 =	sshrl.u32 s7, $0x1F;
	v44 =	vmov s12;
	v10 =	vnsel vm1, $0x0, v43;
	s30 =	sshra.s32 s9, $0xE;
	v9 =	vsel vm12, s18, v9  }
0x33b: {  	s1 =	sadd.s32 s16, s1;
	v11 =	vsel vm4, s15, v44;
	s16 =	sshra.s32 s25, $0xE;
	v10 =	vsel vm4, s10, v10;
	s31 =	sshra.s32 s9, $0x1F;
	v9 =	vsel vm3, s30, v9  }
0x33c: {  	s28 =	smulhi.u32 $0x29F1868F, s2;
	s2 =	sshra.s32 s2, $0x1F;
	s10 =	sshra.s32 s7, $0xE;
	v11 =	vsel vm3, s19, v11;
	v45 =	vmov s16;
	v9 =	vsel vm13, s31, v9  }
0x33d: {  	s12 =	sshra.s32 s7, $0x1F;
	s2 =	smul.u32 $0x29F1868F, s2;
	s15 =	sshra.s32 s1, $0xE;
	v10 =	vsel vm3, s11, v10;
	v11 =	vsel vm5, s0, v11;
	v9 =	vsel vm5, s10, v9  }
0x33e: {  	s11 =	sshrl.u32 s5, $0x1F;
	v10 =	vsel vm5, s17, v10;
	s9 =	sshrl.u32 s1, $0x1F;
	v8 =	vcombine.low v11, v8;
	s17 =	sshra.s32 s24, $0xE;
	v9 =	vsel vm15, s12, v9  }
0x33f: {  	s2 =	sadd.s32 s2, s28;
	s1 =	sshra.s32 s1, $0x1F;
	v10 =	vsel vm6, s9, v10;
	s18 =	sshra.s32 s23, $0xE;
	v46 =	vmov s17;
	v9 =	vsel vm6, s15, v9  }
0x340: {  	s19 =	sshra.s32 s26, $0xE;
	s14 =	sshrl.u32 s2, $0x1F;
	s23 =	sshra.s32 s5, $0xE;
	v10 =	vsel vm9, s11, v10;
	v11 =	vsel vm4, s18, v45;
	v9 =	vsel vm10, s1, v9  }
0x341: {  	s25 =	sshra.s32 s21, $0xE;
	s26 =	sshra.s32 s5, $0x1F;
	s24 =	sshra.s32 s22, $0xE;
	v12 =	vsel vm4, s19, v46;
	v10 =	vsel vm8, s14, v10;
	v9 =	vsel vm9, s23, v9  }
0x342: {  	s28 =	sshra.s32 s29, $0xE;
	s29 =	sshra.s32 s20, $0xE;
	s30 =	sshra.s32 s2, $0xE;
	v11 =	vsel vm3, s24, v11;
	v12 =	vsel vm3, s25, v12;
	v9 =	vsel vm11, s26, v9  }
0x343: {  	s2 =	sshra.s32 s2, $0x1F;
	s31 =	sshrl.u32 s13, $0x1F;
	v11 =	vsel vm5, s28, v11;
	v12 =	vsel vm5, s29, v12;
	v9 =	vsel vm8, s30, v9  }
0x344: {  	s3 =	sshra.s32 s13, $0xE;
	v10 =	vsel vm2, s31, v10;
	v11 =	vcombine.low v12, v11;
	v9 =	vsel vm0, s2, v9  }
0x345: {  	v8 =	vperm.xlane v8, v0;
	v10 =	vperm.xlane v10, v1;
	v9 =	vsel vm2, s3, v9  }
0x346: {  	v11 =	vperm.xlane v11, v0;
	v9 =	vperm.xlane v9, v1  }
0x347: {  	v5 =	vsel vm7, v6, v5;
	v4 =	vsel vm7, v4, v7  }
0x348: {  	v4 =	vadd.s32 v5, v4;
	v47 =	vsel vm7, v10, v8;
	v48 =	vsel vm7, v9, v11  }
0x349: {  	v4 =	vmul.u32 $0x1869F, v4;
	v5 =	vadd.s32 v47, v48  }
0x34a: {  	v5 =	vmul.u32 $0x1869F, v5  }
0x34b: {  	v2 =	vsub.s32 v2, v4  }
0x34c: {  	v4 =	vadd.s32 $0x1869F, v2;
	vm10 =	vlt.s32 v2, $0x0;
	v3 =	vsub.s32 v3, v5  }
0x34d: {  	v2 =	vsel vm10, v4, v2;
	vm10 =	vlt.s32 v3, $0x0;
	v49 =	vadd.s32 $0x1869F, v3  }
0x34e: {  	s4 =	rddreg [dreg:$0x1b];
	[tilespmem:$0x500] =	vst v2;
	v2 =	vsel vm10, v49, v3  }
0x34f: {  	s6 =	rddreg [dreg:$0x1];
	s7 =	simm.s32 $0x20;
	s5 =	simm.s32 $0x5A80;
	[tilespmem:$0x510] =	vst v2  }
0x350: {  	[tilespmem:s5], [sflag:$0x1] =	stream.indirect.gather [hbm4b:s6+s7], $0x80, s4, s7, $0xb8;
	[tilespmem:$0x10A80] =	vst v63  }
0x351: {  	v2 =	vld [tilespmem:$0xD0]  }
0x352: {  	v3 =	vld [tilespmem:$0xCF];
	_ =	sdelay $0x4  }
0x353: {  	v2 =	vmul.u32 $0x8DD9, v2;
	v3 =	vmul.u32 $0x6A37, v3;
	_ =	sdelay $0x1  }
0x354: {  	v2 =	vxor.u32 v2, v3  }
0x355: {  	(v2sf) =	vpush v2, $0xD;
	_ =	sdelay $0x1  }
0x356: {  	(v2sf) =	vpush v2, $0xC;
	_ =	sdelay $0x1  }
0x357: {  	(v2sf) =	vpush v2, $0xE;
	_ =	sdelay $0x1  }
0x358: {  	(v2sf) =	vpush v2, $0xF;
	_ =	sdelay $0x1  }
0x359: {  	(v2sf) =	vpush v2, $0x9;
	_ =	sdelay $0x1  }
0x35a: {  	(v2sf) =	vpush v2, $0x8;
	_ =	sdelay $0x1  }
0x35b: {  	(v2sf) =	vpush v2, $0xA;
	_ =	sdelay $0x1  }
0x35c: {  	(v2sf) =	vpush v2, $0xB  }
0x35d: {  	s8 =	spop (v2sf)  }
0x35e: {  	(v2sf) =	vpush v2, $0x0;
	s0 =	smulhi.u32 $0x29F1868F, s8;
	s1 =	sshra.s32 s8, $0x1F  }
0x35f: {  	(v2sf) =	vpush v2, $0x1;
	s9 =	spop (v2sf);
	s4 =	smul.u32 $0x29F1868F, s1  }
0x360: {  	s1 =	smulhi.u32 $0x29F1868F, s9;
	s2 =	sshra.s32 s9, $0x1F  }
0x361: {  	(v2sf) =	vpush v2, $0x2;
	s10 =	spop (v2sf);
	s19 =	smul.u32 $0x29F1868F, s2  }
0x362: {  	s8 =	smulhi.u32 $0x29F1868F, s10;
	s2 =	sshra.s32 s10, $0x1F  }
0x363: {  	s11 =	spop (v2sf);
	s6 =	smul.u32 $0x29F1868F, s2  }
0x364: {  	(v2sf) =	vpush v2, $0x3;
	s9 =	smulhi.u32 $0x29F1868F, s11;
	s2 =	sshra.s32 s11, $0x1F  }
0x365: {  	v50 =	vld [tilespmem:$0xDF];
	s12 =	spop (v2sf);
	s11 =	smul.u32 $0x29F1868F, s2  }
0x366: {  	v3 =	vld [tilespmem:$0xE0];
	(v2sf) =	vpush v2, $0x4;
	s10 =	smulhi.u32 $0x29F1868F, s12;
	s2 =	sshra.s32 s12, $0x1F  }
0x367: {  	s13 =	spop (v2sf);
	s3 =	smul.u32 $0x29F1868F, s2  }
0x368: {  	(v2sf) =	vpush v2, $0x5;
	s12 =	smulhi.u32 $0x29F1868F, s13;
	s2 =	sshra.s32 s13, $0x1F  }
0x369: {  	s14 =	spop (v2sf);
	s20 =	smul.u32 $0x29F1868F, s2  }
0x36a: {  	(v2sf) =	vpush v2, $0x6;
	s22 =	smulhi.u32 $0x29F1868F, s14;
	s2 =	sshra.s32 s14, $0x1F  }
0x36b: {  	v4 =	vmul.u32 $0x6A37, v50;
	v3 =	vmul.u32 $0x8DD9, v3;
	s0 =	sadd.s32 s4, s0;
	s15 =	spop (v2sf);
	s25 =	smul.u32 $0x29F1868F, s2  }
0x36c: {  	[smem:$0x727] =	sst s0;
	(v2sf) =	vpush v2, $0x7;
	s16 =	smulhi.u32 $0x29F1868F, s15;
	s2 =	sshra.s32 s15, $0x1F  }
0x36d: {  	v3 =	vxor.u32 v3, v4;
	s17 =	spop (v2sf);
	s24 =	smul.u32 $0x29F1868F, s2  }
0x36e: {  	(v2sf) =	vpush v3, $0xD;
	s18 =	smulhi.u32 $0x29F1868F, s17;
	s2 =	sshra.s32 s17, $0x1F;
	s21 =	spop (v2sf)  }
0x36f: {  	[smem:$0x719] =	sst s16;
	s5 =	smul.u32 $0x29F1868F, s2  }
0x370: {  	(v2sf) =	vpush v3, $0xC;
	s23 =	smulhi.u32 $0x29F1868F, s21;
	s2 =	sshra.s32 s21, $0x1F;
	s26 =	spop (v2sf)  }
0x371: {  	[smem:$0x71A] =	sst s18;
	s7 =	smul.u32 $0x29F1868F, s2  }
0x372: {  	s28 =	smulhi.u32 $0x29F1868F, s26;
	s2 =	sshra.s32 s26, $0x1F;
	[smem:$0x71B] =	sst s23  }
0x373: {  	s23 =	smul.u32 $0x29F1868F, s2;
	s29 =	spop (v2sf)  }
0x374: {  	s4 =	sld [smem:$0x719];
	s30 =	smulhi.u32 $0x29F1868F, s29;
	s2 =	sshra.s32 s29, $0x1F  }
0x375: {  	(v2sf) =	vpush v3, $0xE;
	s31 =	spop (v2sf);
	s18 =	smul.u32 $0x29F1868F, s2  }
0x376: {  	[smem:$0x71C] =	sst s28;
	s14 =	smulhi.u32 $0x29F1868F, s31;
	s2 =	sshra.s32 s31, $0x1F  }
0x377: {  	s15 =	spop (v2sf);
	s17 =	smul.u32 $0x29F1868F, s2  }
0x378: {  	[smem:$0x71D] =	sst s30;
	s16 =	smulhi.u32 $0x29F1868F, s15;
	s2 =	sshra.s32 s15, $0x1F  }
0x379: {  	s15 =	smul.u32 $0x29F1868F, s2;
	s21 =	spop (v2sf)  }
0x37a: {  	(v2sf) =	vpush v3, $0xF;
	[smem:$0x71E] =	sst s14;
	s26 =	smulhi.u32 $0x29F1868F, s21;
	s2 =	sshra.s32 s21, $0x1F  }
0x37b: {  	s28 =	spop (v2sf);
	s14 =	smul.u32 $0x29F1868F, s2  }
0x37c: {  	(v2sf) =	vpush v3, $0x9;
	[smem:$0x71F] =	sst s16;
	s29 =	smulhi.u32 $0x29F1868F, s28;
	s2 =	sshra.s32 s28, $0x1F  }
0x37d: {  	s30 =	spop (v2sf);
	s13 =	smul.u32 $0x29F1868F, s2  }
0x37e: {  	(v2sf) =	vpush v3, $0x8;
	[smem:$0x720] =	sst s26;
	s31 =	smulhi.u32 $0x29F1868F, s30;
	s2 =	sshra.s32 s30, $0x1F  }
0x37f: {  	s21 =	spop (v2sf);
	s16 =	smul.u32 $0x29F1868F, s2  }
0x380: {  	(v2sf) =	vpush v3, $0xA;
	[smem:$0x721] =	sst s29;
	s26 =	smulhi.u32 $0x29F1868F, s21  }
0x381: {  	s2 =	sshra.s32 s21, $0x1F;
	s21 =	sadd.s32 s11, s9;
	s9 =	sld [smem:$0x71B]  }
0x382: {  	(v2sf) =	vpush v3, $0xB;
	[smem:$0x722] =	sst s31  }
0x383: {  	[smem:$0x723] =	sst s16  }
0x384: {  	s29 =	spop (v2sf);
	[smem:$0x724] =	sst s26  }
0x385: {  	(v2sf) =	vpush v3, $0x0;
	s28 =	smul.u32 $0x29F1868F, s2;
	s26 =	sadd.s32 s6, s8;
	s6 =	sld [smem:$0x71A]  }
0x386: {  	s31 =	smulhi.u32 $0x29F1868F, s29;
	s16 =	sadd.s32 s3, s10;
	s10 =	sld [smem:$0x71C]  }
0x387: {  	s20 =	sadd.s32 s20, s12;
	[smem:$0x725] =	sst s28  }
0x388: {  	s25 =	sadd.s32 s25, s22;
	s0 =	sshra.s32 s29, $0x1F;
	[smem:$0x726] =	sst s31  }
0x389: {  	s28 =	smul.u32 $0x29F1868F, s0;
	s5 =	sadd.s32 s5, s6;
	s2 =	spop (v2sf)  }
0x38a: {  	s6 =	sld [smem:$0x71F];
	s29 =	smulhi.u32 $0x29F1868F, s2;
	s0 =	sshra.s32 s2, $0x1F  }
0x38b: {  	s30 =	sadd.s32 s19, s1;
	s3 =	spop (v2sf);
	s19 =	smul.u32 $0x29F1868F, s0  }
0x38c: {  	s2 =	sld [smem:$0x71D];
	s22 =	smulhi.u32 $0x29F1868F, s3;
	s0 =	sshra.s32 s3, $0x1F  }
0x38d: {  	s7 =	sadd.s32 s7, s9;
	s8 =	spop (v2sf);
	s12 =	smul.u32 $0x29F1868F, s0  }
0x38e: {  	s3 =	sld [smem:$0x71E];
	s11 =	smulhi.u32 $0x29F1868F, s8;
	s0 =	sshra.s32 s8, $0x1F  }
0x38f: {  	s23 =	sadd.s32 s23, s10;
	s9 =	smul.u32 $0x29F1868F, s0;
	s31 =	spop (v2sf)  }
0x390: {  	(v2sf) =	vpush v3, $0x1;
	s10 =	smulhi.u32 $0x29F1868F, s31;
	s0 =	sshra.s32 s31, $0x1F;
	s31 =	sld [smem:$0x720]  }
0x391: {  	s24 =	sadd.s32 s24, s4;
	s4 =	spop (v2sf);
	s8 =	smul.u32 $0x29F1868F, s0  }
0x392: {  	(v2sf) =	vpush v3, $0x2;
	s15 =	sadd.s32 s15, s6;
	s18 =	sadd.s32 s18, s2;
	s6 =	smulhi.u32 $0x29F1868F, s4  }
0x393: {  	s0 =	sshra.s32 s4, $0x1F;
	s14 =	sadd.s32 s14, s31;
	s31 =	sld [smem:$0x721]  }
0x394: {  	s17 =	sadd.s32 s17, s3;
	s2 =	spop (v2sf);
	s4 =	smul.u32 $0x29F1868F, s0  }
0x395: {  	s3 =	smulhi.u32 $0x29F1868F, s2;
	s0 =	sshra.s32 s2, $0x1F;
	s2 =	sld [smem:$0x722]  }
0x396: {  	s13 =	sadd.s32 s13, s31;
	s31 =	sld [smem:$0x723];
	_ =	sdelay $0x2  }
0x397: {  	s1 =	sadd.s32 s31, s2;
	s31 =	sld [smem:$0x725]  }
0x398: {  	[smem:$0x728] =	sst s1  }
0x399: {  	s12 =	sadd.s32 s12, s22;
	s1 =	sld [smem:$0x724]  }
0x39a: {  	[smem:$0x72B] =	sst s12;
	s9 =	sadd.s32 s9, s11  }
0x39b: {  	[smem:$0x72C] =	sst s9  }
0x39c: {  	s29 =	sadd.s32 s19, s29;
	s1 =	sadd.s32 s31, s1;
	s31 =	sld [smem:$0x726]  }
0x39d: {  	s12 =	sshra.s32 s21, $0xE;
	s2 =	smul.u32 $0x29F1868F, s0;
	s0 =	spop (v2sf)  }
0x39e: {  	s11 =	sshra.s32 s13, $0x1F;
	[smem:$0x729] =	sst s1;
	s1 =	smulhi.u32 $0x29F1868F, s0  }
0x39f: {  	s0 =	sshra.s32 s0, $0x1F;
	s28 =	sadd.s32 s28, s31;
	s31 =	spop (v2sf)  }
0x3a0: {  	v51 =	vmov s11;
	s11 =	sshrl.u32 s7, $0x1F;
	[smem:$0x72A] =	sst s28;
	s28 =	smul.u32 $0x29F1868F, s0  }
0x3a1: {  	(v2sf) =	vpush v3, $0x3;
	s3 =	sadd.s32 s2, s3;
	s19 =	smulhi.u32 $0x29F1868F, s31;
	s0 =	sshra.s32 s31, $0x1F  }
0x3a2: {  	(v2sf) =	vpush v3, $0x4;
	s31 =	sadd.s32 s8, s10;
	s8 =	sadd.s32 s4, s6;
	s10 =	sld [smem:$0x727]  }
0x3a3: {  	(v2sf) =	vpush v3, $0x5;
	s4 =	sshra.s32 s16, $0xE;
	s22 =	smul.u32 $0x29F1868F, s0;
	[smem:$0x72D] =	sst s31  }
0x3a4: {  	[smem:$0x72E] =	sst s8;
	s8 =	sshra.s32 s30, $0xE;
	s31 =	sshrl.u32 s25, $0x1F  }
0x3a5: {  	(v2sf) =	vpush v3, $0x6;
	s0 =	sshra.s32 s5, $0xE;
	s6 =	sadd.s32 s28, s1;
	s28 =	sshrl.u32 s26, $0x1F  }
0x3a6: {  	(v2sf) =	vpush v3, $0x7;
	s1 =	sshra.s32 s20, $0xE;
	v4 =	vsel vm1, s0, v51;
	s0 =	sshra.s32 s7, $0xE;
	s9 =	sadd.s32 s22, s19  }
0x3a7: {  	s19 =	sshrl.u32 s30, $0x1F;
	s22 =	sshra.s32 s26, $0xE;
	s26 =	sshrl.u32 s21, $0x1F  }
0x3a8: {  	s30 =	sshrl.u32 s16, $0x1F;
	s16 =	sshrl.u32 s20, $0x1F;
	s21 =	sshra.s32 s25, $0xE  }
0x3a9: {  	v55 =	vmov s8;
	s25 =	sshrl.u32 s24, $0x1F;
	s20 =	sshra.s32 s24, $0xE;
	s24 =	sshrl.u32 s5, $0x1F  }
0x3aa: {  	s2 =	sshrl.u32 s10, $0x1F;
	s10 =	sshra.s32 s10, $0xE;
	s5 =	sshra.s32 s5, $0x1F;
	v56 =	vmov s1;
	v52 =	vmov s19;
	v53 =	vmov s24  }
0x3ab: {  	v4 =	vsel vm14, s5, v4;
	s24 =	sshra.s32 s7, $0x1F;
	s7 =	sshrl.u32 s23, $0x1F;
	s19 =	sshra.s32 s23, $0xE;
	v54 =	vmov s16;
	v8 =	vsel vm4, s10, v55  }
0x3ac: {  	v9 =	vsel vm4, s4, v56;
	s10 =	sshrl.u32 s6, $0x1F;
	v4 =	vsel vm4, s0, v4;
	s0 =	sshra.s32 s23, $0x1F;
	v8 =	vsel vm3, s22, v8;
	s22 =	sld [smem:$0x72A]  }
0x3ad: {  	v5 =	vsel vm4, s2, v52;
	v6 =	vnsel vm1, $0x0, v53;
	s2 =	sshrl.u32 s18, $0x1F;
	s23 =	sshra.s32 s18, $0xE;
	v9 =	vsel vm3, s21, v9;
	s21 =	sld [smem:$0x72D]  }
0x3ae: {  	v7 =	vsel vm4, s30, v54;
	v6 =	vsel vm4, s11, v6;
	v4 =	vsel vm12, s24, v4;
	s11 =	sshra.s32 s18, $0x1F;
	s24 =	sshrl.u32 s17, $0x1F;
	s18 =	sshra.s32 s17, $0xE  }
0x3af: {  	v5 =	vsel vm3, s28, v5;
	s28 =	sshrl.u32 s15, $0x1F;
	v9 =	vsel vm5, s20, v9;
	s20 =	sld [smem:$0x72E];
	v6 =	vsel vm3, s7, v6;
	s7 =	sshra.s32 s17, $0x1F  }
0x3b0: {  	v7 =	vsel vm3, s31, v7;
	v5 =	vsel vm5, s26, v5;
	v4 =	vsel vm3, s19, v4;
	s19 =	spop (v2sf);
	s26 =	sshrl.u32 s14, $0x1F;
	s17 =	sshra.s32 s13, $0xE  }
0x3b1: {  	v7 =	vsel vm5, s25, v7;
	s25 =	sld [smem:$0x729];
	v4 =	vsel vm13, s0, v4;
	s0 =	sshra.s32 s15, $0xE;
	s16 =	spop (v2sf)  }
0x3b2: {  	v6 =	vsel vm5, s2, v6;
	s15 =	sshra.s32 s15, $0x1F;
	s4 =	sshrl.u32 s22, $0x1F;
	v4 =	vsel vm5, s23, v4;
	s5 =	spop (v2sf)  }
0x3b3: {  	v6 =	vsel vm6, s24, v6;
	s24 =	sshra.s32 s14, $0xE;
	s23 =	sld [smem:$0x728];
	v4 =	vsel vm15, s11, v4;
	s8 =	smulhi.u32 $0x29F1868F, s5  }
0x3b4: {  	vm11 =	vmmov vm14;
	s2 =	spop (v2sf);
	s5 =	sshra.s32 s5, $0x1F;
	v4 =	vsel vm6, s18, v4;
	s18 =	smulhi.u32 $0x29F1868F, s19  }
0x3b5: {  	vm10 =	vmmov vm12;
	vm14 =	vmmov vm15;
	v6 =	vsel vm9, s28, v6;
	s11 =	sshra.s32 s14, $0x1F;
	s5 =	smul.u32 $0x29F1868F, s5;
	s30 =	spop (v2sf)  }
0x3b6: {  	v8 =	vsel vm5, s12, v8;
	s28 =	sshrl.u32 s13, $0x1F;
	vm15 =	vcmask $0x2724;
	v6 =	vsel vm8, s26, v6;
	s31 =	smulhi.u32 $0x29F1868F, s30;
	s13 =	sshra.s32 s30, $0x1F  }
0x3b7: {  	v57 =	vcombine.low v9, v8;
	s14 =	sshrl.u32 s29, $0x1F;
	s19 =	sshra.s32 s19, $0x1F;
	v6 =	vsel vm2, s28, v6;
	v4 =	vsel vm15, s7, v4;
	s28 =	smul.u32 $0x29F1868F, s13  }
0x3b8: {  	vm12 =	vcmask $0x2F2C;
	v5 =	vcombine.low v7, v5;
	s26 =	sld [smem:$0x72B];
	s1 =	sshrl.u32 s23, $0x1F;
	s7 =	smul.u32 $0x29F1868F, s19;
	v4 =	vsel vm9, s0, v4  }
0x3b9: {  	v7 =	vperm.xlane v57, v0;
	s19 =	sshrl.u32 s21, $0x1F;
	s0 =	sshrl.u32 s20, $0x1F;
	v4 =	vsel vm12, s15, v4;
	s13 =	sadd.s32 s28, s31  }
0x3ba: {  	v5 =	vperm.xlane v5, v0;
	v6 =	vperm.xlane v6, v1;
	s5 =	sadd.s32 s5, s8;
	s30 =	sshrl.u32 s25, $0x1F;
	v4 =	vsel vm8, s24, v4;
	s28 =	sshra.s32 s13, $0x1F  }
0x3bb: {  	s15 =	sshrl.u32 s26, $0x1F;
	s24 =	sld [smem:$0x72C];
	v4 =	vsel vm0, s11, v4;
	v58 =	vmov s30;
	s30 =	sshra.s32 s3, $0xE;
	v59 =	vmov s28  }
0x3bc: {  	s7 =	sadd.s32 s7, s18;
	v4 =	vsel vm2, s17, v4;
	v8 =	vsel vm4, s1, v58;
	s31 =	sshrl.u32 s3, $0x1F;
	s3 =	sshra.s32 s3, $0x1F;
	v9 =	vsel vm1, s30, v59  }
0x3bd: {  	s1 =	smulhi.u32 $0x29F1868F, s16;
	s16 =	sshra.s32 s16, $0x1F;
	v8 =	vsel vm3, s4, v8;
	v60 =	vmov s31;
	s31 =	sshra.s32 s6, $0xE;
	v9 =	vsel vm11, s3, v9  }
0x3be: {  	s18 =	sshra.s32 s6, $0x1F;
	s12 =	sshrl.u32 s24, $0x1F;
	s16 =	smul.u32 $0x29F1868F, s16;
	v4 =	vperm.xlane v4, v1;
	v8 =	vsel vm5, s14, v8;
	v9 =	vsel vm4, s31, v9  }
0x3bf: {  	s11 =	sshrl.u32 s9, $0x1F;
	s17 =	sshrl.u32 s7, $0x1F;
	v61 =	vmov s12;
	v10 =	vnsel vm1, $0x0, v60;
	s30 =	sshra.s32 s9, $0xE;
	v9 =	vsel vm10, s18, v9  }
0x3c0: {  	s1 =	sadd.s32 s16, s1;
	v11 =	vsel vm4, s15, v61;
	s16 =	sshra.s32 s25, $0xE;
	v10 =	vsel vm4, s10, v10;
	s31 =	sshra.s32 s9, $0x1F;
	v9 =	vsel vm3, s30, v9  }
0x3c1: {  	s28 =	smulhi.u32 $0x29F1868F, s2;
	s2 =	sshra.s32 s2, $0x1F;
	s10 =	sshra.s32 s7, $0xE;
	v11 =	vsel vm3, s19, v11;
	v62 =	vmov s16;
	v9 =	vsel vm13, s31, v9  }
0x3c2: {  	s12 =	sshra.s32 s7, $0x1F;
	s2 =	smul.u32 $0x29F1868F, s2;
	s15 =	sshra.s32 s1, $0xE;
	v10 =	vsel vm3, s11, v10;
	v11 =	vsel vm5, s0, v11;
	v9 =	vsel vm5, s10, v9  }
0x3c3: {  	s11 =	sshrl.u32 s5, $0x1F;
	v10 =	vsel vm5, s17, v10;
	s9 =	sshrl.u32 s1, $0x1F;
	v8 =	vcombine.low v11, v8;
	s17 =	sshra.s32 s24, $0xE;
	v9 =	vsel vm14, s12, v9  }
0x3c4: {  	s2 =	sadd.s32 s2, s28;
	s1 =	sshra.s32 s1, $0x1F;
	v10 =	vsel vm6, s9, v10;
	s18 =	sshra.s32 s23, $0xE;
	v63 =	vmov s17;
	v9 =	vsel vm6, s15, v9  }
0x3c5: {  	s19 =	sshra.s32 s26, $0xE;
	s14 =	sshrl.u32 s2, $0x1F;
	s23 =	sshra.s32 s5, $0xE;
	v10 =	vsel vm9, s11, v10;
	v11 =	vsel vm4, s18, v62;
	v9 =	vsel vm15, s1, v9  }
0x3c6: {  	s25 =	sshra.s32 s21, $0xE;
	s26 =	sshra.s32 s5, $0x1F;
	s24 =	sshra.s32 s22, $0xE;
	v12 =	vsel vm4, s19, v63;
	v10 =	vsel vm8, s14, v10;
	v9 =	vsel vm9, s23, v9  }
0x3c7: {  	s28 =	sshra.s32 s29, $0xE;
	s29 =	sshra.s32 s20, $0xE;
	s30 =	sshra.s32 s2, $0xE;
	v11 =	vsel vm3, s24, v11;
	v12 =	vsel vm3, s25, v12;
	v9 =	vsel vm12, s26, v9  }
0x3c8: {  	s2 =	sshra.s32 s2, $0x1F;
	s31 =	sshrl.u32 s13, $0x1F;
	v11 =	vsel vm5, s28, v11;
	v12 =	vsel vm5, s29, v12;
	v9 =	vsel vm8, s30, v9  }
0x3c9: {  	s3 =	sshra.s32 s13, $0xE;
	v10 =	vsel vm2, s31, v10;
	v11 =	vcombine.low v12, v11;
	v9 =	vsel vm0, s2, v9  }
0x3ca: {  	v8 =	vperm.xlane v8, v0;
	v10 =	vperm.xlane v10, v1;
	v9 =	vsel vm2, s3, v9  }
0x3cb: {  	v11 =	vperm.xlane v11, v0;
	v9 =	vperm.xlane v9, v1  }
0x3cc: {  	v5 =	vsel vm7, v6, v5;
	v4 =	vsel vm7, v4, v7  }
0x3cd: {  	v4 =	vadd.s32 v5, v4;
	v13 =	vsel vm7, v10, v8;
	v14 =	vsel vm7, v9, v11  }
0x3ce: {  	v4 =	vmul.u32 $0x1869F, v4;
	v5 =	vadd.s32 v13, v14  }
0x3cf: {  	v5 =	vmul.u32 $0x1869F, v5  }
0x3d0: {  	v2 =	vsub.s32 v2, v4  }
0x3d1: {  	v4 =	vadd.s32 $0x1869F, v2;
	vm12 =	vlt.s32 v2, $0x0;
	v3 =	vsub.s32 v3, v5  }
0x3d2: {  	v2 =	vsel vm12, v4, v2;
	vm12 =	vlt.s32 v3, $0x0;
	v15 =	vadd.s32 $0x1869F, v3  }
0x3d3: {  	s4 =	rddreg [dreg:$0x1c];
	[tilespmem:$0x580] =	vst v2;
	v2 =	vsel vm12, v15, v3  }
0x3d4: {  	s6 =	rddreg [dreg:$0x1];
	s7 =	simm.s32 $0x20;
	s5 =	simm.s32 $0x6A80;
	[tilespmem:$0x590] =	vst v2  }
0x3d5: {  	[tilespmem:s5], [sflag:$0x1] =	stream.indirect.gather [hbm4b:s6+s7], $0x80, s4, s7, $0xb8;
	[tilespmem:$0x10A80] =	vst v63  }
0x3d6: {  	v2 =	vld [tilespmem:$0xF0]  }
0x3d7: {  	v3 =	vld [tilespmem:$0xEF];
	_ =	sdelay $0x4  }
0x3d8: {  	v2 =	vmul.u32 $0x8DD9, v2;
	v3 =	vmul.u32 $0x6A37, v3;
	_ =	sdelay $0x1  }
0x3d9: {  	v2 =	vxor.u32 v2, v3  }
0x3da: {  	(v2sf) =	vpush v2, $0xD;
	_ =	sdelay $0x1  }
0x3db: {  	(v2sf) =	vpush v2, $0xC;
	_ =	sdelay $0x1  }
0x3dc: {  	(v2sf) =	vpush v2, $0xE;
	_ =	sdelay $0x1  }
0x3dd: {  	(v2sf) =	vpush v2, $0xF;
	_ =	sdelay $0x1  }
0x3de: {  	(v2sf) =	vpush v2, $0x9;
	_ =	sdelay $0x1  }
0x3df: {  	(v2sf) =	vpush v2, $0x8;
	_ =	sdelay $0x1  }
0x3e0: {  	(v2sf) =	vpush v2, $0xA;
	_ =	sdelay $0x1  }
0x3e1: {  	(v2sf) =	vpush v2, $0xB  }
0x3e2: {  	s8 =	spop (v2sf)  }
0x3e3: {  	(v2sf) =	vpush v2, $0x0;
	s0 =	smulhi.u32 $0x29F1868F, s8;
	s1 =	sshra.s32 s8, $0x1F  }
0x3e4: {  	(v2sf) =	vpush v2, $0x1;
	s9 =	spop (v2sf);
	s4 =	smul.u32 $0x29F1868F, s1  }
0x3e5: {  	s1 =	smulhi.u32 $0x29F1868F, s9;
	s2 =	sshra.s32 s9, $0x1F  }
0x3e6: {  	(v2sf) =	vpush v2, $0x2;
	s10 =	spop (v2sf);
	s19 =	smul.u32 $0x29F1868F, s2  }
0x3e7: {  	s8 =	smulhi.u32 $0x29F1868F, s10;
	s2 =	sshra.s32 s10, $0x1F  }
0x3e8: {  	s11 =	spop (v2sf);
	s6 =	smul.u32 $0x29F1868F, s2  }
0x3e9: {  	(v2sf) =	vpush v2, $0x3;
	s9 =	smulhi.u32 $0x29F1868F, s11;
	s2 =	sshra.s32 s11, $0x1F  }
0x3ea: {  	v16 =	vld [tilespmem:$0xFF];
	s12 =	spop (v2sf);
	s11 =	smul.u32 $0x29F1868F, s2  }
0x3eb: {  	v3 =	vld [tilespmem:$0x100];
	(v2sf) =	vpush v2, $0x4;
	s10 =	smulhi.u32 $0x29F1868F, s12;
	s2 =	sshra.s32 s12, $0x1F  }
0x3ec: {  	s13 =	spop (v2sf);
	s3 =	smul.u32 $0x29F1868F, s2  }
0x3ed: {  	(v2sf) =	vpush v2, $0x5;
	s12 =	smulhi.u32 $0x29F1868F, s13;
	s2 =	sshra.s32 s13, $0x1F  }
0x3ee: {  	s14 =	spop (v2sf);
	s20 =	smul.u32 $0x29F1868F, s2  }
0x3ef: {  	(v2sf) =	vpush v2, $0x6;
	s22 =	smulhi.u32 $0x29F1868F, s14;
	s2 =	sshra.s32 s14, $0x1F  }
0x3f0: {  	v4 =	vmul.u32 $0x6A37, v16;
	v3 =	vmul.u32 $0x8DD9, v3;
	s0 =	sadd.s32 s4, s0;
	s15 =	spop (v2sf);
	s25 =	smul.u32 $0x29F1868F, s2  }
0x3f1: {  	[smem:$0x73D] =	sst s0;
	(v2sf) =	vpush v2, $0x7;
	s16 =	smulhi.u32 $0x29F1868F, s15;
	s2 =	sshra.s32 s15, $0x1F  }
0x3f2: {  	v3 =	vxor.u32 v3, v4;
	s17 =	spop (v2sf);
	s24 =	smul.u32 $0x29F1868F, s2  }
0x3f3: {  	(v2sf) =	vpush v3, $0xD;
	s18 =	smulhi.u32 $0x29F1868F, s17;
	s2 =	sshra.s32 s17, $0x1F;
	s21 =	spop (v2sf)  }
0x3f4: {  	[smem:$0x72F] =	sst s16;
	s5 =	smul.u32 $0x29F1868F, s2  }
0x3f5: {  	(v2sf) =	vpush v3, $0xC;
	s23 =	smulhi.u32 $0x29F1868F, s21;
	s2 =	sshra.s32 s21, $0x1F;
	s26 =	spop (v2sf)  }
0x3f6: {  	[smem:$0x730] =	sst s18;
	s7 =	smul.u32 $0x29F1868F, s2  }
0x3f7: {  	s28 =	smulhi.u32 $0x29F1868F, s26;
	s2 =	sshra.s32 s26, $0x1F;
	[smem:$0x731] =	sst s23  }
0x3f8: {  	s23 =	smul.u32 $0x29F1868F, s2;
	s29 =	spop (v2sf)  }
0x3f9: {  	s4 =	sld [smem:$0x72F];
	s30 =	smulhi.u32 $0x29F1868F, s29;
	s2 =	sshra.s32 s29, $0x1F  }
0x3fa: {  	(v2sf) =	vpush v3, $0xE;
	s31 =	spop (v2sf);
	s18 =	smul.u32 $0x29F1868F, s2  }
0x3fb: {  	[smem:$0x732] =	sst s28;
	s14 =	smulhi.u32 $0x29F1868F, s31;
	s2 =	sshra.s32 s31, $0x1F  }
0x3fc: {  	s15 =	spop (v2sf);
	s17 =	smul.u32 $0x29F1868F, s2  }
0x3fd: {  	[smem:$0x733] =	sst s30;
	s16 =	smulhi.u32 $0x29F1868F, s15;
	s2 =	sshra.s32 s15, $0x1F  }
0x3fe: {  	s15 =	smul.u32 $0x29F1868F, s2;
	s21 =	spop (v2sf)  }
0x3ff: {  	(v2sf) =	vpush v3, $0xF;
	[smem:$0x734] =	sst s14;
	s26 =	smulhi.u32 $0x29F1868F, s21;
	s2 =	sshra.s32 s21, $0x1F  }
0x400: {  	s28 =	spop (v2sf);
	s14 =	smul.u32 $0x29F1868F, s2  }
0x401: {  	(v2sf) =	vpush v3, $0x9;
	[smem:$0x735] =	sst s16;
	s29 =	smulhi.u32 $0x29F1868F, s28;
	s2 =	sshra.s32 s28, $0x1F  }
0x402: {  	s30 =	spop (v2sf);
	s13 =	smul.u32 $0x29F1868F, s2  }
0x403: {  	(v2sf) =	vpush v3, $0x8;
	[smem:$0x736] =	sst s26;
	s31 =	smulhi.u32 $0x29F1868F, s30;
	s2 =	sshra.s32 s30, $0x1F  }
0x404: {  	s21 =	spop (v2sf);
	s16 =	smul.u32 $0x29F1868F, s2  }
0x405: {  	(v2sf) =	vpush v3, $0xA;
	[smem:$0x737] =	sst s29;
	s26 =	smulhi.u32 $0x29F1868F, s21  }
0x406: {  	s2 =	sshra.s32 s21, $0x1F;
	s21 =	sadd.s32 s11, s9;
	s9 =	sld [smem:$0x731]  }
0x407: {  	(v2sf) =	vpush v3, $0xB;
	[smem:$0x738] =	sst s31  }
0x408: {  	[smem:$0x739] =	sst s16  }
0x409: {  	s29 =	spop (v2sf);
	[smem:$0x73A] =	sst s26  }
0x40a: {  	(v2sf) =	vpush v3, $0x0;
	s28 =	smul.u32 $0x29F1868F, s2;
	s26 =	sadd.s32 s6, s8;
	s6 =	sld [smem:$0x730]  }
0x40b: {  	s31 =	smulhi.u32 $0x29F1868F, s29;
	s16 =	sadd.s32 s3, s10;
	s10 =	sld [smem:$0x732]  }
0x40c: {  	s20 =	sadd.s32 s20, s12;
	[smem:$0x73B] =	sst s28  }
0x40d: {  	s25 =	sadd.s32 s25, s22;
	s0 =	sshra.s32 s29, $0x1F;
	[smem:$0x73C] =	sst s31  }
0x40e: {  	s28 =	smul.u32 $0x29F1868F, s0;
	s5 =	sadd.s32 s5, s6;
	s2 =	spop (v2sf)  }
0x40f: {  	s6 =	sld [smem:$0x735];
	s29 =	smulhi.u32 $0x29F1868F, s2;
	s0 =	sshra.s32 s2, $0x1F  }
0x410: {  	s30 =	sadd.s32 s19, s1;
	s3 =	spop (v2sf);
	s19 =	smul.u32 $0x29F1868F, s0  }
0x411: {  	s2 =	sld [smem:$0x733];
	s22 =	smulhi.u32 $0x29F1868F, s3;
	s0 =	sshra.s32 s3, $0x1F  }
0x412: {  	s7 =	sadd.s32 s7, s9;
	s8 =	spop (v2sf);
	s12 =	smul.u32 $0x29F1868F, s0  }
0x413: {  	s3 =	sld [smem:$0x734];
	s11 =	smulhi.u32 $0x29F1868F, s8;
	s0 =	sshra.s32 s8, $0x1F  }
0x414: {  	s23 =	sadd.s32 s23, s10;
	s9 =	smul.u32 $0x29F1868F, s0;
	s31 =	spop (v2sf)  }
0x415: {  	(v2sf) =	vpush v3, $0x1;
	s10 =	smulhi.u32 $0x29F1868F, s31;
	s0 =	sshra.s32 s31, $0x1F;
	s31 =	sld [smem:$0x736]  }
0x416: {  	s24 =	sadd.s32 s24, s4;
	s4 =	spop (v2sf);
	s8 =	smul.u32 $0x29F1868F, s0  }
0x417: {  	(v2sf) =	vpush v3, $0x2;
	s15 =	sadd.s32 s15, s6;
	s18 =	sadd.s32 s18, s2;
	s6 =	smulhi.u32 $0x29F1868F, s4  }
0x418: {  	s0 =	sshra.s32 s4, $0x1F;
	s14 =	sadd.s32 s14, s31;
	s31 =	sld [smem:$0x737]  }
0x419: {  	s17 =	sadd.s32 s17, s3;
	s2 =	spop (v2sf);
	s4 =	smul.u32 $0x29F1868F, s0  }
0x41a: {  	s3 =	smulhi.u32 $0x29F1868F, s2;
	s0 =	sshra.s32 s2, $0x1F;
	s2 =	sld [smem:$0x738]  }
0x41b: {  	s13 =	sadd.s32 s13, s31;
	s31 =	sld [smem:$0x739];
	_ =	sdelay $0x2  }
0x41c: {  	s1 =	sadd.s32 s31, s2;
	s31 =	sld [smem:$0x73B]  }
0x41d: {  	[smem:$0x73E] =	sst s1  }
0x41e: {  	s12 =	sadd.s32 s12, s22;
	s1 =	sld [smem:$0x73A]  }
0x41f: {  	[smem:$0x741] =	sst s12;
	s9 =	sadd.s32 s9, s11  }
0x420: {  	[smem:$0x742] =	sst s9  }
0x421: {  	s29 =	sadd.s32 s19, s29;
	s1 =	sadd.s32 s31, s1;
	s31 =	sld [smem:$0x73C]  }
0x422: {  	s12 =	sshra.s32 s21, $0xE;
	s2 =	smul.u32 $0x29F1868F, s0;
	s0 =	spop (v2sf)  }
0x423: {  	s11 =	sshra.s32 s13, $0x1F;
	[smem:$0x73F] =	sst s1;
	s1 =	smulhi.u32 $0x29F1868F, s0  }
0x424: {  	s0 =	sshra.s32 s0, $0x1F;
	s28 =	sadd.s32 s28, s31;
	s31 =	spop (v2sf)  }
0x425: {  	v17 =	vmov s11;
	s11 =	sshrl.u32 s7, $0x1F;
	[smem:$0x740] =	sst s28;
	s28 =	smul.u32 $0x29F1868F, s0  }
0x426: {  	(v2sf) =	vpush v3, $0x3;
	s3 =	sadd.s32 s2, s3;
	s19 =	smulhi.u32 $0x29F1868F, s31;
	s0 =	sshra.s32 s31, $0x1F  }
0x427: {  	(v2sf) =	vpush v3, $0x4;
	s31 =	sadd.s32 s8, s10;
	s8 =	sadd.s32 s4, s6;
	s10 =	sld [smem:$0x73D]  }
0x428: {  	(v2sf) =	vpush v3, $0x5;
	s4 =	sshra.s32 s16, $0xE;
	s22 =	smul.u32 $0x29F1868F, s0;
	[smem:$0x743] =	sst s31  }
0x429: {  	[smem:$0x744] =	sst s8;
	s8 =	sshra.s32 s30, $0xE;
	s31 =	sshrl.u32 s25, $0x1F  }
0x42a: {  	(v2sf) =	vpush v3, $0x6;
	s0 =	sshra.s32 s5, $0xE;
	s6 =	sadd.s32 s28, s1;
	s28 =	sshrl.u32 s26, $0x1F  }
0x42b: {  	(v2sf) =	vpush v3, $0x7;
	s1 =	sshra.s32 s20, $0xE;
	v4 =	vsel vm1, s0, v17;
	s0 =	sshra.s32 s7, $0xE;
	s9 =	sadd.s32 s22, s19  }
0x42c: {  	s19 =	sshrl.u32 s30, $0x1F;
	s22 =	sshra.s32 s26, $0xE;
	s26 =	sshrl.u32 s21, $0x1F  }
0x42d: {  	vm11 =	vmmov vm10;
	vm10 =	vcmask $0x1714;
	s30 =	sshrl.u32 s16, $0x1F;
	s16 =	sshrl.u32 s20, $0x1F;
	s21 =	sshra.s32 s25, $0xE  }
0x42e: {  	vm13 =	vmmov vm0;
	vm0 =	vcmask $0x704;
	v21 =	vmov s8;
	s25 =	sshrl.u32 s24, $0x1F;
	s20 =	sshra.s32 s24, $0xE;
	s24 =	sshrl.u32 s5, $0x1F  }
0x42f: {  	s2 =	sshrl.u32 s10, $0x1F;
	s10 =	sshra.s32 s10, $0xE;
	s5 =	sshra.s32 s5, $0x1F;
	v22 =	vmov s1;
	v18 =	vmov s19;
	v19 =	vmov s24  }
0x430: {  	v4 =	vsel vm0, s5, v4;
	s24 =	sshra.s32 s7, $0x1F;
	s7 =	sshrl.u32 s23, $0x1F;
	s19 =	sshra.s32 s23, $0xE;
	v20 =	vmov s16;
	v8 =	vsel vm4, s10, v21  }
0x431: {  	v9 =	vsel vm4, s4, v22;
	s10 =	sshrl.u32 s6, $0x1F;
	v4 =	vsel vm4, s0, v4;
	s0 =	sshra.s32 s23, $0x1F;
	v8 =	vsel vm3, s22, v8;
	s22 =	sld [smem:$0x740]  }
0x432: {  	v5 =	vsel vm4, s2, v18;
	v6 =	vnsel vm1, $0x0, v19;
	s2 =	sshrl.u32 s18, $0x1F;
	s23 =	sshra.s32 s18, $0xE;
	v9 =	vsel vm3, s21, v9;
	s21 =	sld [smem:$0x743]  }
0x433: {  	v7 =	vsel vm4, s30, v20;
	v6 =	vsel vm4, s11, v6;
	v4 =	vsel vm11, s24, v4;
	s11 =	sshra.s32 s18, $0x1F;
	s24 =	sshrl.u32 s17, $0x1F;
	s18 =	sshra.s32 s17, $0xE  }
0x434: {  	v5 =	vsel vm3, s28, v5;
	s28 =	sshrl.u32 s15, $0x1F;
	v9 =	vsel vm5, s20, v9;
	s20 =	sld [smem:$0x744];
	v6 =	vsel vm3, s7, v6;
	s7 =	sshra.s32 s17, $0x1F  }
0x435: {  	v7 =	vsel vm3, s31, v7;
	v5 =	vsel vm5, s26, v5;
	v4 =	vsel vm3, s19, v4;
	s19 =	spop (v2sf);
	s26 =	sshrl.u32 s14, $0x1F;
	s17 =	sshra.s32 s13, $0xE  }
0x436: {  	v7 =	vsel vm5, s25, v7;
	s25 =	sld [smem:$0x73F];
	v4 =	vsel vm10, s0, v4;
	s0 =	sshra.s32 s15, $0xE;
	s16 =	spop (v2sf)  }
0x437: {  	v6 =	vsel vm5, s2, v6;
	s15 =	sshra.s32 s15, $0x1F;
	s4 =	sshrl.u32 s22, $0x1F;
	v4 =	vsel vm5, s23, v4;
	s5 =	spop (v2sf)  }
0x438: {  	v6 =	vsel vm6, s24, v6;
	s24 =	sshra.s32 s14, $0xE;
	s23 =	sld [smem:$0x73E];
	v4 =	vsel vm14, s11, v4;
	s8 =	smulhi.u32 $0x29F1868F, s5  }
0x439: {  	s2 =	spop (v2sf);
	s5 =	sshra.s32 s5, $0x1F;
	v4 =	vsel vm6, s18, v4;
	s18 =	smulhi.u32 $0x29F1868F, s19  }
0x43a: {  	v6 =	vsel vm9, s28, v6;
	s11 =	sshra.s32 s14, $0x1F;
	s5 =	smul.u32 $0x29F1868F, s5;
	s30 =	spop (v2sf)  }
0x43b: {  	vm12 =	vmmov vm11;
	v8 =	vsel vm5, s12, v8;
	s28 =	sshrl.u32 s13, $0x1F;
	v6 =	vsel vm8, s26, v6;
	s31 =	smulhi.u32 $0x29F1868F, s30;
	s13 =	sshra.s32 s30, $0x1F  }
0x43c: {  	v23 =	vcombine.low v9, v8;
	s14 =	sshrl.u32 s29, $0x1F;
	s19 =	sshra.s32 s19, $0x1F;
	v6 =	vsel vm2, s28, v6;
	v4 =	vsel vm15, s7, v4;
	s28 =	smul.u32 $0x29F1868F, s13  }
0x43d: {  	vm11 =	vcmask $0x2F2C;
	v5 =	vcombine.low v7, v5;
	s26 =	sld [smem:$0x741];
	s1 =	sshrl.u32 s23, $0x1F;
	s7 =	smul.u32 $0x29F1868F, s19;
	v4 =	vsel vm9, s0, v4  }
0x43e: {  	v7 =	vperm.xlane v23, v0;
	s19 =	sshrl.u32 s21, $0x1F;
	s0 =	sshrl.u32 s20, $0x1F;
	v4 =	vsel vm11, s15, v4;
	s13 =	sadd.s32 s28, s31  }
0x43f: {  	v5 =	vperm.xlane v5, v0;
	v6 =	vperm.xlane v6, v1;
	s5 =	sadd.s32 s5, s8;
	s30 =	sshrl.u32 s25, $0x1F;
	v4 =	vsel vm8, s24, v4;
	s28 =	sshra.s32 s13, $0x1F  }
0x440: {  	s15 =	sshrl.u32 s26, $0x1F;
	s24 =	sld [smem:$0x742];
	v4 =	vsel vm13, s11, v4;
	v24 =	vmov s30;
	s30 =	sshra.s32 s3, $0xE;
	v25 =	vmov s28  }
0x441: {  	s7 =	sadd.s32 s7, s18;
	v4 =	vsel vm2, s17, v4;
	v8 =	vsel vm4, s1, v24;
	s31 =	sshrl.u32 s3, $0x1F;
	s3 =	sshra.s32 s3, $0x1F;
	v9 =	vsel vm1, s30, v25  }
0x442: {  	s1 =	smulhi.u32 $0x29F1868F, s16;
	s16 =	sshra.s32 s16, $0x1F;
	v8 =	vsel vm3, s4, v8;
	v26 =	vmov s31;
	s31 =	sshra.s32 s6, $0xE;
	v9 =	vsel vm0, s3, v9  }
0x443: {  	s18 =	sshra.s32 s6, $0x1F;
	s12 =	sshrl.u32 s24, $0x1F;
	s16 =	smul.u32 $0x29F1868F, s16;
	v4 =	vperm.xlane v4, v1;
	v8 =	vsel vm5, s14, v8;
	v9 =	vsel vm4, s31, v9  }
0x444: {  	s11 =	sshrl.u32 s9, $0x1F;
	s17 =	sshrl.u32 s7, $0x1F;
	v27 =	vmov s12;
	v10 =	vnsel vm1, $0x0, v26;
	s30 =	sshra.s32 s9, $0xE;
	v9 =	vsel vm12, s18, v9  }
0x445: {  	s1 =	sadd.s32 s16, s1;
	v11 =	vsel vm4, s15, v27;
	s16 =	sshra.s32 s25, $0xE;
	v10 =	vsel vm4, s10, v10;
	s31 =	sshra.s32 s9, $0x1F;
	v9 =	vsel vm3, s30, v9  }
0x446: {  	s28 =	smulhi.u32 $0x29F1868F, s2;
	s2 =	sshra.s32 s2, $0x1F;
	s10 =	sshra.s32 s7, $0xE;
	v11 =	vsel vm3, s19, v11;
	v28 =	vmov s16;
	v9 =	vsel vm10, s31, v9  }
0x447: {  	s12 =	sshra.s32 s7, $0x1F;
	s2 =	smul.u32 $0x29F1868F, s2;
	s15 =	sshra.s32 s1, $0xE;
	v10 =	vsel vm3, s11, v10;
	v11 =	vsel vm5, s0, v11;
	v9 =	vsel vm5, s10, v9  }
0x448: {  	s11 =	sshrl.u32 s5, $0x1F;
	v10 =	vsel vm5, s17, v10;
	s9 =	sshrl.u32 s1, $0x1F;
	v8 =	vcombine.low v11, v8;
	s17 =	sshra.s32 s24, $0xE;
	v9 =	vsel vm14, s12, v9  }
0x449: {  	s2 =	sadd.s32 s2, s28;
	s1 =	sshra.s32 s1, $0x1F;
	v10 =	vsel vm6, s9, v10;
	s18 =	sshra.s32 s23, $0xE;
	v29 =	vmov s17;
	v9 =	vsel vm6, s15, v9  }
0x44a: {  	s19 =	sshra.s32 s26, $0xE;
	s14 =	sshrl.u32 s2, $0x1F;
	s23 =	sshra.s32 s5, $0xE;
	v10 =	vsel vm9, s11, v10;
	v11 =	vsel vm4, s18, v28;
	v9 =	vsel vm15, s1, v9  }
0x44b: {  	s25 =	sshra.s32 s21, $0xE;
	s26 =	sshra.s32 s5, $0x1F;
	s24 =	sshra.s32 s22, $0xE;
	v12 =	vsel vm4, s19, v29;
	v10 =	vsel vm8, s14, v10;
	v9 =	vsel vm9, s23, v9  }
0x44c: {  	s28 =	sshra.s32 s29, $0xE;
	s29 =	sshra.s32 s20, $0xE;
	s30 =	sshra.s32 s2, $0xE;
	v11 =	vsel vm3, s24, v11;
	v12 =	vsel vm3, s25, v12;
	v9 =	vsel vm11, s26, v9  }
0x44d: {  	s2 =	sshra.s32 s2, $0x1F;
	s31 =	sshrl.u32 s13, $0x1F;
	v11 =	vsel vm5, s28, v11;
	v12 =	vsel vm5, s29, v12;
	v9 =	vsel vm8, s30, v9  }
0x44e: {  	s3 =	sshra.s32 s13, $0xE;
	v10 =	vsel vm2, s31, v10;
	v11 =	vcombine.low v12, v11;
	v9 =	vsel vm13, s2, v9  }
0x44f: {  	v8 =	vperm.xlane v8, v0;
	v10 =	vperm.xlane v10, v1;
	v9 =	vsel vm2, s3, v9  }
0x450: {  	v11 =	vperm.xlane v11, v0;
	v9 =	vperm.xlane v9, v1  }
0x451: {  	v5 =	vsel vm7, v6, v5;
	v4 =	vsel vm7, v4, v7  }
0x452: {  	v4 =	vadd.s32 v5, v4;
	v30 =	vsel vm7, v10, v8;
	v31 =	vsel vm7, v9, v11  }
0x453: {  	v4 =	vmul.u32 $0x1869F, v4;
	v5 =	vadd.s32 v30, v31  }
0x454: {  	v5 =	vmul.u32 $0x1869F, v5  }
0x455: {  	v2 =	vsub.s32 v2, v4  }
0x456: {  	v4 =	vadd.s32 $0x1869F, v2;
	vm13 =	vlt.s32 v2, $0x0;
	v3 =	vsub.s32 v3, v5  }
0x457: {  	v2 =	vsel vm13, v4, v2;
	vm13 =	vlt.s32 v3, $0x0;
	v32 =	vadd.s32 $0x1869F, v3  }
0x458: {  	s4 =	rddreg [dreg:$0x1d];
	[tilespmem:$0x600] =	vst v2;
	v2 =	vsel vm13, v32, v3  }
0x459: {  	s6 =	rddreg [dreg:$0x1];
	s7 =	simm.s32 $0x20;
	s5 =	simm.s32 $0x7A80;
	[tilespmem:$0x610] =	vst v2  }
0x45a: {  	[tilespmem:s5], [sflag:$0x1] =	stream.indirect.gather [hbm4b:s6+s7], $0x80, s4, s7, $0xb8;
	[tilespmem:$0x10A80] =	vst v63  }
0x45b: {  	v2 =	vld [tilespmem:$0x110]  }
0x45c: {  	v3 =	vld [tilespmem:$0x10F];
	_ =	sdelay $0x4  }
0x45d: {  	v2 =	vmul.u32 $0x8DD9, v2;
	v3 =	vmul.u32 $0x6A37, v3;
	_ =	sdelay $0x1  }
0x45e: {  	v2 =	vxor.u32 v2, v3  }
0x45f: {  	(v2sf) =	vpush v2, $0xD;
	_ =	sdelay $0x1  }
0x460: {  	(v2sf) =	vpush v2, $0xC;
	_ =	sdelay $0x1  }
0x461: {  	(v2sf) =	vpush v2, $0xE;
	_ =	sdelay $0x1  }
0x462: {  	(v2sf) =	vpush v2, $0xF;
	_ =	sdelay $0x1  }
0x463: {  	(v2sf) =	vpush v2, $0x9;
	_ =	sdelay $0x1  }
0x464: {  	(v2sf) =	vpush v2, $0x8;
	_ =	sdelay $0x1  }
0x465: {  	(v2sf) =	vpush v2, $0xA;
	_ =	sdelay $0x1  }
0x466: {  	(v2sf) =	vpush v2, $0xB  }
0x467: {  	(v2sf) =	vpush v2, $0x0;
	s8 =	spop (v2sf)  }
0x468: {  	(v2sf) =	vpush v2, $0x1;
	s0 =	smulhi.u32 $0x29F1868F, s8;
	s1 =	sshra.s32 s8, $0x1F  }
0x469: {  	s9 =	spop (v2sf);
	s4 =	smul.u32 $0x29F1868F, s1  }
0x46a: {  	s1 =	smulhi.u32 $0x29F1868F, s9;
	s2 =	sshra.s32 s9, $0x1F  }
0x46b: {  	s10 =	spop (v2sf);
	s19 =	smul.u32 $0x29F1868F, s2  }
0x46c: {  	(v2sf) =	vpush v2, $0x2;
	s8 =	smulhi.u32 $0x29F1868F, s10;
	s2 =	sshra.s32 s10, $0x1F  }
0x46d: {  	s11 =	spop (v2sf);
	s6 =	smul.u32 $0x29F1868F, s2  }
0x46e: {  	(v2sf) =	vpush v2, $0x3;
	s9 =	smulhi.u32 $0x29F1868F, s11;
	s2 =	sshra.s32 s11, $0x1F  }
0x46f: {  	v33 =	vld [tilespmem:$0x11F];
	s12 =	spop (v2sf);
	s11 =	smul.u32 $0x29F1868F, s2  }
0x470: {  	v3 =	vld [tilespmem:$0x120];
	(v2sf) =	vpush v2, $0x4;
	s10 =	smulhi.u32 $0x29F1868F, s12;
	s2 =	sshra.s32 s12, $0x1F  }
0x471: {  	s13 =	spop (v2sf);
	s3 =	smul.u32 $0x29F1868F, s2  }
0x472: {  	(v2sf) =	vpush v2, $0x5;
	s12 =	smulhi.u32 $0x29F1868F, s13;
	s2 =	sshra.s32 s13, $0x1F  }
0x473: {  	s14 =	spop (v2sf);
	s20 =	smul.u32 $0x29F1868F, s2  }
0x474: {  	(v2sf) =	vpush v2, $0x6;
	s22 =	smulhi.u32 $0x29F1868F, s14;
	s2 =	sshra.s32 s14, $0x1F  }
0x475: {  	v4 =	vmul.u32 $0x6A37, v33;
	v3 =	vmul.u32 $0x8DD9, v3;
	s15 =	spop (v2sf);
	s25 =	smul.u32 $0x29F1868F, s2  }
0x476: {  	(v2sf) =	vpush v2, $0x7;
	s16 =	smulhi.u32 $0x29F1868F, s15;
	s17 =	spop (v2sf)  }
0x477: {  	v3 =	vxor.u32 v3, v4;
	s18 =	smulhi.u32 $0x29F1868F, s17;
	s21 =	spop (v2sf)  }
0x478: {  	s2 =	sshra.s32 s15, $0x1F;
	(v2sf) =	vpush v3, $0xD;
	[smem:$0x745] =	sst s16;
	s23 =	smulhi.u32 $0x29F1868F, s21  }
0x479: {  	s24 =	smul.u32 $0x29F1868F, s2;
	s2 =	sshra.s32 s17, $0x1F;
	[smem:$0x746] =	sst s18  }
0x47a: {  	(v2sf) =	vpush v3, $0xC;
	s5 =	smul.u32 $0x29F1868F, s2;
	s2 =	sshra.s32 s21, $0x1F;
	[smem:$0x747] =	sst s23  }
0x47b: {  	s0 =	sadd.s32 s4, s0;
	s7 =	smul.u32 $0x29F1868F, s2;
	s26 =	spop (v2sf)  }
0x47c: {  	[smem:$0x753] =	sst s0;
	s28 =	smulhi.u32 $0x29F1868F, s26;
	s2 =	sshra.s32 s26, $0x1F  }
0x47d: {  	s23 =	smul.u32 $0x29F1868F, s2;
	s29 =	spop (v2sf)  }
0x47e: {  	s4 =	sld [smem:$0x745];
	s30 =	smulhi.u32 $0x29F1868F, s29;
	s2 =	sshra.s32 s29, $0x1F  }
0x47f: {  	s31 =	spop (v2sf);
	s18 =	smul.u32 $0x29F1868F, s2  }
0x480: {  	[smem:$0x748] =	sst s28;
	s14 =	smulhi.u32 $0x29F1868F, s31;
	s2 =	sshra.s32 s31, $0x1F  }
0x481: {  	s17 =	smul.u32 $0x29F1868F, s2;
	s15 =	spop (v2sf)  }
0x482: {  	(v2sf) =	vpush v3, $0xE;
	[smem:$0x749] =	sst s30;
	s16 =	smulhi.u32 $0x29F1868F, s15;
	s2 =	sshra.s32 s15, $0x1F  }
0x483: {  	(v2sf) =	vpush v3, $0xF;
	s21 =	spop (v2sf);
	s15 =	smul.u32 $0x29F1868F, s2  }
0x484: {  	[smem:$0x74A] =	sst s14;
	s26 =	smulhi.u32 $0x29F1868F, s21;
	s2 =	sshra.s32 s21, $0x1F  }
0x485: {  	(v2sf) =	vpush v3, $0x9;
	s28 =	spop (v2sf);
	s14 =	smul.u32 $0x29F1868F, s2  }
0x486: {  	[smem:$0x74B] =	sst s16;
	s29 =	smulhi.u32 $0x29F1868F, s28;
	s2 =	sshra.s32 s28, $0x1F  }
0x487: {  	s30 =	spop (v2sf);
	s13 =	smul.u32 $0x29F1868F, s2  }
0x488: {  	(v2sf) =	vpush v3, $0x8;
	[smem:$0x74C] =	sst s26;
	s31 =	smulhi.u32 $0x29F1868F, s30;
	s2 =	sshra.s32 s30, $0x1F  }
0x489: {  	s21 =	spop (v2sf);
	s16 =	smul.u32 $0x29F1868F, s2  }
0x48a: {  	(v2sf) =	vpush v3, $0xA;
	[smem:$0x74D] =	sst s29;
	s26 =	smulhi.u32 $0x29F1868F, s21  }
0x48b: {  	s2 =	sshra.s32 s21, $0x1F;
	s21 =	sadd.s32 s11, s9;
	s9 =	sld [smem:$0x747]  }
0x48c: {  	(v2sf) =	vpush v3, $0xB;
	[smem:$0x74E] =	sst s31  }
0x48d: {  	[smem:$0x74F] =	sst s16  }
0x48e: {  	[smem:$0x750] =	sst s26  }
0x48f: {  	(v2sf) =	vpush v3, $0x0;
	s28 =	smul.u32 $0x29F1868F, s2;
	s26 =	sadd.s32 s6, s8;
	s6 =	sld [smem:$0x746]  }
0x490: {  	s20 =	sadd.s32 s20, s12;
	s16 =	sadd.s32 s3, s10;
	s10 =	sld [smem:$0x748]  }
0x491: {  	s25 =	sadd.s32 s25, s22;
	[smem:$0x751] =	sst s28;
	s29 =	spop (v2sf)  }
0x492: {  	s31 =	smulhi.u32 $0x29F1868F, s29;
	s0 =	sshra.s32 s29, $0x1F;
	s2 =	spop (v2sf)  }
0x493: {  	s5 =	sadd.s32 s5, s6;
	s6 =	sld [smem:$0x74B];
	s28 =	smul.u32 $0x29F1868F, s0  }
0x494: {  	s29 =	smulhi.u32 $0x29F1868F, s2;
	s0 =	sshra.s32 s2, $0x1F;
	s3 =	spop (v2sf)  }
0x495: {  	s30 =	sadd.s32 s19, s1;
	s2 =	sld [smem:$0x749];
	s19 =	smul.u32 $0x29F1868F, s0  }
0x496: {  	[smem:$0x752] =	sst s31;
	s22 =	smulhi.u32 $0x29F1868F, s3;
	s0 =	sshra.s32 s3, $0x1F  }
0x497: {  	s7 =	sadd.s32 s7, s9;
	s8 =	spop (v2sf);
	s12 =	smul.u32 $0x29F1868F, s0  }
0x498: {  	s3 =	sld [smem:$0x74A];
	s11 =	smulhi.u32 $0x29F1868F, s8;
	s0 =	sshra.s32 s8, $0x1F  }
0x499: {  	s23 =	sadd.s32 s23, s10;
	s9 =	smul.u32 $0x29F1868F, s0;
	s31 =	spop (v2sf)  }
0x49a: {  	(v2sf) =	vpush v3, $0x1;
	s10 =	smulhi.u32 $0x29F1868F, s31;
	s0 =	sshra.s32 s31, $0x1F;
	s31 =	sld [smem:$0x74C]  }
0x49b: {  	s24 =	sadd.s32 s24, s4;
	s4 =	spop (v2sf);
	s8 =	smul.u32 $0x29F1868F, s0  }
0x49c: {  	(v2sf) =	vpush v3, $0x2;
	s15 =	sadd.s32 s15, s6;
	s18 =	sadd.s32 s18, s2;
	s6 =	smulhi.u32 $0x29F1868F, s4  }
0x49d: {  	s0 =	sshra.s32 s4, $0x1F;
	s14 =	sadd.s32 s14, s31;
	s31 =	sld [smem:$0x74D]  }
0x49e: {  	s17 =	sadd.s32 s17, s3;
	s2 =	spop (v2sf);
	s4 =	smul.u32 $0x29F1868F, s0  }
0x49f: {  	s3 =	smulhi.u32 $0x29F1868F, s2;
	s0 =	sshra.s32 s2, $0x1F;
	s2 =	sld [smem:$0x74E]  }
0x4a0: {  	s13 =	sadd.s32 s13, s31;
	s31 =	sld [smem:$0x74F];
	_ =	sdelay $0x2  }
0x4a1: {  	s1 =	sadd.s32 s31, s2;
	s31 =	sld [smem:$0x751]  }
0x4a2: {  	[smem:$0x754] =	sst s1  }
0x4a3: {  	s12 =	sadd.s32 s12, s22;
	s1 =	sld [smem:$0x750]  }
0x4a4: {  	[smem:$0x757] =	sst s12;
	s9 =	sadd.s32 s9, s11  }
0x4a5: {  	[smem:$0x758] =	sst s9  }
0x4a6: {  	s29 =	sadd.s32 s19, s29;
	s1 =	sadd.s32 s31, s1;
	s31 =	sld [smem:$0x752]  }
0x4a7: {  	s12 =	sshra.s32 s21, $0xE;
	s2 =	smul.u32 $0x29F1868F, s0;
	s0 =	spop (v2sf)  }
0x4a8: {  	s11 =	sshra.s32 s13, $0x1F;
	[smem:$0x755] =	sst s1;
	s1 =	smulhi.u32 $0x29F1868F, s0  }
0x4a9: {  	s0 =	sshra.s32 s0, $0x1F;
	s28 =	sadd.s32 s28, s31;
	s31 =	spop (v2sf)  }
0x4aa: {  	v34 =	vmov s11;
	s11 =	sshrl.u32 s7, $0x1F;
	[smem:$0x756] =	sst s28;
	s28 =	smul.u32 $0x29F1868F, s0  }
0x4ab: {  	(v2sf) =	vpush v3, $0x3;
	s3 =	sadd.s32 s2, s3;
	s19 =	smulhi.u32 $0x29F1868F, s31;
	s0 =	sshra.s32 s31, $0x1F  }
0x4ac: {  	(v2sf) =	vpush v3, $0x4;
	s31 =	sadd.s32 s8, s10;
	s8 =	sadd.s32 s4, s6;
	s10 =	sld [smem:$0x753]  }
0x4ad: {  	(v2sf) =	vpush v3, $0x5;
	s4 =	sshra.s32 s16, $0xE;
	s22 =	smul.u32 $0x29F1868F, s0;
	[smem:$0x759] =	sst s31  }
0x4ae: {  	[smem:$0x75A] =	sst s8;
	s8 =	sshra.s32 s30, $0xE;
	s31 =	sshrl.u32 s25, $0x1F  }
0x4af: {  	(v2sf) =	vpush v3, $0x6;
	s0 =	sshra.s32 s5, $0xE;
	s6 =	sadd.s32 s28, s1;
	s28 =	sshrl.u32 s26, $0x1F  }
0x4b0: {  	(v2sf) =	vpush v3, $0x7;
	s1 =	sshra.s32 s20, $0xE;
	s9 =	sadd.s32 s22, s19;
	s19 =	sshrl.u32 s30, $0x1F  }
0x4b1: {  	s22 =	sshra.s32 s26, $0xE;
	s26 =	sshrl.u32 s21, $0x1F;
	s30 =	sshrl.u32 s16, $0x1F  }
0x4b2: {  	vm12 =	vmmov vm10;
	vm11 =	vmmov vm0;
	v4 =	vsel vm1, s0, v34;
	s16 =	sshrl.u32 s20, $0x1F;
	s21 =	sshra.s32 s25, $0xE;
	s25 =	sshrl.u32 s24, $0x1F  }
0x4b3: {  	v38 =	vmov s8;
	s20 =	sshra.s32 s24, $0xE;
	s24 =	sshrl.u32 s5, $0x1F;
	s5 =	sshra.s32 s5, $0x1F;
	v39 =	vmov s1;
	v35 =	vmov s19  }
0x4b4: {  	s0 =	sshra.s32 s7, $0xE;
	s2 =	sshrl.u32 s10, $0x1F;
	s10 =	sshra.s32 s10, $0xE;
	v36 =	vmov s24;
	v4 =	vsel vm0, s5, v4;
	vm0 =	vmmov vm1  }
0x4b5: {  	s24 =	sshra.s32 s7, $0x1F;
	s7 =	sshrl.u32 s23, $0x1F;
	s19 =	sshra.s32 s23, $0xE;
	v37 =	vmov s16;
	v8 =	vsel vm4, s10, v38;
	v9 =	vsel vm4, s4, v39  }
0x4b6: {  	s10 =	sshrl.u32 s6, $0x1F;
	v5 =	vsel vm4, s2, v35;
	v4 =	vsel vm4, s0, v4;
	s0 =	sshra.s32 s23, $0x1F;
	v8 =	vsel vm3, s22, v8;
	s22 =	sld [smem:$0x756]  }
0x4b7: {  	v6 =	vnsel vm1, $0x0, v36;
	s2 =	sshrl.u32 s18, $0x1F;
	s23 =	sshra.s32 s18, $0xE;
	vm1 =	vcmask $0xF0C;
	v9 =	vsel vm3, s21, v9;
	s21 =	sld [smem:$0x759]  }
0x4b8: {  	v7 =	vsel vm4, s30, v37;
	v6 =	vsel vm4, s11, v6;
	v4 =	vsel vm1, s24, v4;
	s11 =	sshra.s32 s18, $0x1F;
	s24 =	sshrl.u32 s17, $0x1F;
	s18 =	sshra.s32 s17, $0xE  }
0x4b9: {  	v5 =	vsel vm3, s28, v5;
	s28 =	sshrl.u32 s15, $0x1F;
	v9 =	vsel vm5, s20, v9;
	s20 =	sld [smem:$0x75A];
	v6 =	vsel vm3, s7, v6;
	s7 =	sshra.s32 s17, $0x1F  }
0x4ba: {  	v7 =	vsel vm3, s31, v7;
	v5 =	vsel vm5, s26, v5;
	v4 =	vsel vm3, s19, v4;
	s19 =	spop (v2sf);
	s26 =	sshrl.u32 s14, $0x1F;
	s17 =	sshra.s32 s13, $0xE  }
0x4bb: {  	v7 =	vsel vm5, s25, v7;
	s25 =	sld [smem:$0x755];
	v4 =	vsel vm12, s0, v4;
	s0 =	sshra.s32 s15, $0xE;
	s16 =	spop (v2sf)  }
0x4bc: {  	v6 =	vsel vm5, s2, v6;
	s15 =	sshra.s32 s15, $0x1F;
	s4 =	sshrl.u32 s22, $0x1F;
	v4 =	vsel vm5, s23, v4;
	s5 =	spop (v2sf)  }
0x4bd: {  	v6 =	vsel vm6, s24, v6;
	s24 =	sshra.s32 s14, $0xE;
	s23 =	sld [smem:$0x754];
	v4 =	vsel vm14, s11, v4;
	s8 =	smulhi.u32 $0x29F1868F, s5  }
0x4be: {  	s2 =	spop (v2sf);
	s5 =	sshra.s32 s5, $0x1F;
	v4 =	vsel vm6, s18, v4;
	s18 =	smulhi.u32 $0x29F1868F, s19  }
0x4bf: {  	v6 =	vsel vm9, s28, v6;
	s11 =	sshra.s32 s14, $0x1F;
	s5 =	smul.u32 $0x29F1868F, s5;
	s30 =	spop (v2sf)  }
0x4c0: {  	vm13 =	vmmov vm12;
	v8 =	vsel vm5, s12, v8;
	s28 =	sshrl.u32 s13, $0x1F;
	v6 =	vsel vm8, s26, v6;
	s31 =	smulhi.u32 $0x29F1868F, s30;
	s13 =	sshra.s32 s30, $0x1F  }
0x4c1: {  	v40 =	vcombine.low v9, v8;
	s14 =	sshrl.u32 s29, $0x1F;
	s19 =	sshra.s32 s19, $0x1F;
	v6 =	vsel vm2, s28, v6;
	v4 =	vsel vm15, s7, v4;
	s28 =	smul.u32 $0x29F1868F, s13  }
0x4c2: {  	vm12 =	vcmask $0x2F2C;
	v5 =	vcombine.low v7, v5;
	s26 =	sld [smem:$0x757];
	s1 =	sshrl.u32 s23, $0x1F;
	s7 =	smul.u32 $0x29F1868F, s19;
	v4 =	vsel vm9, s0, v4  }
0x4c3: {  	vm10 =	vcmask $0x3734;
	v7 =	vperm.xlane v40, v0;
	s19 =	sshrl.u32 s21, $0x1F;
	s0 =	sshrl.u32 s20, $0x1F;
	v4 =	vsel vm12, s15, v4;
	s13 =	sadd.s32 s28, s31  }
0x4c4: {  	v5 =	vperm.xlane v5, v0;
	v6 =	vperm.xlane v6, v1;
	s5 =	sadd.s32 s5, s8;
	s30 =	sshrl.u32 s25, $0x1F;
	v4 =	vsel vm8, s24, v4;
	s28 =	sshra.s32 s13, $0x1F  }
0x4c5: {  	s15 =	sshrl.u32 s26, $0x1F;
	s24 =	sld [smem:$0x758];
	v4 =	vsel vm10, s11, v4;
	v41 =	vmov s30;
	s30 =	sshra.s32 s3, $0xE;
	v42 =	vmov s28  }
0x4c6: {  	s7 =	sadd.s32 s7, s18;
	v4 =	vsel vm2, s17, v4;
	v8 =	vsel vm4, s1, v41;
	s31 =	sshrl.u32 s3, $0x1F;
	s3 =	sshra.s32 s3, $0x1F;
	v9 =	vsel vm0, s30, v42  }
0x4c7: {  	s1 =	smulhi.u32 $0x29F1868F, s16;
	s16 =	sshra.s32 s16, $0x1F;
	v8 =	vsel vm3, s4, v8;
	v43 =	vmov s31;
	s31 =	sshra.s32 s6, $0xE;
	v9 =	vsel vm11, s3, v9  }
0x4c8: {  	s18 =	sshra.s32 s6, $0x1F;
	s12 =	sshrl.u32 s24, $0x1F;
	s16 =	smul.u32 $0x29F1868F, s16;
	v4 =	vperm.xlane v4, v1;
	v8 =	vsel vm5, s14, v8;
	v9 =	vsel vm4, s31, v9  }
0x4c9: {  	s11 =	sshrl.u32 s9, $0x1F;
	s17 =	sshrl.u32 s7, $0x1F;
	v44 =	vmov s12;
	v10 =	vnsel vm0, $0x0, v43;
	s30 =	sshra.s32 s9, $0xE;
	v9 =	vsel vm1, s18, v9  }
0x4ca: {  	s1 =	sadd.s32 s16, s1;
	v11 =	vsel vm4, s15, v44;
	s16 =	sshra.s32 s25, $0xE;
	v10 =	vsel vm4, s10, v10;
	s31 =	sshra.s32 s9, $0x1F;
	v9 =	vsel vm3, s30, v9  }
0x4cb: {  	s28 =	smulhi.u32 $0x29F1868F, s2;
	s2 =	sshra.s32 s2, $0x1F;
	s10 =	sshra.s32 s7, $0xE;
	v11 =	vsel vm3, s19, v11;
	v45 =	vmov s16;
	v9 =	vsel vm13, s31, v9  }
0x4cc: {  	s12 =	sshra.s32 s7, $0x1F;
	s2 =	smul.u32 $0x29F1868F, s2;
	s15 =	sshra.s32 s1, $0xE;
	v10 =	vsel vm3, s11, v10;
	v11 =	vsel vm5, s0, v11;
	v9 =	vsel vm5, s10, v9  }
0x4cd: {  	s11 =	sshrl.u32 s5, $0x1F;
	v10 =	vsel vm5, s17, v10;
	s9 =	sshrl.u32 s1, $0x1F;
	v8 =	vcombine.low v11, v8;
	s17 =	sshra.s32 s24, $0xE;
	v9 =	vsel vm14, s12, v9  }
0x4ce: {  	s2 =	sadd.s32 s2, s28;
	s1 =	sshra.s32 s1, $0x1F;
	v10 =	vsel vm6, s9, v10;
	s18 =	sshra.s32 s23, $0xE;
	v46 =	vmov s17;
	v9 =	vsel vm6, s15, v9  }
0x4cf: {  	s19 =	sshra.s32 s26, $0xE;
	s14 =	sshrl.u32 s2, $0x1F;
	s23 =	sshra.s32 s5, $0xE;
	v10 =	vsel vm9, s11, v10;
	v11 =	vsel vm4, s18, v45;
	v9 =	vsel vm15, s1, v9  }
0x4d0: {  	s25 =	sshra.s32 s21, $0xE;
	s26 =	sshra.s32 s5, $0x1F;
	s24 =	sshra.s32 s22, $0xE;
	v12 =	vsel vm4, s19, v46;
	v10 =	vsel vm8, s14, v10;
	v9 =	vsel vm9, s23, v9  }
0x4d1: {  	s28 =	sshra.s32 s29, $0xE;
	s29 =	sshra.s32 s20, $0xE;
	s30 =	sshra.s32 s2, $0xE;
	v11 =	vsel vm3, s24, v11;
	v12 =	vsel vm3, s25, v12;
	v9 =	vsel vm12, s26, v9  }
0x4d2: {  	s2 =	sshra.s32 s2, $0x1F;
	s31 =	sshrl.u32 s13, $0x1F;
	v11 =	vsel vm5, s28, v11;
	v12 =	vsel vm5, s29, v12;
	v9 =	vsel vm8, s30, v9  }
0x4d3: {  	s3 =	sshra.s32 s13, $0xE;
	v10 =	vsel vm2, s31, v10;
	v11 =	vcombine.low v12, v11;
	v9 =	vsel vm10, s2, v9  }
0x4d4: {  	v8 =	vperm.xlane v8, v0;
	v10 =	vperm.xlane v10, v1;
	v9 =	vsel vm2, s3, v9  }
0x4d5: {  	v11 =	vperm.xlane v11, v0;
	v9 =	vperm.xlane v9, v1  }
0x4d6: {  	v5 =	vsel vm7, v6, v5;
	v4 =	vsel vm7, v4, v7  }
0x4d7: {  	v4 =	vadd.s32 v5, v4;
	v47 =	vsel vm7, v10, v8;
	v48 =	vsel vm7, v9, v11  }
0x4d8: {  	v4 =	vmul.u32 $0x1869F, v4;
	v5 =	vadd.s32 v47, v48  }
0x4d9: {  	v5 =	vmul.u32 $0x1869F, v5  }
0x4da: {  	v2 =	vsub.s32 v2, v4  }
0x4db: {  	v4 =	vadd.s32 $0x1869F, v2;
	vm10 =	vlt.s32 v2, $0x0;
	v3 =	vsub.s32 v3, v5  }
0x4dc: {  	v2 =	vsel vm10, v4, v2;
	vm10 =	vlt.s32 v3, $0x0;
	v49 =	vadd.s32 $0x1869F, v3  }
0x4dd: {  	s4 =	rddreg [dreg:$0x1e];
	[tilespmem:$0x680] =	vst v2;
	v2 =	vsel vm10, v49, v3  }
0x4de: {  	s6 =	rddreg [dreg:$0x1];
	s7 =	simm.s32 $0x20;
	s5 =	simm.s32 $0x8A80;
	[tilespmem:$0x690] =	vst v2  }
0x4df: {  	[tilespmem:s5], [sflag:$0x1] =	stream.indirect.gather [hbm4b:s6+s7], $0x80, s4, s7, $0xb8;
	[tilespmem:$0x10A80] =	vst v63  }
0x4e0: {  	v2 =	vld [tilespmem:$0x130]  }
0x4e1: {  	v3 =	vld [tilespmem:$0x12F];
	_ =	sdelay $0x4  }
0x4e2: {  	v2 =	vmul.u32 $0x8DD9, v2;
	v3 =	vmul.u32 $0x6A37, v3;
	_ =	sdelay $0x1  }
0x4e3: {  	v2 =	vxor.u32 v2, v3  }
0x4e4: {  	(v2sf) =	vpush v2, $0xD;
	_ =	sdelay $0x1  }
0x4e5: {  	(v2sf) =	vpush v2, $0xC;
	_ =	sdelay $0x1  }
0x4e6: {  	(v2sf) =	vpush v2, $0xE;
	_ =	sdelay $0x1  }
0x4e7: {  	(v2sf) =	vpush v2, $0xF;
	_ =	sdelay $0x1  }
0x4e8: {  	(v2sf) =	vpush v2, $0x9;
	_ =	sdelay $0x1  }
0x4e9: {  	(v2sf) =	vpush v2, $0x8;
	_ =	sdelay $0x1  }
0x4ea: {  	(v2sf) =	vpush v2, $0xA;
	_ =	sdelay $0x1  }
0x4eb: {  	(v2sf) =	vpush v2, $0xB  }
0x4ec: {  	s8 =	spop (v2sf)  }
0x4ed: {  	(v2sf) =	vpush v2, $0x0;
	s0 =	smulhi.u32 $0x29F1868F, s8;
	s1 =	sshra.s32 s8, $0x1F  }
0x4ee: {  	(v2sf) =	vpush v2, $0x1;
	s9 =	spop (v2sf);
	s4 =	smul.u32 $0x29F1868F, s1  }
0x4ef: {  	s1 =	smulhi.u32 $0x29F1868F, s9;
	s2 =	sshra.s32 s9, $0x1F  }
0x4f0: {  	(v2sf) =	vpush v2, $0x2;
	s10 =	spop (v2sf);
	s19 =	smul.u32 $0x29F1868F, s2  }
0x4f1: {  	s8 =	smulhi.u32 $0x29F1868F, s10;
	s2 =	sshra.s32 s10, $0x1F  }
0x4f2: {  	s11 =	spop (v2sf);
	s6 =	smul.u32 $0x29F1868F, s2  }
0x4f3: {  	(v2sf) =	vpush v2, $0x3;
	s9 =	smulhi.u32 $0x29F1868F, s11;
	s2 =	sshra.s32 s11, $0x1F  }
0x4f4: {  	v50 =	vld [tilespmem:$0x13F];
	s12 =	spop (v2sf);
	s11 =	smul.u32 $0x29F1868F, s2  }
0x4f5: {  	v3 =	vld [tilespmem:$0x140];
	(v2sf) =	vpush v2, $0x4;
	s10 =	smulhi.u32 $0x29F1868F, s12;
	s2 =	sshra.s32 s12, $0x1F  }
0x4f6: {  	s13 =	spop (v2sf);
	s3 =	smul.u32 $0x29F1868F, s2  }
0x4f7: {  	(v2sf) =	vpush v2, $0x5;
	s12 =	smulhi.u32 $0x29F1868F, s13;
	s2 =	sshra.s32 s13, $0x1F  }
0x4f8: {  	s14 =	spop (v2sf);
	s20 =	smul.u32 $0x29F1868F, s2  }
0x4f9: {  	(v2sf) =	vpush v2, $0x6;
	s22 =	smulhi.u32 $0x29F1868F, s14;
	s2 =	sshra.s32 s14, $0x1F  }
0x4fa: {  	v4 =	vmul.u32 $0x6A37, v50;
	v3 =	vmul.u32 $0x8DD9, v3;
	s0 =	sadd.s32 s4, s0;
	s15 =	spop (v2sf);
	s25 =	smul.u32 $0x29F1868F, s2  }
0x4fb: {  	[smem:$0x769] =	sst s0;
	(v2sf) =	vpush v2, $0x7;
	s16 =	smulhi.u32 $0x29F1868F, s15;
	s2 =	sshra.s32 s15, $0x1F  }
0x4fc: {  	v3 =	vxor.u32 v3, v4;
	s17 =	spop (v2sf);
	s24 =	smul.u32 $0x29F1868F, s2  }
0x4fd: {  	(v2sf) =	vpush v3, $0xD;
	s18 =	smulhi.u32 $0x29F1868F, s17;
	s2 =	sshra.s32 s17, $0x1F;
	s21 =	spop (v2sf)  }
0x4fe: {  	[smem:$0x75B] =	sst s16;
	s5 =	smul.u32 $0x29F1868F, s2  }
0x4ff: {  	(v2sf) =	vpush v3, $0xC;
	s23 =	smulhi.u32 $0x29F1868F, s21;
	s2 =	sshra.s32 s21, $0x1F;
	s26 =	spop (v2sf)  }
0x500: {  	[smem:$0x75C] =	sst s18;
	s7 =	smul.u32 $0x29F1868F, s2  }
0x501: {  	s28 =	smulhi.u32 $0x29F1868F, s26;
	s2 =	sshra.s32 s26, $0x1F;
	[smem:$0x75D] =	sst s23  }
0x502: {  	s23 =	smul.u32 $0x29F1868F, s2;
	s29 =	spop (v2sf)  }
0x503: {  	s4 =	sld [smem:$0x75B];
	s30 =	smulhi.u32 $0x29F1868F, s29;
	s2 =	sshra.s32 s29, $0x1F  }
0x504: {  	(v2sf) =	vpush v3, $0xE;
	s31 =	spop (v2sf);
	s18 =	smul.u32 $0x29F1868F, s2  }
0x505: {  	[smem:$0x75E] =	sst s28;
	s14 =	smulhi.u32 $0x29F1868F, s31;
	s2 =	sshra.s32 s31, $0x1F  }
0x506: {  	s15 =	spop (v2sf);
	s17 =	smul.u32 $0x29F1868F, s2  }
0x507: {  	[smem:$0x75F] =	sst s30;
	s16 =	smulhi.u32 $0x29F1868F, s15;
	s2 =	sshra.s32 s15, $0x1F  }
0x508: {  	s15 =	smul.u32 $0x29F1868F, s2;
	s21 =	spop (v2sf)  }
0x509: {  	(v2sf) =	vpush v3, $0xF;
	[smem:$0x760] =	sst s14;
	s26 =	smulhi.u32 $0x29F1868F, s21;
	s2 =	sshra.s32 s21, $0x1F  }
0x50a: {  	s28 =	spop (v2sf);
	s14 =	smul.u32 $0x29F1868F, s2  }
0x50b: {  	(v2sf) =	vpush v3, $0x9;
	[smem:$0x761] =	sst s16;
	s29 =	smulhi.u32 $0x29F1868F, s28;
	s2 =	sshra.s32 s28, $0x1F  }
0x50c: {  	s30 =	spop (v2sf);
	s13 =	smul.u32 $0x29F1868F, s2  }
0x50d: {  	(v2sf) =	vpush v3, $0x8;
	[smem:$0x762] =	sst s26;
	s31 =	smulhi.u32 $0x29F1868F, s30;
	s2 =	sshra.s32 s30, $0x1F  }
0x50e: {  	s21 =	spop (v2sf);
	s16 =	smul.u32 $0x29F1868F, s2  }
0x50f: {  	(v2sf) =	vpush v3, $0xA;
	[smem:$0x763] =	sst s29;
	s26 =	smulhi.u32 $0x29F1868F, s21  }
0x510: {  	s2 =	sshra.s32 s21, $0x1F;
	s21 =	sadd.s32 s11, s9;
	s9 =	sld [smem:$0x75D]  }
0x511: {  	(v2sf) =	vpush v3, $0xB;
	[smem:$0x764] =	sst s31  }
0x512: {  	[smem:$0x765] =	sst s16  }
0x513: {  	s29 =	spop (v2sf);
	[smem:$0x766] =	sst s26  }
0x514: {  	(v2sf) =	vpush v3, $0x0;
	s28 =	smul.u32 $0x29F1868F, s2;
	s26 =	sadd.s32 s6, s8;
	s6 =	sld [smem:$0x75C]  }
0x515: {  	s31 =	smulhi.u32 $0x29F1868F, s29;
	s16 =	sadd.s32 s3, s10;
	s10 =	sld [smem:$0x75E]  }
0x516: {  	s20 =	sadd.s32 s20, s12;
	[smem:$0x767] =	sst s28  }
0x517: {  	s25 =	sadd.s32 s25, s22;
	s0 =	sshra.s32 s29, $0x1F;
	[smem:$0x768] =	sst s31  }
0x518: {  	s28 =	smul.u32 $0x29F1868F, s0;
	s5 =	sadd.s32 s5, s6;
	s2 =	spop (v2sf)  }
0x519: {  	s6 =	sld [smem:$0x761];
	s29 =	smulhi.u32 $0x29F1868F, s2;
	s0 =	sshra.s32 s2, $0x1F  }
0x51a: {  	s30 =	sadd.s32 s19, s1;
	s3 =	spop (v2sf);
	s19 =	smul.u32 $0x29F1868F, s0  }
0x51b: {  	s2 =	sld [smem:$0x75F];
	s22 =	smulhi.u32 $0x29F1868F, s3;
	s0 =	sshra.s32 s3, $0x1F  }
0x51c: {  	s7 =	sadd.s32 s7, s9;
	s8 =	spop (v2sf);
	s12 =	smul.u32 $0x29F1868F, s0  }
0x51d: {  	s3 =	sld [smem:$0x760];
	s11 =	smulhi.u32 $0x29F1868F, s8;
	s0 =	sshra.s32 s8, $0x1F  }
0x51e: {  	s23 =	sadd.s32 s23, s10;
	s9 =	smul.u32 $0x29F1868F, s0;
	s31 =	spop (v2sf)  }
0x51f: {  	(v2sf) =	vpush v3, $0x1;
	s10 =	smulhi.u32 $0x29F1868F, s31;
	s0 =	sshra.s32 s31, $0x1F;
	s31 =	sld [smem:$0x762]  }
0x520: {  	s24 =	sadd.s32 s24, s4;
	s4 =	spop (v2sf);
	s8 =	smul.u32 $0x29F1868F, s0  }
0x521: {  	(v2sf) =	vpush v3, $0x2;
	s15 =	sadd.s32 s15, s6;
	s18 =	sadd.s32 s18, s2;
	s6 =	smulhi.u32 $0x29F1868F, s4  }
0x522: {  	s0 =	sshra.s32 s4, $0x1F;
	s14 =	sadd.s32 s14, s31;
	s31 =	sld [smem:$0x763]  }
0x523: {  	s17 =	sadd.s32 s17, s3;
	s2 =	spop (v2sf);
	s4 =	smul.u32 $0x29F1868F, s0  }
0x524: {  	s3 =	smulhi.u32 $0x29F1868F, s2;
	s0 =	sshra.s32 s2, $0x1F;
	s2 =	sld [smem:$0x764]  }
0x525: {  	s13 =	sadd.s32 s13, s31;
	s31 =	sld [smem:$0x765];
	_ =	sdelay $0x2  }
0x526: {  	s1 =	sadd.s32 s31, s2;
	s31 =	sld [smem:$0x767]  }
0x527: {  	[smem:$0x76A] =	sst s1  }
0x528: {  	s12 =	sadd.s32 s12, s22;
	s1 =	sld [smem:$0x766]  }
0x529: {  	[smem:$0x76D] =	sst s12;
	s9 =	sadd.s32 s9, s11  }
0x52a: {  	[smem:$0x76E] =	sst s9  }
0x52b: {  	s29 =	sadd.s32 s19, s29;
	s1 =	sadd.s32 s31, s1;
	s31 =	sld [smem:$0x768]  }
0x52c: {  	s12 =	sshra.s32 s21, $0xE;
	s2 =	smul.u32 $0x29F1868F, s0;
	s0 =	spop (v2sf)  }
0x52d: {  	s11 =	sshra.s32 s13, $0x1F;
	[smem:$0x76B] =	sst s1;
	s1 =	smulhi.u32 $0x29F1868F, s0  }
0x52e: {  	s0 =	sshra.s32 s0, $0x1F;
	s28 =	sadd.s32 s28, s31;
	s31 =	spop (v2sf)  }
0x52f: {  	v51 =	vmov s11;
	s11 =	sshrl.u32 s7, $0x1F;
	[smem:$0x76C] =	sst s28;
	s28 =	smul.u32 $0x29F1868F, s0  }
0x530: {  	(v2sf) =	vpush v3, $0x3;
	s3 =	sadd.s32 s2, s3;
	s19 =	smulhi.u32 $0x29F1868F, s31;
	s0 =	sshra.s32 s31, $0x1F  }
0x531: {  	s31 =	sadd.s32 s8, s10;
	s8 =	sadd.s32 s4, s6;
	s10 =	sld [smem:$0x769]  }
0x532: {  	(v2sf) =	vpush v3, $0x4;
	s4 =	sshra.s32 s16, $0xE;
	s22 =	smul.u32 $0x29F1868F, s0;
	[smem:$0x76F] =	sst s31  }
0x533: {  	(v2sf) =	vpush v3, $0x5;
	[smem:$0x770] =	sst s8;
	s8 =	sshra.s32 s30, $0xE;
	s31 =	sshrl.u32 s25, $0x1F  }
0x534: {  	(v2sf) =	vpush v3, $0x6;
	s0 =	sshra.s32 s5, $0xE;
	s6 =	sadd.s32 s28, s1;
	s28 =	sshrl.u32 s26, $0x1F  }
0x535: {  	(v2sf) =	vpush v3, $0x7;
	s1 =	sshra.s32 s20, $0xE;
	v4 =	vsel vm0, s0, v51;
	s0 =	sshra.s32 s7, $0xE;
	s9 =	sadd.s32 s22, s19  }
0x536: {  	s19 =	sshrl.u32 s30, $0x1F;
	s22 =	sshra.s32 s26, $0xE;
	s26 =	sshrl.u32 s21, $0x1F  }
0x537: {  	vm11 =	vmmov vm1;
	s30 =	sshrl.u32 s16, $0x1F;
	s16 =	sshrl.u32 s20, $0x1F;
	s21 =	sshra.s32 s25, $0xE  }
0x538: {  	vm1 =	vmmov vm0;
	vm0 =	vcmask $0x704;
	v55 =	vmov s8;
	s25 =	sshrl.u32 s24, $0x1F;
	s20 =	sshra.s32 s24, $0xE;
	s24 =	sshrl.u32 s5, $0x1F  }
0x539: {  	s2 =	sshrl.u32 s10, $0x1F;
	s10 =	sshra.s32 s10, $0xE;
	s5 =	sshra.s32 s5, $0x1F;
	v56 =	vmov s1;
	v52 =	vmov s19;
	v53 =	vmov s24  }
0x53a: {  	v4 =	vsel vm0, s5, v4;
	s24 =	sshra.s32 s7, $0x1F;
	s7 =	sshrl.u32 s23, $0x1F;
	s19 =	sshra.s32 s23, $0xE;
	v54 =	vmov s16;
	v8 =	vsel vm4, s10, v55  }
0x53b: {  	v9 =	vsel vm4, s4, v56;
	s10 =	sshrl.u32 s6, $0x1F;
	v5 =	vsel vm4, s2, v52;
	v4 =	vsel vm4, s0, v4;
	s0 =	sshra.s32 s23, $0x1F;
	s2 =	sshrl.u32 s18, $0x1F  }
0x53c: {  	v6 =	vnsel vm1, $0x0, v53;
	s23 =	sshra.s32 s18, $0xE;
	v7 =	vsel vm4, s30, v54;
	s30 =	sshrl.u32 s13, $0x1F;
	v8 =	vsel vm3, s22, v8;
	s22 =	sld [smem:$0x76C]  }
0x53d: {  	v9 =	vsel vm3, s21, v9;
	s21 =	sld [smem:$0x76F];
	v6 =	vsel vm4, s11, v6;
	v4 =	vsel vm11, s24, v4;
	s11 =	sshra.s32 s18, $0x1F;
	s24 =	sshrl.u32 s17, $0x1F  }
0x53e: {  	v5 =	vsel vm3, s28, v5;
	s18 =	sshra.s32 s17, $0xE;
	s28 =	sshrl.u32 s14, $0x1F;
	v7 =	vsel vm3, s31, v7;
	v9 =	vsel vm5, s20, v9;
	s20 =	sld [smem:$0x770]  }
0x53f: {  	v5 =	vsel vm5, s26, v5;
	v6 =	vsel vm3, s7, v6;
	v4 =	vsel vm3, s19, v4;
	s7 =	sshra.s32 s17, $0x1F;
	s17 =	sshrl.u32 s15, $0x1F;
	s19 =	spop (v2sf)  }
0x540: {  	s26 =	sshra.s32 s15, $0xE;
	s15 =	sshra.s32 s15, $0x1F;
	v7 =	vsel vm5, s25, v7;
	s25 =	sld [smem:$0x76B];
	v6 =	vsel vm5, s2, v6;
	v4 =	vsel vm13, s0, v4  }
0x541: {  	s16 =	spop (v2sf);
	s4 =	sshrl.u32 s22, $0x1F;
	v6 =	vsel vm6, s24, v6;
	v4 =	vsel vm5, s23, v4;
	s24 =	sshra.s32 s14, $0xE  }
0x542: {  	s5 =	spop (v2sf);
	s23 =	sld [smem:$0x76A];
	s0 =	sshrl.u32 s20, $0x1F;
	v4 =	vsel vm14, s11, v4  }
0x543: {  	s2 =	spop (v2sf);
	v4 =	vsel vm6, s18, v4;
	s18 =	smulhi.u32 $0x29F1868F, s19;
	s19 =	sshra.s32 s19, $0x1F  }
0x544: {  	v8 =	vsel vm5, s12, v8;
	v6 =	vsel vm9, s17, v6;
	s11 =	sshra.s32 s14, $0x1F;
	v4 =	vsel vm15, s7, v4;
	s7 =	smul.u32 $0x29F1868F, s19;
	s31 =	spop (v2sf)  }
0x545: {  	v57 =	vcombine.low v9, v8;
	s17 =	sshra.s32 s13, $0xE;
	v6 =	vsel vm8, s28, v6;
	s28 =	smulhi.u32 $0x29F1868F, s31;
	s13 =	sshra.s32 s31, $0x1F  }
0x546: {  	v5 =	vcombine.low v7, v5;
	s14 =	sshrl.u32 s29, $0x1F;
	v6 =	vsel vm2, s30, v6;
	v4 =	vsel vm9, s26, v4;
	s26 =	sld [smem:$0x76D];
	s30 =	smul.u32 $0x29F1868F, s13  }
0x547: {  	vm10 =	vmmov vm11;
	vm11 =	vmmov vm12;
	s1 =	sshrl.u32 s23, $0x1F;
	s19 =	sshrl.u32 s21, $0x1F;
	s7 =	sadd.s32 s7, s18  }
0x548: {  	v7 =	vperm.xlane v57, v0;
	v5 =	vperm.xlane v5, v0;
	v4 =	vsel vm12, s15, v4;
	s18 =	sshra.s32 s6, $0xE;
	s31 =	sshrl.u32 s25, $0x1F;
	s13 =	sadd.s32 s30, s28  }
0x549: {  	vm12 =	vcmask $0x3734;
	v4 =	vsel vm8, s24, v4;
	s24 =	sld [smem:$0x76E];
	s15 =	sshrl.u32 s26, $0x1F;
	v58 =	vmov s31;
	s30 =	sshra.s32 s13, $0x1F  }
0x54a: {  	v4 =	vsel vm12, s11, v4;
	s31 =	sshra.s32 s3, $0xE;
	v8 =	vsel vm4, s1, v58;
	s1 =	smulhi.u32 $0x29F1868F, s16;
	s16 =	sshra.s32 s16, $0x1F;
	v59 =	vmov s30  }
0x54b: {  	v6 =	vperm.xlane v6, v1;
	v4 =	vsel vm2, s17, v4;
	s17 =	smulhi.u32 $0x29F1868F, s5;
	s28 =	sshrl.u32 s3, $0x1F;
	s3 =	sshra.s32 s3, $0x1F;
	v9 =	vsel vm1, s31, v59  }
0x54c: {  	s11 =	sshrl.u32 s9, $0x1F;
	s5 =	sshra.s32 s5, $0x1F;
	s16 =	smul.u32 $0x29F1868F, s16;
	v8 =	vsel vm3, s4, v8;
	v60 =	vmov s28;
	v9 =	vsel vm0, s3, v9  }
0x54d: {  	s12 =	sshrl.u32 s24, $0x1F;
	s5 =	smul.u32 $0x29F1868F, s5;
	v8 =	vsel vm5, s14, v8;
	v10 =	vnsel vm1, $0x0, v60;
	s30 =	sshra.s32 s6, $0x1F;
	v9 =	vsel vm4, s18, v9  }
0x54e: {  	s24 =	sshra.s32 s24, $0xE;
	s28 =	sshrl.u32 s7, $0x1F;
	v61 =	vmov s12;
	v10 =	vsel vm4, s10, v10;
	s10 =	sshra.s32 s9, $0xE;
	v9 =	vsel vm10, s30, v9  }
0x54f: {  	s14 =	sshra.s32 s7, $0xE;
	s1 =	sadd.s32 s16, s1;
	v11 =	vsel vm4, s15, v61;
	v10 =	vsel vm3, s11, v10;
	s11 =	sshra.s32 s9, $0x1F;
	v9 =	vsel vm3, s10, v9  }
0x550: {  	v4 =	vperm.xlane v4, v1;
	s5 =	sadd.s32 s5, s17;
	s16 =	sshra.s32 s7, $0x1F;
	s31 =	smulhi.u32 $0x29F1868F, s2;
	v11 =	vsel vm3, s19, v11;
	v9 =	vsel vm13, s11, v9  }
0x551: {  	v63 =	vmov s24;
	s2 =	sshra.s32 s2, $0x1F;
	s12 =	sshrl.u32 s1, $0x1F;
	s19 =	sshra.s32 s25, $0xE;
	v11 =	vsel vm5, s0, v11;
	v9 =	vsel vm5, s14, v9  }
0x552: {  	s25 =	sshra.s32 s23, $0xE;
	s2 =	smul.u32 $0x29F1868F, s2;
	v62 =	vmov s19;
	v10 =	vsel vm5, s28, v10;
	s18 =	sshra.s32 s1, $0xE;
	v9 =	vsel vm14, s16, v9  }
0x553: {  	s15 =	sshrl.u32 s5, $0x1F;
	v8 =	vcombine.low v11, v8;
	s1 =	sshra.s32 s1, $0x1F;
	s28 =	sshra.s32 s26, $0xE;
	v11 =	vsel vm4, s25, v62;
	v9 =	vsel vm6, s18, v9  }
0x554: {  	v10 =	vsel vm6, s12, v10;
	s2 =	sadd.s32 s2, s31;
	s30 =	sshra.s32 s5, $0xE;
	s31 =	sshra.s32 s22, $0xE;
	v12 =	vsel vm4, s28, v63;
	v9 =	vsel vm15, s1, v9  }
0x555: {  	s4 =	sshra.s32 s21, $0xE;
	s5 =	sshra.s32 s5, $0x1F;
	v10 =	vsel vm9, s15, v10;
	s17 =	sshrl.u32 s2, $0x1F;
	v11 =	vsel vm3, s31, v11;
	v9 =	vsel vm9, s30, v9  }
0x556: {  	s6 =	sshra.s32 s29, $0xE;
	s7 =	sshra.s32 s20, $0xE;
	v12 =	vsel vm3, s4, v12;
	s8 =	sshra.s32 s2, $0xE;
	v10 =	vsel vm8, s17, v10;
	v9 =	vsel vm11, s5, v9  }
0x557: {  	s9 =	sshrl.u32 s13, $0x1F;
	s10 =	sshra.s32 s2, $0x1F;
	v11 =	vsel vm5, s6, v11;
	v12 =	vsel vm5, s7, v12;
	v9 =	vsel vm8, s8, v9  }
0x558: {  	s11 =	sshra.s32 s13, $0xE;
	v10 =	vsel vm2, s9, v10;
	v11 =	vcombine.low v12, v11;
	v9 =	vsel vm12, s10, v9  }
0x559: {  	v8 =	vperm.xlane v8, v0;
	v10 =	vperm.xlane v10, v1;
	v9 =	vsel vm2, s11, v9  }
0x55a: {  	v11 =	vperm.xlane v11, v0;
	v9 =	vperm.xlane v9, v1  }
0x55b: {  	v5 =	vsel vm7, v6, v5;
	v4 =	vsel vm7, v4, v7  }
0x55c: {  	v4 =	vadd.s32 v5, v4;
	v10 =	vsel vm7, v10, v8;
	v11 =	vsel vm7, v9, v11  }
0x55d: {  	v4 =	vmul.u32 $0x1869F, v4;
	v5 =	vadd.s32 v10, v11  }
0x55e: {  	v5 =	vmul.u32 $0x1869F, v5  }
0x55f: {  	v2 =	vsub.s32 v2, v4  }
0x560: {  	v4 =	vadd.s32 $0x1869F, v2;
	vm12 =	vlt.s32 v2, $0x0;
	v3 =	vsub.s32 v3, v5  }
0x561: {  	v2 =	vsel vm12, v4, v2;
	vm12 =	vlt.s32 v3, $0x0;
	v12 =	vadd.s32 $0x1869F, v3  }
0x562: {  	s12 =	rddreg [dreg:$0x1f];
	[tilespmem:$0x700] =	vst v2;
	v2 =	vsel vm12, v12, v3  }
0x563: {  	s15 =	simm.s32 $0x20;
	s13 =	simm.s32 $0x9A80;
	s14 =	rddreg [dreg:$0x1];
	[tilespmem:$0x710] =	vst v2  }
0x564: {  	[tilespmem:s13], [sflag:$0x1] =	stream.indirect.gather [hbm4b:s14+s15], $0x80, s12, s15, $0xb8;
	[tilespmem:$0x10A80] =	vst v63  }
0x565: {  	v2 =	vld [tilespmem:$0x150]  }
0x566: {  	v3 =	vld [tilespmem:$0x14F];
	_ =	sdelay $0x4  }
0x567: {  	v2 =	vmul.u32 $0x8DD9, v2;
	v3 =	vmul.u32 $0x6A37, v3;
	_ =	sdelay $0x1  }
0x568: {  	v2 =	vxor.u32 v2, v3  }
0x569: {  	(v2sf) =	vpush v2, $0xD;
	_ =	sdelay $0x1  }
0x56a: {  	(v2sf) =	vpush v2, $0xC;
	_ =	sdelay $0x1  }
0x56b: {  	(v2sf) =	vpush v2, $0xE;
	_ =	sdelay $0x1  }
0x56c: {  	(v2sf) =	vpush v2, $0xF;
	_ =	sdelay $0x1  }
0x56d: {  	(v2sf) =	vpush v2, $0x9;
	_ =	sdelay $0x1  }
0x56e: {  	(v2sf) =	vpush v2, $0x8;
	_ =	sdelay $0x1  }
0x56f: {  	(v2sf) =	vpush v2, $0xA;
	_ =	sdelay $0x1  }
0x570: {  	(v2sf) =	vpush v2, $0xB  }
0x571: {  	(v2sf) =	vpush v2, $0x0;
	s16 =	spop (v2sf)  }
0x572: {  	(v2sf) =	vpush v2, $0x1;
	s0 =	smulhi.u32 $0x29F1868F, s16;
	s1 =	sshra.s32 s16, $0x1F  }
0x573: {  	(v2sf) =	vpush v2, $0x2;
	s17 =	spop (v2sf);
	s4 =	smul.u32 $0x29F1868F, s1  }
0x574: {  	s1 =	smulhi.u32 $0x29F1868F, s17;
	s2 =	sshra.s32 s17, $0x1F  }
0x575: {  	(v2sf) =	vpush v2, $0x3;
	s18 =	spop (v2sf);
	s10 =	smul.u32 $0x29F1868F, s2  }
0x576: {  	s9 =	smulhi.u32 $0x29F1868F, s18;
	s30 =	sshra.s32 s18, $0x1F  }
0x577: {  	s19 =	spop (v2sf);
	s6 =	smul.u32 $0x29F1868F, s30  }
0x578: {  	(v2sf) =	vpush v2, $0x4;
	s11 =	smulhi.u32 $0x29F1868F, s19;
	s7 =	sshra.s32 s19, $0x1F  }
0x579: {  	v13 =	vld [tilespmem:$0x15F];
	s20 =	spop (v2sf);
	s2 =	smul.u32 $0x29F1868F, s7  }
0x57a: {  	v3 =	vld [tilespmem:$0x160];
	s25 =	smulhi.u32 $0x29F1868F, s20;
	s8 =	sshra.s32 s20, $0x1F  }
0x57b: {  	s23 =	spop (v2sf);
	s5 =	smul.u32 $0x29F1868F, s8  }
0x57c: {  	(v2sf) =	vpush v2, $0x5;
	s30 =	smulhi.u32 $0x29F1868F, s23;
	s12 =	sshra.s32 s23, $0x1F  }
0x57d: {  	s0 =	sadd.s32 s4, s0;
	s24 =	spop (v2sf);
	s12 =	smul.u32 $0x29F1868F, s12  }
0x57e: {  	(v2sf) =	vpush v2, $0x6;
	[smem:$0x780] =	sst s0;
	s8 =	smulhi.u32 $0x29F1868F, s24;
	s13 =	sshra.s32 s24, $0x1F  }
0x57f: {  	v4 =	vmul.u32 $0x6A37, v13;
	v3 =	vmul.u32 $0x8DD9, v3;
	s26 =	spop (v2sf);
	s24 =	smul.u32 $0x29F1868F, s13  }
0x580: {  	(v2sf) =	vpush v2, $0x7;
	s28 =	spop (v2sf);
	s14 =	smulhi.u32 $0x29F1868F, s26;
	s15 =	sshra.s32 s26, $0x1F  }
0x581: {  	v3 =	vxor.u32 v3, v4;
	s29 =	spop (v2sf);
	s3 =	smul.u32 $0x29F1868F, s15  }
0x582: {  	(v2sf) =	vpush v3, $0xD;
	s17 =	smulhi.u32 $0x29F1868F, s28;
	s16 =	sshra.s32 s28, $0x1F;
	s31 =	spop (v2sf)  }
0x583: {  	[smem:$0x771] =	sst s14;
	s23 =	smul.u32 $0x29F1868F, s16  }
0x584: {  	(v2sf) =	vpush v3, $0xC;
	s18 =	smulhi.u32 $0x29F1868F, s29;
	s26 =	sshra.s32 s29, $0x1F;
	s21 =	spop (v2sf)  }
0x585: {  	[smem:$0x772] =	sst s17;
	s7 =	smul.u32 $0x29F1868F, s26  }
0x586: {  	(v2sf) =	vpush v3, $0xE;
	s28 =	smulhi.u32 $0x29F1868F, s31;
	s29 =	sshra.s32 s31, $0x1F;
	s4 =	sld [smem:$0x771]  }
0x587: {  	s22 =	spop (v2sf);
	s31 =	smul.u32 $0x29F1868F, s29  }
0x588: {  	[smem:$0x773] =	sst s18;
	s14 =	smulhi.u32 $0x29F1868F, s21;
	s15 =	sshra.s32 s21, $0x1F  }
0x589: {  	(v2sf) =	vpush v3, $0xF;
	[smem:$0x774] =	sst s28;
	s18 =	smul.u32 $0x29F1868F, s15  }
0x58a: {  	s16 =	smulhi.u32 $0x29F1868F, s22;
	s17 =	sshra.s32 s22, $0x1F;
	[smem:$0x775] =	sst s31  }
0x58b: {  	s17 =	smul.u32 $0x29F1868F, s17;
	s19 =	spop (v2sf)  }
0x58c: {  	[smem:$0x777] =	sst s16;
	s20 =	smulhi.u32 $0x29F1868F, s19;
	s16 =	sshra.s32 s19, $0x1F  }
0x58d: {  	s21 =	spop (v2sf);
	s15 =	smul.u32 $0x29F1868F, s16  }
0x58e: {  	(v2sf) =	vpush v3, $0x9;
	[smem:$0x776] =	sst s14;
	s22 =	smulhi.u32 $0x29F1868F, s21;
	s16 =	sshra.s32 s21, $0x1F  }
0x58f: {  	s26 =	spop (v2sf);
	s14 =	smul.u32 $0x29F1868F, s16  }
0x590: {  	(v2sf) =	vpush v3, $0x8;
	[smem:$0x778] =	sst s20;
	s28 =	smulhi.u32 $0x29F1868F, s26;
	s16 =	sshra.s32 s26, $0x1F  }
0x591: {  	s29 =	spop (v2sf);
	s13 =	smul.u32 $0x29F1868F, s16  }
0x592: {  	(v2sf) =	vpush v3, $0xA;
	[smem:$0x779] =	sst s22;
	s31 =	smulhi.u32 $0x29F1868F, s29;
	s16 =	sshra.s32 s29, $0x1F  }
0x593: {  	s19 =	spop (v2sf);
	s29 =	sadd.s32 s10, s1;
	s10 =	sld [smem:$0x774]  }
0x594: {  	(v2sf) =	vpush v3, $0xB;
	[smem:$0x77A] =	sst s28;
	s16 =	smul.u32 $0x29F1868F, s16  }
0x595: {  	s21 =	smulhi.u32 $0x29F1868F, s19;
	s20 =	sshra.s32 s19, $0x1F;
	s28 =	spop (v2sf)  }
0x596: {  	[smem:$0x77B] =	sst s31;
	s22 =	smul.u32 $0x29F1868F, s20  }
0x597: {  	(v2sf) =	vpush v3, $0x0;
	s31 =	smulhi.u32 $0x29F1868F, s28;
	[smem:$0x77C] =	sst s16  }
0x598: {  	s20 =	sshra.s32 s28, $0x1F;
	s0 =	spop (v2sf);
	[smem:$0x77D] =	sst s21  }
0x599: {  	s16 =	sadd.s32 s5, s25;
	s28 =	smul.u32 $0x29F1868F, s20;
	s5 =	sld [smem:$0x772]  }
0x59a: {  	s20 =	sadd.s32 s12, s30;
	s21 =	sadd.s32 s24, s8;
	s8 =	sld [smem:$0x773]  }
0x59b: {  	s30 =	smulhi.u32 $0x29F1868F, s0;
	s24 =	sadd.s32 s3, s4;
	s3 =	sld [smem:$0x777]  }
0x59c: {  	s1 =	sshra.s32 s0, $0x1F;
	[smem:$0x77E] =	sst s22;
	s22 =	sadd.s32 s2, s11  }
0x59d: {  	s2 =	spop (v2sf);
	s4 =	sadd.s32 s23, s5;
	s23 =	sld [smem:$0x775]  }
0x59e: {  	[smem:$0x77F] =	sst s31;
	s25 =	smulhi.u32 $0x29F1868F, s2;
	s0 =	sshra.s32 s2, $0x1F  }
0x59f: {  	s26 =	sadd.s32 s6, s9;
	s12 =	smul.u32 $0x29F1868F, s0;
	s6 =	spop (v2sf)  }
0x5a0: {  	s2 =	sld [smem:$0x776];
	s23 =	sadd.s32 s23, s10;
	s11 =	smulhi.u32 $0x29F1868F, s6  }
0x5a1: {  	s9 =	sshra.s32 s6, $0x1F;
	s31 =	spop (v2sf);
	s6 =	sld [smem:$0x778]  }
0x5a2: {  	(v2sf) =	vpush v3, $0x1;
	s10 =	smulhi.u32 $0x29F1868F, s31;
	s0 =	sshra.s32 s31, $0x1F;
	s31 =	sld [smem:$0x779]  }
0x5a3: {  	s7 =	sadd.s32 s7, s8;
	s17 =	sadd.s32 s17, s3;
	s5 =	spop (v2sf)  }
0x5a4: {  	s8 =	smul.u32 $0x29F1868F, s0;
	s0 =	sshra.s32 s5, $0x1F;
	s15 =	sadd.s32 s15, s6  }
0x5a5: {  	s6 =	smulhi.u32 $0x29F1868F, s5;
	s14 =	sadd.s32 s14, s31;
	s31 =	sld [smem:$0x77A]  }
0x5a6: {  	s18 =	sadd.s32 s18, s2;
	s2 =	spop (v2sf);
	s5 =	smul.u32 $0x29F1868F, s0  }
0x5a7: {  	(v2sf) =	vpush v3, $0x2;
	s3 =	smulhi.u32 $0x29F1868F, s2;
	s0 =	sshra.s32 s2, $0x1F;
	s2 =	sld [smem:$0x77B]  }
0x5a8: {  	s13 =	sadd.s32 s13, s31;
	s31 =	sld [smem:$0x77C];
	_ =	sdelay $0x2  }
0x5a9: {  	s19 =	smul.u32 $0x29F1868F, s1;
	s1 =	sadd.s32 s31, s2;
	s31 =	sld [smem:$0x77E]  }
0x5aa: {  	s9 =	smul.u32 $0x29F1868F, s9;
	[smem:$0x781] =	sst s1  }
0x5ab: {  	s12 =	sadd.s32 s12, s25;
	s1 =	sld [smem:$0x77D]  }
0x5ac: {  	[smem:$0x784] =	sst s12;
	s9 =	sadd.s32 s9, s11  }
0x5ad: {  	[smem:$0x785] =	sst s9  }
0x5ae: {  	s12 =	sshra.s32 s16, $0xE;
	s1 =	sadd.s32 s31, s1;
	s31 =	sld [smem:$0x77F]  }
0x5af: {  	s11 =	sshra.s32 s13, $0x1F;
	s2 =	smul.u32 $0x29F1868F, s0;
	s0 =	spop (v2sf)  }
0x5b0: {  	v14 =	vmov s11;
	s11 =	sshrl.u32 s7, $0x1F;
	[smem:$0x782] =	sst s1;
	s1 =	smulhi.u32 $0x29F1868F, s0  }
0x5b1: {  	s0 =	sshra.s32 s0, $0x1F;
	s28 =	sadd.s32 s28, s31;
	s31 =	sadd.s32 s19, s30  }
0x5b2: {  	s30 =	sadd.s32 s8, s10;
	s8 =	sadd.s32 s5, s6;
	s10 =	sld [smem:$0x780]  }
0x5b3: {  	(v2sf) =	vpush v3, $0x3;
	s5 =	sadd.s32 s2, s3;
	[smem:$0x783] =	sst s28;
	s28 =	smul.u32 $0x29F1868F, s0  }
0x5b4: {  	s3 =	sshrl.u32 s29, $0x1F;
	s0 =	spop (v2sf);
	[smem:$0x786] =	sst s30  }
0x5b5: {  	(v2sf) =	vpush v3, $0x4;
	[smem:$0x787] =	sst s8;
	s8 =	sshra.s32 s29, $0xE;
	s30 =	sshra.s32 s22, $0xE  }
0x5b6: {  	(v2sf) =	vpush v3, $0x5;
	s29 =	sshrl.u32 s21, $0x1F;
	s19 =	smulhi.u32 $0x29F1868F, s0;
	s0 =	sshra.s32 s0, $0x1F  }
0x5b7: {  	s21 =	sshra.s32 s21, $0xE;
	(v2sf) =	vpush v3, $0x6;
	s25 =	smul.u32 $0x29F1868F, s0;
	s6 =	sadd.s32 s28, s1  }
0x5b8: {  	(v2sf) =	vpush v3, $0x7;
	s2 =	sshrl.u32 s10, $0x1F;
	s10 =	sshra.s32 s10, $0xE;
	s0 =	sshra.s32 s4, $0xE  }
0x5b9: {  	v15 =	vmov s3;
	s28 =	sshrl.u32 s26, $0x1F;
	s1 =	sshra.s32 s20, $0xE;
	v4 =	vsel vm1, s0, v14;
	s0 =	sshra.s32 s7, $0xE  }
0x5ba: {  	v5 =	vsel vm4, s2, v15;
	s2 =	sshrl.u32 s18, $0x1F;
	s9 =	sadd.s32 s25, s19;
	s19 =	sshra.s32 s26, $0xE  }
0x5bb: {  	vm13 =	vmmov vm11;
	vm11 =	vcmask $0x1714;
	s26 =	sshrl.u32 s22, $0x1F;
	s22 =	sshrl.u32 s16, $0x1F;
	s16 =	sshrl.u32 s20, $0x1F  }
0x5bc: {  	vm12 =	vcmask $0xF0C;
	v18 =	vmov s8;
	v19 =	vmov s1;
	s20 =	sshrl.u32 s24, $0x1F;
	s24 =	sshra.s32 s24, $0xE;
	s25 =	sshrl.u32 s4, $0x1F  }
0x5bd: {  	v8 =	vsel vm4, s10, v18;
	s4 =	sshra.s32 s4, $0x1F;
	v5 =	vsel vm3, s28, v5;
	s28 =	sshrl.u32 s14, $0x1F;
	v9 =	vsel vm4, s12, v19;
	s12 =	sshrl.u32 s31, $0x1F  }
0x5be: {  	v16 =	vmov s25;
	v4 =	vsel vm0, s4, v4;
	s25 =	sshra.s32 s7, $0x1F;
	s4 =	sshrl.u32 s23, $0x1F;
	s7 =	sshra.s32 s23, $0xE;
	v5 =	vsel vm5, s26, v5  }
0x5bf: {  	s26 =	sshrl.u32 s15, $0x1F;
	v17 =	vmov s16;
	v8 =	vsel vm3, s19, v8;
	v9 =	vsel vm3, s21, v9;
	s21 =	sld [smem:$0x787];
	s10 =	sshrl.u32 s9, $0x1F  }
0x5c0: {  	v4 =	vsel vm4, s0, v4;
	v6 =	vnsel vm1, $0x0, v16;
	s0 =	sshra.s32 s23, $0x1F;
	s23 =	sshra.s32 s18, $0xE;
	v7 =	vsel vm4, s22, v17;
	s22 =	sld [smem:$0x781]  }
0x5c1: {  	v8 =	vsel vm5, s30, v8;
	s30 =	sshra.s32 s5, $0xE;
	v6 =	vsel vm4, s11, v6;
	v4 =	vsel vm12, s25, v4;
	s11 =	sshra.s32 s18, $0x1F;
	s25 =	sshrl.u32 s17, $0x1F  }
0x5c2: {  	s18 =	sshra.s32 s17, $0xE;
	v7 =	vsel vm3, s29, v7;
	v6 =	vsel vm3, s4, v6;
	v4 =	vsel vm3, s7, v4;
	s4 =	sshra.s32 s17, $0x1F;
	s17 =	spop (v2sf)  }
0x5c3: {  	s7 =	sshra.s32 s14, $0x1F;
	v7 =	vsel vm5, s20, v7;
	s20 =	sld [smem:$0x783];
	v6 =	vsel vm5, s2, v6;
	v4 =	vsel vm11, s0, v4;
	s0 =	sshra.s32 s15, $0xE  }
0x5c4: {  	s15 =	sshra.s32 s15, $0x1F;
	s16 =	spop (v2sf);
	s1 =	sshrl.u32 s22, $0x1F;
	v6 =	vsel vm6, s25, v6;
	v4 =	vsel vm5, s23, v4  }
0x5c5: {  	s23 =	sshra.s32 s14, $0xE;
	s25 =	sshrl.u32 s13, $0x1F;
	v6 =	vsel vm9, s26, v6;
	v4 =	vsel vm14, s11, v4;
	s3 =	spop (v2sf)  }
0x5c6: {  	v6 =	vsel vm8, s28, v6;
	v4 =	vsel vm6, s18, v4;
	s18 =	smulhi.u32 $0x29F1868F, s17;
	s28 =	sshra.s32 s17, $0x1F;
	s2 =	spop (v2sf)  }
0x5c7: {  	s14 =	sshra.s32 s13, $0xE;
	v4 =	vsel vm15, s4, v4;
	s4 =	smul.u32 $0x29F1868F, s28;
	s26 =	spop (v2sf)  }
0x5c8: {  	s28 =	sld [smem:$0x785];
	s8 =	smulhi.u32 $0x29F1868F, s26;
	s29 =	sshra.s32 s26, $0x1F  }
0x5c9: {  	v9 =	vsel vm5, s24, v9;
	s11 =	sshrl.u32 s20, $0x1F;
	v6 =	vsel vm2, s25, v6;
	s25 =	sld [smem:$0x782];
	v4 =	vsel vm9, s0, v4;
	s13 =	smul.u32 $0x29F1868F, s29  }
0x5ca: {  	v20 =	vcombine.low v9, v8;
	v5 =	vcombine.low v7, v5;
	s0 =	sshrl.u32 s21, $0x1F;
	v4 =	vsel vm13, s15, v4;
	s4 =	sadd.s32 s4, s18;
	s18 =	sshra.s32 s6, $0xE  }
0x5cb: {  	vm10 =	vmmov vm15;
	vm15 =	vcmask $0x3734;
	v4 =	vsel vm8, s23, v4;
	s17 =	sshrl.u32 s28, $0x1F;
	s23 =	sld [smem:$0x786];
	s13 =	sadd.s32 s13, s8  }
0x5cc: {  	v7 =	vperm.xlane v20, v0;
	v5 =	vperm.xlane v5, v0;
	v4 =	vsel vm15, s7, v4;
	s26 =	sld [smem:$0x784];
	s29 =	sshrl.u32 s25, $0x1F;
	s24 =	sshra.s32 s13, $0x1F  }
0x5cd: {  	s7 =	sshrl.u32 s5, $0x1F;
	s5 =	sshra.s32 s5, $0x1F;
	v24 =	vmov s17;
	s17 =	sshra.s32 s28, $0xE;
	v21 =	vmov s29;
	v22 =	vmov s24  }
0x5ce: {  	v6 =	vperm.xlane v6, v1;
	s19 =	sshrl.u32 s23, $0x1F;
	s29 =	sshra.s32 s16, $0x1F;
	v8 =	vsel vm4, s1, v21;
	s1 =	smulhi.u32 $0x29F1868F, s16;
	v9 =	vsel vm1, s30, v22  }
0x5cf: {  	v4 =	vsel vm2, s14, v4;
	v23 =	vmov s7;
	s15 =	sshrl.u32 s26, $0x1F;
	s8 =	sshrl.u32 s6, $0x1F;
	s14 =	smul.u32 $0x29F1868F, s29;
	v9 =	vsel vm0, s5, v9  }
0x5d0: {  	v10 =	vnsel vm1, $0x0, v23;
	s16 =	smulhi.u32 $0x29F1868F, s3;
	s3 =	sshra.s32 s3, $0x1F;
	s29 =	sshra.s32 s6, $0x1F;
	v8 =	vsel vm3, s11, v8;
	v9 =	vsel vm4, s18, v9  }
0x5d1: {  	s3 =	smul.u32 $0x29F1868F, s3;
	v10 =	vsel vm4, s8, v10;
	s8 =	sshra.s32 s9, $0xE;
	v11 =	vsel vm4, s15, v24;
	s24 =	sshrl.u32 s4, $0x1F;
	v9 =	vsel vm12, s29, v9  }
0x5d2: {  	v8 =	vsel vm5, s12, v8;
	v10 =	vsel vm3, s10, v10;
	s1 =	sadd.s32 s14, s1;
	s10 =	sshra.s32 s9, $0x1F;
	s12 =	sshra.s32 s4, $0xE;
	v9 =	vsel vm3, s8, v9  }
0x5d3: {  	v26 =	vmov s17;
	v11 =	vsel vm3, s19, v11;
	s4 =	sshra.s32 s4, $0x1F;
	s19 =	sshra.s32 s26, $0xE;
	s30 =	smulhi.u32 $0x29F1868F, s2;
	v9 =	vsel vm11, s10, v9  }
0x5d4: {  	v4 =	vperm.xlane v4, v1;
	s2 =	sshra.s32 s2, $0x1F;
	v10 =	vsel vm5, s24, v10;
	s11 =	sshrl.u32 s1, $0x1F;
	s3 =	sadd.s32 s3, s16;
	v9 =	vsel vm5, s12, v9  }
0x5d5: {  	v11 =	vsel vm5, s0, v11;
	s15 =	sshra.s32 s1, $0xE;
	s16 =	sshra.s32 s25, $0xE;
	s1 =	sshra.s32 s1, $0x1F;
	v12 =	vsel vm4, s19, v26;
	v9 =	vsel vm14, s4, v9  }
0x5d6: {  	s24 =	sshra.s32 s20, $0xE;
	s25 =	sshra.s32 s23, $0xE;
	s2 =	smul.u32 $0x29F1868F, s2;
	v10 =	vsel vm6, s11, v10;
	v8 =	vcombine.low v11, v8;
	v9 =	vsel vm6, s15, v9  }
0x5d7: {  	s7 =	sshrl.u32 s3, $0x1F;
	v25 =	vmov s16;
	v12 =	vsel vm3, s25, v12;
	s18 =	sshra.s32 s22, $0xE;
	s22 =	sshra.s32 s3, $0xE;
	v9 =	vsel vm10, s1, v9  }
0x5d8: {  	s26 =	sshra.s32 s3, $0x1F;
	v10 =	vsel vm9, s7, v10;
	s2 =	sadd.s32 s2, s30;
	v11 =	vsel vm4, s18, v25;
	s29 =	sshra.s32 s21, $0xE;
	v9 =	vsel vm9, s22, v9  }
0x5d9: {  	s28 =	sshra.s32 s31, $0xE;
	s14 =	sshrl.u32 s2, $0x1F;
	v11 =	vsel vm3, s24, v11;
	s30 =	sshra.s32 s2, $0xE;
	v12 =	vsel vm5, s29, v12;
	v9 =	vsel vm13, s26, v9  }
0x5da: {  	s31 =	sshrl.u32 s13, $0x1F;
	s2 =	sshra.s32 s2, $0x1F;
	v10 =	vsel vm8, s14, v10;
	v11 =	vsel vm5, s28, v11;
	v9 =	vsel vm8, s30, v9  }
0x5db: {  	s3 =	sshra.s32 s13, $0xE;
	v10 =	vsel vm2, s31, v10;
	v11 =	vcombine.low v12, v11;
	v9 =	vsel vm15, s2, v9  }
0x5dc: {  	v8 =	vperm.xlane v8, v0;
	v10 =	vperm.xlane v10, v1;
	v9 =	vsel vm2, s3, v9  }
0x5dd: {  	v11 =	vperm.xlane v11, v0;
	v9 =	vperm.xlane v9, v1  }
0x5de: {  	v5 =	vsel vm7, v6, v5;
	v4 =	vsel vm7, v4, v7  }
0x5df: {  	v4 =	vadd.s32 v5, v4;
	v27 =	vsel vm7, v10, v8;
	v28 =	vsel vm7, v9, v11  }
0x5e0: {  	v4 =	vmul.u32 $0x1869F, v4;
	v5 =	vadd.s32 v27, v28  }
0x5e1: {  	v5 =	vmul.u32 $0x1869F, v5  }
0x5e2: {  	v2 =	vsub.s32 v2, v4  }
0x5e3: {  	v4 =	vadd.s32 $0x1869F, v2;
	vm15 =	vlt.s32 v2, $0x0;
	v3 =	vsub.s32 v3, v5  }
0x5e4: {  	s4 =	sld [smem:$0x7F8];
	v2 =	vsel vm15, v4, v2;
	vm13 =	vlt.s32 v3, $0x0;
	v29 =	vadd.s32 $0x1869F, v3  }
0x5e5: {  	[tilespmem:$0x780] =	vst v2;
	v2 =	vsel vm13, v29, v3  }
0x5e6: {  	s6 =	rddreg [dreg:$0x1];
	s5 =	simm.s32 $0xAA80;
	s7 =	simm.s32 $0x20;
	[tilespmem:$0x790] =	vst v2  }
0x5e7: {  	[tilespmem:s5], [sflag:$0x1] =	stream.indirect.gather [hbm4b:s6+s7], $0x80, s4, s7, $0xb8;
	[tilespmem:$0x10A80] =	vst v63  }
0x5e8: {  	v2 =	vld [tilespmem:$0x170]  }
0x5e9: {  	v3 =	vld [tilespmem:$0x16F];
	_ =	sdelay $0x4  }
0x5ea: {  	v2 =	vmul.u32 $0x8DD9, v2;
	v3 =	vmul.u32 $0x6A37, v3;
	_ =	sdelay $0x1  }
0x5eb: {  	v2 =	vxor.u32 v2, v3  }
0x5ec: {  	(v2sf) =	vpush v2, $0xD;
	_ =	sdelay $0x1  }
0x5ed: {  	(v2sf) =	vpush v2, $0xC;
	_ =	sdelay $0x1  }
0x5ee: {  	(v2sf) =	vpush v2, $0xE;
	_ =	sdelay $0x1  }
0x5ef: {  	(v2sf) =	vpush v2, $0xF;
	_ =	sdelay $0x1  }
0x5f0: {  	(v2sf) =	vpush v2, $0x9;
	_ =	sdelay $0x1  }
0x5f1: {  	(v2sf) =	vpush v2, $0x8;
	_ =	sdelay $0x1  }
0x5f2: {  	(v2sf) =	vpush v2, $0xA;
	_ =	sdelay $0x1  }
0x5f3: {  	(v2sf) =	vpush v2, $0xB  }
0x5f4: {  	s8 =	spop (v2sf)  }
0x5f5: {  	(v2sf) =	vpush v2, $0x0;
	s0 =	smulhi.u32 $0x29F1868F, s8;
	s1 =	sshra.s32 s8, $0x1F  }
0x5f6: {  	s9 =	spop (v2sf);
	s4 =	smul.u32 $0x29F1868F, s1  }
0x5f7: {  	(v2sf) =	vpush v2, $0x1;
	s1 =	smulhi.u32 $0x29F1868F, s9;
	s2 =	sshra.s32 s9, $0x1F  }
0x5f8: {  	s10 =	spop (v2sf);
	s19 =	smul.u32 $0x29F1868F, s2  }
0x5f9: {  	(v2sf) =	vpush v2, $0x2;
	s8 =	smulhi.u32 $0x29F1868F, s10;
	s2 =	sshra.s32 s10, $0x1F  }
0x5fa: {  	s11 =	spop (v2sf);
	(v2sf) =	vpush v2, $0x3;
	s6 =	smul.u32 $0x29F1868F, s2  }
0x5fb: {  	s9 =	smulhi.u32 $0x29F1868F, s11;
	s2 =	sshra.s32 s11, $0x1F  }
0x5fc: {  	v30 =	vld [tilespmem:$0x17F];
	s12 =	spop (v2sf);
	s11 =	smul.u32 $0x29F1868F, s2  }
0x5fd: {  	v3 =	vld [tilespmem:$0x180];
	(v2sf) =	vpush v2, $0x4;
	s10 =	smulhi.u32 $0x29F1868F, s12;
	s2 =	sshra.s32 s12, $0x1F  }
0x5fe: {  	s13 =	spop (v2sf);
	s3 =	smul.u32 $0x29F1868F, s2  }
0x5ff: {  	(v2sf) =	vpush v2, $0x5;
	s12 =	smulhi.u32 $0x29F1868F, s13;
	s2 =	sshra.s32 s13, $0x1F  }
0x600: {  	s14 =	spop (v2sf);
	s20 =	smul.u32 $0x29F1868F, s2  }
0x601: {  	(v2sf) =	vpush v2, $0x6;
	s22 =	smulhi.u32 $0x29F1868F, s14;
	s2 =	sshra.s32 s14, $0x1F  }
0x602: {  	v4 =	vmul.u32 $0x6A37, v30;
	v3 =	vmul.u32 $0x8DD9, v3;
	s0 =	sadd.s32 s4, s0;
	s15 =	spop (v2sf);
	s25 =	smul.u32 $0x29F1868F, s2  }
0x603: {  	[smem:$0x796] =	sst s0;
	(v2sf) =	vpush v2, $0x7;
	s16 =	smulhi.u32 $0x29F1868F, s15;
	s2 =	sshra.s32 s15, $0x1F  }
0x604: {  	v3 =	vxor.u32 v3, v4;
	s24 =	smul.u32 $0x29F1868F, s2;
	s17 =	spop (v2sf)  }
0x605: {  	[smem:$0x788] =	sst s16;
	(v2sf) =	vpush v3, $0xD;
	s18 =	smulhi.u32 $0x29F1868F, s17;
	s2 =	sshra.s32 s17, $0x1F  }
0x606: {  	s21 =	spop (v2sf);
	s5 =	smul.u32 $0x29F1868F, s2  }
0x607: {  	s4 =	sld [smem:$0x788];
	(v2sf) =	vpush v3, $0xC;
	s23 =	smulhi.u32 $0x29F1868F, s21;
	s2 =	sshra.s32 s21, $0x1F  }
0x608: {  	s26 =	spop (v2sf);
	s7 =	smul.u32 $0x29F1868F, s2  }
0x609: {  	s28 =	smulhi.u32 $0x29F1868F, s26;
	s2 =	sshra.s32 s26, $0x1F;
	s29 =	spop (v2sf)  }
0x60a: {  	(v2sf) =	vpush v3, $0xE;
	[smem:$0x78A] =	sst s23;
	s23 =	smul.u32 $0x29F1868F, s2  }
0x60b: {  	[smem:$0x789] =	sst s18;
	s30 =	smulhi.u32 $0x29F1868F, s29;
	s2 =	sshra.s32 s29, $0x1F  }
0x60c: {  	s31 =	spop (v2sf);
	s18 =	smul.u32 $0x29F1868F, s2  }
0x60d: {  	(v2sf) =	vpush v3, $0xF;
	[smem:$0x78B] =	sst s28;
	s14 =	smulhi.u32 $0x29F1868F, s31;
	s2 =	sshra.s32 s31, $0x1F  }
0x60e: {  	s15 =	spop (v2sf);
	s17 =	smul.u32 $0x29F1868F, s2  }
0x60f: {  	(v2sf) =	vpush v3, $0x9;
	[smem:$0x78C] =	sst s30;
	s16 =	smulhi.u32 $0x29F1868F, s15;
	s2 =	sshra.s32 s15, $0x1F  }
0x610: {  	s21 =	spop (v2sf);
	s15 =	smul.u32 $0x29F1868F, s2  }
0x611: {  	(v2sf) =	vpush v3, $0x8;
	[smem:$0x78D] =	sst s14;
	s26 =	smulhi.u32 $0x29F1868F, s21;
	s2 =	sshra.s32 s21, $0x1F  }
0x612: {  	s28 =	spop (v2sf);
	s14 =	smul.u32 $0x29F1868F, s2  }
0x613: {  	(v2sf) =	vpush v3, $0xA;
	[smem:$0x78E] =	sst s16;
	s29 =	smulhi.u32 $0x29F1868F, s28;
	s2 =	sshra.s32 s28, $0x1F  }
0x614: {  	s13 =	smul.u32 $0x29F1868F, s2;
	s30 =	spop (v2sf)  }
0x615: {  	[smem:$0x78F] =	sst s26;
	s31 =	smulhi.u32 $0x29F1868F, s30;
	s2 =	sshra.s32 s30, $0x1F  }
0x616: {  	s21 =	spop (v2sf);
	s16 =	smul.u32 $0x29F1868F, s2  }
0x617: {  	(v2sf) =	vpush v3, $0xB;
	[smem:$0x790] =	sst s29;
	s26 =	smulhi.u32 $0x29F1868F, s21  }
0x618: {  	s2 =	sshra.s32 s21, $0x1F;
	s21 =	sadd.s32 s11, s9;
	s9 =	sld [smem:$0x78A]  }
0x619: {  	s29 =	spop (v2sf);
	[smem:$0x791] =	sst s31  }
0x61a: {  	s20 =	sadd.s32 s20, s12;
	s28 =	smul.u32 $0x29F1868F, s2;
	[smem:$0x792] =	sst s16  }
0x61b: {  	(v2sf) =	vpush v3, $0x0;
	s31 =	smulhi.u32 $0x29F1868F, s29;
	s0 =	sshra.s32 s29, $0x1F;
	[smem:$0x793] =	sst s26  }
0x61c: {  	s2 =	spop (v2sf);
	s26 =	sadd.s32 s6, s8;
	s6 =	sld [smem:$0x789]  }
0x61d: {  	s16 =	sadd.s32 s3, s10;
	s29 =	smulhi.u32 $0x29F1868F, s2;
	s10 =	sld [smem:$0x78B]  }
0x61e: {  	s25 =	sadd.s32 s25, s22;
	s3 =	spop (v2sf);
	[smem:$0x794] =	sst s28  }
0x61f: {  	s30 =	sadd.s32 s19, s1;
	[smem:$0x795] =	sst s31;
	s28 =	smul.u32 $0x29F1868F, s0  }
0x620: {  	s0 =	sshra.s32 s2, $0x1F;
	s22 =	smulhi.u32 $0x29F1868F, s3;
	s8 =	spop (v2sf)  }
0x621: {  	s2 =	sld [smem:$0x78C];
	s19 =	smul.u32 $0x29F1868F, s0;
	s0 =	sshra.s32 s3, $0x1F  }
0x622: {  	s7 =	sadd.s32 s7, s9;
	s31 =	spop (v2sf);
	s12 =	smul.u32 $0x29F1868F, s0  }
0x623: {  	s0 =	sshra.s32 s8, $0x1F;
	s23 =	sadd.s32 s23, s10;
	s10 =	smulhi.u32 $0x29F1868F, s31  }
0x624: {  	s9 =	smul.u32 $0x29F1868F, s0;
	s0 =	sshra.s32 s31, $0x1F;
	s31 =	sld [smem:$0x78F]  }
0x625: {  	(v2sf) =	vpush v3, $0x1;
	s11 =	smulhi.u32 $0x29F1868F, s8;
	s5 =	sadd.s32 s5, s6;
	s6 =	sld [smem:$0x78E]  }
0x626: {  	s24 =	sadd.s32 s24, s4;
	s3 =	sld [smem:$0x78D];
	s4 =	spop (v2sf)  }
0x627: {  	(v2sf) =	vpush v3, $0x2;
	s8 =	smul.u32 $0x29F1868F, s0;
	s14 =	sadd.s32 s14, s31;
	s31 =	sld [smem:$0x790]  }
0x628: {  	s0 =	sshra.s32 s4, $0x1F;
	s15 =	sadd.s32 s15, s6;
	s6 =	smulhi.u32 $0x29F1868F, s4  }
0x629: {  	s18 =	sadd.s32 s18, s2;
	s17 =	sadd.s32 s17, s3;
	s4 =	smul.u32 $0x29F1868F, s0  }
0x62a: {  	s13 =	sadd.s32 s13, s31;
	s31 =	sld [smem:$0x792];
	s2 =	spop (v2sf)  }
0x62b: {  	s3 =	smulhi.u32 $0x29F1868F, s2;
	s0 =	sshra.s32 s2, $0x1F;
	s2 =	sld [smem:$0x791]  }
0x62c: {  	_ =	sdelay $0x1  }
0x62d: {  	s1 =	sadd.s32 s31, s2;
	s31 =	sld [smem:$0x794]  }
0x62e: {  	[smem:$0x797] =	sst s1  }
0x62f: {  	s1 =	sld [smem:$0x793]  }
0x630: {  	s12 =	sadd.s32 s12, s22  }
0x631: {  	[smem:$0x79A] =	sst s12  }
0x632: {  	s29 =	sadd.s32 s19, s29;
	s1 =	sadd.s32 s31, s1;
	s31 =	sld [smem:$0x795]  }
0x633: {  	s9 =	sadd.s32 s9, s11;
	s2 =	smul.u32 $0x29F1868F, s0;
	s0 =	spop (v2sf)  }
0x634: {  	s12 =	sshra.s32 s21, $0xE;
	[smem:$0x798] =	sst s1;
	s1 =	smulhi.u32 $0x29F1868F, s0  }
0x635: {  	s0 =	sshra.s32 s0, $0x1F;
	s28 =	sadd.s32 s28, s31;
	s31 =	spop (v2sf)  }
0x636: {  	s11 =	sshra.s32 s13, $0x1F;
	[smem:$0x799] =	sst s28;
	s28 =	smul.u32 $0x29F1868F, s0  }
0x637: {  	(v2sf) =	vpush v3, $0x3;
	[smem:$0x79B] =	sst s9;
	v31 =	vmov s11;
	s11 =	sshrl.u32 s7, $0x1F;
	s19 =	smulhi.u32 $0x29F1868F, s31  }
0x638: {  	s0 =	sshra.s32 s31, $0x1F;
	s31 =	sadd.s32 s8, s10;
	s10 =	sld [smem:$0x796]  }
0x639: {  	(v2sf) =	vpush v3, $0x4;
	s3 =	sadd.s32 s2, s3;
	s8 =	sadd.s32 s4, s6;
	[smem:$0x79C] =	sst s31  }
0x63a: {  	(v2sf) =	vpush v3, $0x5;
	s4 =	sshra.s32 s16, $0xE;
	s22 =	smul.u32 $0x29F1868F, s0;
	[smem:$0x79D] =	sst s8  }
0x63b: {  	s8 =	sshra.s32 s30, $0xE;
	s31 =	sshrl.u32 s25, $0x1F;
	s0 =	sshra.s32 s5, $0xE  }
0x63c: {  	(v2sf) =	vpush v3, $0x6;
	s6 =	sadd.s32 s28, s1;
	s28 =	sshrl.u32 s26, $0x1F;
	s1 =	sshra.s32 s20, $0xE  }
0x63d: {  	(v2sf) =	vpush v3, $0x7;
	v4 =	vsel vm1, s0, v31;
	s0 =	sshra.s32 s7, $0xE;
	s9 =	sadd.s32 s22, s19;
	s19 =	sshrl.u32 s30, $0x1F  }
0x63e: {  	vm0 =	vmmov vm9;
	s22 =	sshra.s32 s26, $0xE;
	s26 =	sshrl.u32 s21, $0x1F;
	s30 =	sshrl.u32 s16, $0x1F  }
0x63f: {  	vm11 =	vcmask $0x704;
	vm9 =	vmmov vm2;
	vm2 =	vmmov vm4;
	s16 =	sshrl.u32 s20, $0x1F;
	s21 =	sshra.s32 s25, $0xE;
	s25 =	sshrl.u32 s24, $0x1F  }
0x640: {  	v35 =	vmov s8;
	s20 =	sshra.s32 s24, $0xE;
	s24 =	sshrl.u32 s5, $0x1F;
	s5 =	sshra.s32 s5, $0x1F;
	v36 =	vmov s1;
	v32 =	vmov s19  }
0x641: {  	s2 =	sshrl.u32 s10, $0x1F;
	s10 =	sshra.s32 s10, $0xE;
	v33 =	vmov s24;
	v4 =	vsel vm11, s5, v4;
	s24 =	sshra.s32 s7, $0x1F;
	v34 =	vmov s16  }
0x642: {  	s7 =	sshrl.u32 s23, $0x1F;
	s19 =	sshra.s32 s23, $0xE;
	v8 =	vsel vm2, s10, v35;
	v9 =	vsel vm2, s4, v36;
	s10 =	sshrl.u32 s6, $0x1F;
	v5 =	vsel vm4, s2, v32  }
0x643: {  	v4 =	vsel vm4, s0, v4;
	v6 =	vnsel vm1, $0x0, v33;
	s0 =	sshra.s32 s23, $0x1F;
	s2 =	sshrl.u32 s18, $0x1F;
	v8 =	vsel vm3, s22, v8;
	s22 =	sld [smem:$0x799]  }
0x644: {  	s23 =	sshra.s32 s18, $0xE;
	v7 =	vsel vm4, s30, v34;
	v9 =	vsel vm3, s21, v9;
	s21 =	sld [smem:$0x79C];
	v6 =	vsel vm4, s11, v6;
	s11 =	sshra.s32 s18, $0x1F  }
0x645: {  	v5 =	vsel vm3, s28, v5;
	v4 =	vsel vm12, s24, v4;
	s24 =	sshrl.u32 s17, $0x1F;
	s18 =	sshra.s32 s17, $0xE;
	s28 =	sshrl.u32 s15, $0x1F;
	v7 =	vsel vm3, s31, v7  }
0x646: {  	v9 =	vsel vm5, s20, v9;
	s20 =	sld [smem:$0x79D];
	v6 =	vsel vm3, s7, v6;
	v4 =	vsel vm3, s19, v4;
	s7 =	sshra.s32 s17, $0x1F;
	s19 =	spop (v2sf)  }
0x647: {  	vm13 =	vcmask $0x1714;
	v5 =	vsel vm5, s26, v5;
	s26 =	sshrl.u32 s14, $0x1F;
	v7 =	vsel vm5, s25, v7;
	s17 =	sshra.s32 s13, $0xE;
	s25 =	sld [smem:$0x798]  }
0x648: {  	v6 =	vsel vm5, s2, v6;
	v4 =	vsel vm13, s0, v4;
	s0 =	sshra.s32 s15, $0xE;
	s15 =	sshra.s32 s15, $0x1F;
	s16 =	spop (v2sf)  }
0x649: {  	s4 =	sshrl.u32 s22, $0x1F;
	v6 =	vsel vm6, s24, v6;
	v4 =	vsel vm5, s23, v4;
	s24 =	sshra.s32 s14, $0xE;
	s5 =	spop (v2sf)  }
0x64a: {  	s23 =	sld [smem:$0x797];
	v4 =	vsel vm14, s11, v4;
	s11 =	sshra.s32 s14, $0x1F;
	s8 =	smulhi.u32 $0x29F1868F, s5  }
0x64b: {  	vm10 =	vcmask $0x3734;
	s2 =	spop (v2sf);
	s5 =	sshra.s32 s5, $0x1F;
	v4 =	vsel vm6, s18, v4;
	s18 =	smulhi.u32 $0x29F1868F, s19  }
0x64c: {  	vm15 =	vmmov vm14;
	v8 =	vsel vm5, s12, v8;
	v6 =	vsel vm0, s28, v6;
	s28 =	sshrl.u32 s13, $0x1F;
	s30 =	spop (v2sf);
	s5 =	smul.u32 $0x29F1868F, s5  }
0x64d: {  	vm4 =	vmmov vm0;
	v37 =	vcombine.low v9, v8;
	s14 =	sshrl.u32 s29, $0x1F;
	v6 =	vsel vm8, s26, v6;
	s31 =	smulhi.u32 $0x29F1868F, s30;
	s13 =	sshra.s32 s30, $0x1F  }
0x64e: {  	v5 =	vcombine.low v7, v5;
	vm0 =	vcmask $0x2724;
	s19 =	sshra.s32 s19, $0x1F;
	s26 =	sld [smem:$0x79A];
	v6 =	vsel vm9, s28, v6;
	s28 =	smul.u32 $0x29F1868F, s13  }
0x64f: {  	v7 =	vperm.xlane v37, v0;
	vm14 =	vcmask $0x2F2C;
	v4 =	vsel vm0, s7, v4;
	s1 =	sshrl.u32 s23, $0x1F;
	s30 =	sshrl.u32 s25, $0x1F;
	s7 =	smul.u32 $0x29F1868F, s19  }
0x650: {  	v5 =	vperm.xlane v5, v0;
	s19 =	sshrl.u32 s21, $0x1F;
	v4 =	vsel vm4, s0, v4;
	s0 =	sshrl.u32 s20, $0x1F;
	v38 =	vmov s30;
	s13 =	sadd.s32 s28, s31  }
0x651: {  	s30 =	sshra.s32 s3, $0xE;
	v6 =	vperm.xlane v6, v1;
	s5 =	sadd.s32 s5, s8;
	v4 =	vsel vm14, s15, v4;
	v8 =	vsel vm2, s1, v38;
	s28 =	sshra.s32 s13, $0x1F  }
0x652: {  	s1 =	smulhi.u32 $0x29F1868F, s16;
	s16 =	sshra.s32 s16, $0x1F;
	v4 =	vsel vm8, s24, v4;
	s31 =	sshrl.u32 s3, $0x1F;
	v8 =	vsel vm3, s4, v8;
	v39 =	vmov s28  }
0x653: {  	s24 =	sld [smem:$0x79B];
	s16 =	smul.u32 $0x29F1868F, s16;
	s3 =	sshra.s32 s3, $0x1F;
	v4 =	vsel vm10, s11, v4;
	v40 =	vmov s31;
	v9 =	vsel vm1, s30, v39  }
0x654: {  	s15 =	sshrl.u32 s26, $0x1F;
	s7 =	sadd.s32 s7, s18;
	s31 =	sshra.s32 s6, $0xE;
	v8 =	vsel vm5, s14, v8;
	v4 =	vsel vm9, s17, v4;
	v9 =	vsel vm11, s3, v9  }
0x655: {  	s18 =	sshra.s32 s6, $0x1F;
	v10 =	vnsel vm1, $0x0, v40;
	s1 =	sadd.s32 s16, s1;
	s16 =	sshra.s32 s25, $0xE;
	v4 =	vperm.xlane v4, v1;
	v9 =	vsel vm2, s31, v9  }
0x656: {  	s11 =	sshrl.u32 s9, $0x1F;
	s12 =	sshrl.u32 s24, $0x1F;
	v10 =	vsel vm2, s10, v10;
	s30 =	sshra.s32 s9, $0xE;
	v42 =	vmov s16;
	v9 =	vsel vm12, s18, v9  }
0x657: {  	s17 =	sshrl.u32 s7, $0x1F;
	s28 =	smulhi.u32 $0x29F1868F, s2;
	v41 =	vmov s12;
	v10 =	vsel vm3, s11, v10;
	s31 =	sshra.s32 s9, $0x1F;
	v9 =	vsel vm3, s30, v9  }
0x658: {  	s2 =	sshra.s32 s2, $0x1F;
	s10 =	sshra.s32 s7, $0xE;
	v11 =	vsel vm2, s15, v41;
	v10 =	vsel vm5, s17, v10;
	s9 =	sshrl.u32 s1, $0x1F;
	v9 =	vsel vm13, s31, v9  }
0x659: {  	s2 =	smul.u32 $0x29F1868F, s2;
	s12 =	sshra.s32 s7, $0x1F;
	s17 =	sshra.s32 s24, $0xE;
	v11 =	vsel vm3, s19, v11;
	v10 =	vsel vm6, s9, v10;
	v9 =	vsel vm5, s10, v9  }
0x65a: {  	s11 =	sshrl.u32 s5, $0x1F;
	s15 =	sshra.s32 s1, $0xE;
	s19 =	sshra.s32 s26, $0xE;
	v43 =	vmov s17;
	v11 =	vsel vm5, s0, v11;
	v9 =	vsel vm15, s12, v9  }
0x65b: {  	s25 =	sshra.s32 s21, $0xE;
	s1 =	sshra.s32 s1, $0x1F;
	s18 =	sshra.s32 s23, $0xE;
	v10 =	vsel vm4, s11, v10;
	v12 =	vsel vm2, s19, v43;
	v9 =	vsel vm6, s15, v9  }
0x65c: {  	s2 =	sadd.s32 s2, s28;
	s24 =	sshra.s32 s22, $0xE;
	s23 =	sshra.s32 s5, $0xE;
	v8 =	vcombine.low v11, v8;
	v11 =	vsel vm2, s18, v42;
	v9 =	vsel vm0, s1, v9  }
0x65d: {  	s28 =	sshra.s32 s29, $0xE;
	s29 =	sshra.s32 s20, $0xE;
	s26 =	sshra.s32 s5, $0x1F;
	v12 =	vsel vm3, s25, v12;
	v11 =	vsel vm3, s24, v11;
	v9 =	vsel vm4, s23, v9  }
0x65e: {  	s14 =	sshrl.u32 s2, $0x1F;
	s30 =	sshra.s32 s2, $0xE;
	v12 =	vsel vm5, s29, v12;
	v11 =	vsel vm5, s28, v11;
	v9 =	vsel vm14, s26, v9  }
0x65f: {  	s2 =	sshra.s32 s2, $0x1F;
	v10 =	vsel vm8, s14, v10;
	v11 =	vcombine.low v12, v11;
	v9 =	vsel vm8, s30, v9  }
0x660: {  	s3 =	sshra.s32 s13, $0xE;
	s31 =	sshrl.u32 s13, $0x1F;
	v8 =	vperm.xlane v8, v0;
	vm14 =	vcmask $0x3B38;
	v9 =	vsel vm10, s2, v9  }
0x661: {  	v11 =	vperm.xlane v11, v0;
	v10 =	vsel vm14, s31, v10;
	v9 =	vsel vm14, s3, v9  }
0x662: {  	v10 =	vperm.xlane v10, v1;
	v9 =	vperm.xlane v9, v1  }
0x663: {  	v5 =	vsel vm7, v6, v5;
	v4 =	vsel vm7, v4, v7  }
0x664: {  	v4 =	vadd.s32 v5, v4;
	v44 =	vsel vm7, v10, v8;
	v45 =	vsel vm7, v9, v11  }
0x665: {  	v4 =	vmul.u32 $0x1869F, v4;
	v5 =	vadd.s32 v44, v45  }
0x666: {  	v5 =	vmul.u32 $0x1869F, v5  }
0x667: {  	v2 =	vsub.s32 v2, v4  }
0x668: {  	vm15 =	vlt.s32 v2, $0x0;
	v4 =	vadd.s32 $0x1869F, v2;
	v3 =	vsub.s32 v3, v5  }
0x669: {  	s4 =	sld [smem:$0x7F9];
	v2 =	vsel vm15, v4, v2;
	vm15 =	vlt.s32 v3, $0x0;
	v46 =	vadd.s32 $0x1869F, v3  }
0x66a: {  	[tilespmem:$0x800] =	vst v2;
	v2 =	vsel vm15, v46, v3  }
0x66b: {  	s6 =	rddreg [dreg:$0x1];
	s7 =	simm.s32 $0x20;
	s5 =	simm.s32 $0xBA80;
	[tilespmem:$0x810] =	vst v2  }
0x66c: {  	[tilespmem:s5], [sflag:$0x1] =	stream.indirect.gather [hbm4b:s6+s7], $0x80, s4, s7, $0xb8;
	[tilespmem:$0x10A80] =	vst v63  }
0x66d: {  	v2 =	vld [tilespmem:$0x190]  }
0x66e: {  	v3 =	vld [tilespmem:$0x18F];
	_ =	sdelay $0x4  }
0x66f: {  	v2 =	vmul.u32 $0x8DD9, v2;
	v3 =	vmul.u32 $0x6A37, v3;
	_ =	sdelay $0x1  }
0x670: {  	v2 =	vxor.u32 v2, v3  }
0x671: {  	(v2sf) =	vpush v2, $0xD;
	_ =	sdelay $0x1  }
0x672: {  	(v2sf) =	vpush v2, $0xC;
	_ =	sdelay $0x1  }
0x673: {  	(v2sf) =	vpush v2, $0xE;
	_ =	sdelay $0x1  }
0x674: {  	(v2sf) =	vpush v2, $0xF;
	_ =	sdelay $0x1  }
0x675: {  	(v2sf) =	vpush v2, $0x9;
	_ =	sdelay $0x1  }
0x676: {  	(v2sf) =	vpush v2, $0x8;
	_ =	sdelay $0x1  }
0x677: {  	(v2sf) =	vpush v2, $0xA;
	_ =	sdelay $0x1  }
0x678: {  	(v2sf) =	vpush v2, $0xB  }
0x679: {  	s8 =	spop (v2sf)  }
0x67a: {  	(v2sf) =	vpush v2, $0x0;
	s0 =	smulhi.u32 $0x29F1868F, s8;
	s1 =	sshra.s32 s8, $0x1F  }
0x67b: {  	s9 =	spop (v2sf);
	s4 =	smul.u32 $0x29F1868F, s1  }
0x67c: {  	(v2sf) =	vpush v2, $0x1;
	s1 =	smulhi.u32 $0x29F1868F, s9;
	s2 =	sshra.s32 s9, $0x1F  }
0x67d: {  	s10 =	spop (v2sf);
	s19 =	smul.u32 $0x29F1868F, s2  }
0x67e: {  	(v2sf) =	vpush v2, $0x2;
	s8 =	smulhi.u32 $0x29F1868F, s10;
	s2 =	sshra.s32 s10, $0x1F  }
0x67f: {  	s11 =	spop (v2sf);
	(v2sf) =	vpush v2, $0x3;
	s6 =	smul.u32 $0x29F1868F, s2  }
0x680: {  	s9 =	smulhi.u32 $0x29F1868F, s11;
	s2 =	sshra.s32 s11, $0x1F  }
0x681: {  	v47 =	vld [tilespmem:$0x19F];
	s12 =	spop (v2sf);
	s11 =	smul.u32 $0x29F1868F, s2  }
0x682: {  	v3 =	vld [tilespmem:$0x1A0];
	(v2sf) =	vpush v2, $0x4;
	s10 =	smulhi.u32 $0x29F1868F, s12;
	s2 =	sshra.s32 s12, $0x1F  }
0x683: {  	s13 =	spop (v2sf);
	s3 =	smul.u32 $0x29F1868F, s2  }
0x684: {  	(v2sf) =	vpush v2, $0x5;
	s12 =	smulhi.u32 $0x29F1868F, s13;
	s2 =	sshra.s32 s13, $0x1F  }
0x685: {  	s14 =	spop (v2sf);
	s20 =	smul.u32 $0x29F1868F, s2  }
0x686: {  	(v2sf) =	vpush v2, $0x6;
	s22 =	smulhi.u32 $0x29F1868F, s14;
	s2 =	sshra.s32 s14, $0x1F  }
0x687: {  	v4 =	vmul.u32 $0x6A37, v47;
	v3 =	vmul.u32 $0x8DD9, v3;
	s15 =	spop (v2sf);
	s25 =	smul.u32 $0x29F1868F, s2  }
0x688: {  	(v2sf) =	vpush v2, $0x7;
	s16 =	smulhi.u32 $0x29F1868F, s15;
	s2 =	sshra.s32 s15, $0x1F  }
0x689: {  	v3 =	vxor.u32 v3, v4;
	s0 =	sadd.s32 s4, s0;
	s24 =	smul.u32 $0x29F1868F, s2;
	s17 =	spop (v2sf)  }
0x68a: {  	[smem:$0x7AC] =	sst s0;
	(v2sf) =	vpush v3, $0xD;
	s18 =	smulhi.u32 $0x29F1868F, s17;
	s2 =	sshra.s32 s17, $0x1F  }
0x68b: {  	s21 =	spop (v2sf);
	s5 =	smul.u32 $0x29F1868F, s2  }
0x68c: {  	[smem:$0x79E] =	sst s16;
	(v2sf) =	vpush v3, $0xC;
	s23 =	smulhi.u32 $0x29F1868F, s21;
	s2 =	sshra.s32 s21, $0x1F  }
0x68d: {  	s26 =	spop (v2sf);
	s7 =	smul.u32 $0x29F1868F, s2  }
0x68e: {  	(v2sf) =	vpush v3, $0xE;
	s28 =	smulhi.u32 $0x29F1868F, s26;
	s2 =	sshra.s32 s26, $0x1F;
	s29 =	spop (v2sf)  }
0x68f: {  	[smem:$0x7A0] =	sst s23;
	s23 =	smul.u32 $0x29F1868F, s2  }
0x690: {  	[smem:$0x79F] =	sst s18;
	s30 =	smulhi.u32 $0x29F1868F, s29;
	s2 =	sshra.s32 s29, $0x1F  }
0x691: {  	s31 =	spop (v2sf);
	s18 =	smul.u32 $0x29F1868F, s2  }
0x692: {  	[smem:$0x7A1] =	sst s28;
	s14 =	smulhi.u32 $0x29F1868F, s31;
	s2 =	sshra.s32 s31, $0x1F  }
0x693: {  	(v2sf) =	vpush v3, $0xF;
	s15 =	spop (v2sf);
	s17 =	smul.u32 $0x29F1868F, s2  }
0x694: {  	[smem:$0x7A2] =	sst s30;
	s16 =	smulhi.u32 $0x29F1868F, s15;
	s2 =	sshra.s32 s15, $0x1F  }
0x695: {  	s21 =	spop (v2sf);
	s15 =	smul.u32 $0x29F1868F, s2  }
0x696: {  	(v2sf) =	vpush v3, $0x9;
	[smem:$0x7A3] =	sst s14;
	s26 =	smulhi.u32 $0x29F1868F, s21;
	s2 =	sshra.s32 s21, $0x1F  }
0x697: {  	s28 =	spop (v2sf);
	s14 =	smul.u32 $0x29F1868F, s2  }
0x698: {  	[smem:$0x7A4] =	sst s16;
	s29 =	smulhi.u32 $0x29F1868F, s28;
	s2 =	sshra.s32 s28, $0x1F  }
0x699: {  	(v2sf) =	vpush v3, $0x8;
	s13 =	smul.u32 $0x29F1868F, s2;
	s30 =	spop (v2sf)  }
0x69a: {  	[smem:$0x7A5] =	sst s26;
	s31 =	smulhi.u32 $0x29F1868F, s30;
	s2 =	sshra.s32 s30, $0x1F  }
0x69b: {  	(v2sf) =	vpush v3, $0xA;
	s21 =	spop (v2sf);
	s16 =	smul.u32 $0x29F1868F, s2  }
0x69c: {  	[smem:$0x7A6] =	sst s29;
	s26 =	smulhi.u32 $0x29F1868F, s21  }
0x69d: {  	s2 =	sshra.s32 s21, $0x1F;
	s29 =	spop (v2sf);
	[smem:$0x7A7] =	sst s31  }
0x69e: {  	(v2sf) =	vpush v3, $0xB;
	s28 =	smul.u32 $0x29F1868F, s2;
	[smem:$0x7A8] =	sst s16  }
0x69f: {  	(v2sf) =	vpush v3, $0x0;
	s31 =	smulhi.u32 $0x29F1868F, s29;
	[smem:$0x7A9] =	sst s26  }
0x6a0: {  	(v2sf) =	vpush v3, $0x1;
	[smem:$0x7AA] =	sst s28  }
0x6a1: {  	s25 =	sadd.s32 s25, s22;
	(v2sf) =	vpush v3, $0x2;
	[smem:$0x7AB] =	sst s31  }
0x6a2: {  	s21 =	sadd.s32 s11, s9;
	s0 =	sshra.s32 s29, $0x1F;
	s2 =	spop (v2sf)  }
0x6a3: {  	s26 =	sadd.s32 s6, s8;
	s28 =	smul.u32 $0x29F1868F, s0;
	s4 =	sld [smem:$0x79E]  }
0x6a4: {  	s16 =	sadd.s32 s3, s10;
	s29 =	smulhi.u32 $0x29F1868F, s2;
	s6 =	sld [smem:$0x79F]  }
0x6a5: {  	s0 =	sshra.s32 s2, $0x1F;
	s3 =	spop (v2sf);
	s9 =	sld [smem:$0x7A0]  }
0x6a6: {  	s30 =	sadd.s32 s19, s1;
	s10 =	sld [smem:$0x7A1];
	s19 =	smul.u32 $0x29F1868F, s0  }
0x6a7: {  	s2 =	sld [smem:$0x7A2];
	s22 =	smulhi.u32 $0x29F1868F, s3;
	s0 =	sshra.s32 s3, $0x1F  }
0x6a8: {  	s20 =	sadd.s32 s20, s12;
	s8 =	spop (v2sf);
	s12 =	smul.u32 $0x29F1868F, s0  }
0x6a9: {  	s3 =	sld [smem:$0x7A3];
	s11 =	smulhi.u32 $0x29F1868F, s8;
	s0 =	sshra.s32 s8, $0x1F  }
0x6aa: {  	s31 =	spop (v2sf);
	s5 =	sadd.s32 s5, s6;
	s7 =	sadd.s32 s7, s9  }
0x6ab: {  	s23 =	sadd.s32 s23, s10;
	s9 =	smul.u32 $0x29F1868F, s0;
	s6 =	sld [smem:$0x7A4]  }
0x6ac: {  	s10 =	smulhi.u32 $0x29F1868F, s31;
	s0 =	sshra.s32 s31, $0x1F;
	s31 =	sld [smem:$0x7A5]  }
0x6ad: {  	s24 =	sadd.s32 s24, s4;
	s18 =	sadd.s32 s18, s2;
	s4 =	spop (v2sf)  }
0x6ae: {  	s8 =	smul.u32 $0x29F1868F, s0;
	s0 =	sshra.s32 s4, $0x1F;
	s15 =	sadd.s32 s15, s6  }
0x6af: {  	s6 =	smulhi.u32 $0x29F1868F, s4;
	s14 =	sadd.s32 s14, s31;
	s31 =	sld [smem:$0x7A6]  }
0x6b0: {  	s17 =	sadd.s32 s17, s3;
	s4 =	smul.u32 $0x29F1868F, s0;
	s2 =	spop (v2sf)  }
0x6b1: {  	s3 =	smulhi.u32 $0x29F1868F, s2;
	s0 =	sshra.s32 s2, $0x1F;
	s2 =	sld [smem:$0x7A7]  }
0x6b2: {  	s13 =	sadd.s32 s13, s31;
	s31 =	sld [smem:$0x7A8];
	_ =	sdelay $0x2  }
0x6b3: {  	s1 =	sadd.s32 s31, s2;
	s31 =	sld [smem:$0x7AA]  }
0x6b4: {  	[smem:$0x7AD] =	sst s1  }
0x6b5: {  	s12 =	sadd.s32 s12, s22;
	s1 =	sld [smem:$0x7A9]  }
0x6b6: {  	[smem:$0x7B0] =	sst s12;
	s9 =	sadd.s32 s9, s11  }
0x6b7: {  	[smem:$0x7B1] =	sst s9  }
0x6b8: {  	s29 =	sadd.s32 s19, s29;
	s1 =	sadd.s32 s31, s1;
	s31 =	sld [smem:$0x7AB]  }
0x6b9: {  	s12 =	sshra.s32 s21, $0xE;
	s2 =	smul.u32 $0x29F1868F, s0;
	s0 =	spop (v2sf)  }
0x6ba: {  	s11 =	sshra.s32 s13, $0x1F;
	[smem:$0x7AE] =	sst s1;
	s1 =	smulhi.u32 $0x29F1868F, s0  }
0x6bb: {  	s0 =	sshra.s32 s0, $0x1F;
	s28 =	sadd.s32 s28, s31;
	s31 =	spop (v2sf)  }
0x6bc: {  	v48 =	vmov s11;
	s11 =	sshrl.u32 s7, $0x1F;
	[smem:$0x7AF] =	sst s28;
	s28 =	smul.u32 $0x29F1868F, s0  }
0x6bd: {  	(v2sf) =	vpush v3, $0x3;
	s3 =	sadd.s32 s2, s3;
	s19 =	smulhi.u32 $0x29F1868F, s31;
	s0 =	sshra.s32 s31, $0x1F  }
0x6be: {  	s31 =	sadd.s32 s8, s10;
	s8 =	sadd.s32 s4, s6;
	s10 =	sld [smem:$0x7AC]  }
0x6bf: {  	(v2sf) =	vpush v3, $0x4;
	s4 =	sshra.s32 s16, $0xE;
	s22 =	smul.u32 $0x29F1868F, s0;
	[smem:$0x7B2] =	sst s31  }
0x6c0: {  	(v2sf) =	vpush v3, $0x5;
	[smem:$0x7B3] =	sst s8;
	s8 =	sshra.s32 s30, $0xE;
	s31 =	sshrl.u32 s25, $0x1F  }
0x6c1: {  	(v2sf) =	vpush v3, $0x6;
	s0 =	sshra.s32 s5, $0xE;
	s6 =	sadd.s32 s28, s1;
	s28 =	sshrl.u32 s26, $0x1F  }
0x6c2: {  	(v2sf) =	vpush v3, $0x7;
	s1 =	sshra.s32 s20, $0xE;
	v4 =	vsel vm1, s0, v48;
	s0 =	sshra.s32 s7, $0xE;
	s9 =	sadd.s32 s22, s19  }
0x6c3: {  	s19 =	sshrl.u32 s30, $0x1F;
	s22 =	sshra.s32 s26, $0xE;
	s26 =	sshrl.u32 s21, $0x1F  }
0x6c4: {  	s30 =	sshrl.u32 s16, $0x1F;
	s16 =	sshrl.u32 s20, $0x1F;
	s21 =	sshra.s32 s25, $0xE  }
0x6c5: {  	vm13 =	vmmov vm6;
	vm15 =	vcmask $0x1714;
	v52 =	vmov s8;
	s25 =	sshrl.u32 s24, $0x1F;
	s20 =	sshra.s32 s24, $0xE;
	s24 =	sshrl.u32 s5, $0x1F  }
0x6c6: {  	s2 =	sshrl.u32 s10, $0x1F;
	s10 =	sshra.s32 s10, $0xE;
	s5 =	sshra.s32 s5, $0x1F;
	v53 =	vmov s1;
	v49 =	vmov s19;
	v50 =	vmov s24  }
0x6c7: {  	v4 =	vsel vm11, s5, v4;
	s24 =	sshra.s32 s7, $0x1F;
	s7 =	sshrl.u32 s23, $0x1F;
	s19 =	sshra.s32 s23, $0xE;
	v51 =	vmov s16;
	v8 =	vsel vm2, s10, v52  }
0x6c8: {  	v9 =	vsel vm2, s4, v53;
	s10 =	sshrl.u32 s6, $0x1F;
	v4 =	vsel vm2, s0, v4;
	s0 =	sshra.s32 s23, $0x1F;
	v8 =	vsel vm3, s22, v8;
	s22 =	sld [smem:$0x7AF]  }
0x6c9: {  	v5 =	vsel vm2, s2, v49;
	v6 =	vnsel vm1, $0x0, v50;
	s2 =	sshrl.u32 s18, $0x1F;
	s23 =	sshra.s32 s18, $0xE;
	v9 =	vsel vm3, s21, v9;
	s21 =	sld [smem:$0x7B2]  }
0x6ca: {  	v7 =	vsel vm2, s30, v51;
	v6 =	vsel vm2, s11, v6;
	v4 =	vsel vm12, s24, v4;
	s11 =	sshra.s32 s18, $0x1F;
	s24 =	sshrl.u32 s17, $0x1F;
	s18 =	sshra.s32 s17, $0xE  }
0x6cb: {  	v5 =	vsel vm3, s28, v5;
	s28 =	sshrl.u32 s15, $0x1F;
	v9 =	vsel vm5, s20, v9;
	s20 =	sld [smem:$0x7B3];
	v6 =	vsel vm3, s7, v6;
	s7 =	sshra.s32 s17, $0x1F  }
0x6cc: {  	v7 =	vsel vm3, s31, v7;
	v5 =	vsel vm5, s26, v5;
	v4 =	vsel vm3, s19, v4;
	s19 =	spop (v2sf);
	s26 =	sshrl.u32 s14, $0x1F;
	s17 =	sshra.s32 s13, $0xE  }
0x6cd: {  	v7 =	vsel vm5, s25, v7;
	s25 =	sld [smem:$0x7AE];
	v6 =	vsel vm5, s2, v6;
	v4 =	vsel vm15, s0, v4;
	s0 =	sshra.s32 s15, $0xE;
	s15 =	sshra.s32 s15, $0x1F  }
0x6ce: {  	vm9 =	vcmask $0x1F1C;
	s16 =	spop (v2sf);
	s4 =	sshrl.u32 s22, $0x1F;
	v6 =	vsel vm13, s24, v6;
	v4 =	vsel vm5, s23, v4;
	s24 =	sshra.s32 s14, $0xE  }
0x6cf: {  	s5 =	spop (v2sf);
	s23 =	sld [smem:$0x7AD];
	v4 =	vsel vm9, s11, v4;
	s11 =	sshra.s32 s14, $0x1F  }
0x6d0: {  	vm6 =	vmmov vm8;
	v6 =	vsel vm4, s28, v6;
	s28 =	sshrl.u32 s13, $0x1F;
	s2 =	spop (v2sf);
	s8 =	smulhi.u32 $0x29F1868F, s5  }
0x6d1: {  	vm8 =	vmmov vm1;
	v8 =	vsel vm5, s12, v8;
	s14 =	sshrl.u32 s29, $0x1F;
	v4 =	vsel vm13, s18, v4;
	s18 =	smulhi.u32 $0x29F1868F, s19;
	s30 =	spop (v2sf)  }
0x6d2: {  	vm10 =	vcmask $0x2F2C;
	v54 =	vcombine.low v9, v8;
	s5 =	sshra.s32 s5, $0x1F;
	v6 =	vsel vm6, s26, v6;
	s31 =	smulhi.u32 $0x29F1868F, s30;
	s13 =	sshra.s32 s30, $0x1F  }
0x6d3: {  	vm1 =	vmmov vm4;
	v5 =	vcombine.low v7, v5;
	s19 =	sshra.s32 s19, $0x1F;
	s26 =	sld [smem:$0x7B0];
	v6 =	vsel vm14, s28, v6;
	s28 =	smul.u32 $0x29F1868F, s13  }
0x6d4: {  	v7 =	vperm.xlane v54, v0;
	vm4 =	vmmov vm13;
	s5 =	smul.u32 $0x29F1868F, s5;
	v4 =	vsel vm0, s7, v4;
	s1 =	sshrl.u32 s23, $0x1F;
	s30 =	sshrl.u32 s25, $0x1F  }
0x6d5: {  	v5 =	vperm.xlane v5, v0;
	vm13 =	vcmask $0x3734;
	s7 =	smul.u32 $0x29F1868F, s19;
	s19 =	sshrl.u32 s21, $0x1F;
	v4 =	vsel vm1, s0, v4;
	s13 =	sadd.s32 s28, s31  }
0x6d6: {  	v55 =	vmov s30;
	s30 =	sshra.s32 s3, $0xE;
	v6 =	vperm.xlane v6, v1;
	s5 =	sadd.s32 s5, s8;
	v4 =	vsel vm10, s15, v4;
	s28 =	sshra.s32 s13, $0x1F  }
0x6d7: {  	v8 =	vsel vm2, s1, v55;
	s1 =	smulhi.u32 $0x29F1868F, s16;
	s16 =	sshra.s32 s16, $0x1F;
	v4 =	vsel vm6, s24, v4;
	s24 =	sld [smem:$0x7B1];
	v56 =	vmov s28  }
0x6d8: {  	s31 =	sshrl.u32 s3, $0x1F;
	s16 =	smul.u32 $0x29F1868F, s16;
	s3 =	sshra.s32 s3, $0x1F;
	v8 =	vsel vm3, s4, v8;
	v4 =	vsel vm13, s11, v4;
	v9 =	vsel vm8, s30, v56  }
0x6d9: {  	s15 =	sshrl.u32 s26, $0x1F;
	s7 =	sadd.s32 s7, s18;
	v57 =	vmov s31;
	s31 =	sshra.s32 s6, $0xE;
	v8 =	vsel vm5, s14, v8;
	v9 =	vsel vm11, s3, v9  }
0x6da: {  	s18 =	sshra.s32 s6, $0x1F;
	s11 =	sshrl.u32 s9, $0x1F;
	v4 =	vsel vm14, s17, v4;
	v10 =	vnsel vm8, $0x0, v57;
	s1 =	sadd.s32 s16, s1;
	v9 =	vsel vm2, s31, v9  }
0x6db: {  	s16 =	sshra.s32 s25, $0xE;
	s12 =	sshrl.u32 s24, $0x1F;
	v4 =	vperm.xlane v4, v1;
	v10 =	vsel vm2, s10, v10;
	s30 =	sshra.s32 s9, $0xE;
	v9 =	vsel vm12, s18, v9  }
0x6dc: {  	s28 =	smulhi.u32 $0x29F1868F, s2;
	s2 =	sshra.s32 s2, $0x1F;
	v59 =	vmov s16;
	v58 =	vmov s12;
	s31 =	sshra.s32 s9, $0x1F;
	v9 =	vsel vm3, s30, v9  }
0x6dd: {  	s17 =	sshrl.u32 s7, $0x1F;
	s2 =	smul.u32 $0x29F1868F, s2;
	s10 =	sshra.s32 s7, $0xE;
	v10 =	vsel vm3, s11, v10;
	v11 =	vsel vm2, s15, v58;
	v9 =	vsel vm15, s31, v9  }
0x6de: {  	s12 =	sshra.s32 s7, $0x1F;
	v10 =	vsel vm5, s17, v10;
	s9 =	sshrl.u32 s1, $0x1F;
	s17 =	sshra.s32 s24, $0xE;
	v11 =	vsel vm3, s19, v11;
	v9 =	vsel vm5, s10, v9  }
0x6df: {  	s0 =	sshrl.u32 s20, $0x1F;
	s11 =	sshrl.u32 s5, $0x1F;
	s15 =	sshra.s32 s1, $0xE;
	v10 =	vsel vm4, s9, v10;
	v60 =	vmov s17;
	v9 =	vsel vm9, s12, v9  }
0x6e0: {  	s2 =	sadd.s32 s2, s28;
	s1 =	sshra.s32 s1, $0x1F;
	s19 =	sshra.s32 s26, $0xE;
	v11 =	vsel vm5, s0, v11;
	v10 =	vsel vm1, s11, v10;
	v9 =	vsel vm4, s15, v9  }
0x6e1: {  	s14 =	sshrl.u32 s2, $0x1F;
	s18 =	sshra.s32 s23, $0xE;
	s23 =	sshra.s32 s5, $0xE;
	v12 =	vsel vm2, s19, v60;
	v8 =	vcombine.low v11, v8;
	v9 =	vsel vm0, s1, v9  }
0x6e2: {  	s25 =	sshra.s32 s21, $0xE;
	s24 =	sshra.s32 s22, $0xE;
	s26 =	sshra.s32 s5, $0x1F;
	v10 =	vsel vm6, s14, v10;
	v11 =	vsel vm2, s18, v59;
	v9 =	vsel vm1, s23, v9  }
0x6e3: {  	s28 =	sshra.s32 s29, $0xE;
	s29 =	sshra.s32 s20, $0xE;
	s30 =	sshra.s32 s2, $0xE;
	v12 =	vsel vm3, s25, v12;
	v11 =	vsel vm3, s24, v11;
	v9 =	vsel vm10, s26, v9  }
0x6e4: {  	s2 =	sshra.s32 s2, $0x1F;
	s31 =	sshrl.u32 s13, $0x1F;
	v12 =	vsel vm5, s29, v12;
	v11 =	vsel vm5, s28, v11;
	v9 =	vsel vm6, s30, v9  }
0x6e5: {  	s3 =	sshra.s32 s13, $0xE;
	v10 =	vsel vm14, s31, v10;
	v11 =	vcombine.low v12, v11;
	v9 =	vsel vm13, s2, v9  }
0x6e6: {  	v8 =	vperm.xlane v8, v0;
	v10 =	vperm.xlane v10, v1;
	v9 =	vsel vm14, s3, v9  }
0x6e7: {  	v11 =	vperm.xlane v11, v0;
	v9 =	vperm.xlane v9, v1  }
0x6e8: {  	v5 =	vsel vm7, v6, v5;
	v4 =	vsel vm7, v4, v7  }
0x6e9: {  	v4 =	vadd.s32 v5, v4;
	v61 =	vsel vm7, v10, v8;
	v62 =	vsel vm7, v9, v11  }
0x6ea: {  	v4 =	vmul.u32 $0x1869F, v4;
	v5 =	vadd.s32 v61, v62  }
0x6eb: {  	v5 =	vmul.u32 $0x1869F, v5  }
0x6ec: {  	v2 =	vsub.s32 v2, v4  }
0x6ed: {  	vm12 =	vlt.s32 v2, $0x0;
	v4 =	vadd.s32 $0x1869F, v2;
	v3 =	vsub.s32 v3, v5  }
0x6ee: {  	s4 =	sld [smem:$0x7FA];
	v2 =	vsel vm12, v4, v2;
	vm13 =	vlt.s32 v3, $0x0;
	v63 =	vadd.s32 $0x1869F, v3  }
0x6ef: {  	[tilespmem:$0x880] =	vst v2;
	v2 =	vsel vm13, v63, v3  }
0x6f0: {  	s6 =	rddreg [dreg:$0x1];
	s7 =	simm.s32 $0x20;
	s5 =	simm.s32 $0xCA80;
	[tilespmem:$0x890] =	vst v2  }
0x6f1: {  	[tilespmem:s5], [sflag:$0x1] =	stream.indirect.gather [hbm4b:s6+s7], $0x80, s4, s7, $0xb8;
	[tilespmem:$0x10A80] =	vst v63  }
0x6f2: {  	v2 =	vld [tilespmem:$0x1B0]  }
0x6f3: {  	v3 =	vld [tilespmem:$0x1AF];
	_ =	sdelay $0x4  }
0x6f4: {  	v2 =	vmul.u32 $0x8DD9, v2;
	v3 =	vmul.u32 $0x6A37, v3;
	_ =	sdelay $0x1  }
0x6f5: {  	v2 =	vxor.u32 v2, v3  }
0x6f6: {  	(v2sf) =	vpush v2, $0xD;
	_ =	sdelay $0x1  }
0x6f7: {  	(v2sf) =	vpush v2, $0xC;
	_ =	sdelay $0x1  }
0x6f8: {  	(v2sf) =	vpush v2, $0xE;
	_ =	sdelay $0x1  }
0x6f9: {  	(v2sf) =	vpush v2, $0xF;
	_ =	sdelay $0x1  }
0x6fa: {  	(v2sf) =	vpush v2, $0x9;
	_ =	sdelay $0x1  }
0x6fb: {  	(v2sf) =	vpush v2, $0x8;
	_ =	sdelay $0x1  }
0x6fc: {  	(v2sf) =	vpush v2, $0xA;
	_ =	sdelay $0x1  }
0x6fd: {  	(v2sf) =	vpush v2, $0xB  }
0x6fe: {  	s8 =	spop (v2sf)  }
0x6ff: {  	(v2sf) =	vpush v2, $0x0;
	s0 =	smulhi.u32 $0x29F1868F, s8;
	s1 =	sshra.s32 s8, $0x1F  }
0x700: {  	s9 =	spop (v2sf);
	s4 =	smul.u32 $0x29F1868F, s1  }
0x701: {  	(v2sf) =	vpush v2, $0x1;
	s1 =	smulhi.u32 $0x29F1868F, s9;
	s2 =	sshra.s32 s9, $0x1F  }
0x702: {  	s10 =	spop (v2sf);
	s19 =	smul.u32 $0x29F1868F, s2  }
0x703: {  	(v2sf) =	vpush v2, $0x2;
	s8 =	smulhi.u32 $0x29F1868F, s10;
	s2 =	sshra.s32 s10, $0x1F  }
0x704: {  	s11 =	spop (v2sf);
	(v2sf) =	vpush v2, $0x3;
	s6 =	smul.u32 $0x29F1868F, s2  }
0x705: {  	s9 =	smulhi.u32 $0x29F1868F, s11;
	s2 =	sshra.s32 s11, $0x1F  }
0x706: {  	v8 =	vld [tilespmem:$0x1BF];
	s12 =	spop (v2sf);
	s11 =	smul.u32 $0x29F1868F, s2  }
0x707: {  	v3 =	vld [tilespmem:$0x1C0];
	(v2sf) =	vpush v2, $0x4;
	s10 =	smulhi.u32 $0x29F1868F, s12;
	s2 =	sshra.s32 s12, $0x1F  }
0x708: {  	s13 =	spop (v2sf);
	s3 =	smul.u32 $0x29F1868F, s2  }
0x709: {  	(v2sf) =	vpush v2, $0x5;
	s12 =	smulhi.u32 $0x29F1868F, s13;
	s2 =	sshra.s32 s13, $0x1F  }
0x70a: {  	s14 =	spop (v2sf);
	s20 =	smul.u32 $0x29F1868F, s2  }
0x70b: {  	(v2sf) =	vpush v2, $0x6;
	s22 =	smulhi.u32 $0x29F1868F, s14;
	s2 =	sshra.s32 s14, $0x1F  }
0x70c: {  	v4 =	vmul.u32 $0x6A37, v8;
	v3 =	vmul.u32 $0x8DD9, v3;
	s0 =	sadd.s32 s4, s0;
	s15 =	spop (v2sf);
	s25 =	smul.u32 $0x29F1868F, s2  }
0x70d: {  	[smem:$0x7C2] =	sst s0;
	(v2sf) =	vpush v2, $0x7;
	s16 =	smulhi.u32 $0x29F1868F, s15;
	s2 =	sshra.s32 s15, $0x1F  }
0x70e: {  	v3 =	vxor.u32 v3, v4;
	s24 =	smul.u32 $0x29F1868F, s2;
	s17 =	spop (v2sf)  }
0x70f: {  	[smem:$0x7B4] =	sst s16;
	(v2sf) =	vpush v3, $0xD;
	s18 =	smulhi.u32 $0x29F1868F, s17;
	s2 =	sshra.s32 s17, $0x1F  }
0x710: {  	s21 =	spop (v2sf);
	s5 =	smul.u32 $0x29F1868F, s2  }
0x711: {  	s4 =	sld [smem:$0x7B4];
	(v2sf) =	vpush v3, $0xC;
	s23 =	smulhi.u32 $0x29F1868F, s21;
	s2 =	sshra.s32 s21, $0x1F  }
0x712: {  	s26 =	spop (v2sf);
	s7 =	smul.u32 $0x29F1868F, s2  }
0x713: {  	s28 =	smulhi.u32 $0x29F1868F, s26;
	s2 =	sshra.s32 s26, $0x1F;
	s29 =	spop (v2sf)  }
0x714: {  	(v2sf) =	vpush v3, $0xE;
	[smem:$0x7B6] =	sst s23;
	s23 =	smul.u32 $0x29F1868F, s2  }
0x715: {  	[smem:$0x7B5] =	sst s18;
	s30 =	smulhi.u32 $0x29F1868F, s29;
	s2 =	sshra.s32 s29, $0x1F  }
0x716: {  	s31 =	spop (v2sf);
	s18 =	smul.u32 $0x29F1868F, s2  }
0x717: {  	(v2sf) =	vpush v3, $0xF;
	[smem:$0x7B7] =	sst s28;
	s14 =	smulhi.u32 $0x29F1868F, s31;
	s2 =	sshra.s32 s31, $0x1F  }
0x718: {  	s15 =	spop (v2sf);
	s17 =	smul.u32 $0x29F1868F, s2  }
0x719: {  	(v2sf) =	vpush v3, $0x9;
	[smem:$0x7B8] =	sst s30;
	s16 =	smulhi.u32 $0x29F1868F, s15;
	s2 =	sshra.s32 s15, $0x1F  }
0x71a: {  	s21 =	spop (v2sf);
	s15 =	smul.u32 $0x29F1868F, s2  }
0x71b: {  	(v2sf) =	vpush v3, $0x8;
	[smem:$0x7B9] =	sst s14;
	s26 =	smulhi.u32 $0x29F1868F, s21;
	s2 =	sshra.s32 s21, $0x1F  }
0x71c: {  	s28 =	spop (v2sf);
	s14 =	smul.u32 $0x29F1868F, s2  }
0x71d: {  	(v2sf) =	vpush v3, $0xA;
	[smem:$0x7BA] =	sst s16;
	s29 =	smulhi.u32 $0x29F1868F, s28;
	s2 =	sshra.s32 s28, $0x1F  }
0x71e: {  	s13 =	smul.u32 $0x29F1868F, s2;
	s30 =	spop (v2sf)  }
0x71f: {  	[smem:$0x7BB] =	sst s26;
	s31 =	smulhi.u32 $0x29F1868F, s30;
	s2 =	sshra.s32 s30, $0x1F  }
0x720: {  	s21 =	spop (v2sf);
	s16 =	smul.u32 $0x29F1868F, s2  }
0x721: {  	(v2sf) =	vpush v3, $0xB;
	[smem:$0x7BC] =	sst s29;
	s26 =	smulhi.u32 $0x29F1868F, s21  }
0x722: {  	s2 =	sshra.s32 s21, $0x1F;
	s21 =	sadd.s32 s11, s9;
	s9 =	sld [smem:$0x7B6]  }
0x723: {  	s29 =	spop (v2sf);
	[smem:$0x7BD] =	sst s31  }
0x724: {  	s20 =	sadd.s32 s20, s12;
	s28 =	smul.u32 $0x29F1868F, s2;
	[smem:$0x7BE] =	sst s16  }
0x725: {  	(v2sf) =	vpush v3, $0x0;
	s31 =	smulhi.u32 $0x29F1868F, s29;
	s0 =	sshra.s32 s29, $0x1F;
	[smem:$0x7BF] =	sst s26  }
0x726: {  	s2 =	spop (v2sf);
	s26 =	sadd.s32 s6, s8;
	s6 =	sld [smem:$0x7B5]  }
0x727: {  	s16 =	sadd.s32 s3, s10;
	s29 =	smulhi.u32 $0x29F1868F, s2;
	s10 =	sld [smem:$0x7B7]  }
0x728: {  	s25 =	sadd.s32 s25, s22;
	s3 =	spop (v2sf);
	[smem:$0x7C0] =	sst s28  }
0x729: {  	s30 =	sadd.s32 s19, s1;
	[smem:$0x7C1] =	sst s31;
	s28 =	smul.u32 $0x29F1868F, s0  }
0x72a: {  	s0 =	sshra.s32 s2, $0x1F;
	s22 =	smulhi.u32 $0x29F1868F, s3;
	s8 =	spop (v2sf)  }
0x72b: {  	s2 =	sld [smem:$0x7B8];
	s19 =	smul.u32 $0x29F1868F, s0;
	s0 =	sshra.s32 s3, $0x1F  }
0x72c: {  	s7 =	sadd.s32 s7, s9;
	s31 =	spop (v2sf);
	s12 =	smul.u32 $0x29F1868F, s0  }
0x72d: {  	s0 =	sshra.s32 s8, $0x1F;
	s23 =	sadd.s32 s23, s10;
	s10 =	smulhi.u32 $0x29F1868F, s31  }
0x72e: {  	s9 =	smul.u32 $0x29F1868F, s0;
	s0 =	sshra.s32 s31, $0x1F;
	s31 =	sld [smem:$0x7BB]  }
0x72f: {  	(v2sf) =	vpush v3, $0x1;
	s11 =	smulhi.u32 $0x29F1868F, s8;
	s5 =	sadd.s32 s5, s6;
	s6 =	sld [smem:$0x7BA]  }
0x730: {  	s24 =	sadd.s32 s24, s4;
	s3 =	sld [smem:$0x7B9];
	s4 =	spop (v2sf)  }
0x731: {  	(v2sf) =	vpush v3, $0x2;
	s8 =	smul.u32 $0x29F1868F, s0;
	s14 =	sadd.s32 s14, s31;
	s31 =	sld [smem:$0x7BC]  }
0x732: {  	s0 =	sshra.s32 s4, $0x1F;
	s15 =	sadd.s32 s15, s6;
	s6 =	smulhi.u32 $0x29F1868F, s4  }
0x733: {  	s18 =	sadd.s32 s18, s2;
	s17 =	sadd.s32 s17, s3;
	s4 =	smul.u32 $0x29F1868F, s0  }
0x734: {  	s13 =	sadd.s32 s13, s31;
	s31 =	sld [smem:$0x7BE];
	s2 =	spop (v2sf)  }
0x735: {  	s3 =	smulhi.u32 $0x29F1868F, s2;
	s0 =	sshra.s32 s2, $0x1F;
	s2 =	sld [smem:$0x7BD]  }
0x736: {  	_ =	sdelay $0x1  }
0x737: {  	s1 =	sadd.s32 s31, s2;
	s31 =	sld [smem:$0x7C0]  }
0x738: {  	[smem:$0x7C3] =	sst s1  }
0x739: {  	s12 =	sadd.s32 s12, s22;
	s1 =	sld [smem:$0x7BF]  }
0x73a: {  	[smem:$0x7C6] =	sst s12;
	s9 =	sadd.s32 s9, s11  }
0x73b: {  	[smem:$0x7C7] =	sst s9  }
0x73c: {  	s29 =	sadd.s32 s19, s29;
	s1 =	sadd.s32 s31, s1;
	s31 =	sld [smem:$0x7C1]  }
0x73d: {  	s12 =	sshra.s32 s21, $0xE;
	s2 =	smul.u32 $0x29F1868F, s0;
	s0 =	spop (v2sf)  }
0x73e: {  	s11 =	sshra.s32 s13, $0x1F;
	[smem:$0x7C4] =	sst s1;
	s1 =	smulhi.u32 $0x29F1868F, s0  }
0x73f: {  	s0 =	sshra.s32 s0, $0x1F;
	s28 =	sadd.s32 s28, s31;
	s31 =	spop (v2sf)  }
0x740: {  	v9 =	vmov s11;
	s11 =	sshrl.u32 s7, $0x1F;
	[smem:$0x7C5] =	sst s28;
	s28 =	smul.u32 $0x29F1868F, s0  }
0x741: {  	(v2sf) =	vpush v3, $0x3;
	s3 =	sadd.s32 s2, s3;
	s19 =	smulhi.u32 $0x29F1868F, s31;
	s0 =	sshra.s32 s31, $0x1F  }
0x742: {  	s31 =	sadd.s32 s8, s10;
	s8 =	sadd.s32 s4, s6;
	s10 =	sld [smem:$0x7C2]  }
0x743: {  	(v2sf) =	vpush v3, $0x4;
	s4 =	sshra.s32 s16, $0xE;
	s22 =	smul.u32 $0x29F1868F, s0;
	[smem:$0x7C8] =	sst s31  }
0x744: {  	(v2sf) =	vpush v3, $0x5;
	[smem:$0x7C9] =	sst s8;
	s8 =	sshra.s32 s30, $0xE;
	s31 =	sshrl.u32 s25, $0x1F  }
0x745: {  	(v2sf) =	vpush v3, $0x6;
	s0 =	sshra.s32 s5, $0xE;
	s6 =	sadd.s32 s28, s1;
	s28 =	sshrl.u32 s26, $0x1F  }
0x746: {  	(v2sf) =	vpush v3, $0x7;
	s1 =	sshra.s32 s20, $0xE;
	v4 =	vsel vm8, s0, v9;
	s0 =	sshra.s32 s7, $0xE;
	s9 =	sadd.s32 s22, s19  }
0x747: {  	s19 =	sshrl.u32 s30, $0x1F;
	s22 =	sshra.s32 s26, $0xE;
	s26 =	sshrl.u32 s21, $0x1F  }
0x748: {  	vm9 =	vmmov vm4;
	vm4 =	vmmov vm14;
	s30 =	sshrl.u32 s16, $0x1F;
	s16 =	sshrl.u32 s20, $0x1F;
	s21 =	sshra.s32 s25, $0xE  }
0x749: {  	vm14 =	vmmov vm15;
	vm13 =	vcmask $0xF0C;
	v13 =	vmov s8;
	s25 =	sshrl.u32 s24, $0x1F;
	s20 =	sshra.s32 s24, $0xE;
	s24 =	sshrl.u32 s5, $0x1F  }
0x74a: {  	s2 =	sshrl.u32 s10, $0x1F;
	s10 =	sshra.s32 s10, $0xE;
	s5 =	sshra.s32 s5, $0x1F;
	v14 =	vmov s1;
	v10 =	vmov s19;
	v11 =	vmov s24  }
0x74b: {  	v4 =	vsel vm11, s5, v4;
	s24 =	sshra.s32 s7, $0x1F;
	s7 =	sshrl.u32 s23, $0x1F;
	s19 =	sshra.s32 s23, $0xE;
	v12 =	vmov s16;
	v8 =	vsel vm2, s10, v13  }
0x74c: {  	v9 =	vsel vm2, s4, v14;
	s10 =	sshrl.u32 s6, $0x1F;
	v4 =	vsel vm2, s0, v4;
	s0 =	sshra.s32 s23, $0x1F;
	v8 =	vsel vm3, s22, v8;
	s22 =	sld [smem:$0x7C5]  }
0x74d: {  	v5 =	vsel vm2, s2, v10;
	v6 =	vnsel vm8, $0x0, v11;
	s2 =	sshrl.u32 s18, $0x1F;
	s23 =	sshra.s32 s18, $0xE;
	v9 =	vsel vm3, s21, v9;
	s21 =	sld [smem:$0x7C8]  }
0x74e: {  	v7 =	vsel vm2, s30, v12;
	v6 =	vsel vm2, s11, v6;
	v4 =	vsel vm13, s24, v4;
	s11 =	sshra.s32 s18, $0x1F;
	s24 =	sshrl.u32 s17, $0x1F;
	s18 =	sshra.s32 s17, $0xE  }
0x74f: {  	v5 =	vsel vm3, s28, v5;
	s28 =	sshrl.u32 s15, $0x1F;
	v9 =	vsel vm5, s20, v9;
	s20 =	sld [smem:$0x7C9];
	v6 =	vsel vm3, s7, v6;
	s7 =	sshra.s32 s17, $0x1F  }
0x750: {  	v7 =	vsel vm3, s31, v7;
	v5 =	vsel vm5, s26, v5;
	v4 =	vsel vm3, s19, v4;
	s19 =	spop (v2sf);
	s26 =	sshrl.u32 s14, $0x1F;
	s17 =	sshra.s32 s13, $0xE  }
0x751: {  	v7 =	vsel vm5, s25, v7;
	s25 =	sld [smem:$0x7C4];
	v6 =	vsel vm5, s2, v6;
	v4 =	vsel vm15, s0, v4;
	s0 =	sshra.s32 s15, $0xE;
	s15 =	sshra.s32 s15, $0x1F  }
0x752: {  	s16 =	spop (v2sf);
	vm15 =	vcmask $0x1F1C;
	s4 =	sshrl.u32 s22, $0x1F;
	v6 =	vsel vm9, s24, v6;
	v4 =	vsel vm5, s23, v4;
	s24 =	sshra.s32 s14, $0xE  }
0x753: {  	s5 =	spop (v2sf);
	s23 =	sld [smem:$0x7C3];
	v4 =	vsel vm15, s11, v4;
	s11 =	sshra.s32 s14, $0x1F  }
0x754: {  	v6 =	vsel vm1, s28, v6;
	s28 =	sshrl.u32 s13, $0x1F;
	s2 =	spop (v2sf);
	s8 =	smulhi.u32 $0x29F1868F, s5  }
0x755: {  	v8 =	vsel vm5, s12, v8;
	s14 =	sshrl.u32 s29, $0x1F;
	v4 =	vsel vm9, s18, v4;
	s18 =	smulhi.u32 $0x29F1868F, s19;
	s30 =	spop (v2sf)  }
0x756: {  	vm12 =	vmmov vm11;
	v15 =	vcombine.low v9, v8;
	s5 =	sshra.s32 s5, $0x1F;
	v6 =	vsel vm6, s26, v6;
	s31 =	smulhi.u32 $0x29F1868F, s30;
	s13 =	sshra.s32 s30, $0x1F  }
0x757: {  	vm10 =	vmmov vm0;
	v5 =	vcombine.low v7, v5;
	s19 =	sshra.s32 s19, $0x1F;
	s26 =	sld [smem:$0x7C6];
	v6 =	vsel vm4, s28, v6;
	s28 =	smul.u32 $0x29F1868F, s13  }
0x758: {  	vm11 =	vcmask $0x2F2C;
	v7 =	vperm.xlane v15, v0;
	s5 =	smul.u32 $0x29F1868F, s5;
	v4 =	vsel vm0, s7, v4;
	s1 =	sshrl.u32 s23, $0x1F;
	s30 =	sshrl.u32 s25, $0x1F  }
0x759: {  	v5 =	vperm.xlane v5, v0;
	s7 =	smul.u32 $0x29F1868F, s19;
	s19 =	sshrl.u32 s21, $0x1F;
	vm0 =	vcmask $0x3734;
	v4 =	vsel vm1, s0, v4;
	s13 =	sadd.s32 s28, s31  }
0x75a: {  	v16 =	vmov s30;
	s30 =	sshra.s32 s3, $0xE;
	v6 =	vperm.xlane v6, v1;
	s5 =	sadd.s32 s5, s8;
	v4 =	vsel vm11, s15, v4;
	s28 =	sshra.s32 s13, $0x1F  }
0x75b: {  	v8 =	vsel vm2, s1, v16;
	s1 =	smulhi.u32 $0x29F1868F, s16;
	s16 =	sshra.s32 s16, $0x1F;
	v4 =	vsel vm6, s24, v4;
	s24 =	sld [smem:$0x7C7];
	v17 =	vmov s28  }
0x75c: {  	s31 =	sshrl.u32 s3, $0x1F;
	s16 =	smul.u32 $0x29F1868F, s16;
	s3 =	sshra.s32 s3, $0x1F;
	v8 =	vsel vm3, s4, v8;
	v4 =	vsel vm0, s11, v4;
	v9 =	vsel vm8, s30, v17  }
0x75d: {  	s15 =	sshrl.u32 s26, $0x1F;
	s7 =	sadd.s32 s7, s18;
	v18 =	vmov s31;
	s31 =	sshra.s32 s6, $0xE;
	v8 =	vsel vm5, s14, v8;
	v9 =	vsel vm12, s3, v9  }
0x75e: {  	s18 =	sshra.s32 s6, $0x1F;
	s11 =	sshrl.u32 s9, $0x1F;
	v4 =	vsel vm4, s17, v4;
	v10 =	vnsel vm8, $0x0, v18;
	s1 =	sadd.s32 s16, s1;
	v9 =	vsel vm2, s31, v9  }
0x75f: {  	s16 =	sshra.s32 s25, $0xE;
	s12 =	sshrl.u32 s24, $0x1F;
	v4 =	vperm.xlane v4, v1;
	v10 =	vsel vm2, s10, v10;
	s30 =	sshra.s32 s9, $0xE;
	v9 =	vsel vm13, s18, v9  }
0x760: {  	s28 =	smulhi.u32 $0x29F1868F, s2;
	s2 =	sshra.s32 s2, $0x1F;
	v20 =	vmov s16;
	v19 =	vmov s12;
	s31 =	sshra.s32 s9, $0x1F;
	v9 =	vsel vm3, s30, v9  }
0x761: {  	s17 =	sshrl.u32 s7, $0x1F;
	s2 =	smul.u32 $0x29F1868F, s2;
	s10 =	sshra.s32 s7, $0xE;
	v10 =	vsel vm3, s11, v10;
	v11 =	vsel vm2, s15, v19;
	v9 =	vsel vm14, s31, v9  }
0x762: {  	s12 =	sshra.s32 s7, $0x1F;
	v10 =	vsel vm5, s17, v10;
	s9 =	sshrl.u32 s1, $0x1F;
	s17 =	sshra.s32 s24, $0xE;
	v11 =	vsel vm3, s19, v11;
	v9 =	vsel vm5, s10, v9  }
0x763: {  	s0 =	sshrl.u32 s20, $0x1F;
	s11 =	sshrl.u32 s5, $0x1F;
	s15 =	sshra.s32 s1, $0xE;
	v10 =	vsel vm9, s9, v10;
	v21 =	vmov s17;
	v9 =	vsel vm15, s12, v9  }
0x764: {  	s2 =	sadd.s32 s2, s28;
	s1 =	sshra.s32 s1, $0x1F;
	s19 =	sshra.s32 s26, $0xE;
	v11 =	vsel vm5, s0, v11;
	v10 =	vsel vm1, s11, v10;
	v9 =	vsel vm9, s15, v9  }
0x765: {  	s14 =	sshrl.u32 s2, $0x1F;
	s18 =	sshra.s32 s23, $0xE;
	s23 =	sshra.s32 s5, $0xE;
	v12 =	vsel vm2, s19, v21;
	v8 =	vcombine.low v11, v8;
	v9 =	vsel vm10, s1, v9  }
0x766: {  	s25 =	sshra.s32 s21, $0xE;
	s24 =	sshra.s32 s22, $0xE;
	s26 =	sshra.s32 s5, $0x1F;
	v10 =	vsel vm6, s14, v10;
	v11 =	vsel vm2, s18, v20;
	v9 =	vsel vm1, s23, v9  }
0x767: {  	s28 =	sshra.s32 s29, $0xE;
	s29 =	sshra.s32 s20, $0xE;
	s30 =	sshra.s32 s2, $0xE;
	v12 =	vsel vm3, s25, v12;
	v11 =	vsel vm3, s24, v11;
	v9 =	vsel vm11, s26, v9  }
0x768: {  	s2 =	sshra.s32 s2, $0x1F;
	s31 =	sshrl.u32 s13, $0x1F;
	v12 =	vsel vm5, s29, v12;
	v11 =	vsel vm5, s28, v11;
	v9 =	vsel vm6, s30, v9  }
0x769: {  	s3 =	sshra.s32 s13, $0xE;
	v10 =	vsel vm4, s31, v10;
	v11 =	vcombine.low v12, v11;
	v9 =	vsel vm0, s2, v9  }
0x76a: {  	v8 =	vperm.xlane v8, v0;
	v10 =	vperm.xlane v10, v1;
	v9 =	vsel vm4, s3, v9  }
0x76b: {  	v11 =	vperm.xlane v11, v0;
	v9 =	vperm.xlane v9, v1  }
0x76c: {  	v5 =	vsel vm7, v6, v5;
	v4 =	vsel vm7, v4, v7  }
0x76d: {  	v4 =	vadd.s32 v5, v4;
	v22 =	vsel vm7, v10, v8;
	v23 =	vsel vm7, v9, v11  }
0x76e: {  	v4 =	vmul.u32 $0x1869F, v4;
	v5 =	vadd.s32 v22, v23  }
0x76f: {  	v5 =	vmul.u32 $0x1869F, v5  }
0x770: {  	v2 =	vsub.s32 v2, v4  }
0x771: {  	v4 =	vadd.s32 $0x1869F, v2;
	vm10 =	vlt.s32 v2, $0x0;
	v3 =	vsub.s32 v3, v5  }
0x772: {  	s4 =	sld [smem:$0x7FB];
	v2 =	vsel vm10, v4, v2;
	vm10 =	vlt.s32 v3, $0x0;
	v24 =	vadd.s32 $0x1869F, v3  }
0x773: {  	[tilespmem:$0x900] =	vst v2;
	v2 =	vsel vm10, v24, v3  }
0x774: {  	s6 =	rddreg [dreg:$0x1];
	s7 =	simm.s32 $0x20;
	s5 =	simm.s32 $0xDA80;
	[tilespmem:$0x910] =	vst v2  }
0x775: {  	[tilespmem:s5], [sflag:$0x1] =	stream.indirect.gather [hbm4b:s6+s7], $0x80, s4, s7, $0xb8;
	[tilespmem:$0x10A80] =	vst v63  }
0x776: {  	v2 =	vld [tilespmem:$0x1D0]  }
0x777: {  	v3 =	vld [tilespmem:$0x1CF];
	_ =	sdelay $0x4  }
0x778: {  	v2 =	vmul.u32 $0x8DD9, v2;
	v3 =	vmul.u32 $0x6A37, v3;
	_ =	sdelay $0x1  }
0x779: {  	v2 =	vxor.u32 v2, v3  }
0x77a: {  	(v2sf) =	vpush v2, $0xD;
	_ =	sdelay $0x1  }
0x77b: {  	(v2sf) =	vpush v2, $0xC;
	_ =	sdelay $0x1  }
0x77c: {  	(v2sf) =	vpush v2, $0xE;
	_ =	sdelay $0x1  }
0x77d: {  	(v2sf) =	vpush v2, $0xF;
	_ =	sdelay $0x1  }
0x77e: {  	(v2sf) =	vpush v2, $0x9;
	_ =	sdelay $0x1  }
0x77f: {  	(v2sf) =	vpush v2, $0x8;
	_ =	sdelay $0x1  }
0x780: {  	(v2sf) =	vpush v2, $0xA;
	_ =	sdelay $0x1  }
0x781: {  	(v2sf) =	vpush v2, $0xB  }
0x782: {  	s8 =	spop (v2sf)  }
0x783: {  	(v2sf) =	vpush v2, $0x0;
	s0 =	smulhi.u32 $0x29F1868F, s8;
	s1 =	sshra.s32 s8, $0x1F  }
0x784: {  	s9 =	spop (v2sf);
	s4 =	smul.u32 $0x29F1868F, s1  }
0x785: {  	(v2sf) =	vpush v2, $0x1;
	s1 =	smulhi.u32 $0x29F1868F, s9;
	s2 =	sshra.s32 s9, $0x1F  }
0x786: {  	s10 =	spop (v2sf);
	s19 =	smul.u32 $0x29F1868F, s2  }
0x787: {  	(v2sf) =	vpush v2, $0x2;
	s8 =	smulhi.u32 $0x29F1868F, s10;
	s2 =	sshra.s32 s10, $0x1F  }
0x788: {  	s11 =	spop (v2sf);
	(v2sf) =	vpush v2, $0x3;
	s6 =	smul.u32 $0x29F1868F, s2  }
0x789: {  	s9 =	smulhi.u32 $0x29F1868F, s11;
	s2 =	sshra.s32 s11, $0x1F  }
0x78a: {  	v25 =	vld [tilespmem:$0x1DF];
	s12 =	spop (v2sf);
	s11 =	smul.u32 $0x29F1868F, s2  }
0x78b: {  	v3 =	vld [tilespmem:$0x1E0];
	(v2sf) =	vpush v2, $0x4;
	s10 =	smulhi.u32 $0x29F1868F, s12;
	s2 =	sshra.s32 s12, $0x1F  }
0x78c: {  	s13 =	spop (v2sf);
	s3 =	smul.u32 $0x29F1868F, s2  }
0x78d: {  	(v2sf) =	vpush v2, $0x5;
	s12 =	smulhi.u32 $0x29F1868F, s13;
	s2 =	sshra.s32 s13, $0x1F  }
0x78e: {  	s14 =	spop (v2sf);
	s20 =	smul.u32 $0x29F1868F, s2  }
0x78f: {  	(v2sf) =	vpush v2, $0x6;
	s22 =	smulhi.u32 $0x29F1868F, s14;
	s2 =	sshra.s32 s14, $0x1F  }
0x790: {  	v4 =	vmul.u32 $0x6A37, v25;
	v3 =	vmul.u32 $0x8DD9, v3;
	s0 =	sadd.s32 s4, s0;
	s15 =	spop (v2sf);
	s25 =	smul.u32 $0x29F1868F, s2  }
0x791: {  	[smem:$0x7D8] =	sst s0;
	(v2sf) =	vpush v2, $0x7;
	s16 =	smulhi.u32 $0x29F1868F, s15;
	s2 =	sshra.s32 s15, $0x1F  }
0x792: {  	v3 =	vxor.u32 v3, v4;
	s24 =	smul.u32 $0x29F1868F, s2;
	s17 =	spop (v2sf)  }
0x793: {  	[smem:$0x7CA] =	sst s16;
	(v2sf) =	vpush v3, $0xD;
	s18 =	smulhi.u32 $0x29F1868F, s17;
	s2 =	sshra.s32 s17, $0x1F  }
0x794: {  	s21 =	spop (v2sf);
	s5 =	smul.u32 $0x29F1868F, s2  }
0x795: {  	s4 =	sld [smem:$0x7CA];
	(v2sf) =	vpush v3, $0xC;
	s23 =	smulhi.u32 $0x29F1868F, s21;
	s2 =	sshra.s32 s21, $0x1F  }
0x796: {  	s26 =	spop (v2sf);
	s7 =	smul.u32 $0x29F1868F, s2  }
0x797: {  	s28 =	smulhi.u32 $0x29F1868F, s26;
	s2 =	sshra.s32 s26, $0x1F;
	s29 =	spop (v2sf)  }
0x798: {  	(v2sf) =	vpush v3, $0xE;
	[smem:$0x7CC] =	sst s23;
	s23 =	smul.u32 $0x29F1868F, s2  }
0x799: {  	[smem:$0x7CB] =	sst s18;
	s30 =	smulhi.u32 $0x29F1868F, s29;
	s2 =	sshra.s32 s29, $0x1F  }
0x79a: {  	s31 =	spop (v2sf);
	s18 =	smul.u32 $0x29F1868F, s2  }
0x79b: {  	(v2sf) =	vpush v3, $0xF;
	[smem:$0x7CD] =	sst s28;
	s14 =	smulhi.u32 $0x29F1868F, s31;
	s2 =	sshra.s32 s31, $0x1F  }
0x79c: {  	s15 =	spop (v2sf);
	s17 =	smul.u32 $0x29F1868F, s2  }
0x79d: {  	(v2sf) =	vpush v3, $0x9;
	[smem:$0x7CE] =	sst s30;
	s16 =	smulhi.u32 $0x29F1868F, s15;
	s2 =	sshra.s32 s15, $0x1F  }
0x79e: {  	s21 =	spop (v2sf);
	s15 =	smul.u32 $0x29F1868F, s2  }
0x79f: {  	(v2sf) =	vpush v3, $0x8;
	[smem:$0x7CF] =	sst s14;
	s26 =	smulhi.u32 $0x29F1868F, s21;
	s2 =	sshra.s32 s21, $0x1F  }
0x7a0: {  	s28 =	spop (v2sf);
	s14 =	smul.u32 $0x29F1868F, s2  }
0x7a1: {  	(v2sf) =	vpush v3, $0xA;
	[smem:$0x7D0] =	sst s16;
	s29 =	smulhi.u32 $0x29F1868F, s28;
	s2 =	sshra.s32 s28, $0x1F  }
0x7a2: {  	s13 =	smul.u32 $0x29F1868F, s2;
	s30 =	spop (v2sf)  }
0x7a3: {  	[smem:$0x7D1] =	sst s26;
	s31 =	smulhi.u32 $0x29F1868F, s30;
	s2 =	sshra.s32 s30, $0x1F  }
0x7a4: {  	s21 =	spop (v2sf);
	s16 =	smul.u32 $0x29F1868F, s2  }
0x7a5: {  	(v2sf) =	vpush v3, $0xB;
	[smem:$0x7D2] =	sst s29;
	s26 =	smulhi.u32 $0x29F1868F, s21  }
0x7a6: {  	s2 =	sshra.s32 s21, $0x1F;
	s21 =	sadd.s32 s11, s9;
	s9 =	sld [smem:$0x7CC]  }
0x7a7: {  	s29 =	spop (v2sf);
	[smem:$0x7D3] =	sst s31  }
0x7a8: {  	s20 =	sadd.s32 s20, s12;
	s28 =	smul.u32 $0x29F1868F, s2;
	[smem:$0x7D4] =	sst s16  }
0x7a9: {  	(v2sf) =	vpush v3, $0x0;
	s31 =	smulhi.u32 $0x29F1868F, s29;
	s0 =	sshra.s32 s29, $0x1F;
	[smem:$0x7D5] =	sst s26  }
0x7aa: {  	s2 =	spop (v2sf);
	s26 =	sadd.s32 s6, s8;
	s6 =	sld [smem:$0x7CB]  }
0x7ab: {  	s16 =	sadd.s32 s3, s10;
	s29 =	smulhi.u32 $0x29F1868F, s2;
	s10 =	sld [smem:$0x7CD]  }
0x7ac: {  	s25 =	sadd.s32 s25, s22;
	s3 =	spop (v2sf);
	[smem:$0x7D6] =	sst s28  }
0x7ad: {  	s30 =	sadd.s32 s19, s1;
	[smem:$0x7D7] =	sst s31;
	s28 =	smul.u32 $0x29F1868F, s0  }
0x7ae: {  	s0 =	sshra.s32 s2, $0x1F;
	s22 =	smulhi.u32 $0x29F1868F, s3;
	s8 =	spop (v2sf)  }
0x7af: {  	s2 =	sld [smem:$0x7CE];
	s19 =	smul.u32 $0x29F1868F, s0;
	s0 =	sshra.s32 s3, $0x1F  }
0x7b0: {  	s7 =	sadd.s32 s7, s9;
	s31 =	spop (v2sf);
	s12 =	smul.u32 $0x29F1868F, s0  }
0x7b1: {  	s0 =	sshra.s32 s8, $0x1F;
	s23 =	sadd.s32 s23, s10;
	s10 =	smulhi.u32 $0x29F1868F, s31  }
0x7b2: {  	s9 =	smul.u32 $0x29F1868F, s0;
	s0 =	sshra.s32 s31, $0x1F;
	s31 =	sld [smem:$0x7D1]  }
0x7b3: {  	(v2sf) =	vpush v3, $0x1;
	s11 =	smulhi.u32 $0x29F1868F, s8;
	s5 =	sadd.s32 s5, s6;
	s6 =	sld [smem:$0x7D0]  }
0x7b4: {  	s24 =	sadd.s32 s24, s4;
	s3 =	sld [smem:$0x7CF];
	s4 =	spop (v2sf)  }
0x7b5: {  	(v2sf) =	vpush v3, $0x2;
	s8 =	smul.u32 $0x29F1868F, s0;
	s14 =	sadd.s32 s14, s31;
	s31 =	sld [smem:$0x7D2]  }
0x7b6: {  	s0 =	sshra.s32 s4, $0x1F;
	s15 =	sadd.s32 s15, s6;
	s6 =	smulhi.u32 $0x29F1868F, s4  }
0x7b7: {  	s18 =	sadd.s32 s18, s2;
	s17 =	sadd.s32 s17, s3;
	s4 =	smul.u32 $0x29F1868F, s0  }
0x7b8: {  	s13 =	sadd.s32 s13, s31;
	s31 =	sld [smem:$0x7D4];
	s2 =	spop (v2sf)  }
0x7b9: {  	s3 =	smulhi.u32 $0x29F1868F, s2;
	s0 =	sshra.s32 s2, $0x1F;
	s2 =	sld [smem:$0x7D3]  }
0x7ba: {  	_ =	sdelay $0x1  }
0x7bb: {  	s1 =	sadd.s32 s31, s2;
	s31 =	sld [smem:$0x7D6]  }
0x7bc: {  	[smem:$0x7D9] =	sst s1  }
0x7bd: {  	s12 =	sadd.s32 s12, s22;
	s1 =	sld [smem:$0x7D5]  }
0x7be: {  	[smem:$0x7DC] =	sst s12;
	s9 =	sadd.s32 s9, s11  }
0x7bf: {  	[smem:$0x7DD] =	sst s9  }
0x7c0: {  	s29 =	sadd.s32 s19, s29;
	s1 =	sadd.s32 s31, s1;
	s31 =	sld [smem:$0x7D7]  }
0x7c1: {  	s12 =	sshra.s32 s21, $0xE;
	s2 =	smul.u32 $0x29F1868F, s0;
	s0 =	spop (v2sf)  }
0x7c2: {  	s11 =	sshra.s32 s13, $0x1F;
	[smem:$0x7DA] =	sst s1;
	s1 =	smulhi.u32 $0x29F1868F, s0  }
0x7c3: {  	s0 =	sshra.s32 s0, $0x1F;
	s28 =	sadd.s32 s28, s31;
	s31 =	spop (v2sf)  }
0x7c4: {  	v26 =	vmov s11;
	s11 =	sshrl.u32 s7, $0x1F;
	[smem:$0x7DB] =	sst s28;
	s28 =	smul.u32 $0x29F1868F, s0  }
0x7c5: {  	(v2sf) =	vpush v3, $0x3;
	s3 =	sadd.s32 s2, s3;
	s19 =	smulhi.u32 $0x29F1868F, s31;
	s0 =	sshra.s32 s31, $0x1F  }
0x7c6: {  	(v2sf) =	vpush v3, $0x4;
	s31 =	sadd.s32 s8, s10;
	s8 =	sadd.s32 s4, s6;
	s10 =	sld [smem:$0x7D8]  }
0x7c7: {  	(v2sf) =	vpush v3, $0x5;
	s4 =	sshra.s32 s16, $0xE;
	s22 =	smul.u32 $0x29F1868F, s0;
	[smem:$0x7DE] =	sst s31  }
0x7c8: {  	[smem:$0x7DF] =	sst s8;
	s8 =	sshra.s32 s30, $0xE;
	s31 =	sshrl.u32 s25, $0x1F  }
0x7c9: {  	(v2sf) =	vpush v3, $0x6;
	s0 =	sshra.s32 s5, $0xE;
	s6 =	sadd.s32 s28, s1;
	s28 =	sshrl.u32 s26, $0x1F  }
0x7ca: {  	(v2sf) =	vpush v3, $0x7;
	s1 =	sshra.s32 s20, $0xE;
	v4 =	vsel vm8, s0, v26;
	s0 =	sshra.s32 s7, $0xE;
	s9 =	sadd.s32 s22, s19  }
0x7cb: {  	s19 =	sshrl.u32 s30, $0x1F;
	s22 =	sshra.s32 s26, $0xE;
	s26 =	sshrl.u32 s21, $0x1F  }
0x7cc: {  	s30 =	sshrl.u32 s16, $0x1F;
	s16 =	sshrl.u32 s20, $0x1F;
	s21 =	sshra.s32 s25, $0xE  }
0x7cd: {  	v30 =	vmov s8;
	s25 =	sshrl.u32 s24, $0x1F;
	s20 =	sshra.s32 s24, $0xE;
	s24 =	sshrl.u32 s5, $0x1F  }
0x7ce: {  	s2 =	sshrl.u32 s10, $0x1F;
	s10 =	sshra.s32 s10, $0xE;
	s5 =	sshra.s32 s5, $0x1F;
	v31 =	vmov s1;
	v27 =	vmov s19;
	v28 =	vmov s24  }
0x7cf: {  	v4 =	vsel vm12, s5, v4;
	s24 =	sshra.s32 s7, $0x1F;
	s7 =	sshrl.u32 s23, $0x1F;
	s19 =	sshra.s32 s23, $0xE;
	v29 =	vmov s16;
	v8 =	vsel vm2, s10, v30  }
0x7d0: {  	v9 =	vsel vm2, s4, v31;
	s10 =	sshrl.u32 s6, $0x1F;
	v4 =	vsel vm2, s0, v4;
	s0 =	sshra.s32 s23, $0x1F;
	v8 =	vsel vm3, s22, v8;
	s22 =	sld [smem:$0x7DB]  }
0x7d1: {  	v5 =	vsel vm2, s2, v27;
	v6 =	vnsel vm8, $0x0, v28;
	s2 =	sshrl.u32 s18, $0x1F;
	s23 =	sshra.s32 s18, $0xE;
	v9 =	vsel vm3, s21, v9;
	s21 =	sld [smem:$0x7DE]  }
0x7d2: {  	v7 =	vsel vm2, s30, v29;
	v6 =	vsel vm2, s11, v6;
	v4 =	vsel vm13, s24, v4;
	s11 =	sshra.s32 s18, $0x1F;
	s24 =	sshrl.u32 s17, $0x1F;
	s18 =	sshra.s32 s17, $0xE  }
0x7d3: {  	v5 =	vsel vm3, s28, v5;
	s28 =	sshrl.u32 s15, $0x1F;
	v9 =	vsel vm5, s20, v9;
	s20 =	sld [smem:$0x7DF];
	v6 =	vsel vm3, s7, v6;
	s7 =	sshra.s32 s17, $0x1F  }
0x7d4: {  	v7 =	vsel vm3, s31, v7;
	v5 =	vsel vm5, s26, v5;
	v4 =	vsel vm3, s19, v4;
	s19 =	spop (v2sf);
	s26 =	sshrl.u32 s14, $0x1F;
	s17 =	sshra.s32 s13, $0xE  }
0x7d5: {  	vm11 =	vmmov vm13;
	v7 =	vsel vm5, s25, v7;
	s25 =	sld [smem:$0x7DA];
	v4 =	vsel vm14, s0, v4;
	s0 =	sshra.s32 s15, $0xE;
	s16 =	spop (v2sf)  }
0x7d6: {  	vm0 =	vmmov vm12;
	v6 =	vsel vm5, s2, v6;
	s15 =	sshra.s32 s15, $0x1F;
	s4 =	sshrl.u32 s22, $0x1F;
	v4 =	vsel vm5, s23, v4;
	s5 =	spop (v2sf)  }
0x7d7: {  	vm10 =	vcmask $0x2724;
	v6 =	vsel vm9, s24, v6;
	s23 =	sld [smem:$0x7D9];
	s1 =	smulhi.u32 $0x29F1868F, s16;
	s16 =	sshra.s32 s16, $0x1F;
	v4 =	vsel vm15, s11, v4  }
0x7d8: {  	vm12 =	vmmov vm14;
	s24 =	sshra.s32 s14, $0xE;
	v6 =	vsel vm1, s28, v6;
	s2 =	spop (v2sf);
	s16 =	smul.u32 $0x29F1868F, s16;
	v4 =	vsel vm9, s18, v4  }
0x7d9: {  	vm14 =	vmmov vm4;
	s28 =	sshrl.u32 s13, $0x1F;
	s8 =	smulhi.u32 $0x29F1868F, s5;
	v6 =	vsel vm6, s26, v6;
	s30 =	spop (v2sf);
	v4 =	vsel vm10, s7, v4  }
0x7da: {  	s11 =	sshra.s32 s14, $0x1F;
	v6 =	vsel vm4, s28, v6;
	s31 =	smulhi.u32 $0x29F1868F, s30;
	s13 =	sshra.s32 s30, $0x1F;
	vm4 =	vcmask $0x2F2C;
	v4 =	vsel vm1, s0, v4  }
0x7db: {  	vm13 =	vmmov vm15;
	v8 =	vsel vm5, s12, v8;
	s14 =	sshrl.u32 s29, $0x1F;
	s5 =	sshra.s32 s5, $0x1F;
	s13 =	smul.u32 $0x29F1868F, s13;
	v4 =	vsel vm4, s15, v4  }
0x7dc: {  	v5 =	vcombine.low v7, v5;
	vm15 =	vcmask $0x3734;
	s18 =	smulhi.u32 $0x29F1868F, s19;
	s19 =	sshra.s32 s19, $0x1F;
	s26 =	sld [smem:$0x7DC];
	v4 =	vsel vm6, s24, v4  }
0x7dd: {  	v32 =	vcombine.low v9, v8;
	s30 =	sshrl.u32 s25, $0x1F;
	s7 =	smul.u32 $0x29F1868F, s19;
	s13 =	sadd.s32 s13, s31;
	v4 =	vsel vm15, s11, v4  }
0x7de: {  	v5 =	vperm.xlane v5, v0;
	s5 =	smul.u32 $0x29F1868F, s5;
	s28 =	sshrl.u32 s23, $0x1F;
	v33 =	vmov s30;
	v4 =	vsel vm14, s17, v4;
	s17 =	sshra.s32 s13, $0x1F  }
0x7df: {  	s19 =	sshrl.u32 s21, $0x1F;
	v6 =	vperm.xlane v6, v1;
	s7 =	sadd.s32 s7, s18;
	v8 =	vsel vm2, s28, v33;
	s18 =	sshra.s32 s3, $0xE;
	v34 =	vmov s17  }
0x7e0: {  	v7 =	vperm.xlane v32, v0;
	s24 =	sld [smem:$0x7DD];
	s31 =	sshrl.u32 s3, $0x1F;
	s3 =	sshra.s32 s3, $0x1F;
	v8 =	vsel vm3, s4, v8;
	v9 =	vsel vm8, s18, v34  }
0x7e1: {  	s1 =	sadd.s32 s16, s1;
	s30 =	sshra.s32 s6, $0xE;
	s6 =	sshra.s32 s6, $0x1F;
	v5 =	vsel vm7, v6, v5;
	v35 =	vmov s31;
	v9 =	vsel vm0, s3, v9  }
0x7e2: {  	s5 =	sadd.s32 s5, s8;
	s15 =	sshrl.u32 s26, $0x1F;
	v8 =	vsel vm5, s14, v8;
	s11 =	sshra.s32 s25, $0xE;
	v10 =	vnsel vm8, $0x0, v35;
	v9 =	vsel vm2, s30, v9  }
0x7e3: {  	s28 =	sshrl.u32 s9, $0x1F;
	v37 =	vmov s11;
	s12 =	sshrl.u32 s24, $0x1F;
	v4 =	vperm.xlane v4, v1;
	s17 =	sshra.s32 s9, $0xE;
	v9 =	vsel vm11, s6, v9  }
0x7e4: {  	s31 =	sshrl.u32 s7, $0x1F;
	s14 =	smulhi.u32 $0x29F1868F, s2;
	v10 =	vsel vm2, s10, v10;
	v36 =	vmov s12;
	s18 =	sshra.s32 s9, $0x1F;
	v9 =	vsel vm3, s17, v9  }
0x7e5: {  	s2 =	sshra.s32 s2, $0x1F;
	v10 =	vsel vm3, s28, v10;
	s12 =	sshra.s32 s24, $0xE;
	v11 =	vsel vm2, s15, v36;
	s30 =	sshra.s32 s7, $0xE;
	v9 =	vsel vm12, s18, v9  }
0x7e6: {  	s8 =	sshra.s32 s7, $0x1F;
	s2 =	smul.u32 $0x29F1868F, s2;
	s28 =	sshrl.u32 s1, $0x1F;
	v10 =	vsel vm5, s31, v10;
	v38 =	vmov s12;
	v9 =	vsel vm5, s30, v9  }
0x7e7: {  	s0 =	sshrl.u32 s20, $0x1F;
	s10 =	sshra.s32 s1, $0xE;
	s15 =	sshra.s32 s26, $0xE;
	v11 =	vsel vm3, s19, v11;
	v10 =	vsel vm9, s28, v10;
	v9 =	vsel vm13, s8, v9  }
0x7e8: {  	s2 =	sadd.s32 s2, s14;
	s1 =	sshra.s32 s1, $0x1F;
	s31 =	sshrl.u32 s5, $0x1F;
	v12 =	vsel vm2, s15, v38;
	v11 =	vsel vm5, s0, v11;
	v9 =	vsel vm9, s10, v9  }
0x7e9: {  	s16 =	sshra.s32 s5, $0xE;
	s14 =	sshra.s32 s23, $0xE;
	s9 =	sshrl.u32 s2, $0x1F;
	v10 =	vsel vm1, s31, v10;
	v8 =	vcombine.low v11, v8;
	v9 =	vsel vm10, s1, v9  }
0x7ea: {  	s19 =	sshra.s32 s5, $0x1F;
	v10 =	vsel vm6, s9, v10;
	v11 =	vsel vm2, s14, v37;
	s17 =	sshra.s32 s22, $0xE;
	s18 =	sshra.s32 s21, $0xE;
	v9 =	vsel vm1, s16, v9  }
0x7eb: {  	s23 =	sshra.s32 s2, $0xE;
	s22 =	sshra.s32 s20, $0xE;
	v11 =	vsel vm3, s17, v11;
	s21 =	sshra.s32 s29, $0xE;
	v12 =	vsel vm3, s18, v12;
	v9 =	vsel vm4, s19, v9  }
0x7ec: {  	s24 =	sshrl.u32 s13, $0x1F;
	s25 =	sshra.s32 s2, $0x1F;
	v11 =	vsel vm5, s21, v11;
	v12 =	vsel vm5, s22, v12;
	v9 =	vsel vm6, s23, v9  }
0x7ed: {  	s26 =	sshra.s32 s13, $0xE;
	v10 =	vsel vm14, s24, v10;
	v11 =	vcombine.low v12, v11;
	v9 =	vsel vm15, s25, v9  }
0x7ee: {  	v8 =	vperm.xlane v8, v0;
	v10 =	vperm.xlane v10, v1;
	v9 =	vsel vm14, s26, v9  }
0x7ef: {  	v4 =	vsel vm7, v4, v7;
	v11 =	vperm.xlane v11, v0;
	v9 =	vperm.xlane v9, v1  }
0x7f0: {  	v4 =	vadd.s32 v5, v4  }
0x7f1: {  	v4 =	vmul.u32 $0x1869F, v4;
	v39 =	vsel vm7, v10, v8;
	v40 =	vsel vm7, v9, v11  }
0x7f2: {  	v5 =	vadd.s32 v39, v40  }
0x7f3: {  	v2 =	vsub.s32 v2, v4;
	v5 =	vmul.u32 $0x1869F, v5  }
0x7f4: {  	v4 =	vadd.s32 $0x1869F, v2  }
0x7f5: {  	vm4 =	vmmov vm14;
	vm14 =	vlt.s32 v2, $0x0;
	v3 =	vsub.s32 v3, v5  }
0x7f6: {  	s28 =	sld [smem:$0x7FC];
	v2 =	vsel vm14, v4, v2;
	vm14 =	vlt.s32 v3, $0x0;
	v41 =	vadd.s32 $0x1869F, v3  }
0x7f7: {  	[tilespmem:$0x980] =	vst v2;
	v2 =	vsel vm14, v41, v3  }
0x7f8: {  	s31 =	simm.s32 $0x20;
	s29 =	simm.s32 $0xEA80;
	s30 =	rddreg [dreg:$0x1];
	[tilespmem:$0x990] =	vst v2  }
0x7f9: {  	[tilespmem:s29], [sflag:$0x1] =	stream.indirect.gather [hbm4b:s30+s31], $0x80, s28, s31, $0xb8;
	[tilespmem:$0x10A80] =	vst v63  }
0x7fa: {  	v2 =	vld [tilespmem:$0x1F0]  }
0x7fb: {  	v3 =	vld [tilespmem:$0x1EF];
	_ =	sdelay $0x4  }
0x7fc: {  	v2 =	vmul.u32 $0x8DD9, v2;
	v3 =	vmul.u32 $0x6A37, v3;
	_ =	sdelay $0x1  }
0x7fd: {  	v2 =	vxor.u32 v2, v3  }
0x7fe: {  	(v2sf) =	vpush v2, $0xD;
	_ =	sdelay $0x1  }
0x7ff: {  	(v2sf) =	vpush v2, $0xC;
	_ =	sdelay $0x1  }
0x800: {  	(v2sf) =	vpush v2, $0xE;
	_ =	sdelay $0x1  }
0x801: {  	(v2sf) =	vpush v2, $0xF;
	_ =	sdelay $0x1  }
0x802: {  	(v2sf) =	vpush v2, $0x9;
	_ =	sdelay $0x1  }
0x803: {  	(v2sf) =	vpush v2, $0x8;
	_ =	sdelay $0x1  }
0x804: {  	(v2sf) =	vpush v2, $0xA  }
0x805: {  	(v2sf) =	vpush v2, $0xB;
	_ =	sdelay $0x1  }
0x806: {  	s2 =	spop (v2sf)  }
0x807: {  	(v2sf) =	vpush v2, $0x0;
	s9 =	smulhi.u32 $0x29F1868F, s2;
	s1 =	sshra.s32 s2, $0x1F  }
0x808: {  	s3 =	spop (v2sf);
	s0 =	smul.u32 $0x29F1868F, s1  }
0x809: {  	(v2sf) =	vpush v2, $0x1;
	s1 =	smulhi.u32 $0x29F1868F, s3;
	s2 =	sshra.s32 s3, $0x1F  }
0x80a: {  	s4 =	spop (v2sf);
	(v2sf) =	vpush v2, $0x2;
	s19 =	smul.u32 $0x29F1868F, s2  }
0x80b: {  	s10 =	smulhi.u32 $0x29F1868F, s4;
	s2 =	sshra.s32 s4, $0x1F  }
0x80c: {  	s5 =	spop (v2sf);
	(v2sf) =	vpush v2, $0x3;
	s22 =	smul.u32 $0x29F1868F, s2  }
0x80d: {  	s11 =	smulhi.u32 $0x29F1868F, s5;
	s2 =	sshra.s32 s5, $0x1F  }
0x80e: {  	v42 =	vld [tilespmem:$0x1FF];
	s6 =	spop (v2sf);
	(v2sf) =	vpush v2, $0x4;
	s23 =	smul.u32 $0x29F1868F, s2  }
0x80f: {  	v3 =	vld [tilespmem:$0x200];
	s12 =	smulhi.u32 $0x29F1868F, s6;
	s2 =	sshra.s32 s6, $0x1F  }
0x810: {  	s7 =	spop (v2sf);
	(v2sf) =	vpush v2, $0x5;
	s14 =	smul.u32 $0x29F1868F, s2  }
0x811: {  	s13 =	smulhi.u32 $0x29F1868F, s7;
	s2 =	sshra.s32 s7, $0x1F  }
0x812: {  	s8 =	spop (v2sf);
	(v2sf) =	vpush v2, $0x6;
	s7 =	smul.u32 $0x29F1868F, s2  }
0x813: {  	s17 =	smulhi.u32 $0x29F1868F, s8;
	s2 =	sshra.s32 s8, $0x1F;
	s15 =	spop (v2sf);
	(v2sf) =	vpush v2, $0x7  }
0x814: {  	v4 =	vmul.u32 $0x6A37, v42;
	v3 =	vmul.u32 $0x8DD9, v3;
	s8 =	smul.u32 $0x29F1868F, s2  }
0x815: {  	s21 =	smulhi.u32 $0x29F1868F, s15;
	s2 =	sshra.s32 s15, $0x1F  }
0x816: {  	v3 =	vxor.u32 v3, v4;
	s0 =	sadd.s32 s0, s9;
	s5 =	smul.u32 $0x29F1868F, s2;
	s16 =	spop (v2sf)  }
0x817: {  	[smem:$0x7ED] =	sst s0;
	(v2sf) =	vpush v3, $0xD;
	s18 =	smulhi.u32 $0x29F1868F, s16;
	s4 =	sshra.s32 s16, $0x1F  }
0x818: {  	s20 =	spop (v2sf);
	s2 =	smul.u32 $0x29F1868F, s4  }
0x819: {  	(v2sf) =	vpush v3, $0xC;
	s24 =	smulhi.u32 $0x29F1868F, s20;
	s4 =	sshra.s32 s20, $0x1F;
	s25 =	spop (v2sf)  }
0x81a: {  	[smem:$0x7E0] =	sst s18;
	s6 =	smul.u32 $0x29F1868F, s4  }
0x81b: {  	(v2sf) =	vpush v3, $0xE;
	s26 =	smulhi.u32 $0x29F1868F, s25;
	s4 =	sshra.s32 s25, $0x1F;
	s28 =	spop (v2sf)  }
0x81c: {  	[smem:$0x7E1] =	sst s24;
	s24 =	smul.u32 $0x29F1868F, s4  }
0x81d: {  	(v2sf) =	vpush v3, $0xF;
	s29 =	smulhi.u32 $0x29F1868F, s28;
	s4 =	sshra.s32 s28, $0x1F;
	s30 =	spop (v2sf)  }
0x81e: {  	[smem:$0x7E2] =	sst s26;
	s20 =	smul.u32 $0x29F1868F, s4  }
0x81f: {  	s31 =	smulhi.u32 $0x29F1868F, s30;
	s4 =	sshra.s32 s30, $0x1F;
	s15 =	spop (v2sf)  }
0x820: {  	s17 =	sadd.s32 s8, s17;
	s8 =	sld [smem:$0x7E1];
	s18 =	smul.u32 $0x29F1868F, s4  }
0x821: {  	(v2sf) =	vpush v3, $0x9;
	s16 =	smulhi.u32 $0x29F1868F, s15;
	s25 =	spop (v2sf)  }
0x822: {  	s4 =	sshra.s32 s15, $0x1F;
	s26 =	smulhi.u32 $0x29F1868F, s25;
	s28 =	spop (v2sf)  }
0x823: {  	[smem:$0x7E5] =	sst s16;
	s16 =	smul.u32 $0x29F1868F, s4  }
0x824: {  	(v2sf) =	vpush v3, $0x8;
	[smem:$0x7E3] =	sst s29;
	s4 =	sshra.s32 s25, $0x1F;
	s29 =	smulhi.u32 $0x29F1868F, s28  }
0x825: {  	[smem:$0x7E4] =	sst s31;
	s15 =	smul.u32 $0x29F1868F, s4;
	s4 =	sshra.s32 s28, $0x1F  }
0x826: {  	(v2sf) =	vpush v3, $0xA;
	s3 =	smul.u32 $0x29F1868F, s4;
	s30 =	spop (v2sf)  }
0x827: {  	[smem:$0x7E6] =	sst s26;
	s31 =	smulhi.u32 $0x29F1868F, s30;
	s4 =	sshra.s32 s30, $0x1F  }
0x828: {  	s9 =	spop (v2sf);
	s4 =	smul.u32 $0x29F1868F, s4  }
0x829: {  	(v2sf) =	vpush v3, $0xB;
	[smem:$0x7E7] =	sst s29;
	s30 =	sadd.s32 s19, s1;
	s19 =	smulhi.u32 $0x29F1868F, s9  }
0x82a: {  	s6 =	sadd.s32 s6, s8;
	s25 =	spop (v2sf);
	[smem:$0x7E8] =	sst s31  }
0x82b: {  	s28 =	sadd.s32 s22, s10;
	s29 =	smulhi.u32 $0x29F1868F, s25;
	[smem:$0x7E9] =	sst s4  }
0x82c: {  	s31 =	sshra.s32 s25, $0x1F;
	s1 =	spop (v2sf);
	[smem:$0x7EA] =	sst s19  }
0x82d: {  	s4 =	sshra.s32 s9, $0x1F;
	s25 =	smul.u32 $0x29F1868F, s31;
	s9 =	sld [smem:$0x7E2]  }
0x82e: {  	s26 =	sadd.s32 s23, s11;
	s23 =	smulhi.u32 $0x29F1868F, s1;
	s31 =	sld [smem:$0x7E4]  }
0x82f: {  	(v2sf) =	vpush v3, $0x0;
	s0 =	sshra.s32 s1, $0x1F;
	s1 =	sld [smem:$0x7E8];
	s22 =	smul.u32 $0x29F1868F, s4  }
0x830: {  	s19 =	sadd.s32 s7, s13;
	[smem:$0x7EC] =	sst s29;
	s4 =	spop (v2sf)  }
0x831: {  	s13 =	smul.u32 $0x29F1868F, s0;
	s29 =	sld [smem:$0x7E3];
	s0 =	sshra.s32 s4, $0x1F  }
0x832: {  	[smem:$0x7EB] =	sst s22;
	s22 =	sadd.s32 s14, s12;
	s12 =	smulhi.u32 $0x29F1868F, s4  }
0x833: {  	s7 =	spop (v2sf);
	s14 =	sadd.s32 s5, s21;
	s10 =	smul.u32 $0x29F1868F, s0  }
0x834: {  	(v2sf) =	vpush v3, $0x1;
	s5 =	sld [smem:$0x7E0];
	s11 =	smulhi.u32 $0x29F1868F, s7;
	s0 =	sshra.s32 s7, $0x1F  }
0x835: {  	s24 =	sadd.s32 s24, s9;
	s21 =	spop (v2sf);
	s9 =	smul.u32 $0x29F1868F, s0  }
0x836: {  	(v2sf) =	vpush v3, $0x2;
	s8 =	smulhi.u32 $0x29F1868F, s21;
	s0 =	sshra.s32 s21, $0x1F;
	s21 =	sld [smem:$0x7E5]  }
0x837: {  	s13 =	sadd.s32 s13, s23;
	s20 =	sadd.s32 s20, s29;
	s29 =	sld [smem:$0x7E6]  }
0x838: {  	(v2sf) =	vpush v3, $0x3;
	s18 =	sadd.s32 s18, s31;
	s4 =	spop (v2sf);
	[smem:$0x7F1] =	sst s13  }
0x839: {  	s7 =	smul.u32 $0x29F1868F, s0;
	s0 =	sshra.s32 s4, $0x1F;
	s10 =	sadd.s32 s10, s12  }
0x83a: {  	s2 =	sadd.s32 s2, s5;
	s16 =	sadd.s32 s16, s21;
	s21 =	sld [smem:$0x7E7]  }
0x83b: {  	s5 =	smulhi.u32 $0x29F1868F, s4;
	s15 =	sadd.s32 s15, s29;
	s29 =	sld [smem:$0x7E9]  }
0x83c: {  	s4 =	smul.u32 $0x29F1868F, s0;
	[smem:$0x7F3] =	sst s10;
	s9 =	sadd.s32 s9, s11  }
0x83d: {  	[smem:$0x7F2] =	sst s9;
	s7 =	sadd.s32 s7, s8;
	s21 =	sadd.s32 s3, s21  }
0x83e: {  	s1 =	sadd.s32 s29, s1;
	s29 =	sld [smem:$0x7EB];
	s31 =	spop (v2sf)  }
0x83f: {  	s3 =	smulhi.u32 $0x29F1868F, s31;
	s0 =	sshra.s32 s31, $0x1F;
	s31 =	sld [smem:$0x7EA]  }
0x840: {  	[smem:$0x7F4] =	sst s7  }
0x841: {  	[smem:$0x7EE] =	sst s1  }
0x842: {  	s31 =	sadd.s32 s29, s31;
	s29 =	sld [smem:$0x7EC]  }
0x843: {  	s11 =	sshra.s32 s28, $0xE;
	s1 =	smul.u32 $0x29F1868F, s0;
	s0 =	spop (v2sf)  }
0x844: {  	[smem:$0x7EF] =	sst s31;
	s31 =	smulhi.u32 $0x29F1868F, s0;
	s0 =	sshra.s32 s0, $0x1F  }
0x845: {  	s0 =	smul.u32 $0x29F1868F, s0;
	s25 =	sadd.s32 s25, s29;
	s29 =	spop (v2sf)  }
0x846: {  	[smem:$0x7F0] =	sst s25;
	s23 =	smulhi.u32 $0x29F1868F, s29;
	s29 =	sshra.s32 s29, $0x1F  }
0x847: {  	s4 =	sadd.s32 s4, s5;
	s25 =	spop (v2sf);
	s10 =	smul.u32 $0x29F1868F, s29  }
0x848: {  	s7 =	sshra.s32 s19, $0xE;
	(v2sf) =	vpush v3, $0x4;
	s29 =	smulhi.u32 $0x29F1868F, s25;
	s13 =	sshra.s32 s25, $0x1F  }
0x849: {  	[smem:$0x7F5] =	sst s4;
	s4 =	sshra.s32 s30, $0xE;
	s25 =	smul.u32 $0x29F1868F, s13  }
0x84a: {  	v51 =	vmov s4;
	s4 =	sshra.s32 s21, $0xE;
	(v2sf) =	vpush v3, $0x5;
	s9 =	sadd.s32 s1, s3;
	s8 =	sadd.s32 s0, s31  }
0x84b: {  	(v2sf) =	vpush v3, $0x6;
	s0 =	sshra.s32 s21, $0x1F;
	s5 =	sadd.s32 s25, s29;
	s29 =	sld [smem:$0x7ED]  }
0x84c: {  	s1 =	sshra.s32 s2, $0xE;
	(v2sf) =	vpush v3, $0x7;
	v43 =	vmov s0;
	s0 =	sshra.s32 s6, $0xE;
	s13 =	sshra.s32 s14, $0xE  }
0x84d: {  	s3 =	sadd.s32 s10, s23;
	s10 =	sshra.s32 s22, $0xE;
	s23 =	sshra.s32 s17, $0xE  }
0x84e: {  	s25 =	sshra.s32 s26, $0xE;
	s31 =	sshrl.u32 s29, $0x1F;
	s12 =	sshra.s32 s29, $0xE  }
0x84f: {  	s29 =	sshrl.u32 s30, $0x1F;
	s30 =	sshrl.u32 s28, $0x1F;
	s28 =	sshrl.u32 s26, $0x1F  }
0x850: {  	vm0 =	vmmov vm11;
	v52 =	vmov s7;
	s26 =	sshrl.u32 s22, $0x1F;
	s22 =	sshrl.u32 s19, $0x1F;
	s19 =	sshrl.u32 s17, $0x1F  }
0x851: {  	vm6 =	vcmask $0x704;
	v4 =	vsel vm8, s1, v43;
	v9 =	vsel vm2, s10, v52;
	s17 =	sshrl.u32 s14, $0x1F;
	s14 =	sshrl.u32 s2, $0x1F;
	s2 =	sshra.s32 s2, $0x1F  }
0x852: {  	s7 =	sshra.s32 s8, $0xE;
	s1 =	sshrl.u32 s6, $0x1F;
	s6 =	sshra.s32 s6, $0x1F;
	v44 =	vmov s29;
	v45 =	vmov s14;
	v4 =	vsel vm6, s2, v4  }
0x853: {  	s10 =	sld [smem:$0x7F2];
	s2 =	sshrl.u32 s24, $0x1F;
	s14 =	sshra.s32 s24, $0xE;
	v50 =	vmov s22;
	v8 =	vsel vm2, s12, v51;
	v5 =	vsel vm2, s31, v44  }
0x854: {  	s24 =	sshra.s32 s24, $0x1F;
	s29 =	sshra.s32 s20, $0xE;
	v4 =	vsel vm2, s0, v4;
	v6 =	vnsel vm8, $0x0, v45;
	s0 =	sshrl.u32 s20, $0x1F;
	v7 =	vsel vm2, s26, v50  }
0x855: {  	s20 =	sshra.s32 s20, $0x1F;
	s31 =	sshrl.u32 s16, $0x1F;
	v8 =	vsel vm3, s11, v8;
	s11 =	sld [smem:$0x7F1];
	v5 =	vsel vm3, s30, v5;
	v46 =	vsel vm0, s6, v4  }
0x856: {  	v6 =	vsel vm2, s1, v6;
	s1 =	sshrl.u32 s18, $0x1F;
	s6 =	sshra.s32 s18, $0xE;
	s18 =	sshra.s32 s18, $0x1F;
	v7 =	vsel vm3, s19, v7;
	v49 =	vsel vm3, s14, v46  }
0x857: {  	s30 =	spop (v2sf);
	s19 =	sshra.s32 s15, $0x1F;
	v47 =	vsel vm5, s28, v5;
	v48 =	vsel vm3, s2, v6;
	s28 =	sshra.s32 s16, $0xE;
	v6 =	vsel vm12, s24, v49  }
0x858: {  	s2 =	sshra.s32 s30, $0x1F;
	s14 =	sshrl.u32 s9, $0x1F;
	v5 =	vsel vm5, s0, v48;
	s0 =	sshra.s32 s16, $0x1F;
	v6 =	vsel vm5, s29, v6  }
0x859: {  	s16 =	smulhi.u32 $0x29F1868F, s30;
	s30 =	sshrl.u32 s15, $0x1F;
	v5 =	vsel vm9, s1, v5;
	s29 =	spop (v2sf);
	v6 =	vsel vm13, s20, v6  }
0x85a: {  	vm14 =	vcmask $0x3330;
	s1 =	smul.u32 $0x29F1868F, s2;
	v5 =	vsel vm1, s31, v5;
	s31 =	sshra.s32 s15, $0xE;
	v6 =	vsel vm9, s6, v6;
	s6 =	spop (v2sf)  }
0x85b: {  	vm11 =	vmmov vm10;
	s15 =	smulhi.u32 $0x29F1868F, s29;
	s20 =	sshrl.u32 s21, $0x1F;
	v5 =	vsel vm14, s30, v5;
	s22 =	spop (v2sf)  }
0x85c: {  	vm10 =	vcmask $0x2F2C;
	v9 =	vsel vm3, s23, v9;
	v5 =	vsel vm4, s20, v5;
	s20 =	sld [smem:$0x7EF];
	s24 =	smulhi.u32 $0x29F1868F, s22;
	s26 =	sshra.s32 s22, $0x1F  }
0x85d: {  	v9 =	vsel vm5, s13, v9;
	v8 =	vsel vm5, s25, v8;
	s2 =	sshra.s32 s29, $0x1F;
	v6 =	vsel vm11, s18, v6;
	s18 =	sld [smem:$0x7EE];
	s30 =	smul.u32 $0x29F1868F, s26  }
0x85e: {  	s12 =	sld [smem:$0x7F0];
	v7 =	vsel vm5, s17, v7;
	v56 =	vcombine.low v9, v8;
	v53 =	vmov s14;
	s21 =	sshrl.u32 s11, $0x1F;
	s2 =	smul.u32 $0x29F1868F, s2  }
0x85f: {  	v4 =	vcombine.low v7, v47;
	v10 =	vnsel vm8, $0x0, v53;
	s16 =	sadd.s32 s1, s16;
	v6 =	vsel vm1, s28, v6;
	s29 =	sshrl.u32 s20, $0x1F;
	s14 =	sadd.s32 s30, s24  }
0x860: {  	v7 =	vperm.xlane v56, v0;
	s23 =	smulhi.u32 $0x29F1868F, s6;
	v6 =	vsel vm10, s0, v6;
	s28 =	sshrl.u32 s18, $0x1F;
	v54 =	vmov s29;
	s25 =	sshra.s32 s14, $0x1F  }
0x861: {  	s15 =	sadd.s32 s2, s15;
	v6 =	vsel vm14, s31, v6;
	s31 =	sshrl.u32 s12, $0x1F;
	v11 =	vsel vm2, s28, v54;
	s28 =	sshra.s32 s9, $0xE;
	v55 =	vmov s25  }
0x862: {  	v4 =	vperm.xlane v4, v0;
	s22 =	sshrl.u32 s8, $0x1F;
	s26 =	sshrl.u32 s3, $0x1F;
	v11 =	vsel vm3, s31, v11;
	s31 =	sshra.s32 s9, $0x1F;
	v12 =	vsel vm8, s28, v55  }
0x863: {  	v5 =	vperm.xlane v5, v1;
	v10 =	vsel vm2, s22, v10;
	s17 =	sshrl.u32 s15, $0x1F;
	s24 =	sshra.s32 s6, $0x1F;
	s29 =	sshrl.u32 s10, $0x1F;
	v12 =	vsel vm6, s31, v12  }
0x864: {  	v10 =	vsel vm3, s26, v10;
	v6 =	vsel vm15, s19, v6;
	s30 =	sshrl.u32 s5, $0x1F;
	s6 =	sshrl.u32 s16, $0x1F;
	s19 =	sshra.s32 s8, $0x1F;
	v12 =	vsel vm2, s7, v12  }
0x865: {  	v6 =	vsel vm4, s4, v6;
	s4 =	smul.u32 $0x29F1868F, s24;
	v10 =	vsel vm5, s30, v10;
	s24 =	sshra.s32 s3, $0xE;
	s3 =	sshra.s32 s3, $0x1F;
	v12 =	vsel vm0, s19, v12  }
0x866: {  	v13 =	vmov s29;
	s29 =	sshra.s32 s20, $0xE;
	s30 =	sshra.s32 s10, $0xE;
	v10 =	vsel vm9, s6, v10;
	s9 =	sld [smem:$0x7F3];
	v12 =	vsel vm3, s24, v12  }
0x867: {  	v14 =	vmov s29;
	v11 =	vsel vm5, s21, v11;
	s0 =	sadd.s32 s4, s23;
	s21 =	sld [smem:$0x7F4];
	s31 =	sshra.s32 s5, $0xE;
	v12 =	vsel vm12, s3, v12  }
0x868: {  	s25 =	sld [smem:$0x7F5];
	v15 =	vmov s30;
	v10 =	vsel vm1, s17, v10;
	s23 =	sshrl.u32 s0, $0x1F;
	s5 =	sshra.s32 s5, $0x1F;
	v12 =	vsel vm5, s31, v12  }
0x869: {  	s10 =	sshra.s32 s16, $0xE;
	v6 =	vperm.xlane v6, v1;
	s13 =	sshrl.u32 s9, $0x1F;
	v10 =	vsel vm14, s23, v10;
	s4 =	sshra.s32 s9, $0xE;
	v12 =	vsel vm13, s5, v12  }
0x86a: {  	v13 =	vsel vm2, s13, v13;
	s22 =	sshrl.u32 s21, $0x1F;
	v15 =	vsel vm2, s4, v15;
	s9 =	sshra.s32 s21, $0xE;
	s13 =	sshra.s32 s16, $0x1F;
	v12 =	vsel vm9, s10, v12  }
0x86b: {  	s26 =	sshrl.u32 s25, $0x1F;
	s16 =	sshra.s32 s15, $0xE;
	v13 =	vsel vm3, s22, v13;
	v15 =	vsel vm3, s9, v15;
	s3 =	sshra.s32 s18, $0xE;
	v12 =	vsel vm11, s13, v12  }
0x86c: {  	s17 =	sshra.s32 s15, $0x1F;
	s7 =	sshra.s32 s12, $0xE;
	s12 =	sshra.s32 s25, $0xE;
	v13 =	vsel vm5, s26, v13;
	v14 =	vsel vm2, s3, v14;
	v12 =	vsel vm1, s16, v12  }
0x86d: {  	s11 =	sshra.s32 s11, $0xE;
	v15 =	vsel vm5, s12, v15;
	s18 =	sshra.s32 s0, $0xE;
	v14 =	vsel vm3, s7, v14;
	v59 =	vsel vm10, s17, v12  }
0x86e: {  	s28 =	sshrl.u32 s14, $0x1F;
	s0 =	sshra.s32 s0, $0x1F;
	v57 =	vcombine.low v13, v11;
	v14 =	vsel vm5, s11, v14;
	v11 =	vsel vm14, s18, v59  }
0x86f: {  	v10 =	vsel vm4, s28, v10;
	s19 =	sshra.s32 s14, $0xE;
	v58 =	vcombine.low v15, v14;
	v11 =	vsel vm15, s0, v11  }
0x870: {  	v10 =	vperm.xlane v10, v1;
	v8 =	vperm.xlane v57, v0;
	v11 =	vsel vm4, s19, v11  }
0x871: {  	v9 =	vperm.xlane v58, v0;
	v11 =	vperm.xlane v11, v1  }
0x872: {  	v4 =	vsel vm7, v5, v4;
	v60 =	vsel vm7, v6, v7  }
0x873: {  	v4 =	vadd.s32 v4, v60;
	v61 =	vsel vm7, v10, v8;
	v62 =	vsel vm7, v11, v9  }
0x874: {  	v4 =	vmul.u32 $0x1869F, v4;
	v5 =	vadd.s32 v61, v62  }
0x875: {  	v5 =	vmul.u32 $0x1869F, v5  }
0x876: {  	v2 =	vsub.s32 v2, v4  }
0x877: {  	v4 =	vadd.s32 $0x1869F, v2;
	vm14 =	vlt.s32 v2, $0x0;
	v3 =	vsub.s32 v3, v5  }
0x878: {  	s20 =	sld [smem:$0x7FD];
	v2 =	vsel vm14, v4, v2;
	vm15 =	vlt.s32 v3, $0x0;
	v63 =	vadd.s32 $0x1869F, v3  }
0x879: {  	s1 =	simm.s32 $0x1;
	[tilespmem:$0xA00] =	vst v2;
	v3 =	vsel vm15, v63, v3  }
0x87a: {  	s2 =	simm.s32 $0xFA80;
	s21 =	rddreg [dreg:$0x1];
	s22 =	simm.s32 $0x20;
	[tilespmem:$0xA10] =	vst v3  }
0x87b: {  	[tilespmem:s2], [sflag:$0x1] =	stream.indirect.gather [hbm4b:s21+s22], $0x80, s20, s22, $0xb8;
	[tilespmem:$0x10A80] =	vst v63  }
0x87c: {  	_ =	swait.ge [sflag:s1], $0x1000  }
0x87d: {  	s23 =	sld [smem:$0x7F7]  }
0x87e: {  	[sflag:s1] =	ssyncset.done $0x0  }
0x87f: {  	s24 =	simm.s32 $0xA80;
	s3 =	simm.s32 $0x0;
	[sflag:s1] =	ssyncadd.s32 $0xFFFFF000  }
0x880: {  	[hbm4b:s23+s3] =	stream.linear.scatter [tilespmem:s24], [sflag:$0x2], $0x1000, $0x38;
	[tilespmem:$0x10A80] =	vst v63  }
0x881: {  	_ =	swait.ge [sflag:s1], $0x1000  }
0x882: {  	[sflag:s1] =	ssyncset.done $0x0  }
0x883: {  	s26 =	simm.s32 $0x1A80;
	s25 =	rddreg [dreg:$0x6];
	[sflag:s1] =	ssyncadd.s32 $0xFFFFF000  }
0x884: {  	[hbm4b:s25+s3] =	stream.linear.scatter [tilespmem:s26], [sflag:$0x2], $0x1000, $0x38;
	[tilespmem:$0x10A80] =	vst v63  }
0x885: {  	_ =	swait.ge [sflag:s1], $0x1000  }
0x886: {  	[sflag:s1] =	ssyncset.done $0x0  }
0x887: {  	s29 =	simm.s32 $0x2A80;
	s28 =	rddreg [dreg:$0x7];
	[sflag:s1] =	ssyncadd.s32 $0xFFFFF000  }
0x888: {  	[hbm4b:s28+s3] =	stream.linear.scatter [tilespmem:s29], [sflag:$0x2], $0x1000, $0x38;
	[tilespmem:$0x10A80] =	vst v63  }
0x889: {  	_ =	swait.ge [sflag:s1], $0x1000  }
0x88a: {  	[sflag:s1] =	ssyncset.done $0x0  }
0x88b: {  	s31 =	simm.s32 $0x3A80;
	s30 =	rddreg [dreg:$0x8];
	[sflag:s1] =	ssyncadd.s32 $0xFFFFF000  }
0x88c: {  	[hbm4b:s30+s3] =	stream.linear.scatter [tilespmem:s31], [sflag:$0x2], $0x1000, $0x38;
	[tilespmem:$0x10A80] =	vst v63  }
0x88d: {  	_ =	swait.ge [sflag:s1], $0x1000  }
0x88e: {  	[sflag:s1] =	ssyncset.done $0x0  }
0x88f: {  	s6 =	simm.s32 $0x4A80;
	s5 =	rddreg [dreg:$0x9];
	[sflag:s1] =	ssyncadd.s32 $0xFFFFF000  }
0x890: {  	[hbm4b:s5+s3] =	stream.linear.scatter [tilespmem:s6], [sflag:$0x2], $0x1000, $0x38;
	[tilespmem:$0x10A80] =	vst v63  }
0x891: {  	_ =	swait.ge [sflag:s1], $0x1000  }
0x892: {  	[sflag:s1] =	ssyncset.done $0x0  }
0x893: {  	s8 =	simm.s32 $0x5A80;
	s7 =	rddreg [dreg:$0xa];
	[sflag:s1] =	ssyncadd.s32 $0xFFFFF000  }
0x894: {  	[hbm4b:s7+s3] =	stream.linear.scatter [tilespmem:s8], [sflag:$0x2], $0x1000, $0x38;
	[tilespmem:$0x10A80] =	vst v63  }
0x895: {  	_ =	swait.ge [sflag:s1], $0x1000  }
0x896: {  	[sflag:s1] =	ssyncset.done $0x0  }
0x897: {  	s10 =	simm.s32 $0x6A80;
	s9 =	rddreg [dreg:$0xb];
	[sflag:s1] =	ssyncadd.s32 $0xFFFFF000  }
0x898: {  	[hbm4b:s9+s3] =	stream.linear.scatter [tilespmem:s10], [sflag:$0x2], $0x1000, $0x38;
	[tilespmem:$0x10A80] =	vst v63  }
0x899: {  	_ =	swait.ge [sflag:s1], $0x1000  }
0x89a: {  	[sflag:s1] =	ssyncset.done $0x0  }
0x89b: {  	s12 =	simm.s32 $0x7A80;
	s11 =	rddreg [dreg:$0xc];
	[sflag:s1] =	ssyncadd.s32 $0xFFFFF000  }
0x89c: {  	[hbm4b:s11+s3] =	stream.linear.scatter [tilespmem:s12], [sflag:$0x2], $0x1000, $0x38;
	[tilespmem:$0x10A80] =	vst v63  }
0x89d: {  	_ =	swait.ge [sflag:s1], $0x1000  }
0x89e: {  	[sflag:s1] =	ssyncset.done $0x0  }
0x89f: {  	s14 =	simm.s32 $0x8A80;
	s13 =	rddreg [dreg:$0xd];
	[sflag:s1] =	ssyncadd.s32 $0xFFFFF000  }
0x8a0: {  	[hbm4b:s13+s3] =	stream.linear.scatter [tilespmem:s14], [sflag:$0x2], $0x1000, $0x38;
	[tilespmem:$0x10A80] =	vst v63  }
0x8a1: {  	_ =	swait.ge [sflag:s1], $0x1000  }
0x8a2: {  	[sflag:s1] =	ssyncset.done $0x0  }
0x8a3: {  	s16 =	simm.s32 $0x9A80;
	s15 =	rddreg [dreg:$0xe];
	[sflag:s1] =	ssyncadd.s32 $0xFFFFF000  }
0x8a4: {  	[hbm4b:s15+s3] =	stream.linear.scatter [tilespmem:s16], [sflag:$0x2], $0x1000, $0x38;
	[tilespmem:$0x10A80] =	vst v63  }
0x8a5: {  	_ =	swait.ge [sflag:s1], $0x1000  }
0x8a6: {  	[sflag:s1] =	ssyncset.done $0x0  }
0x8a7: {  	s18 =	simm.s32 $0xAA80;
	s17 =	rddreg [dreg:$0xf];
	[sflag:s1] =	ssyncadd.s32 $0xFFFFF000  }
0x8a8: {  	[hbm4b:s17+s3] =	stream.linear.scatter [tilespmem:s18], [sflag:$0x2], $0x1000, $0x38;
	[tilespmem:$0x10A80] =	vst v63  }
0x8a9: {  	_ =	swait.ge [sflag:s1], $0x1000  }
0x8aa: {  	[sflag:s1] =	ssyncset.done $0x0  }
0x8ab: {  	s20 =	simm.s32 $0xBA80;
	s19 =	rddreg [dreg:$0x10];
	[sflag:s1] =	ssyncadd.s32 $0xFFFFF000  }
0x8ac: {  	[hbm4b:s19+s3] =	stream.linear.scatter [tilespmem:s20], [sflag:$0x2], $0x1000, $0x38;
	[tilespmem:$0x10A80] =	vst v63  }
0x8ad: {  	_ =	swait.ge [sflag:s1], $0x1000  }
0x8ae: {  	[sflag:s1] =	ssyncset.done $0x0  }
0x8af: {  	s22 =	simm.s32 $0xCA80;
	s21 =	rddreg [dreg:$0x11];
	[sflag:s1] =	ssyncadd.s32 $0xFFFFF000  }
0x8b0: {  	[hbm4b:s21+s3] =	stream.linear.scatter [tilespmem:s22], [sflag:$0x2], $0x1000, $0x38;
	[tilespmem:$0x10A80] =	vst v63  }
0x8b1: {  	_ =	swait.ge [sflag:s1], $0x1000  }
0x8b2: {  	[sflag:s1] =	ssyncset.done $0x0  }
0x8b3: {  	s24 =	simm.s32 $0xDA80;
	s23 =	rddreg [dreg:$0x12];
	[sflag:s1] =	ssyncadd.s32 $0xFFFFF000  }
0x8b4: {  	[hbm4b:s23+s3] =	stream.linear.scatter [tilespmem:s24], [sflag:$0x2], $0x1000, $0x38;
	[tilespmem:$0x10A80] =	vst v63  }
0x8b5: {  	_ =	swait.ge [sflag:s1], $0x1000  }
0x8b6: {  	[sflag:s1] =	ssyncset.done $0x0  }
0x8b7: {  	s26 =	simm.s32 $0xEA80;
	s25 =	rddreg [dreg:$0x13];
	[sflag:s1] =	ssyncadd.s32 $0xFFFFF000  }
0x8b8: {  	[hbm4b:s25+s3] =	stream.linear.scatter [tilespmem:s26], [sflag:$0x2], $0x1000, $0x38;
	[tilespmem:$0x10A80] =	vst v63  }
0x8b9: {  	_ =	swait.ge [sflag:s1], $0x1000  }
0x8ba: {  	s28 =	simm.s32 $0x0;
	[sflag:s1] =	ssyncset.done $0x0  }
0x8bb: {  	s31 =	simm.s32 $0x2;
	s29 =	rddreg [dreg:$0x14];
	[sflag:s1] =	ssyncadd.s32 $0xFFFFF000  }
0x8bc: {  	[hbm4b:s29+s28] =	stream.linear.scatter [tilespmem:s2], [sflag:$0x2], $0x1000, $0x38;
	[tilespmem:$0x10A80] =	vst v63  }
0x8bd: {  	s30 =	sld [smem:$0x7F6];
	_ =	swait.ge [sflag:s31], $0x1000  }
0x8be: {  	[sflag:s31] =	ssyncset.done $0x0  }
0x8bf: {  	[sflag:s31] =	ssyncadd.s32 $0xFFFFF000  }
0x8c0: {  	_ =	swait.ge [sflag:s31], $0x1000  }
0x8c1: {  	[sflag:s31] =	ssyncset.done $0x0  }
0x8c2: {  	[sflag:s31] =	ssyncadd.s32 $0xFFFFF000  }
0x8c3: {  	_ =	swait.ge [sflag:s31], $0x1000  }
0x8c4: {  	[sflag:s31] =	ssyncset.done $0x0  }
0x8c5: {  	[sflag:s31] =	ssyncadd.s32 $0xFFFFF000  }
0x8c6: {  	_ =	swait.ge [sflag:s31], $0x1000  }
0x8c7: {  	[sflag:s31] =	ssyncset.done $0x0  }
0x8c8: {  	[sflag:s31] =	ssyncadd.s32 $0xFFFFF000  }
0x8c9: {  	_ =	swait.ge [sflag:s31], $0x1000  }
0x8ca: {  	[sflag:s31] =	ssyncset.done $0x0  }
0x8cb: {  	[sflag:s31] =	ssyncadd.s32 $0xFFFFF000  }
0x8cc: {  	_ =	swait.ge [sflag:s31], $0x1000  }
0x8cd: {  	[sflag:s31] =	ssyncset.done $0x0  }
0x8ce: {  	[sflag:s31] =	ssyncadd.s32 $0xFFFFF000  }
0x8cf: {  	_ =	swait.ge [sflag:s31], $0x1000  }
0x8d0: {  	[sflag:s31] =	ssyncset.done $0x0  }
0x8d1: {  	[sflag:s31] =	ssyncadd.s32 $0xFFFFF000  }
0x8d2: {  	_ =	swait.ge [sflag:s31], $0x1000  }
0x8d3: {  	[sflag:s31] =	ssyncset.done $0x0  }
0x8d4: {  	[sflag:s31] =	ssyncadd.s32 $0xFFFFF000  }
0x8d5: {  	_ =	swait.ge [sflag:s31], $0x1000  }
0x8d6: {  	[sflag:s31] =	ssyncset.done $0x0  }
0x8d7: {  	[sflag:s31] =	ssyncadd.s32 $0xFFFFF000  }
0x8d8: {  	_ =	swait.ge [sflag:s31], $0x1000  }
0x8d9: {  	[sflag:s31] =	ssyncset.done $0x0  }
0x8da: {  	[sflag:s31] =	ssyncadd.s32 $0xFFFFF000  }
0x8db: {  	_ =	swait.ge [sflag:s31], $0x1000  }
0x8dc: {  	[sflag:s31] =	ssyncset.done $0x0  }
0x8dd: {  	[sflag:s31] =	ssyncadd.s32 $0xFFFFF000  }
0x8de: {  	_ =	swait.ge [sflag:s31], $0x1000  }
0x8df: {  	[sflag:s31] =	ssyncset.done $0x0  }
0x8e0: {  	[sflag:s31] =	ssyncadd.s32 $0xFFFFF000  }
0x8e1: {  	_ =	swait.ge [sflag:s31], $0x1000  }
0x8e2: {  	[sflag:s31] =	ssyncset.done $0x0  }
0x8e3: {  	[sflag:s31] =	ssyncadd.s32 $0xFFFFF000  }
0x8e4: {  	_ =	swait.ge [sflag:s31], $0x1000  }
0x8e5: {  	[sflag:s31] =	ssyncset.done $0x0  }
0x8e6: {  	s1 =	sadd.s32 $0xFFFFFFFF, s30;
	[sflag:s31] =	ssyncadd.s32 $0xFFFFF000  }
0x8e7: {  	p1 =	sne.s32 s1, $0x0;
	_ =	swait.ge [sflag:s31], $0x1000  }
.Ltmp0:
0x8e8: {  	[sflag:s31] =	ssyncset.done $0x0;
	(pc) =	sbr.rel @p1 .LBB2_1-.Ltmp0, $4  }
0x8e9: {  	[sflag:s31] =	ssyncadd.s32 $0xFFFFF000  }
0x8ea: {  	_ =	swait.ge [sflag:s31], $0x1000  }
0x8eb: {  	[sflag:s31] =	ssyncset.done $0x0  }
0x8ec: {  	[sflag:s31] =	ssyncadd.s32 $0xFFFFF000  }
0x8ed: {  	_ =	sfence.sel $0x180000  }
0x8ee: {  	[bflag:$0x0] =	sbarrier.arrive $0xFFFF  }
0x8ef: {  	_ =	strace $0x90000047  }
0x8f0: {  	s0 =	stileid.u32;
	[bflag:$0x2] =	sbarrier.arrive $0xFFFF  }
0x8f1: {  	p0 =	sne.s32 s0, $0x0;
	s0 =	rddreg [dreg:$0x3]  }
0x8f2: {  	s0 =	sadd.s32 @!p0 $0x100000, s0  }
0x8f3: {  	[sflag:s0] =	ssyncadd.tile.s32 @!p0 $0x1;
	_ =	shalt  }
.Lfunc_end2:
_tile_overlayer_lowered:
.L_overlay_start_2:
0x8f4: {  	(tag) =	ssettag $0x2  }
0x8f5: {  	s0 =	rddreg [dreg:$0x0];
	s2 =	stileid.u32  }
0x8f6: {  	s1 =	rddreg [dreg:$0x1];
	p0 =	sne.s32 s2, $0x0  }
0x8f7: {  	s3 =	rddreg [dreg:$0x2];
	[bflag:$0x3] =	sbarrier.arrive $0xFFFF;
	s2 =	simm.s32 @!p0 $0x1C03  }
0x8f8: {  	[timem:s3], [sflag:s2] =	dma.local @!p0 [hbm:s0], s1  }
0x8f9: {  	s0 =	simm.s32 @!p0 $0x3  }
0x8fa: {  	_ =	swait.ge @!p0 [sflag:s0], s1  }
0x8fb: {  	s1 =	ssub.s32 @!p0 $0x0, s1;
	[sflag:s0] =	ssyncset.done @!p0 $0x0  }
0x8fc: {  	[sflag:s0] =	ssyncadd.s32 @!p0 s1  }
0x8fd: {  	[bflag:$0x3] =	sbarrier.arrive $0xFFFF  }
0x8fe: {  	_ =	shalt  }

</sc_bundles>
